<compile_context>
chip_gen: v7x
topology: tpu7x:2x2x1
jax: 0.10.2.dev20260603
libtpu: 0.0.44.dev20260713+nightly
codegen_flags: <defaults>
</compile_context>

<pallas_src>
import functools

import jax
import jax.numpy as jnp
from jax import lax
from jax.experimental import pallas as pl
from jax.experimental.pallas import tpu as pltpu
from jax.experimental.pallas import tpu_sc as plsc

_B = 16384
_C = 1000
_K = 11468
_LMBDA = 0.5
_CB = 1024
_NG = _B // _CB


def _row_stats_kernel(w_ref, yh_ref, y_ref, s_ref, l_ref, wr_ref):
    yv = y_ref[...]
    yh = yh_ref[...]
    m = jnp.max(yv, axis=0)
    row = lax.broadcasted_iota(jnp.int32, (_C, _CB), 0)
    t = jnp.min(jnp.where(yv == m[None, :], row, _C), axis=0)
    hit = row == t[None, :]
    v = jnp.sum(jnp.where(hit, yh, 0.0), axis=0)
    wrow = jnp.sum(jnp.where(hit, w_ref[...], 0.0), axis=0)
    d = jnp.sum(yh * yv, axis=0)
    s_ref[...] = -v + _LMBDA * (1.0 - d)
    l_ref[...] = -jnp.log(v)
    wr_ref[...] = wrow


_NSUB = 16
_PT = _B // _NSUB
_NV = _PT // 16
_I32MIN = -2147483648


def _sc_select_kernel(s_hbm, l_hbm, w_hbm, out_hbm,
                      sbuf, lbuf, wbuf, kbuf, comb, allb, sufb, binsb,
                      ebuf, obuf, shared_bins, shared_cnt, shared_part):
    cid = lax.axis_index("c")
    sid = lax.axis_index("s")

    @pl.when(cid == 0)
    def _body():
        base = sid * _PT
        pltpu.sync_copy(s_hbm.at[pl.ds(base, _PT)], sbuf)
        pltpu.sync_copy(l_hbm.at[pl.ds(base, _PT)], lbuf)
        pltpu.sync_copy(w_hbm.at[pl.ds(base, _PT)], wbuf)

        lane = lax.broadcasted_iota(jnp.int32, (16,), 0)
        izero = jnp.zeros((16,), jnp.int32)
        fzero = jnp.zeros((16,), jnp.float32)
        iones = jnp.ones((16,), jnp.int32)

        def mkkey(j, carry):
            for u in range(4):
                v = sbuf[pl.ds((j * 4 + u) * 16, 16)]
                b = lax.bitcast_convert_type(v, jnp.int32)
                key = jnp.where(
                    b < 0,
                    jnp.bitwise_xor(jnp.bitwise_not(b), jnp.int32(_I32MIN)), b)
                kbuf[pl.ds((j * 4 + u) * 16, 16)] = key
            return carry
        lax.fori_loop(0, _NV // 4, mkkey, 0)

        prefix = izero
        k_rem = jnp.full((16,), _K, jnp.int32)

        def zh(i, carry):
            comb[pl.ds(i * 16, 16)] = izero
            return carry
        lax.fori_loop(0, 16, zh, 0)

        for r in range(4):
            shift = 24 - 8 * r
            hm = jnp.int32([0, -16777216, -65536, -256][r])
            half = (r % 2) * 4096

            def scat(j, carry):
                for u in range(4):
                    key = kbuf[pl.ds((j * 4 + u) * 16, 16)]
                    act = (key & hm) == (prefix & hm)
                    digit = lax.shift_right_logical(key, shift) & 255
                    plsc.addupdate_scatter(comb, [digit], iones, mask=act)
                return carry
            lax.fori_loop(0, _NV // 4, scat, 0)

            pltpu.sync_copy(comb, shared_bins.at[pl.ds(half + sid * 256, 256)])
            lax.fori_loop(0, 16, zh, 0)
            plsc.subcore_barrier()
            pltpu.sync_copy(shared_bins.at[pl.ds(half, 4096)], allb)

            def gb(g, carry):
                acc = izero
                for t in range(16):
                    acc = acc + allb[pl.ds(t * 256 + g * 16, 16)]
                binsb[pl.ds(g * 16, 16)] = acc
                return carry
            lax.fori_loop(0, 16, gb, 0)

            carry = izero
            cnt_ge = izero
            for g in range(15, -1, -1):
                bv = binsb[pl.ds(g * 16, 16)]
                suf = lax.rev(plsc.cumsum(lax.rev(bv, (0,))), (0,)) + carry
                sufb[pl.ds(g * 16, 16)] = suf
                carry = carry + jnp.sum(bv)
                cnt_ge = cnt_ge + plsc.all_reduce_population_count(
                    suf >= k_rem)
            d_star = cnt_ge - 1
            a_d = plsc.load_gather(sufb, [d_star])
            b_d = plsc.load_gather(binsb, [d_star])
            k_rem = k_rem - (a_d - b_d)
            prefix = prefix | lax.shift_left(d_star, shift)

        tau = prefix
        need = k_rem

        def fsum(j, carry):
            numv, denv, eqc = carry
            for u in range(4):
                o = (j * 4 + u) * 16
                key = kbuf[pl.ds(o, 16)]
                lv = lbuf[pl.ds(o, 16)]
                wv = wbuf[pl.ds(o, 16)]
                gtm = key > tau
                numv = numv + jnp.where(gtm, wv * lv, 0.0)
                denv = denv + jnp.where(gtm, wv, 0.0)
                eqc = eqc + jnp.where(key == tau, 1, 0)
            return (numv, denv, eqc)
        numv, denv, eqcv = lax.fori_loop(0, _NV // 4, fsum,
                                         (fzero, fzero, izero))
        eq_tot = jnp.sum(eqcv)

        ebuf[...] = jnp.broadcast_to(eq_tot, (16,))
        pltpu.sync_copy(ebuf, shared_cnt.at[pl.ds(sid * 16, 16)])
        plsc.subcore_barrier()
        pltpu.sync_copy(shared_cnt, allb.at[pl.ds(0, 256)])

        pre = izero
        for t in range(16):
            rowv = allb[pl.ds(t * 16, 16)]
            pre = pre + jnp.where(jnp.int32(t) < sid, rowv, izero)
        quota = jnp.minimum(jnp.maximum(need - pre, 0),
                            jnp.broadcast_to(eq_tot, (16,)))

        def feq(j, carry):
            numv, denv, cnt = carry
            key = kbuf[pl.ds(j * 16, 16)]
            lv = lbuf[pl.ds(j * 16, 16)]
            wv = wbuf[pl.ds(j * 16, 16)]
            eqm = key == tau
            eqi = jnp.where(eqm, 1, 0)
            rank = cnt + plsc.cumsum(eqi)
            inc = eqm & (rank <= quota)
            numv = numv + jnp.where(inc, wv * lv, 0.0)
            denv = denv + jnp.where(inc, wv, 0.0)
            cnt = cnt + jnp.sum(eqi)
            return (numv, denv, cnt)
        numv, denv, _ = lax.fori_loop(0, _NV, feq, (numv, denv, izero))

        num_s = jnp.sum(numv)
        den_s = jnp.sum(denv)
        obuf[...] = jnp.where(lane == 0, num_s,
                              jnp.where(lane == 1, den_s, 0.0))
        pltpu.sync_copy(obuf, shared_part.at[pl.ds(sid * 16, 16)])
        plsc.subcore_barrier()

        @pl.when(sid == 0)
        def _fin():
            pltpu.sync_copy(shared_part, lbuf.at[pl.ds(0, 256)])
            acc = fzero
            for t in range(16):
                acc = acc + lbuf[pl.ds(t * 16, 16)]
            wbuf[pl.ds(0, 16)] = acc
            n0 = plsc.load_gather(wbuf, [izero])
            d0 = plsc.load_gather(wbuf, [iones])
            obuf[...] = n0 / d0
            pltpu.sync_copy(obuf, out_hbm)


def _sc_select(s1, l1, w1):
    mesh = plsc.VectorSubcoreMesh(core_axis_name="c", subcore_axis_name="s")
    f = functools.partial(
        pl.kernel,
        out_type=jax.ShapeDtypeStruct((16,), jnp.float32),
        mesh=mesh,
        scratch_types=[
            pltpu.VMEM((_PT,), jnp.float32),
            pltpu.VMEM((_PT,), jnp.float32),
            pltpu.VMEM((_PT,), jnp.float32),
            pltpu.VMEM((_PT,), jnp.int32),
            pltpu.VMEM((256,), jnp.int32),
            pltpu.VMEM((4096,), jnp.int32),
            pltpu.VMEM((256,), jnp.int32),
            pltpu.VMEM((256,), jnp.int32),
            pltpu.VMEM((16,), jnp.int32),
            pltpu.VMEM((16,), jnp.float32),
            pltpu.VMEM_SHARED((8192,), jnp.int32),
            pltpu.VMEM_SHARED((256,), jnp.int32),
            pltpu.VMEM_SHARED((256,), jnp.float32),
        ],
        compiler_params=pltpu.CompilerParams(needs_layout_passes=False),
    )(_sc_select_kernel)
    return f(s1, l1, w1)


def _select_kernel(s_ref, l_ref, w_ref, out_ref):
    s = s_ref[...]
    b = lax.bitcast_convert_type(s, jnp.int32)
    keys = jnp.where(b < 0,
                     jnp.bitwise_xor(jnp.bitwise_not(b), jnp.int32(-2147483648)),
                     b)

    def count_ge(thr):
        return jnp.sum((keys >= thr).astype(jnp.int32))

    def body(_, carry):
        lo, hi = carry
        d = hi - lo
        half = lax.shift_right_logical(d, 1) + jnp.bitwise_and(d, 1)
        mid = lo + half
        cond = count_ge(mid) >= _K
        return (jnp.where(cond, mid, lo), jnp.where(cond, hi, mid - 1))

    lo, _ = lax.fori_loop(0, 32, body,
                          (jnp.int32(-2147483648), jnp.int32(2147483647)))
    tau = lo
    gt = keys > tau
    eq = keys == tau
    n_gt = jnp.sum(gt.astype(jnp.int32))
    need = _K - n_gt

    lin = (lax.broadcasted_iota(jnp.int32, (128, 128), 0) * 128
           + lax.broadcasted_iota(jnp.int32, (128, 128), 1))

    def body2(_, carry):
        lo2, hi2 = carry
        mid = lax.shift_right_logical(lo2 + hi2, 1)
        cnt = jnp.sum((eq & (lin <= mid)).astype(jnp.int32))
        cond = cnt >= need
        return (jnp.where(cond, lo2, mid + 1), jnp.where(cond, mid, hi2))

    c, _ = lax.fori_loop(0, 14, body2, (jnp.int32(0), jnp.int32(_B - 1)))
    sel = gt | (eq & (lin <= c))

    w = w_ref[...]
    l = l_ref[...]
    num = jnp.sum(jnp.where(sel, w * l, 0.0))
    den = jnp.sum(jnp.where(sel, w, 0.0))
    out_ref[...] = jnp.broadcast_to(num / den, (1, 128))


def kernel(y_hat, y, weights):
    yh_t = y_hat.T
    y_t = y.T
    w2 = weights.reshape(_C, 1)
    slw = pl.pallas_call(
        _row_stats_kernel,
        grid=(_NG,),
        in_specs=[
            pl.BlockSpec((_C, 1), lambda g: (0, 0)),
            pl.BlockSpec((_C, _CB), lambda g: (0, g)),
            pl.BlockSpec((_C, _CB), lambda g: (0, g)),
        ],
        out_specs=[
            pl.BlockSpec((_CB,), lambda g: (g,)),
            pl.BlockSpec((_CB,), lambda g: (g,)),
            pl.BlockSpec((_CB,), lambda g: (g,)),
        ],
        out_shape=[
            jax.ShapeDtypeStruct((_B,), jnp.float32),
            jax.ShapeDtypeStruct((_B,), jnp.float32),
            jax.ShapeDtypeStruct((_B,), jnp.float32),
        ],
    )(w2, yh_t, y_t)
    out = _sc_select(*slw)
    return out[0]

# --- scband reference (transcript-rebuilt; emitter-appended) ---
"""Pipeline reference for scband-cosine-specificity-ohem-57758720197164 (READ-ONLY COPY).

The authoritative reference and input builder live on the scoring server;
editing this copy changes nothing except your own understanding.
"""

import jax, jax.numpy as jnp
import numpy as np

B = 16384
C = 1000
RATIO = 0.7
LMBDA = 0.5
K = int(B * RATIO)


def setup_inputs(seed: int = 0) -> dict:
    key = jax.random.key(seed)
    k1, k2 = jax.random.split(key)
    y_hat = jax.random.uniform(k1, (B, C), dtype=jnp.float32)
    y = jax.random.uniform(k2, (B, C), dtype=jnp.float32)
    # NLLLoss weight=None is mathematically identical to all-ones class weights
    weights = jnp.ones((C,), dtype=jnp.float32)
    return {"y_hat": y_hat, "y": y, "weights": weights}


def _sensitivity(pred, t):
    # macro-averaged per-class recall (sensitivity_specificity_support equivalent)
    matches = pred == t
    tp = jnp.bincount(jnp.where(matches, t, C), length=C + 1)[:C].astype(jnp.float32)
    support = jnp.bincount(t, length=C).astype(jnp.float32)
    present = support > 0
    recall = jnp.where(present, tp / jnp.maximum(support, 1.0), 0.0)
    return jnp.sum(recall) / jnp.maximum(jnp.sum(present.astype(jnp.float32)), 1.0)


def reference(y_hat, y, weights):
    pred = jnp.argmax(y_hat, axis=1)
    t = jnp.argmax(y, axis=1)
    # computed via detached numpy in the original -> constant w.r.t. grad
    sens = jax.lax.stop_gradient(_sensitivity(pred, t))
    # NLLLoss(reduction='none')(y_hat, t) == -y_hat[i, t_i] (applied to probs, as in original)
    nll = -jnp.take_along_axis(y_hat, t[:, None], axis=1)[:, 0]
    topk_loss = nll + LMBDA * (1.0 - jnp.sum(y_hat * y, axis=-1)) - sens
    _, idx = jax.lax.top_k(topk_loss, K)
    new_pred = jnp.take(y_hat, idx, axis=0)
    new_train = jnp.take(y, idx, axis=0)
    t2 = jnp.argmax(new_train, axis=1)
    w = jnp.take(weights, t2)
    picked = jnp.take_along_axis(new_pred, t2[:, None], axis=1)[:, 0]
    loss = jnp.sum(w * (-jnp.log(picked))) / jnp.sum(w)
    return loss

if __name__ == "__main__":
    import jax
    _d = setup_inputs()
    print(jax.jit(kernel)(*tuple(_d.values())))

</pallas_src>

<mosaic_0001>
#map = affine_map<(d0, d1) -> (0)>
module attributes {stable_mosaic.version = 14 : i64} {
  func.func @_sc_select_kernel(%arg0: i32, %arg1: i32, %arg2: memref<16384xf32, #tpu.memory_space<hbm>>, %arg3: memref<16384xf32, #tpu.memory_space<hbm>>, %arg4: memref<16384xf32, #tpu.memory_space<hbm>>, %arg5: memref<16xf32, #tpu.memory_space<hbm>>, %arg6: memref<1024xf32, #tpu.memory_space<vmem>>, %arg7: memref<1024xf32, #tpu.memory_space<vmem>>, %arg8: memref<1024xf32, #tpu.memory_space<vmem>>, %arg9: memref<1024xi32, #tpu.memory_space<vmem>>, %arg10: memref<256xi32, #tpu.memory_space<vmem>>, %arg11: memref<4096xi32, #tpu.memory_space<vmem>>, %arg12: memref<256xi32, #tpu.memory_space<vmem>>, %arg13: memref<256xi32, #tpu.memory_space<vmem>>, %arg14: memref<16xi32, #tpu.memory_space<vmem>>, %arg15: memref<16xf32, #tpu.memory_space<vmem>>, %arg16: memref<8192xi32, #tpu.memory_space<vmem_shared>>, %arg17: memref<256xi32, #tpu.memory_space<vmem_shared>>, %arg18: memref<256xf32, #tpu.memory_space<vmem_shared>>) attributes {dimension_semantics = [#tpu.dimension_semantics<core_parallel>, #tpu.dimension_semantics<subcore_parallel>], iteration_bounds = array<i64: 2, 16>, scalar_prefetch = 0 : i64, scratch_operands = 13 : i64, tpu.core_type = #tpu.core_type<sc_vector_subcore>, window_params = [{transform_indices = #map}, {transform_indices = #map}, {transform_indices = #map}, {transform_indices = #map}]} {
    %eq3A = arith.constant 0 : i32
    %eq3A_0 = arith.cmpi eq, %arg0, %eq3A : i32
    %convert_element_type3A = arith.extui %eq3A_0 : i1 to i32
    %cond3A = arith.constant 0 : i32
    %cond3A_1 = arith.cmpi ne, %convert_element_type3A, %cond3A : i32
    scf.if %cond3A_1 {
      %mul3A = arith.constant 1024 : i32
      %mul3A_2 = arith.muli %arg1, %mul3A : i32
      "tpu.region"() ({
        %run_scoped3A = tpu.sem_alloc : memref<!tpu.dma_semaphore, #tpu.memory_space<semaphore_mem>>
        %dma_start3A = tpu.memref_slice %arg2[%mul3A_2] : memref<16384xf32, #tpu.memory_space<hbm>> -> memref<1024xf32, #tpu.memory_space<hbm>>
        %dma_start3A_2025 = tpu.memref_slice %arg2[%mul3A_2] : memref<16384xf32, #tpu.memory_space<hbm>> -> memref<1024xf32, #tpu.memory_space<hbm>>
        tpu.enqueue_dma source(%dma_start3A_2025 : memref<1024xf32, #tpu.memory_space<hbm>>) target(%arg6 : memref<1024xf32, #tpu.memory_space<vmem>>) target_semaphore(%run_scoped3A : memref<!tpu.dma_semaphore, #tpu.memory_space<semaphore_mem>>)
        %dma_wait3A = tpu.memref_slice %arg2[%mul3A_2] : memref<16384xf32, #tpu.memory_space<hbm>> -> memref<1024xf32, #tpu.memory_space<hbm>>
        %dma_wait3A_2026 = tpu.memref_slice %arg2[%mul3A_2] : memref<16384xf32, #tpu.memory_space<hbm>> -> memref<1024xf32, #tpu.memory_space<hbm>>
        tpu.wait_dma2 semaphore(%run_scoped3A : memref<!tpu.dma_semaphore, #tpu.memory_space<semaphore_mem>>) src(%dma_wait3A_2026 : memref<1024xf32, #tpu.memory_space<hbm>>) dst(%arg6 : memref<1024xf32, #tpu.memory_space<vmem>>)
        tpu.yield
      }) : () -> ()
      "tpu.region"() ({
        %run_scoped3A = tpu.sem_alloc : memref<!tpu.dma_semaphore, #tpu.memory_space<semaphore_mem>>
        %dma_start3A = tpu.memref_slice %arg3[%mul3A_2] : memref<16384xf32, #tpu.memory_space<hbm>> -> memref<1024xf32, #tpu.memory_space<hbm>>
        %dma_start3A_2025 = tpu.memref_slice %arg3[%mul3A_2] : memref<16384xf32, #tpu.memory_space<hbm>> -> memref<1024xf32, #tpu.memory_space<hbm>>
        tpu.enqueue_dma source(%dma_start3A_2025 : memref<1024xf32, #tpu.memory_space<hbm>>) target(%arg7 : memref<1024xf32, #tpu.memory_space<vmem>>) target_semaphore(%run_scoped3A : memref<!tpu.dma_semaphore, #tpu.memory_space<semaphore_mem>>)
        %dma_wait3A = tpu.memref_slice %arg3[%mul3A_2] : memref<16384xf32, #tpu.memory_space<hbm>> -> memref<1024xf32, #tpu.memory_space<hbm>>
        %dma_wait3A_2026 = tpu.memref_slice %arg3[%mul3A_2] : memref<16384xf32, #tpu.memory_space<hbm>> -> memref<1024xf32, #tpu.memory_space<hbm>>
        tpu.wait_dma2 semaphore(%run_scoped3A : memref<!tpu.dma_semaphore, #tpu.memory_space<semaphore_mem>>) src(%dma_wait3A_2026 : memref<1024xf32, #tpu.memory_space<hbm>>) dst(%arg7 : memref<1024xf32, #tpu.memory_space<vmem>>)
        tpu.yield
      }) : () -> ()
      "tpu.region"() ({
        %run_scoped3A = tpu.sem_alloc : memref<!tpu.dma_semaphore, #tpu.memory_space<semaphore_mem>>
        %dma_start3A = tpu.memref_slice %arg4[%mul3A_2] : memref<16384xf32, #tpu.memory_space<hbm>> -> memref<1024xf32, #tpu.memory_space<hbm>>
        %dma_start3A_2025 = tpu.memref_slice %arg4[%mul3A_2] : memref<16384xf32, #tpu.memory_space<hbm>> -> memref<1024xf32, #tpu.memory_space<hbm>>
        tpu.enqueue_dma source(%dma_start3A_2025 : memref<1024xf32, #tpu.memory_space<hbm>>) target(%arg8 : memref<1024xf32, #tpu.memory_space<vmem>>) target_semaphore(%run_scoped3A : memref<!tpu.dma_semaphore, #tpu.memory_space<semaphore_mem>>)
        %dma_wait3A = tpu.memref_slice %arg4[%mul3A_2] : memref<16384xf32, #tpu.memory_space<hbm>> -> memref<1024xf32, #tpu.memory_space<hbm>>
        %dma_wait3A_2026 = tpu.memref_slice %arg4[%mul3A_2] : memref<16384xf32, #tpu.memory_space<hbm>> -> memref<1024xf32, #tpu.memory_space<hbm>>
        tpu.wait_dma2 semaphore(%run_scoped3A : memref<!tpu.dma_semaphore, #tpu.memory_space<semaphore_mem>>) src(%dma_wait3A_2026 : memref<1024xf32, #tpu.memory_space<hbm>>) dst(%arg8 : memref<1024xf32, #tpu.memory_space<vmem>>)
        tpu.yield
      }) : () -> ()
      %iota3A = tpu.iota {dimensions = array<i32: 0>} : vector<16xi32>
      %broadcast_in_dim3A = arith.constant 0 : i32
      %broadcast_in_dim3A_3 = vector.broadcast %broadcast_in_dim3A : i32 to vector<16xi32>
      %broadcast_in_dim3A_4 = arith.constant 0.000000e+00 : f32
      %broadcast_in_dim3A_5 = vector.broadcast %broadcast_in_dim3A_4 : f32 to vector<16xf32>
      %broadcast_in_dim3A_6 = arith.constant 1 : i32
      %broadcast_in_dim3A_7 = vector.broadcast %broadcast_in_dim3A_6 : i32 to vector<16xi32>
      %scan3A = arith.constant 0 : i32
      %scan3A_8 = arith.constant 0 : i32
      %scan3A_9 = arith.constant 16 : i32
      %scan3A_10 = arith.addi %scan3A_8, %scan3A_9 : i32
      %scan3A_11 = arith.constant 1 : i32
      scf.for %scan3A_2025 = %scan3A_8 to %scan3A_10 step %scan3A_11  : i32 {
        %mul3A_2026 = arith.constant 4 : i32
        %mul3A_2027 = arith.muli %scan3A_2025, %mul3A_2026 : i32
        %add3A_2028 = arith.constant 0 : i32
        %add3A_2029 = arith.addi %mul3A_2027, %add3A_2028 : i32
        %mul3A_2030 = arith.constant 16 : i32
        %mul3A_2031 = arith.muli %add3A_2029, %mul3A_2030 : i32
        %get3A_2032 = arith.index_cast %mul3A_2031 : i32 to index
        %get3A_2033 = tpu.vector_load %arg6[%get3A_2032] {strides = array<i32>} : memref<1024xf32, #tpu.memory_space<vmem>>, vector<16xf32>,
        %bitcast_convert_type3A = tpu.bitcast %get3A_2033 : vector<16xf32> -> vector<16xi32>
        %lt3A_2034 = arith.constant 0 : i32
        %lt3A_2035 = vector.broadcast %lt3A_2034 : i32 to vector<16xi32>
        %lt3A_2036 = arith.cmpi slt, %bitcast_convert_type3A, %lt3A_2035 : vector<16xi32>
        %not3A = arith.constant dense<-1> : vector<16xi32>
        %not3A_2037 = arith.xori %bitcast_convert_type3A, %not3A : vector<16xi32>
        %xor3A = arith.constant -2147483648 : i32
        %xor3A_2038 = vector.broadcast %xor3A : i32 to vector<16xi32>
        %xor3A_2039 = arith.xori %not3A_2037, %xor3A_2038 : vector<16xi32>
        %select_n3A_2040 = arith.select %lt3A_2036, %xor3A_2039, %bitcast_convert_type3A : vector<16xi1>, vector<16xi32>
        %mul3A_2041 = arith.constant 4 : i32
        %mul3A_2042 = arith.muli %scan3A_2025, %mul3A_2041 : i32
        %add3A_2043 = arith.constant 0 : i32
        %add3A_2044 = arith.addi %mul3A_2042, %add3A_2043 : i32
        %mul3A_2045 = arith.constant 16 : i32
        %mul3A_2046 = arith.muli %add3A_2044, %mul3A_2045 : i32
        %swap3A_2047 = arith.index_cast %mul3A_2046 : i32 to index
        %swap3A_2048 = tpu.vector_load %arg9[%swap3A_2047] {strides = array<i32>} : memref<1024xi32, #tpu.memory_space<vmem>>, vector<16xi32>,
        tpu.vector_store %arg9[%swap3A_2047], %select_n3A_2040 {strides = array<i32>} : memref<1024xi32, #tpu.memory_space<vmem>>, vector<16xi32>,
        %mul3A_2049 = arith.constant 4 : i32
        %mul3A_2050 = arith.muli %scan3A_2025, %mul3A_2049 : i32
        %add3A_2051 = arith.constant 1 : i32
        %add3A_2052 = arith.addi %mul3A_2050, %add3A_2051 : i32
        %mul3A_2053 = arith.constant 16 : i32
        %mul3A_2054 = arith.muli %add3A_2052, %mul3A_2053 : i32
        %get3A_2055 = arith.index_cast %mul3A_2054 : i32 to index
        %get3A_2056 = tpu.vector_load %arg6[%get3A_2055] {strides = array<i32>} : memref<1024xf32, #tpu.memory_space<vmem>>, vector<16xf32>,
        %bitcast_convert_type3A_2057 = tpu.bitcast %get3A_2056 : vector<16xf32> -> vector<16xi32>
        %lt3A_2058 = arith.constant 0 : i32
        %lt3A_2059 = vector.broadcast %lt3A_2058 : i32 to vector<16xi32>
        %lt3A_2060 = arith.cmpi slt, %bitcast_convert_type3A_2057, %lt3A_2059 : vector<16xi32>
        %not3A_2061 = arith.constant dense<-1> : vector<16xi32>
        %not3A_2062 = arith.xori %bitcast_convert_type3A_2057, %not3A_2061 : vector<16xi32>
        %xor3A_2063 = arith.constant -2147483648 : i32
        %xor3A_2064 = vector.broadcast %xor3A_2063 : i32 to vector<16xi32>
        %xor3A_2065 = arith.xori %not3A_2062, %xor3A_2064 : vector<16xi32>
        %select_n3A_2066 = arith.select %lt3A_2060, %xor3A_2065, %bitcast_convert_type3A_2057 : vector<16xi1>, vector<16xi32>
        %mul3A_2067 = arith.constant 4 : i32
        %mul3A_2068 = arith.muli %scan3A_2025, %mul3A_2067 : i32
        %add3A_2069 = arith.constant 1 : i32
        %add3A_2070 = arith.addi %mul3A_2068, %add3A_2069 : i32
        %mul3A_2071 = arith.constant 16 : i32
        %mul3A_2072 = arith.muli %add3A_2070, %mul3A_2071 : i32
        %swap3A_2073 = arith.index_cast %mul3A_2072 : i32 to index
        %swap3A_2074 = tpu.vector_load %arg9[%swap3A_2073] {strides = array<i32>} : memref<1024xi32, #tpu.memory_space<vmem>>, vector<16xi32>,
        tpu.vector_store %arg9[%swap3A_2073], %select_n3A_2066 {strides = array<i32>} : memref<1024xi32, #tpu.memory_space<vmem>>, vector<16xi32>,
        %mul3A_2075 = arith.constant 4 : i32
        %mul3A_2076 = arith.muli %scan3A_2025, %mul3A_2075 : i32
        %add3A_2077 = arith.constant 2 : i32
        %add3A_2078 = arith.addi %mul3A_2076, %add3A_2077 : i32
        %mul3A_2079 = arith.constant 16 : i32
        %mul3A_2080 = arith.muli %add3A_2078, %mul3A_2079 : i32
        %get3A_2081 = arith.index_cast %mul3A_2080 : i32 to index
        %get3A_2082 = tpu.vector_load %arg6[%get3A_2081] {strides = array<i32>} : memref<1024xf32, #tpu.memory_space<vmem>>, vector<16xf32>,
        %bitcast_convert_type3A_2083 = tpu.bitcast %get3A_2082 : vector<16xf32> -> vector<16xi32>
        %lt3A_2084 = arith.constant 0 : i32
        %lt3A_2085 = vector.broadcast %lt3A_2084 : i32 to vector<16xi32>
        %lt3A_2086 = arith.cmpi slt, %bitcast_convert_type3A_2083, %lt3A_2085 : vector<16xi32>
        %not3A_2087 = arith.constant dense<-1> : vector<16xi32>
        %not3A_2088 = arith.xori %bitcast_convert_type3A_2083, %not3A_2087 : vector<16xi32>
        %xor3A_2089 = arith.constant -2147483648 : i32
        %xor3A_2090 = vector.broadcast %xor3A_2089 : i32 to vector<16xi32>
        %xor3A_2091 = arith.xori %not3A_2088, %xor3A_2090 : vector<16xi32>
        %select_n3A_2092 = arith.select %lt3A_2086, %xor3A_2091, %bitcast_convert_type3A_2083 : vector<16xi1>, vector<16xi32>
        %mul3A_2093 = arith.constant 4 : i32
        %mul3A_2094 = arith.muli %scan3A_2025, %mul3A_2093 : i32
        %add3A_2095 = arith.constant 2 : i32
        %add3A_2096 = arith.addi %mul3A_2094, %add3A_2095 : i32
        %mul3A_2097 = arith.constant 16 : i32
        %mul3A_2098 = arith.muli %add3A_2096, %mul3A_2097 : i32
        %swap3A_2099 = arith.index_cast %mul3A_2098 : i32 to index
        %swap3A_2100 = tpu.vector_load %arg9[%swap3A_2099] {strides = array<i32>} : memref<1024xi32, #tpu.memory_space<vmem>>, vector<16xi32>,
        tpu.vector_store %arg9[%swap3A_2099], %select_n3A_2092 {strides = array<i32>} : memref<1024xi32, #tpu.memory_space<vmem>>, vector<16xi32>,
        %mul3A_2101 = arith.constant 4 : i32
        %mul3A_2102 = arith.muli %scan3A_2025, %mul3A_2101 : i32
        %add3A_2103 = arith.constant 3 : i32
        %add3A_2104 = arith.addi %mul3A_2102, %add3A_2103 : i32
        %mul3A_2105 = arith.constant 16 : i32
        %mul3A_2106 = arith.muli %add3A_2104, %mul3A_2105 : i32
        %get3A_2107 = arith.index_cast %mul3A_2106 : i32 to index
        %get3A_2108 = tpu.vector_load %arg6[%get3A_2107] {strides = array<i32>} : memref<1024xf32, #tpu.memory_space<vmem>>, vector<16xf32>,
        %bitcast_convert_type3A_2109 = tpu.bitcast %get3A_2108 : vector<16xf32> -> vector<16xi32>
        %lt3A_2110 = arith.constant 0 : i32
        %lt3A_2111 = vector.broadcast %lt3A_2110 : i32 to vector<16xi32>
        %lt3A_2112 = arith.cmpi slt, %bitcast_convert_type3A_2109, %lt3A_2111 : vector<16xi32>
        %not3A_2113 = arith.constant dense<-1> : vector<16xi32>
        %not3A_2114 = arith.xori %bitcast_convert_type3A_2109, %not3A_2113 : vector<16xi32>
        %xor3A_2115 = arith.constant -2147483648 : i32
        %xor3A_2116 = vector.broadcast %xor3A_2115 : i32 to vector<16xi32>
        %xor3A_2117 = arith.xori %not3A_2114, %xor3A_2116 : vector<16xi32>
        %select_n3A_2118 = arith.select %lt3A_2112, %xor3A_2117, %bitcast_convert_type3A_2109 : vector<16xi1>, vector<16xi32>
        %mul3A_2119 = arith.constant 4 : i32
        %mul3A_2120 = arith.muli %scan3A_2025, %mul3A_2119 : i32
        %add3A_2121 = arith.constant 3 : i32
        %add3A_2122 = arith.addi %mul3A_2120, %add3A_2121 : i32
        %mul3A_2123 = arith.constant 16 : i32
        %mul3A_2124 = arith.muli %add3A_2122, %mul3A_2123 : i32
        %swap3A_2125 = arith.index_cast %mul3A_2124 : i32 to index
        %swap3A_2126 = tpu.vector_load %arg9[%swap3A_2125] {strides = array<i32>} : memref<1024xi32, #tpu.memory_space<vmem>>, vector<16xi32>,
        tpu.vector_store %arg9[%swap3A_2125], %select_n3A_2118 {strides = array<i32>} : memref<1024xi32, #tpu.memory_space<vmem>>, vector<16xi32>,
      }
      %scan3A_12 = arith.constant 16 : i32
      %broadcast_in_dim3A_13 = arith.constant 11468 : i32
      %broadcast_in_dim3A_14 = vector.broadcast %broadcast_in_dim3A_13 : i32 to vector<16xi32>
      %scan3A_15 = arith.constant 0 : i32
      %scan3A_16 = arith.constant 0 : i32
      %scan3A_17 = arith.constant 16 : i32
      %scan3A_18 = arith.addi %scan3A_16, %scan3A_17 : i32
      %scan3A_19 = arith.constant 1 : i32
      scf.for %scan3A_2025 = %scan3A_16 to %scan3A_18 step %scan3A_19  : i32 {
        %mul3A_2026 = arith.constant 16 : i32
        %mul3A_2027 = arith.muli %scan3A_2025, %mul3A_2026 : i32
        %swap3A_2028 = arith.index_cast %mul3A_2027 : i32 to index
        %swap3A_2029 = tpu.vector_load %arg10[%swap3A_2028] {strides = array<i32>} : memref<256xi32, #tpu.memory_space<vmem>>, vector<16xi32>,
        tpu.vector_store %arg10[%swap3A_2028], %broadcast_in_dim3A_3 {strides = array<i32>} : memref<256xi32, #tpu.memory_space<vmem>>, vector<16xi32>,
      }
      %scan3A_20 = arith.constant 16 : i32
      %scan3A_21 = arith.constant 0 : i32
      %scan3A_22 = arith.constant 0 : i32
      %scan3A_23 = arith.constant 0 : i32
      %scan3A_24 = arith.constant 16 : i32
      %scan3A_25 = arith.addi %scan3A_23, %scan3A_24 : i32
      %scan3A_26 = arith.constant 1 : i32
      scf.for %scan3A_2025 = %scan3A_23 to %scan3A_25 step %scan3A_26  : i32 {
        %mul3A_2026 = arith.constant 4 : i32
        %mul3A_2027 = arith.muli %scan3A_2025, %mul3A_2026 : i32
        %add3A_2028 = arith.constant 0 : i32
        %add3A_2029 = arith.addi %mul3A_2027, %add3A_2028 : i32
        %mul3A_2030 = arith.constant 16 : i32
        %mul3A_2031 = arith.muli %add3A_2029, %mul3A_2030 : i32
        %get3A_2032 = arith.index_cast %mul3A_2031 : i32 to index
        %get3A_2033 = tpu.vector_load %arg9[%get3A_2032] {strides = array<i32>} : memref<1024xi32, #tpu.memory_space<vmem>>, vector<16xi32>,
        %and3A = vector.broadcast %scan3A_22 : i32 to vector<16xi32>
        %and3A_2034 = arith.andi %get3A_2033, %and3A : vector<16xi32>
        %and3A_2035 = vector.broadcast %scan3A_22 : i32 to vector<16xi32>
        %and3A_2036 = arith.andi %broadcast_in_dim3A_3, %and3A_2035 : vector<16xi32>
        %eq3A_2037 = arith.cmpi eq, %and3A_2034, %and3A_2036 : vector<16xi32>
        %shift_right_logical3A = arith.constant 24 : i32
        %shift_right_logical3A_2038 = vector.broadcast %shift_right_logical3A : i32 to vector<16xi32>
        %shift_right_logical3A_2039 = arith.shrui %get3A_2033, %shift_right_logical3A_2038 : vector<16xi32>
        %and3A_2040 = arith.constant 255 : i32
        %and3A_2041 = vector.broadcast %and3A_2040 : i32 to vector<16xi32>
        %and3A_2042 = arith.andi %shift_right_logical3A_2039, %and3A_2041 : vector<16xi32>
        tpu.vector_store_idx %arg10[%and3A_2042], %broadcast_in_dim3A_7 masked %eq3A_2037 {add = true} : memref<256xi32, #tpu.memory_space<vmem>>[vector<16xi32>], vector<16xi32>, vector<16xi1>
        %mul3A_2043 = arith.constant 4 : i32
        %mul3A_2044 = arith.muli %scan3A_2025, %mul3A_2043 : i32
        %add3A_2045 = arith.constant 1 : i32
        %add3A_2046 = arith.addi %mul3A_2044, %add3A_2045 : i32
        %mul3A_2047 = arith.constant 16 : i32
        %mul3A_2048 = arith.muli %add3A_2046, %mul3A_2047 : i32
        %get3A_2049 = arith.index_cast %mul3A_2048 : i32 to index
        %get3A_2050 = tpu.vector_load %arg9[%get3A_2049] {strides = array<i32>} : memref<1024xi32, #tpu.memory_space<vmem>>, vector<16xi32>,
        %and3A_2051 = vector.broadcast %scan3A_22 : i32 to vector<16xi32>
        %and3A_2052 = arith.andi %get3A_2050, %and3A_2051 : vector<16xi32>
        %and3A_2053 = vector.broadcast %scan3A_22 : i32 to vector<16xi32>
        %and3A_2054 = arith.andi %broadcast_in_dim3A_3, %and3A_2053 : vector<16xi32>
        %eq3A_2055 = arith.cmpi eq, %and3A_2052, %and3A_2054 : vector<16xi32>
        %shift_right_logical3A_2056 = arith.constant 24 : i32
        %shift_right_logical3A_2057 = vector.broadcast %shift_right_logical3A_2056 : i32 to vector<16xi32>
        %shift_right_logical3A_2058 = arith.shrui %get3A_2050, %shift_right_logical3A_2057 : vector<16xi32>
        %and3A_2059 = arith.constant 255 : i32
        %and3A_2060 = vector.broadcast %and3A_2059 : i32 to vector<16xi32>
        %and3A_2061 = arith.andi %shift_right_logical3A_2058, %and3A_2060 : vector<16xi32>
        tpu.vector_store_idx %arg10[%and3A_2061], %broadcast_in_dim3A_7 masked %eq3A_2055 {add = true} : memref<256xi32, #tpu.memory_space<vmem>>[vector<16xi32>], vector<16xi32>, vector<16xi1>
        %mul3A_2062 = arith.constant 4 : i32
        %mul3A_2063 = arith.muli %scan3A_2025, %mul3A_2062 : i32
        %add3A_2064 = arith.constant 2 : i32
        %add3A_2065 = arith.addi %mul3A_2063, %add3A_2064 : i32
        %mul3A_2066 = arith.constant 16 : i32
        %mul3A_2067 = arith.muli %add3A_2065, %mul3A_2066 : i32
        %get3A_2068 = arith.index_cast %mul3A_2067 : i32 to index
        %get3A_2069 = tpu.vector_load %arg9[%get3A_2068] {strides = array<i32>} : memref<1024xi32, #tpu.memory_space<vmem>>, vector<16xi32>,
        %and3A_2070 = vector.broadcast %scan3A_22 : i32 to vector<16xi32>
        %and3A_2071 = arith.andi %get3A_2069, %and3A_2070 : vector<16xi32>
        %and3A_2072 = vector.broadcast %scan3A_22 : i32 to vector<16xi32>
        %and3A_2073 = arith.andi %broadcast_in_dim3A_3, %and3A_2072 : vector<16xi32>
        %eq3A_2074 = arith.cmpi eq, %and3A_2071, %and3A_2073 : vector<16xi32>
        %shift_right_logical3A_2075 = arith.constant 24 : i32
        %shift_right_logical3A_2076 = vector.broadcast %shift_right_logical3A_2075 : i32 to vector<16xi32>
        %shift_right_logical3A_2077 = arith.shrui %get3A_2069, %shift_right_logical3A_2076 : vector<16xi32>
        %and3A_2078 = arith.constant 255 : i32
        %and3A_2079 = vector.broadcast %and3A_2078 : i32 to vector<16xi32>
        %and3A_2080 = arith.andi %shift_right_logical3A_2077, %and3A_2079 : vector<16xi32>
        tpu.vector_store_idx %arg10[%and3A_2080], %broadcast_in_dim3A_7 masked %eq3A_2074 {add = true} : memref<256xi32, #tpu.memory_space<vmem>>[vector<16xi32>], vector<16xi32>, vector<16xi1>
        %mul3A_2081 = arith.constant 4 : i32
        %mul3A_2082 = arith.muli %scan3A_2025, %mul3A_2081 : i32
        %add3A_2083 = arith.constant 3 : i32
        %add3A_2084 = arith.addi %mul3A_2082, %add3A_2083 : i32
        %mul3A_2085 = arith.constant 16 : i32
        %mul3A_2086 = arith.muli %add3A_2084, %mul3A_2085 : i32
        %get3A_2087 = arith.index_cast %mul3A_2086 : i32 to index
        %get3A_2088 = tpu.vector_load %arg9[%get3A_2087] {strides = array<i32>} : memref<1024xi32, #tpu.memory_space<vmem>>, vector<16xi32>,
        %and3A_2089 = vector.broadcast %scan3A_22 : i32 to vector<16xi32>
        %and3A_2090 = arith.andi %get3A_2088, %and3A_2089 : vector<16xi32>
        %and3A_2091 = vector.broadcast %scan3A_22 : i32 to vector<16xi32>
        %and3A_2092 = arith.andi %broadcast_in_dim3A_3, %and3A_2091 : vector<16xi32>
        %eq3A_2093 = arith.cmpi eq, %and3A_2090, %and3A_2092 : vector<16xi32>
        %shift_right_logical3A_2094 = arith.constant 24 : i32
        %shift_right_logical3A_2095 = vector.broadcast %shift_right_logical3A_2094 : i32 to vector<16xi32>
        %shift_right_logical3A_2096 = arith.shrui %get3A_2088, %shift_right_logical3A_2095 : vector<16xi32>
        %and3A_2097 = arith.constant 255 : i32
        %and3A_2098 = vector.broadcast %and3A_2097 : i32 to vector<16xi32>
        %and3A_2099 = arith.andi %shift_right_logical3A_2096, %and3A_2098 : vector<16xi32>
        tpu.vector_store_idx %arg10[%and3A_2099], %broadcast_in_dim3A_7 masked %eq3A_2093 {add = true} : memref<256xi32, #tpu.memory_space<vmem>>[vector<16xi32>], vector<16xi32>, vector<16xi1>
      }
      %scan3A_27 = arith.constant 16 : i32
      %mul3A_28 = arith.constant 256 : i32
      %mul3A_29 = arith.muli %arg1, %mul3A_28 : i32
      %add3A = arith.constant 0 : i32
      %add3A_30 = arith.addi %add3A, %mul3A_29 : i32
      "tpu.region"() ({
        %run_scoped3A = tpu.sem_alloc : memref<!tpu.dma_semaphore, #tpu.memory_space<semaphore_mem>>
        %dma_start3A = tpu.memref_slice %arg16[%add3A_30] : memref<8192xi32, #tpu.memory_space<vmem_shared>> -> memref<256xi32, #tpu.memory_space<vmem_shared>>
        %dma_start3A_2025 = tpu.memref_slice %arg16[%add3A_30] : memref<8192xi32, #tpu.memory_space<vmem_shared>> -> memref<256xi32, #tpu.memory_space<vmem_shared>>
        tpu.enqueue_dma source(%arg10 : memref<256xi32, #tpu.memory_space<vmem>>) target(%dma_start3A_2025 : memref<256xi32, #tpu.memory_space<vmem_shared>>) target_semaphore(%run_scoped3A : memref<!tpu.dma_semaphore, #tpu.memory_space<semaphore_mem>>)
        %dma_wait3A = tpu.memref_slice %arg16[%add3A_30] : memref<8192xi32, #tpu.memory_space<vmem_shared>> -> memref<256xi32, #tpu.memory_space<vmem_shared>>
        %dma_wait3A_2026 = tpu.memref_slice %arg16[%add3A_30] : memref<8192xi32, #tpu.memory_space<vmem_shared>> -> memref<256xi32, #tpu.memory_space<vmem_shared>>
        tpu.wait_dma2 semaphore(%run_scoped3A : memref<!tpu.dma_semaphore, #tpu.memory_space<semaphore_mem>>) src(%arg10 : memref<256xi32, #tpu.memory_space<vmem>>) dst(%dma_wait3A_2026 : memref<256xi32, #tpu.memory_space<vmem_shared>>)
        tpu.yield
      }) : () -> ()
      %scan3A_31 = arith.constant 0 : i32
      %scan3A_32 = arith.constant 0 : i32
      %scan3A_33 = arith.constant 16 : i32
      %scan3A_34 = arith.addi %scan3A_32, %scan3A_33 : i32
      %scan3A_35 = arith.constant 1 : i32
      scf.for %scan3A_2025 = %scan3A_32 to %scan3A_34 step %scan3A_35  : i32 {
        %mul3A_2026 = arith.constant 16 : i32
        %mul3A_2027 = arith.muli %scan3A_2025, %mul3A_2026 : i32
        %swap3A_2028 = arith.index_cast %mul3A_2027 : i32 to index
        %swap3A_2029 = tpu.vector_load %arg10[%swap3A_2028] {strides = array<i32>} : memref<256xi32, #tpu.memory_space<vmem>>, vector<16xi32>,
        tpu.vector_store %arg10[%swap3A_2028], %broadcast_in_dim3A_3 {strides = array<i32>} : memref<256xi32, #tpu.memory_space<vmem>>, vector<16xi32>,
      }
      %scan3A_36 = arith.constant 16 : i32
      %barrier3A = arith.constant 0 : index
      tpu.barrier barrier_id(%barrier3A)
      "tpu.region"() ({
        %run_scoped3A = tpu.sem_alloc : memref<!tpu.dma_semaphore, #tpu.memory_space<semaphore_mem>>
        %dma_start3A = arith.constant 0 : i32
        %dma_start3A_2025 = tpu.memref_slice %arg16[%dma_start3A] : memref<8192xi32, #tpu.memory_space<vmem_shared>> -> memref<4096xi32, #tpu.memory_space<vmem_shared>>
        %dma_start3A_2026 = arith.constant 0 : i32
        %dma_start3A_2027 = tpu.memref_slice %arg16[%dma_start3A_2026] : memref<8192xi32, #tpu.memory_space<vmem_shared>> -> memref<4096xi32, #tpu.memory_space<vmem_shared>>
        tpu.enqueue_dma source(%dma_start3A_2027 : memref<4096xi32, #tpu.memory_space<vmem_shared>>) target(%arg11 : memref<4096xi32, #tpu.memory_space<vmem>>) target_semaphore(%run_scoped3A : memref<!tpu.dma_semaphore, #tpu.memory_space<semaphore_mem>>)
        %dma_wait3A = arith.constant 0 : i32
        %dma_wait3A_2028 = tpu.memref_slice %arg16[%dma_wait3A] : memref<8192xi32, #tpu.memory_space<vmem_shared>> -> memref<4096xi32, #tpu.memory_space<vmem_shared>>
        %dma_wait3A_2029 = arith.constant 0 : i32
        %dma_wait3A_2030 = tpu.memref_slice %arg16[%dma_wait3A_2029] : memref<8192xi32, #tpu.memory_space<vmem_shared>> -> memref<4096xi32, #tpu.memory_space<vmem_shared>>
        tpu.wait_dma2 semaphore(%run_scoped3A : memref<!tpu.dma_semaphore, #tpu.memory_space<semaphore_mem>>) src(%dma_wait3A_2030 : memref<4096xi32, #tpu.memory_space<vmem_shared>>) dst(%arg11 : memref<4096xi32, #tpu.memory_space<vmem>>)
        tpu.yield
      }) : () -> ()
      %scan3A_37 = arith.constant 0 : i32
      %scan3A_38 = arith.constant 0 : i32
      %scan3A_39 = arith.constant 16 : i32
      %scan3A_40 = arith.addi %scan3A_38, %scan3A_39 : i32
      %scan3A_41 = arith.constant 1 : i32
      scf.for %scan3A_2025 = %scan3A_38 to %scan3A_40 step %scan3A_41  : i32 {
        %mul3A_2026 = arith.constant 16 : i32
        %mul3A_2027 = arith.muli %scan3A_2025, %mul3A_2026 : i32
        %add3A_2028 = arith.constant 0 : i32
        %add3A_2029 = arith.addi %add3A_2028, %mul3A_2027 : i32
        %get3A_2030 = arith.index_cast %add3A_2029 : i32 to index
        %get3A_2031 = tpu.vector_load %arg11[%get3A_2030] {strides = array<i32>} : memref<4096xi32, #tpu.memory_space<vmem>>, vector<16xi32>,
        %add3A_2032 = arith.addi %broadcast_in_dim3A_3, %get3A_2031 : vector<16xi32>
        %mul3A_2033 = arith.constant 16 : i32
        %mul3A_2034 = arith.muli %scan3A_2025, %mul3A_2033 : i32
        %add3A_2035 = arith.constant 256 : i32
        %add3A_2036 = arith.addi %add3A_2035, %mul3A_2034 : i32
        %get3A_2037 = arith.index_cast %add3A_2036 : i32 to index
        %get3A_2038 = tpu.vector_load %arg11[%get3A_2037] {strides = array<i32>} : memref<4096xi32, #tpu.memory_space<vmem>>, vector<16xi32>,
        %add3A_2039 = arith.addi %add3A_2032, %get3A_2038 : vector<16xi32>
        %mul3A_2040 = arith.constant 16 : i32
        %mul3A_2041 = arith.muli %scan3A_2025, %mul3A_2040 : i32
        %add3A_2042 = arith.constant 512 : i32
        %add3A_2043 = arith.addi %add3A_2042, %mul3A_2041 : i32
        %get3A_2044 = arith.index_cast %add3A_2043 : i32 to index
        %get3A_2045 = tpu.vector_load %arg11[%get3A_2044] {strides = array<i32>} : memref<4096xi32, #tpu.memory_space<vmem>>, vector<16xi32>,
        %add3A_2046 = arith.addi %add3A_2039, %get3A_2045 : vector<16xi32>
        %mul3A_2047 = arith.constant 16 : i32
        %mul3A_2048 = arith.muli %scan3A_2025, %mul3A_2047 : i32
        %add3A_2049 = arith.constant 768 : i32
        %add3A_2050 = arith.addi %add3A_2049, %mul3A_2048 : i32
        %get3A_2051 = arith.index_cast %add3A_2050 : i32 to index
        %get3A_2052 = tpu.vector_load %arg11[%get3A_2051] {strides = array<i32>} : memref<4096xi32, #tpu.memory_space<vmem>>, vector<16xi32>,
        %add3A_2053 = arith.addi %add3A_2046, %get3A_2052 : vector<16xi32>
        %mul3A_2054 = arith.constant 16 : i32
        %mul3A_2055 = arith.muli %scan3A_2025, %mul3A_2054 : i32
        %add3A_2056 = arith.constant 1024 : i32
        %add3A_2057 = arith.addi %add3A_2056, %mul3A_2055 : i32
        %get3A_2058 = arith.index_cast %add3A_2057 : i32 to index
        %get3A_2059 = tpu.vector_load %arg11[%get3A_2058] {strides = array<i32>} : memref<4096xi32, #tpu.memory_space<vmem>>, vector<16xi32>,
        %add3A_2060 = arith.addi %add3A_2053, %get3A_2059 : vector<16xi32>
        %mul3A_2061 = arith.constant 16 : i32
        %mul3A_2062 = arith.muli %scan3A_2025, %mul3A_2061 : i32
        %add3A_2063 = arith.constant 1280 : i32
        %add3A_2064 = arith.addi %add3A_2063, %mul3A_2062 : i32
        %get3A_2065 = arith.index_cast %add3A_2064 : i32 to index
        %get3A_2066 = tpu.vector_load %arg11[%get3A_2065] {strides = array<i32>} : memref<4096xi32, #tpu.memory_space<vmem>>, vector<16xi32>,
        %add3A_2067 = arith.addi %add3A_2060, %get3A_2066 : vector<16xi32>
        %mul3A_2068 = arith.constant 16 : i32
        %mul3A_2069 = arith.muli %scan3A_2025, %mul3A_2068 : i32
        %add3A_2070 = arith.constant 1536 : i32
        %add3A_2071 = arith.addi %add3A_2070, %mul3A_2069 : i32
        %get3A_2072 = arith.index_cast %add3A_2071 : i32 to index
        %get3A_2073 = tpu.vector_load %arg11[%get3A_2072] {strides = array<i32>} : memref<4096xi32, #tpu.memory_space<vmem>>, vector<16xi32>,
        %add3A_2074 = arith.addi %add3A_2067, %get3A_2073 : vector<16xi32>
        %mul3A_2075 = arith.constant 16 : i32
        %mul3A_2076 = arith.muli %scan3A_2025, %mul3A_2075 : i32
        %add3A_2077 = arith.constant 1792 : i32
        %add3A_2078 = arith.addi %add3A_2077, %mul3A_2076 : i32
        %get3A_2079 = arith.index_cast %add3A_2078 : i32 to index
        %get3A_2080 = tpu.vector_load %arg11[%get3A_2079] {strides = array<i32>} : memref<4096xi32, #tpu.memory_space<vmem>>, vector<16xi32>,
        %add3A_2081 = arith.addi %add3A_2074, %get3A_2080 : vector<16xi32>
        %mul3A_2082 = arith.constant 16 : i32
        %mul3A_2083 = arith.muli %scan3A_2025, %mul3A_2082 : i32
        %add3A_2084 = arith.constant 2048 : i32
        %add3A_2085 = arith.addi %add3A_2084, %mul3A_2083 : i32
        %get3A_2086 = arith.index_cast %add3A_2085 : i32 to index
        %get3A_2087 = tpu.vector_load %arg11[%get3A_2086] {strides = array<i32>} : memref<4096xi32, #tpu.memory_space<vmem>>, vector<16xi32>,
        %add3A_2088 = arith.addi %add3A_2081, %get3A_2087 : vector<16xi32>
        %mul3A_2089 = arith.constant 16 : i32
        %mul3A_2090 = arith.muli %scan3A_2025, %mul3A_2089 : i32
        %add3A_2091 = arith.constant 2304 : i32
        %add3A_2092 = arith.addi %add3A_2091, %mul3A_2090 : i32
        %get3A_2093 = arith.index_cast %add3A_2092 : i32 to index
        %get3A_2094 = tpu.vector_load %arg11[%get3A_2093] {strides = array<i32>} : memref<4096xi32, #tpu.memory_space<vmem>>, vector<16xi32>,
        %add3A_2095 = arith.addi %add3A_2088, %get3A_2094 : vector<16xi32>
        %mul3A_2096 = arith.constant 16 : i32
        %mul3A_2097 = arith.muli %scan3A_2025, %mul3A_2096 : i32
        %add3A_2098 = arith.constant 2560 : i32
        %add3A_2099 = arith.addi %add3A_2098, %mul3A_2097 : i32
        %get3A_2100 = arith.index_cast %add3A_2099 : i32 to index
        %get3A_2101 = tpu.vector_load %arg11[%get3A_2100] {strides = array<i32>} : memref<4096xi32, #tpu.memory_space<vmem>>, vector<16xi32>,
        %add3A_2102 = arith.addi %add3A_2095, %get3A_2101 : vector<16xi32>
        %mul3A_2103 = arith.constant 16 : i32
        %mul3A_2104 = arith.muli %scan3A_2025, %mul3A_2103 : i32
        %add3A_2105 = arith.constant 2816 : i32
        %add3A_2106 = arith.addi %add3A_2105, %mul3A_2104 : i32
        %get3A_2107 = arith.index_cast %add3A_2106 : i32 to index
        %get3A_2108 = tpu.vector_load %arg11[%get3A_2107] {strides = array<i32>} : memref<4096xi32, #tpu.memory_space<vmem>>, vector<16xi32>,
        %add3A_2109 = arith.addi %add3A_2102, %get3A_2108 : vector<16xi32>
        %mul3A_2110 = arith.constant 16 : i32
        %mul3A_2111 = arith.muli %scan3A_2025, %mul3A_2110 : i32
        %add3A_2112 = arith.constant 3072 : i32
        %add3A_2113 = arith.addi %add3A_2112, %mul3A_2111 : i32
        %get3A_2114 = arith.index_cast %add3A_2113 : i32 to index
        %get3A_2115 = tpu.vector_load %arg11[%get3A_2114] {strides = array<i32>} : memref<4096xi32, #tpu.memory_space<vmem>>, vector<16xi32>,
        %add3A_2116 = arith.addi %add3A_2109, %get3A_2115 : vector<16xi32>
        %mul3A_2117 = arith.constant 16 : i32
        %mul3A_2118 = arith.muli %scan3A_2025, %mul3A_2117 : i32
        %add3A_2119 = arith.constant 3328 : i32
        %add3A_2120 = arith.addi %add3A_2119, %mul3A_2118 : i32
        %get3A_2121 = arith.index_cast %add3A_2120 : i32 to index
        %get3A_2122 = tpu.vector_load %arg11[%get3A_2121] {strides = array<i32>} : memref<4096xi32, #tpu.memory_space<vmem>>, vector<16xi32>,
        %add3A_2123 = arith.addi %add3A_2116, %get3A_2122 : vector<16xi32>
        %mul3A_2124 = arith.constant 16 : i32
        %mul3A_2125 = arith.muli %scan3A_2025, %mul3A_2124 : i32
        %add3A_2126 = arith.constant 3584 : i32
        %add3A_2127 = arith.addi %add3A_2126, %mul3A_2125 : i32
        %get3A_2128 = arith.index_cast %add3A_2127 : i32 to index
        %get3A_2129 = tpu.vector_load %arg11[%get3A_2128] {strides = array<i32>} : memref<4096xi32, #tpu.memory_space<vmem>>, vector<16xi32>,
        %add3A_2130 = arith.addi %add3A_2123, %get3A_2129 : vector<16xi32>
        %mul3A_2131 = arith.constant 16 : i32
        %mul3A_2132 = arith.muli %scan3A_2025, %mul3A_2131 : i32
        %add3A_2133 = arith.constant 3840 : i32
        %add3A_2134 = arith.addi %add3A_2133, %mul3A_2132 : i32
        %get3A_2135 = arith.index_cast %add3A_2134 : i32 to index
        %get3A_2136 = tpu.vector_load %arg11[%get3A_2135] {strides = array<i32>} : memref<4096xi32, #tpu.memory_space<vmem>>, vector<16xi32>,
        %add3A_2137 = arith.addi %add3A_2130, %get3A_2136 : vector<16xi32>
        %mul3A_2138 = arith.constant 16 : i32
        %mul3A_2139 = arith.muli %scan3A_2025, %mul3A_2138 : i32
        %swap3A_2140 = arith.index_cast %mul3A_2139 : i32 to index
        %swap3A_2141 = tpu.vector_load %arg13[%swap3A_2140] {strides = array<i32>} : memref<256xi32, #tpu.memory_space<vmem>>, vector<16xi32>,
        tpu.vector_store %arg13[%swap3A_2140], %add3A_2137 {strides = array<i32>} : memref<256xi32, #tpu.memory_space<vmem>>, vector<16xi32>,
      }
      %scan3A_42 = arith.constant 16 : i32
      %get3A = arith.constant 240 : index
      %get3A_43 = tpu.vector_load %arg13[%get3A] {strides = array<i32>} : memref<256xi32, #tpu.memory_space<vmem>>, vector<16xi32>,
      %rev3A = arith.constant 15 : i32
      %rev3A_44 = vector.broadcast %rev3A : i32 to vector<16xi32>
      %rev3A_45 = tpu.iota {dimensions = array<i32: 0>} : vector<16xi32>
      %rev3A_46 = arith.subi %rev3A_44, %rev3A_45 : vector<16xi32>
      %rev3A_47 = tpu.dynamic_gather %get3A_43[%rev3A_46] in [0] : vector<16xi32>, vector<16xi32> -> vector<16xi32>
      %broadcast_in_dim3A_48 = arith.constant true
      %broadcast_in_dim3A_49 = vector.broadcast %broadcast_in_dim3A_48 : i1 to vector<16xi1>
      %masked_cumsum3A = tpu.scan <sum>, %rev3A_47 masked %broadcast_in_dim3A_49 : vector<16xi32>, vector<16xi1> -> vector<16xi32>
      %rev3A_50 = arith.constant 15 : i32
      %rev3A_51 = vector.broadcast %rev3A_50 : i32 to vector<16xi32>
      %rev3A_52 = tpu.iota {dimensions = array<i32: 0>} : vector<16xi32>
      %rev3A_53 = arith.subi %rev3A_51, %rev3A_52 : vector<16xi32>
      %rev3A_54 = tpu.dynamic_gather %masked_cumsum3A[%rev3A_53] in [0] : vector<16xi32>, vector<16xi32> -> vector<16xi32>
      %add3A_55 = arith.addi %rev3A_54, %broadcast_in_dim3A_3 : vector<16xi32>
      %swap3A = arith.constant 240 : index
      %swap3A_56 = tpu.vector_load %arg12[%swap3A] {strides = array<i32>} : memref<256xi32, #tpu.memory_space<vmem>>, vector<16xi32>,
      tpu.vector_store %arg12[%swap3A], %add3A_55 {strides = array<i32>} : memref<256xi32, #tpu.memory_space<vmem>>, vector<16xi32>,
      %reduce_sum3A = arith.constant true
      %reduce_sum3A_57 = vector.broadcast %reduce_sum3A : i1 to vector<16xi1>
      %reduce_sum3A_58 = tpu.scan <sum>, %get3A_43 masked %reduce_sum3A_57 : vector<16xi32>, vector<16xi1> -> vector<16xi32>
      %reduce_sum3A_59 = vector.extract %reduce_sum3A_58[15] : i32 from vector<16xi32>
      %add3A_60 = vector.broadcast %reduce_sum3A_59 : i32 to vector<16xi32>
      %add3A_61 = arith.addi %broadcast_in_dim3A_3, %add3A_60 : vector<16xi32>
      %ge3A = arith.cmpi sge, %add3A_55, %broadcast_in_dim3A_14 : vector<16xi32>
      %all_reduce_population_count3A = tpu.all_reduce %ge3A {dim = 0 : i64, kind = #tpu.reduction_kind<sum>} : vector<16xi1> -> vector<16xi32>
      %add3A_62 = arith.addi %broadcast_in_dim3A_3, %all_reduce_population_count3A : vector<16xi32>
      %get3A_63 = arith.constant 224 : index
      %get3A_64 = tpu.vector_load %arg13[%get3A_63] {strides = array<i32>} : memref<256xi32, #tpu.memory_space<vmem>>, vector<16xi32>,
      %rev3A_65 = arith.constant 15 : i32
      %rev3A_66 = vector.broadcast %rev3A_65 : i32 to vector<16xi32>
      %rev3A_67 = tpu.iota {dimensions = array<i32: 0>} : vector<16xi32>
      %rev3A_68 = arith.subi %rev3A_66, %rev3A_67 : vector<16xi32>
      %rev3A_69 = tpu.dynamic_gather %get3A_64[%rev3A_68] in [0] : vector<16xi32>, vector<16xi32> -> vector<16xi32>
      %broadcast_in_dim3A_70 = arith.constant true
      %broadcast_in_dim3A_71 = vector.broadcast %broadcast_in_dim3A_70 : i1 to vector<16xi1>
      %masked_cumsum3A_72 = tpu.scan <sum>, %rev3A_69 masked %broadcast_in_dim3A_71 : vector<16xi32>, vector<16xi1> -> vector<16xi32>
      %rev3A_73 = arith.constant 15 : i32
      %rev3A_74 = vector.broadcast %rev3A_73 : i32 to vector<16xi32>
      %rev3A_75 = tpu.iota {dimensions = array<i32: 0>} : vector<16xi32>
      %rev3A_76 = arith.subi %rev3A_74, %rev3A_75 : vector<16xi32>
      %rev3A_77 = tpu.dynamic_gather %masked_cumsum3A_72[%rev3A_76] in [0] : vector<16xi32>, vector<16xi32> -> vector<16xi32>
      %add3A_78 = arith.addi %rev3A_77, %add3A_61 : vector<16xi32>
      %swap3A_79 = arith.constant 224 : index
      %swap3A_80 = tpu.vector_load %arg12[%swap3A_79] {strides = array<i32>} : memref<256xi32, #tpu.memory_space<vmem>>, vector<16xi32>,
      tpu.vector_store %arg12[%swap3A_79], %add3A_78 {strides = array<i32>} : memref<256xi32, #tpu.memory_space<vmem>>, vector<16xi32>,
      %reduce_sum3A_81 = arith.constant true
      %reduce_sum3A_82 = vector.broadcast %reduce_sum3A_81 : i1 to vector<16xi1>
      %reduce_sum3A_83 = tpu.scan <sum>, %get3A_64 masked %reduce_sum3A_82 : vector<16xi32>, vector<16xi1> -> vector<16xi32>
      %reduce_sum3A_84 = vector.extract %reduce_sum3A_83[15] : i32 from vector<16xi32>
      %add3A_85 = vector.broadcast %reduce_sum3A_84 : i32 to vector<16xi32>
      %add3A_86 = arith.addi %add3A_61, %add3A_85 : vector<16xi32>
      %ge3A_87 = arith.cmpi sge, %add3A_78, %broadcast_in_dim3A_14 : vector<16xi32>
      %all_reduce_population_count3A_88 = tpu.all_reduce %ge3A_87 {dim = 0 : i64, kind = #tpu.reduction_kind<sum>} : vector<16xi1> -> vector<16xi32>
      %add3A_89 = arith.addi %add3A_62, %all_reduce_population_count3A_88 : vector<16xi32>
      %get3A_90 = arith.constant 208 : index
      %get3A_91 = tpu.vector_load %arg13[%get3A_90] {strides = array<i32>} : memref<256xi32, #tpu.memory_space<vmem>>, vector<16xi32>,
      %rev3A_92 = arith.constant 15 : i32
      %rev3A_93 = vector.broadcast %rev3A_92 : i32 to vector<16xi32>
      %rev3A_94 = tpu.iota {dimensions = array<i32: 0>} : vector<16xi32>
      %rev3A_95 = arith.subi %rev3A_93, %rev3A_94 : vector<16xi32>
      %rev3A_96 = tpu.dynamic_gather %get3A_91[%rev3A_95] in [0] : vector<16xi32>, vector<16xi32> -> vector<16xi32>
      %broadcast_in_dim3A_97 = arith.constant true
      %broadcast_in_dim3A_98 = vector.broadcast %broadcast_in_dim3A_97 : i1 to vector<16xi1>
      %masked_cumsum3A_99 = tpu.scan <sum>, %rev3A_96 masked %broadcast_in_dim3A_98 : vector<16xi32>, vector<16xi1> -> vector<16xi32>
      %rev3A_100 = arith.constant 15 : i32
      %rev3A_101 = vector.broadcast %rev3A_100 : i32 to vector<16xi32>
      %rev3A_102 = tpu.iota {dimensions = array<i32: 0>} : vector<16xi32>
      %rev3A_103 = arith.subi %rev3A_101, %rev3A_102 : vector<16xi32>
      %rev3A_104 = tpu.dynamic_gather %masked_cumsum3A_99[%rev3A_103] in [0] : vector<16xi32>, vector<16xi32> -> vector<16xi32>
      %add3A_105 = arith.addi %rev3A_104, %add3A_86 : vector<16xi32>
      %swap3A_106 = arith.constant 208 : index
      %swap3A_107 = tpu.vector_load %arg12[%swap3A_106] {strides = array<i32>} : memref<256xi32, #tpu.memory_space<vmem>>, vector<16xi32>,
      tpu.vector_store %arg12[%swap3A_106], %add3A_105 {strides = array<i32>} : memref<256xi32, #tpu.memory_space<vmem>>, vector<16xi32>,
      %reduce_sum3A_108 = arith.constant true
      %reduce_sum3A_109 = vector.broadcast %reduce_sum3A_108 : i1 to vector<16xi1>
      %reduce_sum3A_110 = tpu.scan <sum>, %get3A_91 masked %reduce_sum3A_109 : vector<16xi32>, vector<16xi1> -> vector<16xi32>
      %reduce_sum3A_111 = vector.extract %reduce_sum3A_110[15] : i32 from vector<16xi32>
      %add3A_112 = vector.broadcast %reduce_sum3A_111 : i32 to vector<16xi32>
      %add3A_113 = arith.addi %add3A_86, %add3A_112 : vector<16xi32>
      %ge3A_114 = arith.cmpi sge, %add3A_105, %broadcast_in_dim3A_14 : vector<16xi32>
      %all_reduce_population_count3A_115 = tpu.all_reduce %ge3A_114 {dim = 0 : i64, kind = #tpu.reduction_kind<sum>} : vector<16xi1> -> vector<16xi32>
      %add3A_116 = arith.addi %add3A_89, %all_reduce_population_count3A_115 : vector<16xi32>
      %get3A_117 = arith.constant 192 : index
      %get3A_118 = tpu.vector_load %arg13[%get3A_117] {strides = array<i32>} : memref<256xi32, #tpu.memory_space<vmem>>, vector<16xi32>,
      %rev3A_119 = arith.constant 15 : i32
      %rev3A_120 = vector.broadcast %rev3A_119 : i32 to vector<16xi32>
      %rev3A_121 = tpu.iota {dimensions = array<i32: 0>} : vector<16xi32>
      %rev3A_122 = arith.subi %rev3A_120, %rev3A_121 : vector<16xi32>
      %rev3A_123 = tpu.dynamic_gather %get3A_118[%rev3A_122] in [0] : vector<16xi32>, vector<16xi32> -> vector<16xi32>
      %broadcast_in_dim3A_124 = arith.constant true
      %broadcast_in_dim3A_125 = vector.broadcast %broadcast_in_dim3A_124 : i1 to vector<16xi1>
      %masked_cumsum3A_126 = tpu.scan <sum>, %rev3A_123 masked %broadcast_in_dim3A_125 : vector<16xi32>, vector<16xi1> -> vector<16xi32>
      %rev3A_127 = arith.constant 15 : i32
      %rev3A_128 = vector.broadcast %rev3A_127 : i32 to vector<16xi32>
      %rev3A_129 = tpu.iota {dimensions = array<i32: 0>} : vector<16xi32>
      %rev3A_130 = arith.subi %rev3A_128, %rev3A_129 : vector<16xi32>
      %rev3A_131 = tpu.dynamic_gather %masked_cumsum3A_126[%rev3A_130] in [0] : vector<16xi32>, vector<16xi32> -> vector<16xi32>
      %add3A_132 = arith.addi %rev3A_131, %add3A_113 : vector<16xi32>
      %swap3A_133 = arith.constant 192 : index
      %swap3A_134 = tpu.vector_load %arg12[%swap3A_133] {strides = array<i32>} : memref<256xi32, #tpu.memory_space<vmem>>, vector<16xi32>,
      tpu.vector_store %arg12[%swap3A_133], %add3A_132 {strides = array<i32>} : memref<256xi32, #tpu.memory_space<vmem>>, vector<16xi32>,
      %reduce_sum3A_135 = arith.constant true
      %reduce_sum3A_136 = vector.broadcast %reduce_sum3A_135 : i1 to vector<16xi1>
      %reduce_sum3A_137 = tpu.scan <sum>, %get3A_118 masked %reduce_sum3A_136 : vector<16xi32>, vector<16xi1> -> vector<16xi32>
      %reduce_sum3A_138 = vector.extract %reduce_sum3A_137[15] : i32 from vector<16xi32>
      %add3A_139 = vector.broadcast %reduce_sum3A_138 : i32 to vector<16xi32>
      %add3A_140 = arith.addi %add3A_113, %add3A_139 : vector<16xi32>
      %ge3A_141 = arith.cmpi sge, %add3A_132, %broadcast_in_dim3A_14 : vector<16xi32>
      %all_reduce_population_count3A_142 = tpu.all_reduce %ge3A_141 {dim = 0 : i64, kind = #tpu.reduction_kind<sum>} : vector<16xi1> -> vector<16xi32>
      %add3A_143 = arith.addi %add3A_116, %all_reduce_population_count3A_142 : vector<16xi32>
      %get3A_144 = arith.constant 176 : index
      %get3A_145 = tpu.vector_load %arg13[%get3A_144] {strides = array<i32>} : memref<256xi32, #tpu.memory_space<vmem>>, vector<16xi32>,
      %rev3A_146 = arith.constant 15 : i32
      %rev3A_147 = vector.broadcast %rev3A_146 : i32 to vector<16xi32>
      %rev3A_148 = tpu.iota {dimensions = array<i32: 0>} : vector<16xi32>
      %rev3A_149 = arith.subi %rev3A_147, %rev3A_148 : vector<16xi32>
      %rev3A_150 = tpu.dynamic_gather %get3A_145[%rev3A_149] in [0] : vector<16xi32>, vector<16xi32> -> vector<16xi32>
      %broadcast_in_dim3A_151 = arith.constant true
      %broadcast_in_dim3A_152 = vector.broadcast %broadcast_in_dim3A_151 : i1 to vector<16xi1>
      %masked_cumsum3A_153 = tpu.scan <sum>, %rev3A_150 masked %broadcast_in_dim3A_152 : vector<16xi32>, vector<16xi1> -> vector<16xi32>
      %rev3A_154 = arith.constant 15 : i32
      %rev3A_155 = vector.broadcast %rev3A_154 : i32 to vector<16xi32>
      %rev3A_156 = tpu.iota {dimensions = array<i32: 0>} : vector<16xi32>
      %rev3A_157 = arith.subi %rev3A_155, %rev3A_156 : vector<16xi32>
      %rev3A_158 = tpu.dynamic_gather %masked_cumsum3A_153[%rev3A_157] in [0] : vector<16xi32>, vector<16xi32> -> vector<16xi32>
      %add3A_159 = arith.addi %rev3A_158, %add3A_140 : vector<16xi32>
      %swap3A_160 = arith.constant 176 : index
      %swap3A_161 = tpu.vector_load %arg12[%swap3A_160] {strides = array<i32>} : memref<256xi32, #tpu.memory_space<vmem>>, vector<16xi32>,
      tpu.vector_store %arg12[%swap3A_160], %add3A_159 {strides = array<i32>} : memref<256xi32, #tpu.memory_space<vmem>>, vector<16xi32>,
      %reduce_sum3A_162 = arith.constant true
      %reduce_sum3A_163 = vector.broadcast %reduce_sum3A_162 : i1 to vector<16xi1>
      %reduce_sum3A_164 = tpu.scan <sum>, %get3A_145 masked %reduce_sum3A_163 : vector<16xi32>, vector<16xi1> -> vector<16xi32>
      %reduce_sum3A_165 = vector.extract %reduce_sum3A_164[15] : i32 from vector<16xi32>
      %add3A_166 = vector.broadcast %reduce_sum3A_165 : i32 to vector<16xi32>
      %add3A_167 = arith.addi %add3A_140, %add3A_166 : vector<16xi32>
      %ge3A_168 = arith.cmpi sge, %add3A_159, %broadcast_in_dim3A_14 : vector<16xi32>
      %all_reduce_population_count3A_169 = tpu.all_reduce %ge3A_168 {dim = 0 : i64, kind = #tpu.reduction_kind<sum>} : vector<16xi1> -> vector<16xi32>
      %add3A_170 = arith.addi %add3A_143, %all_reduce_population_count3A_169 : vector<16xi32>
      %get3A_171 = arith.constant 160 : index
      %get3A_172 = tpu.vector_load %arg13[%get3A_171] {strides = array<i32>} : memref<256xi32, #tpu.memory_space<vmem>>, vector<16xi32>,
      %rev3A_173 = arith.constant 15 : i32
      %rev3A_174 = vector.broadcast %rev3A_173 : i32 to vector<16xi32>
      %rev3A_175 = tpu.iota {dimensions = array<i32: 0>} : vector<16xi32>
      %rev3A_176 = arith.subi %rev3A_174, %rev3A_175 : vector<16xi32>
      %rev3A_177 = tpu.dynamic_gather %get3A_172[%rev3A_176] in [0] : vector<16xi32>, vector<16xi32> -> vector<16xi32>
      %broadcast_in_dim3A_178 = arith.constant true
      %broadcast_in_dim3A_179 = vector.broadcast %broadcast_in_dim3A_178 : i1 to vector<16xi1>
      %masked_cumsum3A_180 = tpu.scan <sum>, %rev3A_177 masked %broadcast_in_dim3A_179 : vector<16xi32>, vector<16xi1> -> vector<16xi32>
      %rev3A_181 = arith.constant 15 : i32
      %rev3A_182 = vector.broadcast %rev3A_181 : i32 to vector<16xi32>
      %rev3A_183 = tpu.iota {dimensions = array<i32: 0>} : vector<16xi32>
      %rev3A_184 = arith.subi %rev3A_182, %rev3A_183 : vector<16xi32>
      %rev3A_185 = tpu.dynamic_gather %masked_cumsum3A_180[%rev3A_184] in [0] : vector<16xi32>, vector<16xi32> -> vector<16xi32>
      %add3A_186 = arith.addi %rev3A_185, %add3A_167 : vector<16xi32>
      %swap3A_187 = arith.constant 160 : index
      %swap3A_188 = tpu.vector_load %arg12[%swap3A_187] {strides = array<i32>} : memref<256xi32, #tpu.memory_space<vmem>>, vector<16xi32>,
      tpu.vector_store %arg12[%swap3A_187], %add3A_186 {strides = array<i32>} : memref<256xi32, #tpu.memory_space<vmem>>, vector<16xi32>,
      %reduce_sum3A_189 = arith.constant true
      %reduce_sum3A_190 = vector.broadcast %reduce_sum3A_189 : i1 to vector<16xi1>
      %reduce_sum3A_191 = tpu.scan <sum>, %get3A_172 masked %reduce_sum3A_190 : vector<16xi32>, vector<16xi1> -> vector<16xi32>
      %reduce_sum3A_192 = vector.extract %reduce_sum3A_191[15] : i32 from vector<16xi32>
      %add3A_193 = vector.broadcast %reduce_sum3A_192 : i32 to vector<16xi32>
      %add3A_194 = arith.addi %add3A_167, %add3A_193 : vector<16xi32>
      %ge3A_195 = arith.cmpi sge, %add3A_186, %broadcast_in_dim3A_14 : vector<16xi32>
      %all_reduce_population_count3A_196 = tpu.all_reduce %ge3A_195 {dim = 0 : i64, kind = #tpu.reduction_kind<sum>} : vector<16xi1> -> vector<16xi32>
      %add3A_197 = arith.addi %add3A_170, %all_reduce_population_count3A_196 : vector<16xi32>
      %get3A_198 = arith.constant 144 : index
      %get3A_199 = tpu.vector_load %arg13[%get3A_198] {strides = array<i32>} : memref<256xi32, #tpu.memory_space<vmem>>, vector<16xi32>,
      %rev3A_200 = arith.constant 15 : i32
      %rev3A_201 = vector.broadcast %rev3A_200 : i32 to vector<16xi32>
      %rev3A_202 = tpu.iota {dimensions = array<i32: 0>} : vector<16xi32>
      %rev3A_203 = arith.subi %rev3A_201, %rev3A_202 : vector<16xi32>
      %rev3A_204 = tpu.dynamic_gather %get3A_199[%rev3A_203] in [0] : vector<16xi32>, vector<16xi32> -> vector<16xi32>
      %broadcast_in_dim3A_205 = arith.constant true
      %broadcast_in_dim3A_206 = vector.broadcast %broadcast_in_dim3A_205 : i1 to vector<16xi1>
      %masked_cumsum3A_207 = tpu.scan <sum>, %rev3A_204 masked %broadcast_in_dim3A_206 : vector<16xi32>, vector<16xi1> -> vector<16xi32>
      %rev3A_208 = arith.constant 15 : i32
      %rev3A_209 = vector.broadcast %rev3A_208 : i32 to vector<16xi32>
      %rev3A_210 = tpu.iota {dimensions = array<i32: 0>} : vector<16xi32>
      %rev3A_211 = arith.subi %rev3A_209, %rev3A_210 : vector<16xi32>
      %rev3A_212 = tpu.dynamic_gather %masked_cumsum3A_207[%rev3A_211] in [0] : vector<16xi32>, vector<16xi32> -> vector<16xi32>
      %add3A_213 = arith.addi %rev3A_212, %add3A_194 : vector<16xi32>
      %swap3A_214 = arith.constant 144 : index
      %swap3A_215 = tpu.vector_load %arg12[%swap3A_214] {strides = array<i32>} : memref<256xi32, #tpu.memory_space<vmem>>, vector<16xi32>,
      tpu.vector_store %arg12[%swap3A_214], %add3A_213 {strides = array<i32>} : memref<256xi32, #tpu.memory_space<vmem>>, vector<16xi32>,
      %reduce_sum3A_216 = arith.constant true
      %reduce_sum3A_217 = vector.broadcast %reduce_sum3A_216 : i1 to vector<16xi1>
      %reduce_sum3A_218 = tpu.scan <sum>, %get3A_199 masked %reduce_sum3A_217 : vector<16xi32>, vector<16xi1> -> vector<16xi32>
      %reduce_sum3A_219 = vector.extract %reduce_sum3A_218[15] : i32 from vector<16xi32>
      %add3A_220 = vector.broadcast %reduce_sum3A_219 : i32 to vector<16xi32>
      %add3A_221 = arith.addi %add3A_194, %add3A_220 : vector<16xi32>
      %ge3A_222 = arith.cmpi sge, %add3A_213, %broadcast_in_dim3A_14 : vector<16xi32>
      %all_reduce_population_count3A_223 = tpu.all_reduce %ge3A_222 {dim = 0 : i64, kind = #tpu.reduction_kind<sum>} : vector<16xi1> -> vector<16xi32>
      %add3A_224 = arith.addi %add3A_197, %all_reduce_population_count3A_223 : vector<16xi32>
      %get3A_225 = arith.constant 128 : index
      %get3A_226 = tpu.vector_load %arg13[%get3A_225] {strides = array<i32>} : memref<256xi32, #tpu.memory_space<vmem>>, vector<16xi32>,
      %rev3A_227 = arith.constant 15 : i32
      %rev3A_228 = vector.broadcast %rev3A_227 : i32 to vector<16xi32>
      %rev3A_229 = tpu.iota {dimensions = array<i32: 0>} : vector<16xi32>
      %rev3A_230 = arith.subi %rev3A_228, %rev3A_229 : vector<16xi32>
      %rev3A_231 = tpu.dynamic_gather %get3A_226[%rev3A_230] in [0] : vector<16xi32>, vector<16xi32> -> vector<16xi32>
      %broadcast_in_dim3A_232 = arith.constant true
      %broadcast_in_dim3A_233 = vector.broadcast %broadcast_in_dim3A_232 : i1 to vector<16xi1>
      %masked_cumsum3A_234 = tpu.scan <sum>, %rev3A_231 masked %broadcast_in_dim3A_233 : vector<16xi32>, vector<16xi1> -> vector<16xi32>
      %rev3A_235 = arith.constant 15 : i32
      %rev3A_236 = vector.broadcast %rev3A_235 : i32 to vector<16xi32>
      %rev3A_237 = tpu.iota {dimensions = array<i32: 0>} : vector<16xi32>
      %rev3A_238 = arith.subi %rev3A_236, %rev3A_237 : vector<16xi32>
      %rev3A_239 = tpu.dynamic_gather %masked_cumsum3A_234[%rev3A_238] in [0] : vector<16xi32>, vector<16xi32> -> vector<16xi32>
      %add3A_240 = arith.addi %rev3A_239, %add3A_221 : vector<16xi32>
      %swap3A_241 = arith.constant 128 : index
      %swap3A_242 = tpu.vector_load %arg12[%swap3A_241] {strides = array<i32>} : memref<256xi32, #tpu.memory_space<vmem>>, vector<16xi32>,
      tpu.vector_store %arg12[%swap3A_241], %add3A_240 {strides = array<i32>} : memref<256xi32, #tpu.memory_space<vmem>>, vector<16xi32>,
      %reduce_sum3A_243 = arith.constant true
      %reduce_sum3A_244 = vector.broadcast %reduce_sum3A_243 : i1 to vector<16xi1>
      %reduce_sum3A_245 = tpu.scan <sum>, %get3A_226 masked %reduce_sum3A_244 : vector<16xi32>, vector<16xi1> -> vector<16xi32>
      %reduce_sum3A_246 = vector.extract %reduce_sum3A_245[15] : i32 from vector<16xi32>
      %add3A_247 = vector.broadcast %reduce_sum3A_246 : i32 to vector<16xi32>
      %add3A_248 = arith.addi %add3A_221, %add3A_247 : vector<16xi32>
      %ge3A_249 = arith.cmpi sge, %add3A_240, %broadcast_in_dim3A_14 : vector<16xi32>
      %all_reduce_population_count3A_250 = tpu.all_reduce %ge3A_249 {dim = 0 : i64, kind = #tpu.reduction_kind<sum>} : vector<16xi1> -> vector<16xi32>
      %add3A_251 = arith.addi %add3A_224, %all_reduce_population_count3A_250 : vector<16xi32>
      %get3A_252 = arith.constant 112 : index
      %get3A_253 = tpu.vector_load %arg13[%get3A_252] {strides = array<i32>} : memref<256xi32, #tpu.memory_space<vmem>>, vector<16xi32>,
      %rev3A_254 = arith.constant 15 : i32
      %rev3A_255 = vector.broadcast %rev3A_254 : i32 to vector<16xi32>
      %rev3A_256 = tpu.iota {dimensions = array<i32: 0>} : vector<16xi32>
      %rev3A_257 = arith.subi %rev3A_255, %rev3A_256 : vector<16xi32>
      %rev3A_258 = tpu.dynamic_gather %get3A_253[%rev3A_257] in [0] : vector<16xi32>, vector<16xi32> -> vector<16xi32>
      %broadcast_in_dim3A_259 = arith.constant true
      %broadcast_in_dim3A_260 = vector.broadcast %broadcast_in_dim3A_259 : i1 to vector<16xi1>
      %masked_cumsum3A_261 = tpu.scan <sum>, %rev3A_258 masked %broadcast_in_dim3A_260 : vector<16xi32>, vector<16xi1> -> vector<16xi32>
      %rev3A_262 = arith.constant 15 : i32
      %rev3A_263 = vector.broadcast %rev3A_262 : i32 to vector<16xi32>
      %rev3A_264 = tpu.iota {dimensions = array<i32: 0>} : vector<16xi32>
      %rev3A_265 = arith.subi %rev3A_263, %rev3A_264 : vector<16xi32>
      %rev3A_266 = tpu.dynamic_gather %masked_cumsum3A_261[%rev3A_265] in [0] : vector<16xi32>, vector<16xi32> -> vector<16xi32>
      %add3A_267 = arith.addi %rev3A_266, %add3A_248 : vector<16xi32>
      %swap3A_268 = arith.constant 112 : index
      %swap3A_269 = tpu.vector_load %arg12[%swap3A_268] {strides = array<i32>} : memref<256xi32, #tpu.memory_space<vmem>>, vector<16xi32>,
      tpu.vector_store %arg12[%swap3A_268], %add3A_267 {strides = array<i32>} : memref<256xi32, #tpu.memory_space<vmem>>, vector<16xi32>,
      %reduce_sum3A_270 = arith.constant true
      %reduce_sum3A_271 = vector.broadcast %reduce_sum3A_270 : i1 to vector<16xi1>
      %reduce_sum3A_272 = tpu.scan <sum>, %get3A_253 masked %reduce_sum3A_271 : vector<16xi32>, vector<16xi1> -> vector<16xi32>
      %reduce_sum3A_273 = vector.extract %reduce_sum3A_272[15] : i32 from vector<16xi32>
      %add3A_274 = vector.broadcast %reduce_sum3A_273 : i32 to vector<16xi32>
      %add3A_275 = arith.addi %add3A_248, %add3A_274 : vector<16xi32>
      %ge3A_276 = arith.cmpi sge, %add3A_267, %broadcast_in_dim3A_14 : vector<16xi32>
      %all_reduce_population_count3A_277 = tpu.all_reduce %ge3A_276 {dim = 0 : i64, kind = #tpu.reduction_kind<sum>} : vector<16xi1> -> vector<16xi32>
      %add3A_278 = arith.addi %add3A_251, %all_reduce_population_count3A_277 : vector<16xi32>
      %get3A_279 = arith.constant 96 : index
      %get3A_280 = tpu.vector_load %arg13[%get3A_279] {strides = array<i32>} : memref<256xi32, #tpu.memory_space<vmem>>, vector<16xi32>,
      %rev3A_281 = arith.constant 15 : i32
      %rev3A_282 = vector.broadcast %rev3A_281 : i32 to vector<16xi32>
      %rev3A_283 = tpu.iota {dimensions = array<i32: 0>} : vector<16xi32>
      %rev3A_284 = arith.subi %rev3A_282, %rev3A_283 : vector<16xi32>
      %rev3A_285 = tpu.dynamic_gather %get3A_280[%rev3A_284] in [0] : vector<16xi32>, vector<16xi32> -> vector<16xi32>
      %broadcast_in_dim3A_286 = arith.constant true
      %broadcast_in_dim3A_287 = vector.broadcast %broadcast_in_dim3A_286 : i1 to vector<16xi1>
      %masked_cumsum3A_288 = tpu.scan <sum>, %rev3A_285 masked %broadcast_in_dim3A_287 : vector<16xi32>, vector<16xi1> -> vector<16xi32>
      %rev3A_289 = arith.constant 15 : i32
      %rev3A_290 = vector.broadcast %rev3A_289 : i32 to vector<16xi32>
      %rev3A_291 = tpu.iota {dimensions = array<i32: 0>} : vector<16xi32>
      %rev3A_292 = arith.subi %rev3A_290, %rev3A_291 : vector<16xi32>
      %rev3A_293 = tpu.dynamic_gather %masked_cumsum3A_288[%rev3A_292] in [0] : vector<16xi32>, vector<16xi32> -> vector<16xi32>
      %add3A_294 = arith.addi %rev3A_293, %add3A_275 : vector<16xi32>
      %swap3A_295 = arith.constant 96 : index
      %swap3A_296 = tpu.vector_load %arg12[%swap3A_295] {strides = array<i32>} : memref<256xi32, #tpu.memory_space<vmem>>, vector<16xi32>,
      tpu.vector_store %arg12[%swap3A_295], %add3A_294 {strides = array<i32>} : memref<256xi32, #tpu.memory_space<vmem>>, vector<16xi32>,
      %reduce_sum3A_297 = arith.constant true
      %reduce_sum3A_298 = vector.broadcast %reduce_sum3A_297 : i1 to vector<16xi1>
      %reduce_sum3A_299 = tpu.scan <sum>, %get3A_280 masked %reduce_sum3A_298 : vector<16xi32>, vector<16xi1> -> vector<16xi32>
      %reduce_sum3A_300 = vector.extract %reduce_sum3A_299[15] : i32 from vector<16xi32>
      %add3A_301 = vector.broadcast %reduce_sum3A_300 : i32 to vector<16xi32>
      %add3A_302 = arith.addi %add3A_275, %add3A_301 : vector<16xi32>
      %ge3A_303 = arith.cmpi sge, %add3A_294, %broadcast_in_dim3A_14 : vector<16xi32>
      %all_reduce_population_count3A_304 = tpu.all_reduce %ge3A_303 {dim = 0 : i64, kind = #tpu.reduction_kind<sum>} : vector<16xi1> -> vector<16xi32>
      %add3A_305 = arith.addi %add3A_278, %all_reduce_population_count3A_304 : vector<16xi32>
      %get3A_306 = arith.constant 80 : index
      %get3A_307 = tpu.vector_load %arg13[%get3A_306] {strides = array<i32>} : memref<256xi32, #tpu.memory_space<vmem>>, vector<16xi32>,
      %rev3A_308 = arith.constant 15 : i32
      %rev3A_309 = vector.broadcast %rev3A_308 : i32 to vector<16xi32>
      %rev3A_310 = tpu.iota {dimensions = array<i32: 0>} : vector<16xi32>
      %rev3A_311 = arith.subi %rev3A_309, %rev3A_310 : vector<16xi32>
      %rev3A_312 = tpu.dynamic_gather %get3A_307[%rev3A_311] in [0] : vector<16xi32>, vector<16xi32> -> vector<16xi32>
      %broadcast_in_dim3A_313 = arith.constant true
      %broadcast_in_dim3A_314 = vector.broadcast %broadcast_in_dim3A_313 : i1 to vector<16xi1>
      %masked_cumsum3A_315 = tpu.scan <sum>, %rev3A_312 masked %broadcast_in_dim3A_314 : vector<16xi32>, vector<16xi1> -> vector<16xi32>
      %rev3A_316 = arith.constant 15 : i32
      %rev3A_317 = vector.broadcast %rev3A_316 : i32 to vector<16xi32>
      %rev3A_318 = tpu.iota {dimensions = array<i32: 0>} : vector<16xi32>
      %rev3A_319 = arith.subi %rev3A_317, %rev3A_318 : vector<16xi32>
      %rev3A_320 = tpu.dynamic_gather %masked_cumsum3A_315[%rev3A_319] in [0] : vector<16xi32>, vector<16xi32> -> vector<16xi32>
      %add3A_321 = arith.addi %rev3A_320, %add3A_302 : vector<16xi32>
      %swap3A_322 = arith.constant 80 : index
      %swap3A_323 = tpu.vector_load %arg12[%swap3A_322] {strides = array<i32>} : memref<256xi32, #tpu.memory_space<vmem>>, vector<16xi32>,
      tpu.vector_store %arg12[%swap3A_322], %add3A_321 {strides = array<i32>} : memref<256xi32, #tpu.memory_space<vmem>>, vector<16xi32>,
      %reduce_sum3A_324 = arith.constant true
      %reduce_sum3A_325 = vector.broadcast %reduce_sum3A_324 : i1 to vector<16xi1>
      %reduce_sum3A_326 = tpu.scan <sum>, %get3A_307 masked %reduce_sum3A_325 : vector<16xi32>, vector<16xi1> -> vector<16xi32>
      %reduce_sum3A_327 = vector.extract %reduce_sum3A_326[15] : i32 from vector<16xi32>
      %add3A_328 = vector.broadcast %reduce_sum3A_327 : i32 to vector<16xi32>
      %add3A_329 = arith.addi %add3A_302, %add3A_328 : vector<16xi32>
      %ge3A_330 = arith.cmpi sge, %add3A_321, %broadcast_in_dim3A_14 : vector<16xi32>
      %all_reduce_population_count3A_331 = tpu.all_reduce %ge3A_330 {dim = 0 : i64, kind = #tpu.reduction_kind<sum>} : vector<16xi1> -> vector<16xi32>
      %add3A_332 = arith.addi %add3A_305, %all_reduce_population_count3A_331 : vector<16xi32>
      %get3A_333 = arith.constant 64 : index
      %get3A_334 = tpu.vector_load %arg13[%get3A_333] {strides = array<i32>} : memref<256xi32, #tpu.memory_space<vmem>>, vector<16xi32>,
      %rev3A_335 = arith.constant 15 : i32
      %rev3A_336 = vector.broadcast %rev3A_335 : i32 to vector<16xi32>
      %rev3A_337 = tpu.iota {dimensions = array<i32: 0>} : vector<16xi32>
      %rev3A_338 = arith.subi %rev3A_336, %rev3A_337 : vector<16xi32>
      %rev3A_339 = tpu.dynamic_gather %get3A_334[%rev3A_338] in [0] : vector<16xi32>, vector<16xi32> -> vector<16xi32>
      %broadcast_in_dim3A_340 = arith.constant true
      %broadcast_in_dim3A_341 = vector.broadcast %broadcast_in_dim3A_340 : i1 to vector<16xi1>
      %masked_cumsum3A_342 = tpu.scan <sum>, %rev3A_339 masked %broadcast_in_dim3A_341 : vector<16xi32>, vector<16xi1> -> vector<16xi32>
      %rev3A_343 = arith.constant 15 : i32
      %rev3A_344 = vector.broadcast %rev3A_343 : i32 to vector<16xi32>
      %rev3A_345 = tpu.iota {dimensions = array<i32: 0>} : vector<16xi32>
      %rev3A_346 = arith.subi %rev3A_344, %rev3A_345 : vector<16xi32>
      %rev3A_347 = tpu.dynamic_gather %masked_cumsum3A_342[%rev3A_346] in [0] : vector<16xi32>, vector<16xi32> -> vector<16xi32>
      %add3A_348 = arith.addi %rev3A_347, %add3A_329 : vector<16xi32>
      %swap3A_349 = arith.constant 64 : index
      %swap3A_350 = tpu.vector_load %arg12[%swap3A_349] {strides = array<i32>} : memref<256xi32, #tpu.memory_space<vmem>>, vector<16xi32>,
      tpu.vector_store %arg12[%swap3A_349], %add3A_348 {strides = array<i32>} : memref<256xi32, #tpu.memory_space<vmem>>, vector<16xi32>,
      %reduce_sum3A_351 = arith.constant true
      %reduce_sum3A_352 = vector.broadcast %reduce_sum3A_351 : i1 to vector<16xi1>
      %reduce_sum3A_353 = tpu.scan <sum>, %get3A_334 masked %reduce_sum3A_352 : vector<16xi32>, vector<16xi1> -> vector<16xi32>
      %reduce_sum3A_354 = vector.extract %reduce_sum3A_353[15] : i32 from vector<16xi32>
      %add3A_355 = vector.broadcast %reduce_sum3A_354 : i32 to vector<16xi32>
      %add3A_356 = arith.addi %add3A_329, %add3A_355 : vector<16xi32>
      %ge3A_357 = arith.cmpi sge, %add3A_348, %broadcast_in_dim3A_14 : vector<16xi32>
      %all_reduce_population_count3A_358 = tpu.all_reduce %ge3A_357 {dim = 0 : i64, kind = #tpu.reduction_kind<sum>} : vector<16xi1> -> vector<16xi32>
      %add3A_359 = arith.addi %add3A_332, %all_reduce_population_count3A_358 : vector<16xi32>
      %get3A_360 = arith.constant 48 : index
      %get3A_361 = tpu.vector_load %arg13[%get3A_360] {strides = array<i32>} : memref<256xi32, #tpu.memory_space<vmem>>, vector<16xi32>,
      %rev3A_362 = arith.constant 15 : i32
      %rev3A_363 = vector.broadcast %rev3A_362 : i32 to vector<16xi32>
      %rev3A_364 = tpu.iota {dimensions = array<i32: 0>} : vector<16xi32>
      %rev3A_365 = arith.subi %rev3A_363, %rev3A_364 : vector<16xi32>
      %rev3A_366 = tpu.dynamic_gather %get3A_361[%rev3A_365] in [0] : vector<16xi32>, vector<16xi32> -> vector<16xi32>
      %broadcast_in_dim3A_367 = arith.constant true
      %broadcast_in_dim3A_368 = vector.broadcast %broadcast_in_dim3A_367 : i1 to vector<16xi1>
      %masked_cumsum3A_369 = tpu.scan <sum>, %rev3A_366 masked %broadcast_in_dim3A_368 : vector<16xi32>, vector<16xi1> -> vector<16xi32>
      %rev3A_370 = arith.constant 15 : i32
      %rev3A_371 = vector.broadcast %rev3A_370 : i32 to vector<16xi32>
      %rev3A_372 = tpu.iota {dimensions = array<i32: 0>} : vector<16xi32>
      %rev3A_373 = arith.subi %rev3A_371, %rev3A_372 : vector<16xi32>
      %rev3A_374 = tpu.dynamic_gather %masked_cumsum3A_369[%rev3A_373] in [0] : vector<16xi32>, vector<16xi32> -> vector<16xi32>
      %add3A_375 = arith.addi %rev3A_374, %add3A_356 : vector<16xi32>
      %swap3A_376 = arith.constant 48 : index
      %swap3A_377 = tpu.vector_load %arg12[%swap3A_376] {strides = array<i32>} : memref<256xi32, #tpu.memory_space<vmem>>, vector<16xi32>,
      tpu.vector_store %arg12[%swap3A_376], %add3A_375 {strides = array<i32>} : memref<256xi32, #tpu.memory_space<vmem>>, vector<16xi32>,
      %reduce_sum3A_378 = arith.constant true
      %reduce_sum3A_379 = vector.broadcast %reduce_sum3A_378 : i1 to vector<16xi1>
      %reduce_sum3A_380 = tpu.scan <sum>, %get3A_361 masked %reduce_sum3A_379 : vector<16xi32>, vector<16xi1> -> vector<16xi32>
      %reduce_sum3A_381 = vector.extract %reduce_sum3A_380[15] : i32 from vector<16xi32>
      %add3A_382 = vector.broadcast %reduce_sum3A_381 : i32 to vector<16xi32>
      %add3A_383 = arith.addi %add3A_356, %add3A_382 : vector<16xi32>
      %ge3A_384 = arith.cmpi sge, %add3A_375, %broadcast_in_dim3A_14 : vector<16xi32>
      %all_reduce_population_count3A_385 = tpu.all_reduce %ge3A_384 {dim = 0 : i64, kind = #tpu.reduction_kind<sum>} : vector<16xi1> -> vector<16xi32>
      %add3A_386 = arith.addi %add3A_359, %all_reduce_population_count3A_385 : vector<16xi32>
      %get3A_387 = arith.constant 32 : index
      %get3A_388 = tpu.vector_load %arg13[%get3A_387] {strides = array<i32>} : memref<256xi32, #tpu.memory_space<vmem>>, vector<16xi32>,
      %rev3A_389 = arith.constant 15 : i32
      %rev3A_390 = vector.broadcast %rev3A_389 : i32 to vector<16xi32>
      %rev3A_391 = tpu.iota {dimensions = array<i32: 0>} : vector<16xi32>
      %rev3A_392 = arith.subi %rev3A_390, %rev3A_391 : vector<16xi32>
      %rev3A_393 = tpu.dynamic_gather %get3A_388[%rev3A_392] in [0] : vector<16xi32>, vector<16xi32> -> vector<16xi32>
      %broadcast_in_dim3A_394 = arith.constant true
      %broadcast_in_dim3A_395 = vector.broadcast %broadcast_in_dim3A_394 : i1 to vector<16xi1>
      %masked_cumsum3A_396 = tpu.scan <sum>, %rev3A_393 masked %broadcast_in_dim3A_395 : vector<16xi32>, vector<16xi1> -> vector<16xi32>
      %rev3A_397 = arith.constant 15 : i32
      %rev3A_398 = vector.broadcast %rev3A_397 : i32 to vector<16xi32>
      %rev3A_399 = tpu.iota {dimensions = array<i32: 0>} : vector<16xi32>
      %rev3A_400 = arith.subi %rev3A_398, %rev3A_399 : vector<16xi32>
      %rev3A_401 = tpu.dynamic_gather %masked_cumsum3A_396[%rev3A_400] in [0] : vector<16xi32>, vector<16xi32> -> vector<16xi32>
      %add3A_402 = arith.addi %rev3A_401, %add3A_383 : vector<16xi32>
      %swap3A_403 = arith.constant 32 : index
      %swap3A_404 = tpu.vector_load %arg12[%swap3A_403] {strides = array<i32>} : memref<256xi32, #tpu.memory_space<vmem>>, vector<16xi32>,
      tpu.vector_store %arg12[%swap3A_403], %add3A_402 {strides = array<i32>} : memref<256xi32, #tpu.memory_space<vmem>>, vector<16xi32>,
      %reduce_sum3A_405 = arith.constant true
      %reduce_sum3A_406 = vector.broadcast %reduce_sum3A_405 : i1 to vector<16xi1>
      %reduce_sum3A_407 = tpu.scan <sum>, %get3A_388 masked %reduce_sum3A_406 : vector<16xi32>, vector<16xi1> -> vector<16xi32>
      %reduce_sum3A_408 = vector.extract %reduce_sum3A_407[15] : i32 from vector<16xi32>
      %add3A_409 = vector.broadcast %reduce_sum3A_408 : i32 to vector<16xi32>
      %add3A_410 = arith.addi %add3A_383, %add3A_409 : vector<16xi32>
      %ge3A_411 = arith.cmpi sge, %add3A_402, %broadcast_in_dim3A_14 : vector<16xi32>
      %all_reduce_population_count3A_412 = tpu.all_reduce %ge3A_411 {dim = 0 : i64, kind = #tpu.reduction_kind<sum>} : vector<16xi1> -> vector<16xi32>
      %add3A_413 = arith.addi %add3A_386, %all_reduce_population_count3A_412 : vector<16xi32>
      %get3A_414 = arith.constant 16 : index
      %get3A_415 = tpu.vector_load %arg13[%get3A_414] {strides = array<i32>} : memref<256xi32, #tpu.memory_space<vmem>>, vector<16xi32>,
      %rev3A_416 = arith.constant 15 : i32
      %rev3A_417 = vector.broadcast %rev3A_416 : i32 to vector<16xi32>
      %rev3A_418 = tpu.iota {dimensions = array<i32: 0>} : vector<16xi32>
      %rev3A_419 = arith.subi %rev3A_417, %rev3A_418 : vector<16xi32>
      %rev3A_420 = tpu.dynamic_gather %get3A_415[%rev3A_419] in [0] : vector<16xi32>, vector<16xi32> -> vector<16xi32>
      %broadcast_in_dim3A_421 = arith.constant true
      %broadcast_in_dim3A_422 = vector.broadcast %broadcast_in_dim3A_421 : i1 to vector<16xi1>
      %masked_cumsum3A_423 = tpu.scan <sum>, %rev3A_420 masked %broadcast_in_dim3A_422 : vector<16xi32>, vector<16xi1> -> vector<16xi32>
      %rev3A_424 = arith.constant 15 : i32
      %rev3A_425 = vector.broadcast %rev3A_424 : i32 to vector<16xi32>
      %rev3A_426 = tpu.iota {dimensions = array<i32: 0>} : vector<16xi32>
      %rev3A_427 = arith.subi %rev3A_425, %rev3A_426 : vector<16xi32>
      %rev3A_428 = tpu.dynamic_gather %masked_cumsum3A_423[%rev3A_427] in [0] : vector<16xi32>, vector<16xi32> -> vector<16xi32>
      %add3A_429 = arith.addi %rev3A_428, %add3A_410 : vector<16xi32>
      %swap3A_430 = arith.constant 16 : index
      %swap3A_431 = tpu.vector_load %arg12[%swap3A_430] {strides = array<i32>} : memref<256xi32, #tpu.memory_space<vmem>>, vector<16xi32>,
      tpu.vector_store %arg12[%swap3A_430], %add3A_429 {strides = array<i32>} : memref<256xi32, #tpu.memory_space<vmem>>, vector<16xi32>,
      %reduce_sum3A_432 = arith.constant true
      %reduce_sum3A_433 = vector.broadcast %reduce_sum3A_432 : i1 to vector<16xi1>
      %reduce_sum3A_434 = tpu.scan <sum>, %get3A_415 masked %reduce_sum3A_433 : vector<16xi32>, vector<16xi1> -> vector<16xi32>
      %reduce_sum3A_435 = vector.extract %reduce_sum3A_434[15] : i32 from vector<16xi32>
      %add3A_436 = vector.broadcast %reduce_sum3A_435 : i32 to vector<16xi32>
      %add3A_437 = arith.addi %add3A_410, %add3A_436 : vector<16xi32>
      %ge3A_438 = arith.cmpi sge, %add3A_429, %broadcast_in_dim3A_14 : vector<16xi32>
      %all_reduce_population_count3A_439 = tpu.all_reduce %ge3A_438 {dim = 0 : i64, kind = #tpu.reduction_kind<sum>} : vector<16xi1> -> vector<16xi32>
      %add3A_440 = arith.addi %add3A_413, %all_reduce_population_count3A_439 : vector<16xi32>
      %get3A_441 = arith.constant 0 : index
      %get3A_442 = tpu.vector_load %arg13[%get3A_441] {strides = array<i32>} : memref<256xi32, #tpu.memory_space<vmem>>, vector<16xi32>,
      %rev3A_443 = arith.constant 15 : i32
      %rev3A_444 = vector.broadcast %rev3A_443 : i32 to vector<16xi32>
      %rev3A_445 = tpu.iota {dimensions = array<i32: 0>} : vector<16xi32>
      %rev3A_446 = arith.subi %rev3A_444, %rev3A_445 : vector<16xi32>
      %rev3A_447 = tpu.dynamic_gather %get3A_442[%rev3A_446] in [0] : vector<16xi32>, vector<16xi32> -> vector<16xi32>
      %broadcast_in_dim3A_448 = arith.constant true
      %broadcast_in_dim3A_449 = vector.broadcast %broadcast_in_dim3A_448 : i1 to vector<16xi1>
      %masked_cumsum3A_450 = tpu.scan <sum>, %rev3A_447 masked %broadcast_in_dim3A_449 : vector<16xi32>, vector<16xi1> -> vector<16xi32>
      %rev3A_451 = arith.constant 15 : i32
      %rev3A_452 = vector.broadcast %rev3A_451 : i32 to vector<16xi32>
      %rev3A_453 = tpu.iota {dimensions = array<i32: 0>} : vector<16xi32>
      %rev3A_454 = arith.subi %rev3A_452, %rev3A_453 : vector<16xi32>
      %rev3A_455 = tpu.dynamic_gather %masked_cumsum3A_450[%rev3A_454] in [0] : vector<16xi32>, vector<16xi32> -> vector<16xi32>
      %add3A_456 = arith.addi %rev3A_455, %add3A_437 : vector<16xi32>
      %swap3A_457 = arith.constant 0 : index
      %swap3A_458 = tpu.vector_load %arg12[%swap3A_457] {strides = array<i32>} : memref<256xi32, #tpu.memory_space<vmem>>, vector<16xi32>,
      tpu.vector_store %arg12[%swap3A_457], %add3A_456 {strides = array<i32>} : memref<256xi32, #tpu.memory_space<vmem>>, vector<16xi32>,
      %reduce_sum3A_459 = arith.constant true
      %reduce_sum3A_460 = vector.broadcast %reduce_sum3A_459 : i1 to vector<16xi1>
      %reduce_sum3A_461 = tpu.scan <sum>, %get3A_442 masked %reduce_sum3A_460 : vector<16xi32>, vector<16xi1> -> vector<16xi32>
      %reduce_sum3A_462 = vector.extract %reduce_sum3A_461[15] : i32 from vector<16xi32>
      %add3A_463 = vector.broadcast %reduce_sum3A_462 : i32 to vector<16xi32>
      %add3A_464 = arith.addi %add3A_437, %add3A_463 : vector<16xi32>
      %ge3A_465 = arith.cmpi sge, %add3A_456, %broadcast_in_dim3A_14 : vector<16xi32>
      %all_reduce_population_count3A_466 = tpu.all_reduce %ge3A_465 {dim = 0 : i64, kind = #tpu.reduction_kind<sum>} : vector<16xi1> -> vector<16xi32>
      %add3A_467 = arith.addi %add3A_440, %all_reduce_population_count3A_466 : vector<16xi32>
      %sub3A = arith.constant 1 : i32
      %sub3A_468 = vector.broadcast %sub3A : i32 to vector<16xi32>
      %sub3A_469 = arith.subi %add3A_467, %sub3A_468 : vector<16xi32>
      %gather3A = tpu.vector_load_idx %arg12[%sub3A_469] : memref<256xi32, #tpu.memory_space<vmem>>[vector<16xi32>], vector<16xi32>,
      %gather3A_470 = tpu.vector_load_idx %arg13[%sub3A_469] : memref<256xi32, #tpu.memory_space<vmem>>[vector<16xi32>], vector<16xi32>,
      %sub3A_471 = arith.subi %gather3A, %gather3A_470 : vector<16xi32>
      %sub3A_472 = arith.subi %broadcast_in_dim3A_14, %sub3A_471 : vector<16xi32>
      %shift_left3A = arith.constant 24 : i32
      %shift_left3A_473 = vector.broadcast %shift_left3A : i32 to vector<16xi32>
      %shift_left3A_474 = arith.shli %sub3A_469, %shift_left3A_473 : vector<16xi32>
      %or3A = arith.ori %broadcast_in_dim3A_3, %shift_left3A_474 : vector<16xi32>
      %scan3A_475 = arith.constant 0 : i32
      %scan3A_476 = arith.constant -16777216 : i32
      %scan3A_477 = arith.constant 0 : i32
      %scan3A_478 = arith.constant 16 : i32
      %scan3A_479 = arith.addi %scan3A_477, %scan3A_478 : i32
      %scan3A_480 = arith.constant 1 : i32
      scf.for %scan3A_2025 = %scan3A_477 to %scan3A_479 step %scan3A_480  : i32 {
        %mul3A_2026 = arith.constant 4 : i32
        %mul3A_2027 = arith.muli %scan3A_2025, %mul3A_2026 : i32
        %add3A_2028 = arith.constant 0 : i32
        %add3A_2029 = arith.addi %mul3A_2027, %add3A_2028 : i32
        %mul3A_2030 = arith.constant 16 : i32
        %mul3A_2031 = arith.muli %add3A_2029, %mul3A_2030 : i32
        %get3A_2032 = arith.index_cast %mul3A_2031 : i32 to index
        %get3A_2033 = tpu.vector_load %arg9[%get3A_2032] {strides = array<i32>} : memref<1024xi32, #tpu.memory_space<vmem>>, vector<16xi32>,
        %and3A = vector.broadcast %scan3A_476 : i32 to vector<16xi32>
        %and3A_2034 = arith.andi %get3A_2033, %and3A : vector<16xi32>
        %and3A_2035 = vector.broadcast %scan3A_476 : i32 to vector<16xi32>
        %and3A_2036 = arith.andi %or3A, %and3A_2035 : vector<16xi32>
        %eq3A_2037 = arith.cmpi eq, %and3A_2034, %and3A_2036 : vector<16xi32>
        %shift_right_logical3A = arith.constant 16 : i32
        %shift_right_logical3A_2038 = vector.broadcast %shift_right_logical3A : i32 to vector<16xi32>
        %shift_right_logical3A_2039 = arith.shrui %get3A_2033, %shift_right_logical3A_2038 : vector<16xi32>
        %and3A_2040 = arith.constant 255 : i32
        %and3A_2041 = vector.broadcast %and3A_2040 : i32 to vector<16xi32>
        %and3A_2042 = arith.andi %shift_right_logical3A_2039, %and3A_2041 : vector<16xi32>
        tpu.vector_store_idx %arg10[%and3A_2042], %broadcast_in_dim3A_7 masked %eq3A_2037 {add = true} : memref<256xi32, #tpu.memory_space<vmem>>[vector<16xi32>], vector<16xi32>, vector<16xi1>
        %mul3A_2043 = arith.constant 4 : i32
        %mul3A_2044 = arith.muli %scan3A_2025, %mul3A_2043 : i32
        %add3A_2045 = arith.constant 1 : i32
        %add3A_2046 = arith.addi %mul3A_2044, %add3A_2045 : i32
        %mul3A_2047 = arith.constant 16 : i32
        %mul3A_2048 = arith.muli %add3A_2046, %mul3A_2047 : i32
        %get3A_2049 = arith.index_cast %mul3A_2048 : i32 to index
        %get3A_2050 = tpu.vector_load %arg9[%get3A_2049] {strides = array<i32>} : memref<1024xi32, #tpu.memory_space<vmem>>, vector<16xi32>,
        %and3A_2051 = vector.broadcast %scan3A_476 : i32 to vector<16xi32>
        %and3A_2052 = arith.andi %get3A_2050, %and3A_2051 : vector<16xi32>
        %and3A_2053 = vector.broadcast %scan3A_476 : i32 to vector<16xi32>
        %and3A_2054 = arith.andi %or3A, %and3A_2053 : vector<16xi32>
        %eq3A_2055 = arith.cmpi eq, %and3A_2052, %and3A_2054 : vector<16xi32>
        %shift_right_logical3A_2056 = arith.constant 16 : i32
        %shift_right_logical3A_2057 = vector.broadcast %shift_right_logical3A_2056 : i32 to vector<16xi32>
        %shift_right_logical3A_2058 = arith.shrui %get3A_2050, %shift_right_logical3A_2057 : vector<16xi32>
        %and3A_2059 = arith.constant 255 : i32
        %and3A_2060 = vector.broadcast %and3A_2059 : i32 to vector<16xi32>
        %and3A_2061 = arith.andi %shift_right_logical3A_2058, %and3A_2060 : vector<16xi32>
        tpu.vector_store_idx %arg10[%and3A_2061], %broadcast_in_dim3A_7 masked %eq3A_2055 {add = true} : memref<256xi32, #tpu.memory_space<vmem>>[vector<16xi32>], vector<16xi32>, vector<16xi1>
        %mul3A_2062 = arith.constant 4 : i32
        %mul3A_2063 = arith.muli %scan3A_2025, %mul3A_2062 : i32
        %add3A_2064 = arith.constant 2 : i32
        %add3A_2065 = arith.addi %mul3A_2063, %add3A_2064 : i32
        %mul3A_2066 = arith.constant 16 : i32
        %mul3A_2067 = arith.muli %add3A_2065, %mul3A_2066 : i32
        %get3A_2068 = arith.index_cast %mul3A_2067 : i32 to index
        %get3A_2069 = tpu.vector_load %arg9[%get3A_2068] {strides = array<i32>} : memref<1024xi32, #tpu.memory_space<vmem>>, vector<16xi32>,
        %and3A_2070 = vector.broadcast %scan3A_476 : i32 to vector<16xi32>
        %and3A_2071 = arith.andi %get3A_2069, %and3A_2070 : vector<16xi32>
        %and3A_2072 = vector.broadcast %scan3A_476 : i32 to vector<16xi32>
        %and3A_2073 = arith.andi %or3A, %and3A_2072 : vector<16xi32>
        %eq3A_2074 = arith.cmpi eq, %and3A_2071, %and3A_2073 : vector<16xi32>
        %shift_right_logical3A_2075 = arith.constant 16 : i32
        %shift_right_logical3A_2076 = vector.broadcast %shift_right_logical3A_2075 : i32 to vector<16xi32>
        %shift_right_logical3A_2077 = arith.shrui %get3A_2069, %shift_right_logical3A_2076 : vector<16xi32>
        %and3A_2078 = arith.constant 255 : i32
        %and3A_2079 = vector.broadcast %and3A_2078 : i32 to vector<16xi32>
        %and3A_2080 = arith.andi %shift_right_logical3A_2077, %and3A_2079 : vector<16xi32>
        tpu.vector_store_idx %arg10[%and3A_2080], %broadcast_in_dim3A_7 masked %eq3A_2074 {add = true} : memref<256xi32, #tpu.memory_space<vmem>>[vector<16xi32>], vector<16xi32>, vector<16xi1>
        %mul3A_2081 = arith.constant 4 : i32
        %mul3A_2082 = arith.muli %scan3A_2025, %mul3A_2081 : i32
        %add3A_2083 = arith.constant 3 : i32
        %add3A_2084 = arith.addi %mul3A_2082, %add3A_2083 : i32
        %mul3A_2085 = arith.constant 16 : i32
        %mul3A_2086 = arith.muli %add3A_2084, %mul3A_2085 : i32
        %get3A_2087 = arith.index_cast %mul3A_2086 : i32 to index
        %get3A_2088 = tpu.vector_load %arg9[%get3A_2087] {strides = array<i32>} : memref<1024xi32, #tpu.memory_space<vmem>>, vector<16xi32>,
        %and3A_2089 = vector.broadcast %scan3A_476 : i32 to vector<16xi32>
        %and3A_2090 = arith.andi %get3A_2088, %and3A_2089 : vector<16xi32>
        %and3A_2091 = vector.broadcast %scan3A_476 : i32 to vector<16xi32>
        %and3A_2092 = arith.andi %or3A, %and3A_2091 : vector<16xi32>
        %eq3A_2093 = arith.cmpi eq, %and3A_2090, %and3A_2092 : vector<16xi32>
        %shift_right_logical3A_2094 = arith.constant 16 : i32
        %shift_right_logical3A_2095 = vector.broadcast %shift_right_logical3A_2094 : i32 to vector<16xi32>
        %shift_right_logical3A_2096 = arith.shrui %get3A_2088, %shift_right_logical3A_2095 : vector<16xi32>
        %and3A_2097 = arith.constant 255 : i32
        %and3A_2098 = vector.broadcast %and3A_2097 : i32 to vector<16xi32>
        %and3A_2099 = arith.andi %shift_right_logical3A_2096, %and3A_2098 : vector<16xi32>
        tpu.vector_store_idx %arg10[%and3A_2099], %broadcast_in_dim3A_7 masked %eq3A_2093 {add = true} : memref<256xi32, #tpu.memory_space<vmem>>[vector<16xi32>], vector<16xi32>, vector<16xi1>
      }
      %scan3A_481 = arith.constant 16 : i32
      %mul3A_482 = arith.constant 256 : i32
      %mul3A_483 = arith.muli %arg1, %mul3A_482 : i32
      %add3A_484 = arith.constant 4096 : i32
      %add3A_485 = arith.addi %add3A_484, %mul3A_483 : i32
      "tpu.region"() ({
        %run_scoped3A = tpu.sem_alloc : memref<!tpu.dma_semaphore, #tpu.memory_space<semaphore_mem>>
        %dma_start3A = tpu.memref_slice %arg16[%add3A_485] : memref<8192xi32, #tpu.memory_space<vmem_shared>> -> memref<256xi32, #tpu.memory_space<vmem_shared>>
        %dma_start3A_2025 = tpu.memref_slice %arg16[%add3A_485] : memref<8192xi32, #tpu.memory_space<vmem_shared>> -> memref<256xi32, #tpu.memory_space<vmem_shared>>
        tpu.enqueue_dma source(%arg10 : memref<256xi32, #tpu.memory_space<vmem>>) target(%dma_start3A_2025 : memref<256xi32, #tpu.memory_space<vmem_shared>>) target_semaphore(%run_scoped3A : memref<!tpu.dma_semaphore, #tpu.memory_space<semaphore_mem>>)
        %dma_wait3A = tpu.memref_slice %arg16[%add3A_485] : memref<8192xi32, #tpu.memory_space<vmem_shared>> -> memref<256xi32, #tpu.memory_space<vmem_shared>>
        %dma_wait3A_2026 = tpu.memref_slice %arg16[%add3A_485] : memref<8192xi32, #tpu.memory_space<vmem_shared>> -> memref<256xi32, #tpu.memory_space<vmem_shared>>
        tpu.wait_dma2 semaphore(%run_scoped3A : memref<!tpu.dma_semaphore, #tpu.memory_space<semaphore_mem>>) src(%arg10 : memref<256xi32, #tpu.memory_space<vmem>>) dst(%dma_wait3A_2026 : memref<256xi32, #tpu.memory_space<vmem_shared>>)
        tpu.yield
      }) : () -> ()
      %scan3A_486 = arith.constant 0 : i32
      %scan3A_487 = arith.constant 0 : i32
      %scan3A_488 = arith.constant 16 : i32
      %scan3A_489 = arith.addi %scan3A_487, %scan3A_488 : i32
      %scan3A_490 = arith.constant 1 : i32
      scf.for %scan3A_2025 = %scan3A_487 to %scan3A_489 step %scan3A_490  : i32 {
        %mul3A_2026 = arith.constant 16 : i32
        %mul3A_2027 = arith.muli %scan3A_2025, %mul3A_2026 : i32
        %swap3A_2028 = arith.index_cast %mul3A_2027 : i32 to index
        %swap3A_2029 = tpu.vector_load %arg10[%swap3A_2028] {strides = array<i32>} : memref<256xi32, #tpu.memory_space<vmem>>, vector<16xi32>,
        tpu.vector_store %arg10[%swap3A_2028], %broadcast_in_dim3A_3 {strides = array<i32>} : memref<256xi32, #tpu.memory_space<vmem>>, vector<16xi32>,
      }
      %scan3A_491 = arith.constant 16 : i32
      %barrier3A_492 = arith.constant 0 : index
      tpu.barrier barrier_id(%barrier3A_492)
      "tpu.region"() ({
        %run_scoped3A = tpu.sem_alloc : memref<!tpu.dma_semaphore, #tpu.memory_space<semaphore_mem>>
        %dma_start3A = arith.constant 4096 : i32
        %dma_start3A_2025 = tpu.memref_slice %arg16[%dma_start3A] : memref<8192xi32, #tpu.memory_space<vmem_shared>> -> memref<4096xi32, #tpu.memory_space<vmem_shared>>
        %dma_start3A_2026 = arith.constant 4096 : i32
        %dma_start3A_2027 = tpu.memref_slice %arg16[%dma_start3A_2026] : memref<8192xi32, #tpu.memory_space<vmem_shared>> -> memref<4096xi32, #tpu.memory_space<vmem_shared>>
        tpu.enqueue_dma source(%dma_start3A_2027 : memref<4096xi32, #tpu.memory_space<vmem_shared>>) target(%arg11 : memref<4096xi32, #tpu.memory_space<vmem>>) target_semaphore(%run_scoped3A : memref<!tpu.dma_semaphore, #tpu.memory_space<semaphore_mem>>)
        %dma_wait3A = arith.constant 4096 : i32
        %dma_wait3A_2028 = tpu.memref_slice %arg16[%dma_wait3A] : memref<8192xi32, #tpu.memory_space<vmem_shared>> -> memref<4096xi32, #tpu.memory_space<vmem_shared>>
        %dma_wait3A_2029 = arith.constant 4096 : i32
        %dma_wait3A_2030 = tpu.memref_slice %arg16[%dma_wait3A_2029] : memref<8192xi32, #tpu.memory_space<vmem_shared>> -> memref<4096xi32, #tpu.memory_space<vmem_shared>>
        tpu.wait_dma2 semaphore(%run_scoped3A : memref<!tpu.dma_semaphore, #tpu.memory_space<semaphore_mem>>) src(%dma_wait3A_2030 : memref<4096xi32, #tpu.memory_space<vmem_shared>>) dst(%arg11 : memref<4096xi32, #tpu.memory_space<vmem>>)
        tpu.yield
      }) : () -> ()
      %scan3A_493 = arith.constant 0 : i32
      %scan3A_494 = arith.constant 0 : i32
      %scan3A_495 = arith.constant 16 : i32
      %scan3A_496 = arith.addi %scan3A_494, %scan3A_495 : i32
      %scan3A_497 = arith.constant 1 : i32
      scf.for %scan3A_2025 = %scan3A_494 to %scan3A_496 step %scan3A_497  : i32 {
        %mul3A_2026 = arith.constant 16 : i32
        %mul3A_2027 = arith.muli %scan3A_2025, %mul3A_2026 : i32
        %add3A_2028 = arith.constant 0 : i32
        %add3A_2029 = arith.addi %add3A_2028, %mul3A_2027 : i32
        %get3A_2030 = arith.index_cast %add3A_2029 : i32 to index
        %get3A_2031 = tpu.vector_load %arg11[%get3A_2030] {strides = array<i32>} : memref<4096xi32, #tpu.memory_space<vmem>>, vector<16xi32>,
        %add3A_2032 = arith.addi %broadcast_in_dim3A_3, %get3A_2031 : vector<16xi32>
        %mul3A_2033 = arith.constant 16 : i32
        %mul3A_2034 = arith.muli %scan3A_2025, %mul3A_2033 : i32
        %add3A_2035 = arith.constant 256 : i32
        %add3A_2036 = arith.addi %add3A_2035, %mul3A_2034 : i32
        %get3A_2037 = arith.index_cast %add3A_2036 : i32 to index
        %get3A_2038 = tpu.vector_load %arg11[%get3A_2037] {strides = array<i32>} : memref<4096xi32, #tpu.memory_space<vmem>>, vector<16xi32>,
        %add3A_2039 = arith.addi %add3A_2032, %get3A_2038 : vector<16xi32>
        %mul3A_2040 = arith.constant 16 : i32
        %mul3A_2041 = arith.muli %scan3A_2025, %mul3A_2040 : i32
        %add3A_2042 = arith.constant 512 : i32
        %add3A_2043 = arith.addi %add3A_2042, %mul3A_2041 : i32
        %get3A_2044 = arith.index_cast %add3A_2043 : i32 to index
        %get3A_2045 = tpu.vector_load %arg11[%get3A_2044] {strides = array<i32>} : memref<4096xi32, #tpu.memory_space<vmem>>, vector<16xi32>,
        %add3A_2046 = arith.addi %add3A_2039, %get3A_2045 : vector<16xi32>
        %mul3A_2047 = arith.constant 16 : i32
        %mul3A_2048 = arith.muli %scan3A_2025, %mul3A_2047 : i32
        %add3A_2049 = arith.constant 768 : i32
        %add3A_2050 = arith.addi %add3A_2049, %mul3A_2048 : i32
        %get3A_2051 = arith.index_cast %add3A_2050 : i32 to index
        %get3A_2052 = tpu.vector_load %arg11[%get3A_2051] {strides = array<i32>} : memref<4096xi32, #tpu.memory_space<vmem>>, vector<16xi32>,
        %add3A_2053 = arith.addi %add3A_2046, %get3A_2052 : vector<16xi32>
        %mul3A_2054 = arith.constant 16 : i32
        %mul3A_2055 = arith.muli %scan3A_2025, %mul3A_2054 : i32
        %add3A_2056 = arith.constant 1024 : i32
        %add3A_2057 = arith.addi %add3A_2056, %mul3A_2055 : i32
        %get3A_2058 = arith.index_cast %add3A_2057 : i32 to index
        %get3A_2059 = tpu.vector_load %arg11[%get3A_2058] {strides = array<i32>} : memref<4096xi32, #tpu.memory_space<vmem>>, vector<16xi32>,
        %add3A_2060 = arith.addi %add3A_2053, %get3A_2059 : vector<16xi32>
        %mul3A_2061 = arith.constant 16 : i32
        %mul3A_2062 = arith.muli %scan3A_2025, %mul3A_2061 : i32
        %add3A_2063 = arith.constant 1280 : i32
        %add3A_2064 = arith.addi %add3A_2063, %mul3A_2062 : i32
        %get3A_2065 = arith.index_cast %add3A_2064 : i32 to index
        %get3A_2066 = tpu.vector_load %arg11[%get3A_2065] {strides = array<i32>} : memref<4096xi32, #tpu.memory_space<vmem>>, vector<16xi32>,
        %add3A_2067 = arith.addi %add3A_2060, %get3A_2066 : vector<16xi32>
        %mul3A_2068 = arith.constant 16 : i32
        %mul3A_2069 = arith.muli %scan3A_2025, %mul3A_2068 : i32
        %add3A_2070 = arith.constant 1536 : i32
        %add3A_2071 = arith.addi %add3A_2070, %mul3A_2069 : i32
        %get3A_2072 = arith.index_cast %add3A_2071 : i32 to index
        %get3A_2073 = tpu.vector_load %arg11[%get3A_2072] {strides = array<i32>} : memref<4096xi32, #tpu.memory_space<vmem>>, vector<16xi32>,
        %add3A_2074 = arith.addi %add3A_2067, %get3A_2073 : vector<16xi32>
        %mul3A_2075 = arith.constant 16 : i32
        %mul3A_2076 = arith.muli %scan3A_2025, %mul3A_2075 : i32
        %add3A_2077 = arith.constant 1792 : i32
        %add3A_2078 = arith.addi %add3A_2077, %mul3A_2076 : i32
        %get3A_2079 = arith.index_cast %add3A_2078 : i32 to index
        %get3A_2080 = tpu.vector_load %arg11[%get3A_2079] {strides = array<i32>} : memref<4096xi32, #tpu.memory_space<vmem>>, vector<16xi32>,
        %add3A_2081 = arith.addi %add3A_2074, %get3A_2080 : vector<16xi32>
        %mul3A_2082 = arith.constant 16 : i32
        %mul3A_2083 = arith.muli %scan3A_2025, %mul3A_2082 : i32
        %add3A_2084 = arith.constant 2048 : i32
        %add3A_2085 = arith.addi %add3A_2084, %mul3A_2083 : i32
        %get3A_2086 = arith.index_cast %add3A_2085 : i32 to index
        %get3A_2087 = tpu.vector_load %arg11[%get3A_2086] {strides = array<i32>} : memref<4096xi32, #tpu.memory_space<vmem>>, vector<16xi32>,
        %add3A_2088 = arith.addi %add3A_2081, %get3A_2087 : vector<16xi32>
        %mul3A_2089 = arith.constant 16 : i32
        %mul3A_2090 = arith.muli %scan3A_2025, %mul3A_2089 : i32
        %add3A_2091 = arith.constant 2304 : i32
        %add3A_2092 = arith.addi %add3A_2091, %mul3A_2090 : i32
        %get3A_2093 = arith.index_cast %add3A_2092 : i32 to index
        %get3A_2094 = tpu.vector_load %arg11[%get3A_2093] {strides = array<i32>} : memref<4096xi32, #tpu.memory_space<vmem>>, vector<16xi32>,
        %add3A_2095 = arith.addi %add3A_2088, %get3A_2094 : vector<16xi32>
        %mul3A_2096 = arith.constant 16 : i32
        %mul3A_2097 = arith.muli %scan3A_2025, %mul3A_2096 : i32
        %add3A_2098 = arith.constant 2560 : i32
        %add3A_2099 = arith.addi %add3A_2098, %mul3A_2097 : i32
        %get3A_2100 = arith.index_cast %add3A_2099 : i32 to index
        %get3A_2101 = tpu.vector_load %arg11[%get3A_2100] {strides = array<i32>} : memref<4096xi32, #tpu.memory_space<vmem>>, vector<16xi32>,
        %add3A_2102 = arith.addi %add3A_2095, %get3A_2101 : vector<16xi32>
        %mul3A_2103 = arith.constant 16 : i32
        %mul3A_2104 = arith.muli %scan3A_2025, %mul3A_2103 : i32
        %add3A_2105 = arith.constant 2816 : i32
        %add3A_2106 = arith.addi %add3A_2105, %mul3A_2104 : i32
        %get3A_2107 = arith.index_cast %add3A_2106 : i32 to index
        %get3A_2108 = tpu.vector_load %arg11[%get3A_2107] {strides = array<i32>} : memref<4096xi32, #tpu.memory_space<vmem>>, vector<16xi32>,
        %add3A_2109 = arith.addi %add3A_2102, %get3A_2108 : vector<16xi32>
        %mul3A_2110 = arith.constant 16 : i32
        %mul3A_2111 = arith.muli %scan3A_2025, %mul3A_2110 : i32
        %add3A_2112 = arith.constant 3072 : i32
        %add3A_2113 = arith.addi %add3A_2112, %mul3A_2111 : i32
        %get3A_2114 = arith.index_cast %add3A_2113 : i32 to index
        %get3A_2115 = tpu.vector_load %arg11[%get3A_2114] {strides = array<i32>} : memref<4096xi32, #tpu.memory_space<vmem>>, vector<16xi32>,
        %add3A_2116 = arith.addi %add3A_2109, %get3A_2115 : vector<16xi32>
        %mul3A_2117 = arith.constant 16 : i32
        %mul3A_2118 = arith.muli %scan3A_2025, %mul3A_2117 : i32
        %add3A_2119 = arith.constant 3328 : i32
        %add3A_2120 = arith.addi %add3A_2119, %mul3A_2118 : i32
        %get3A_2121 = arith.index_cast %add3A_2120 : i32 to index
        %get3A_2122 = tpu.vector_load %arg11[%get3A_2121] {strides = array<i32>} : memref<4096xi32, #tpu.memory_space<vmem>>, vector<16xi32>,
        %add3A_2123 = arith.addi %add3A_2116, %get3A_2122 : vector<16xi32>
        %mul3A_2124 = arith.constant 16 : i32
        %mul3A_2125 = arith.muli %scan3A_2025, %mul3A_2124 : i32
        %add3A_2126 = arith.constant 3584 : i32
        %add3A_2127 = arith.addi %add3A_2126, %mul3A_2125 : i32
        %get3A_2128 = arith.index_cast %add3A_2127 : i32 to index
        %get3A_2129 = tpu.vector_load %arg11[%get3A_2128] {strides = array<i32>} : memref<4096xi32, #tpu.memory_space<vmem>>, vector<16xi32>,
        %add3A_2130 = arith.addi %add3A_2123, %get3A_2129 : vector<16xi32>
        %mul3A_2131 = arith.constant 16 : i32
        %mul3A_2132 = arith.muli %scan3A_2025, %mul3A_2131 : i32
        %add3A_2133 = arith.constant 3840 : i32
        %add3A_2134 = arith.addi %add3A_2133, %mul3A_2132 : i32
        %get3A_2135 = arith.index_cast %add3A_2134 : i32 to index
        %get3A_2136 = tpu.vector_load %arg11[%get3A_2135] {strides = array<i32>} : memref<4096xi32, #tpu.memory_space<vmem>>, vector<16xi32>,
        %add3A_2137 = arith.addi %add3A_2130, %get3A_2136 : vector<16xi32>
        %mul3A_2138 = arith.constant 16 : i32
        %mul3A_2139 = arith.muli %scan3A_2025, %mul3A_2138 : i32
        %swap3A_2140 = arith.index_cast %mul3A_2139 : i32 to index
        %swap3A_2141 = tpu.vector_load %arg13[%swap3A_2140] {strides = array<i32>} : memref<256xi32, #tpu.memory_space<vmem>>, vector<16xi32>,
        tpu.vector_store %arg13[%swap3A_2140], %add3A_2137 {strides = array<i32>} : memref<256xi32, #tpu.memory_space<vmem>>, vector<16xi32>,
      }
      %scan3A_498 = arith.constant 16 : i32
      %get3A_499 = arith.constant 240 : index
      %get3A_500 = tpu.vector_load %arg13[%get3A_499] {strides = array<i32>} : memref<256xi32, #tpu.memory_space<vmem>>, vector<16xi32>,
      %rev3A_501 = arith.constant 15 : i32
      %rev3A_502 = vector.broadcast %rev3A_501 : i32 to vector<16xi32>
      %rev3A_503 = tpu.iota {dimensions = array<i32: 0>} : vector<16xi32>
      %rev3A_504 = arith.subi %rev3A_502, %rev3A_503 : vector<16xi32>
      %rev3A_505 = tpu.dynamic_gather %get3A_500[%rev3A_504] in [0] : vector<16xi32>, vector<16xi32> -> vector<16xi32>
      %broadcast_in_dim3A_506 = arith.constant true
      %broadcast_in_dim3A_507 = vector.broadcast %broadcast_in_dim3A_506 : i1 to vector<16xi1>
      %masked_cumsum3A_508 = tpu.scan <sum>, %rev3A_505 masked %broadcast_in_dim3A_507 : vector<16xi32>, vector<16xi1> -> vector<16xi32>
      %rev3A_509 = arith.constant 15 : i32
      %rev3A_510 = vector.broadcast %rev3A_509 : i32 to vector<16xi32>
      %rev3A_511 = tpu.iota {dimensions = array<i32: 0>} : vector<16xi32>
      %rev3A_512 = arith.subi %rev3A_510, %rev3A_511 : vector<16xi32>
      %rev3A_513 = tpu.dynamic_gather %masked_cumsum3A_508[%rev3A_512] in [0] : vector<16xi32>, vector<16xi32> -> vector<16xi32>
      %add3A_514 = arith.addi %rev3A_513, %broadcast_in_dim3A_3 : vector<16xi32>
      %swap3A_515 = arith.constant 240 : index
      %swap3A_516 = tpu.vector_load %arg12[%swap3A_515] {strides = array<i32>} : memref<256xi32, #tpu.memory_space<vmem>>, vector<16xi32>,
      tpu.vector_store %arg12[%swap3A_515], %add3A_514 {strides = array<i32>} : memref<256xi32, #tpu.memory_space<vmem>>, vector<16xi32>,
      %reduce_sum3A_517 = arith.constant true
      %reduce_sum3A_518 = vector.broadcast %reduce_sum3A_517 : i1 to vector<16xi1>
      %reduce_sum3A_519 = tpu.scan <sum>, %get3A_500 masked %reduce_sum3A_518 : vector<16xi32>, vector<16xi1> -> vector<16xi32>
      %reduce_sum3A_520 = vector.extract %reduce_sum3A_519[15] : i32 from vector<16xi32>
      %add3A_521 = vector.broadcast %reduce_sum3A_520 : i32 to vector<16xi32>
      %add3A_522 = arith.addi %broadcast_in_dim3A_3, %add3A_521 : vector<16xi32>
      %ge3A_523 = arith.cmpi sge, %add3A_514, %sub3A_472 : vector<16xi32>
      %all_reduce_population_count3A_524 = tpu.all_reduce %ge3A_523 {dim = 0 : i64, kind = #tpu.reduction_kind<sum>} : vector<16xi1> -> vector<16xi32>
      %add3A_525 = arith.addi %broadcast_in_dim3A_3, %all_reduce_population_count3A_524 : vector<16xi32>
      %get3A_526 = arith.constant 224 : index
      %get3A_527 = tpu.vector_load %arg13[%get3A_526] {strides = array<i32>} : memref<256xi32, #tpu.memory_space<vmem>>, vector<16xi32>,
      %rev3A_528 = arith.constant 15 : i32
      %rev3A_529 = vector.broadcast %rev3A_528 : i32 to vector<16xi32>
      %rev3A_530 = tpu.iota {dimensions = array<i32: 0>} : vector<16xi32>
      %rev3A_531 = arith.subi %rev3A_529, %rev3A_530 : vector<16xi32>
      %rev3A_532 = tpu.dynamic_gather %get3A_527[%rev3A_531] in [0] : vector<16xi32>, vector<16xi32> -> vector<16xi32>
      %broadcast_in_dim3A_533 = arith.constant true
      %broadcast_in_dim3A_534 = vector.broadcast %broadcast_in_dim3A_533 : i1 to vector<16xi1>
      %masked_cumsum3A_535 = tpu.scan <sum>, %rev3A_532 masked %broadcast_in_dim3A_534 : vector<16xi32>, vector<16xi1> -> vector<16xi32>
      %rev3A_536 = arith.constant 15 : i32
      %rev3A_537 = vector.broadcast %rev3A_536 : i32 to vector<16xi32>
      %rev3A_538 = tpu.iota {dimensions = array<i32: 0>} : vector<16xi32>
      %rev3A_539 = arith.subi %rev3A_537, %rev3A_538 : vector<16xi32>
      %rev3A_540 = tpu.dynamic_gather %masked_cumsum3A_535[%rev3A_539] in [0] : vector<16xi32>, vector<16xi32> -> vector<16xi32>
      %add3A_541 = arith.addi %rev3A_540, %add3A_522 : vector<16xi32>
      %swap3A_542 = arith.constant 224 : index
      %swap3A_543 = tpu.vector_load %arg12[%swap3A_542] {strides = array<i32>} : memref<256xi32, #tpu.memory_space<vmem>>, vector<16xi32>,
      tpu.vector_store %arg12[%swap3A_542], %add3A_541 {strides = array<i32>} : memref<256xi32, #tpu.memory_space<vmem>>, vector<16xi32>,
      %reduce_sum3A_544 = arith.constant true
      %reduce_sum3A_545 = vector.broadcast %reduce_sum3A_544 : i1 to vector<16xi1>
      %reduce_sum3A_546 = tpu.scan <sum>, %get3A_527 masked %reduce_sum3A_545 : vector<16xi32>, vector<16xi1> -> vector<16xi32>
      %reduce_sum3A_547 = vector.extract %reduce_sum3A_546[15] : i32 from vector<16xi32>
      %add3A_548 = vector.broadcast %reduce_sum3A_547 : i32 to vector<16xi32>
      %add3A_549 = arith.addi %add3A_522, %add3A_548 : vector<16xi32>
      %ge3A_550 = arith.cmpi sge, %add3A_541, %sub3A_472 : vector<16xi32>
      %all_reduce_population_count3A_551 = tpu.all_reduce %ge3A_550 {dim = 0 : i64, kind = #tpu.reduction_kind<sum>} : vector<16xi1> -> vector<16xi32>
      %add3A_552 = arith.addi %add3A_525, %all_reduce_population_count3A_551 : vector<16xi32>
      %get3A_553 = arith.constant 208 : index
      %get3A_554 = tpu.vector_load %arg13[%get3A_553] {strides = array<i32>} : memref<256xi32, #tpu.memory_space<vmem>>, vector<16xi32>,
      %rev3A_555 = arith.constant 15 : i32
      %rev3A_556 = vector.broadcast %rev3A_555 : i32 to vector<16xi32>
      %rev3A_557 = tpu.iota {dimensions = array<i32: 0>} : vector<16xi32>
      %rev3A_558 = arith.subi %rev3A_556, %rev3A_557 : vector<16xi32>
      %rev3A_559 = tpu.dynamic_gather %get3A_554[%rev3A_558] in [0] : vector<16xi32>, vector<16xi32> -> vector<16xi32>
      %broadcast_in_dim3A_560 = arith.constant true
      %broadcast_in_dim3A_561 = vector.broadcast %broadcast_in_dim3A_560 : i1 to vector<16xi1>
      %masked_cumsum3A_562 = tpu.scan <sum>, %rev3A_559 masked %broadcast_in_dim3A_561 : vector<16xi32>, vector<16xi1> -> vector<16xi32>
      %rev3A_563 = arith.constant 15 : i32
      %rev3A_564 = vector.broadcast %rev3A_563 : i32 to vector<16xi32>
      %rev3A_565 = tpu.iota {dimensions = array<i32: 0>} : vector<16xi32>
      %rev3A_566 = arith.subi %rev3A_564, %rev3A_565 : vector<16xi32>
      %rev3A_567 = tpu.dynamic_gather %masked_cumsum3A_562[%rev3A_566] in [0] : vector<16xi32>, vector<16xi32> -> vector<16xi32>
      %add3A_568 = arith.addi %rev3A_567, %add3A_549 : vector<16xi32>
      %swap3A_569 = arith.constant 208 : index
      %swap3A_570 = tpu.vector_load %arg12[%swap3A_569] {strides = array<i32>} : memref<256xi32, #tpu.memory_space<vmem>>, vector<16xi32>,
      tpu.vector_store %arg12[%swap3A_569], %add3A_568 {strides = array<i32>} : memref<256xi32, #tpu.memory_space<vmem>>, vector<16xi32>,
      %reduce_sum3A_571 = arith.constant true
      %reduce_sum3A_572 = vector.broadcast %reduce_sum3A_571 : i1 to vector<16xi1>
      %reduce_sum3A_573 = tpu.scan <sum>, %get3A_554 masked %reduce_sum3A_572 : vector<16xi32>, vector<16xi1> -> vector<16xi32>
      %reduce_sum3A_574 = vector.extract %reduce_sum3A_573[15] : i32 from vector<16xi32>
      %add3A_575 = vector.broadcast %reduce_sum3A_574 : i32 to vector<16xi32>
      %add3A_576 = arith.addi %add3A_549, %add3A_575 : vector<16xi32>
      %ge3A_577 = arith.cmpi sge, %add3A_568, %sub3A_472 : vector<16xi32>
      %all_reduce_population_count3A_578 = tpu.all_reduce %ge3A_577 {dim = 0 : i64, kind = #tpu.reduction_kind<sum>} : vector<16xi1> -> vector<16xi32>
      %add3A_579 = arith.addi %add3A_552, %all_reduce_population_count3A_578 : vector<16xi32>
      %get3A_580 = arith.constant 192 : index
      %get3A_581 = tpu.vector_load %arg13[%get3A_580] {strides = array<i32>} : memref<256xi32, #tpu.memory_space<vmem>>, vector<16xi32>,
      %rev3A_582 = arith.constant 15 : i32
      %rev3A_583 = vector.broadcast %rev3A_582 : i32 to vector<16xi32>
      %rev3A_584 = tpu.iota {dimensions = array<i32: 0>} : vector<16xi32>
      %rev3A_585 = arith.subi %rev3A_583, %rev3A_584 : vector<16xi32>
      %rev3A_586 = tpu.dynamic_gather %get3A_581[%rev3A_585] in [0] : vector<16xi32>, vector<16xi32> -> vector<16xi32>
      %broadcast_in_dim3A_587 = arith.constant true
      %broadcast_in_dim3A_588 = vector.broadcast %broadcast_in_dim3A_587 : i1 to vector<16xi1>
      %masked_cumsum3A_589 = tpu.scan <sum>, %rev3A_586 masked %broadcast_in_dim3A_588 : vector<16xi32>, vector<16xi1> -> vector<16xi32>
      %rev3A_590 = arith.constant 15 : i32
      %rev3A_591 = vector.broadcast %rev3A_590 : i32 to vector<16xi32>
      %rev3A_592 = tpu.iota {dimensions = array<i32: 0>} : vector<16xi32>
      %rev3A_593 = arith.subi %rev3A_591, %rev3A_592 : vector<16xi32>
      %rev3A_594 = tpu.dynamic_gather %masked_cumsum3A_589[%rev3A_593] in [0] : vector<16xi32>, vector<16xi32> -> vector<16xi32>
      %add3A_595 = arith.addi %rev3A_594, %add3A_576 : vector<16xi32>
      %swap3A_596 = arith.constant 192 : index
      %swap3A_597 = tpu.vector_load %arg12[%swap3A_596] {strides = array<i32>} : memref<256xi32, #tpu.memory_space<vmem>>, vector<16xi32>,
      tpu.vector_store %arg12[%swap3A_596], %add3A_595 {strides = array<i32>} : memref<256xi32, #tpu.memory_space<vmem>>, vector<16xi32>,
      %reduce_sum3A_598 = arith.constant true
      %reduce_sum3A_599 = vector.broadcast %reduce_sum3A_598 : i1 to vector<16xi1>
      %reduce_sum3A_600 = tpu.scan <sum>, %get3A_581 masked %reduce_sum3A_599 : vector<16xi32>, vector<16xi1> -> vector<16xi32>
      %reduce_sum3A_601 = vector.extract %reduce_sum3A_600[15] : i32 from vector<16xi32>
      %add3A_602 = vector.broadcast %reduce_sum3A_601 : i32 to vector<16xi32>
      %add3A_603 = arith.addi %add3A_576, %add3A_602 : vector<16xi32>
      %ge3A_604 = arith.cmpi sge, %add3A_595, %sub3A_472 : vector<16xi32>
      %all_reduce_population_count3A_605 = tpu.all_reduce %ge3A_604 {dim = 0 : i64, kind = #tpu.reduction_kind<sum>} : vector<16xi1> -> vector<16xi32>
      %add3A_606 = arith.addi %add3A_579, %all_reduce_population_count3A_605 : vector<16xi32>
      %get3A_607 = arith.constant 176 : index
      %get3A_608 = tpu.vector_load %arg13[%get3A_607] {strides = array<i32>} : memref<256xi32, #tpu.memory_space<vmem>>, vector<16xi32>,
      %rev3A_609 = arith.constant 15 : i32
      %rev3A_610 = vector.broadcast %rev3A_609 : i32 to vector<16xi32>
      %rev3A_611 = tpu.iota {dimensions = array<i32: 0>} : vector<16xi32>
      %rev3A_612 = arith.subi %rev3A_610, %rev3A_611 : vector<16xi32>
      %rev3A_613 = tpu.dynamic_gather %get3A_608[%rev3A_612] in [0] : vector<16xi32>, vector<16xi32> -> vector<16xi32>
      %broadcast_in_dim3A_614 = arith.constant true
      %broadcast_in_dim3A_615 = vector.broadcast %broadcast_in_dim3A_614 : i1 to vector<16xi1>
      %masked_cumsum3A_616 = tpu.scan <sum>, %rev3A_613 masked %broadcast_in_dim3A_615 : vector<16xi32>, vector<16xi1> -> vector<16xi32>
      %rev3A_617 = arith.constant 15 : i32
      %rev3A_618 = vector.broadcast %rev3A_617 : i32 to vector<16xi32>
      %rev3A_619 = tpu.iota {dimensions = array<i32: 0>} : vector<16xi32>
      %rev3A_620 = arith.subi %rev3A_618, %rev3A_619 : vector<16xi32>
      %rev3A_621 = tpu.dynamic_gather %masked_cumsum3A_616[%rev3A_620] in [0] : vector<16xi32>, vector<16xi32> -> vector<16xi32>
      %add3A_622 = arith.addi %rev3A_621, %add3A_603 : vector<16xi32>
      %swap3A_623 = arith.constant 176 : index
      %swap3A_624 = tpu.vector_load %arg12[%swap3A_623] {strides = array<i32>} : memref<256xi32, #tpu.memory_space<vmem>>, vector<16xi32>,
      tpu.vector_store %arg12[%swap3A_623], %add3A_622 {strides = array<i32>} : memref<256xi32, #tpu.memory_space<vmem>>, vector<16xi32>,
      %reduce_sum3A_625 = arith.constant true
      %reduce_sum3A_626 = vector.broadcast %reduce_sum3A_625 : i1 to vector<16xi1>
      %reduce_sum3A_627 = tpu.scan <sum>, %get3A_608 masked %reduce_sum3A_626 : vector<16xi32>, vector<16xi1> -> vector<16xi32>
      %reduce_sum3A_628 = vector.extract %reduce_sum3A_627[15] : i32 from vector<16xi32>
      %add3A_629 = vector.broadcast %reduce_sum3A_628 : i32 to vector<16xi32>
      %add3A_630 = arith.addi %add3A_603, %add3A_629 : vector<16xi32>
      %ge3A_631 = arith.cmpi sge, %add3A_622, %sub3A_472 : vector<16xi32>
      %all_reduce_population_count3A_632 = tpu.all_reduce %ge3A_631 {dim = 0 : i64, kind = #tpu.reduction_kind<sum>} : vector<16xi1> -> vector<16xi32>
      %add3A_633 = arith.addi %add3A_606, %all_reduce_population_count3A_632 : vector<16xi32>
      %get3A_634 = arith.constant 160 : index
      %get3A_635 = tpu.vector_load %arg13[%get3A_634] {strides = array<i32>} : memref<256xi32, #tpu.memory_space<vmem>>, vector<16xi32>,
      %rev3A_636 = arith.constant 15 : i32
      %rev3A_637 = vector.broadcast %rev3A_636 : i32 to vector<16xi32>
      %rev3A_638 = tpu.iota {dimensions = array<i32: 0>} : vector<16xi32>
      %rev3A_639 = arith.subi %rev3A_637, %rev3A_638 : vector<16xi32>
      %rev3A_640 = tpu.dynamic_gather %get3A_635[%rev3A_639] in [0] : vector<16xi32>, vector<16xi32> -> vector<16xi32>
      %broadcast_in_dim3A_641 = arith.constant true
      %broadcast_in_dim3A_642 = vector.broadcast %broadcast_in_dim3A_641 : i1 to vector<16xi1>
      %masked_cumsum3A_643 = tpu.scan <sum>, %rev3A_640 masked %broadcast_in_dim3A_642 : vector<16xi32>, vector<16xi1> -> vector<16xi32>
      %rev3A_644 = arith.constant 15 : i32
      %rev3A_645 = vector.broadcast %rev3A_644 : i32 to vector<16xi32>
      %rev3A_646 = tpu.iota {dimensions = array<i32: 0>} : vector<16xi32>
      %rev3A_647 = arith.subi %rev3A_645, %rev3A_646 : vector<16xi32>
      %rev3A_648 = tpu.dynamic_gather %masked_cumsum3A_643[%rev3A_647] in [0] : vector<16xi32>, vector<16xi32> -> vector<16xi32>
      %add3A_649 = arith.addi %rev3A_648, %add3A_630 : vector<16xi32>
      %swap3A_650 = arith.constant 160 : index
      %swap3A_651 = tpu.vector_load %arg12[%swap3A_650] {strides = array<i32>} : memref<256xi32, #tpu.memory_space<vmem>>, vector<16xi32>,
      tpu.vector_store %arg12[%swap3A_650], %add3A_649 {strides = array<i32>} : memref<256xi32, #tpu.memory_space<vmem>>, vector<16xi32>,
      %reduce_sum3A_652 = arith.constant true
      %reduce_sum3A_653 = vector.broadcast %reduce_sum3A_652 : i1 to vector<16xi1>
      %reduce_sum3A_654 = tpu.scan <sum>, %get3A_635 masked %reduce_sum3A_653 : vector<16xi32>, vector<16xi1> -> vector<16xi32>
      %reduce_sum3A_655 = vector.extract %reduce_sum3A_654[15] : i32 from vector<16xi32>
      %add3A_656 = vector.broadcast %reduce_sum3A_655 : i32 to vector<16xi32>
      %add3A_657 = arith.addi %add3A_630, %add3A_656 : vector<16xi32>
      %ge3A_658 = arith.cmpi sge, %add3A_649, %sub3A_472 : vector<16xi32>
      %all_reduce_population_count3A_659 = tpu.all_reduce %ge3A_658 {dim = 0 : i64, kind = #tpu.reduction_kind<sum>} : vector<16xi1> -> vector<16xi32>
      %add3A_660 = arith.addi %add3A_633, %all_reduce_population_count3A_659 : vector<16xi32>
      %get3A_661 = arith.constant 144 : index
      %get3A_662 = tpu.vector_load %arg13[%get3A_661] {strides = array<i32>} : memref<256xi32, #tpu.memory_space<vmem>>, vector<16xi32>,
      %rev3A_663 = arith.constant 15 : i32
      %rev3A_664 = vector.broadcast %rev3A_663 : i32 to vector<16xi32>
      %rev3A_665 = tpu.iota {dimensions = array<i32: 0>} : vector<16xi32>
      %rev3A_666 = arith.subi %rev3A_664, %rev3A_665 : vector<16xi32>
      %rev3A_667 = tpu.dynamic_gather %get3A_662[%rev3A_666] in [0] : vector<16xi32>, vector<16xi32> -> vector<16xi32>
      %broadcast_in_dim3A_668 = arith.constant true
      %broadcast_in_dim3A_669 = vector.broadcast %broadcast_in_dim3A_668 : i1 to vector<16xi1>
      %masked_cumsum3A_670 = tpu.scan <sum>, %rev3A_667 masked %broadcast_in_dim3A_669 : vector<16xi32>, vector<16xi1> -> vector<16xi32>
      %rev3A_671 = arith.constant 15 : i32
      %rev3A_672 = vector.broadcast %rev3A_671 : i32 to vector<16xi32>
      %rev3A_673 = tpu.iota {dimensions = array<i32: 0>} : vector<16xi32>
      %rev3A_674 = arith.subi %rev3A_672, %rev3A_673 : vector<16xi32>
      %rev3A_675 = tpu.dynamic_gather %masked_cumsum3A_670[%rev3A_674] in [0] : vector<16xi32>, vector<16xi32> -> vector<16xi32>
      %add3A_676 = arith.addi %rev3A_675, %add3A_657 : vector<16xi32>
      %swap3A_677 = arith.constant 144 : index
      %swap3A_678 = tpu.vector_load %arg12[%swap3A_677] {strides = array<i32>} : memref<256xi32, #tpu.memory_space<vmem>>, vector<16xi32>,
      tpu.vector_store %arg12[%swap3A_677], %add3A_676 {strides = array<i32>} : memref<256xi32, #tpu.memory_space<vmem>>, vector<16xi32>,
      %reduce_sum3A_679 = arith.constant true
      %reduce_sum3A_680 = vector.broadcast %reduce_sum3A_679 : i1 to vector<16xi1>
      %reduce_sum3A_681 = tpu.scan <sum>, %get3A_662 masked %reduce_sum3A_680 : vector<16xi32>, vector<16xi1> -> vector<16xi32>
      %reduce_sum3A_682 = vector.extract %reduce_sum3A_681[15] : i32 from vector<16xi32>
      %add3A_683 = vector.broadcast %reduce_sum3A_682 : i32 to vector<16xi32>
      %add3A_684 = arith.addi %add3A_657, %add3A_683 : vector<16xi32>
      %ge3A_685 = arith.cmpi sge, %add3A_676, %sub3A_472 : vector<16xi32>
      %all_reduce_population_count3A_686 = tpu.all_reduce %ge3A_685 {dim = 0 : i64, kind = #tpu.reduction_kind<sum>} : vector<16xi1> -> vector<16xi32>
      %add3A_687 = arith.addi %add3A_660, %all_reduce_population_count3A_686 : vector<16xi32>
      %get3A_688 = arith.constant 128 : index
      %get3A_689 = tpu.vector_load %arg13[%get3A_688] {strides = array<i32>} : memref<256xi32, #tpu.memory_space<vmem>>, vector<16xi32>,
      %rev3A_690 = arith.constant 15 : i32
      %rev3A_691 = vector.broadcast %rev3A_690 : i32 to vector<16xi32>
      %rev3A_692 = tpu.iota {dimensions = array<i32: 0>} : vector<16xi32>
      %rev3A_693 = arith.subi %rev3A_691, %rev3A_692 : vector<16xi32>
      %rev3A_694 = tpu.dynamic_gather %get3A_689[%rev3A_693] in [0] : vector<16xi32>, vector<16xi32> -> vector<16xi32>
      %broadcast_in_dim3A_695 = arith.constant true
      %broadcast_in_dim3A_696 = vector.broadcast %broadcast_in_dim3A_695 : i1 to vector<16xi1>
      %masked_cumsum3A_697 = tpu.scan <sum>, %rev3A_694 masked %broadcast_in_dim3A_696 : vector<16xi32>, vector<16xi1> -> vector<16xi32>
      %rev3A_698 = arith.constant 15 : i32
      %rev3A_699 = vector.broadcast %rev3A_698 : i32 to vector<16xi32>
      %rev3A_700 = tpu.iota {dimensions = array<i32: 0>} : vector<16xi32>
      %rev3A_701 = arith.subi %rev3A_699, %rev3A_700 : vector<16xi32>
      %rev3A_702 = tpu.dynamic_gather %masked_cumsum3A_697[%rev3A_701] in [0] : vector<16xi32>, vector<16xi32> -> vector<16xi32>
      %add3A_703 = arith.addi %rev3A_702, %add3A_684 : vector<16xi32>
      %swap3A_704 = arith.constant 128 : index
      %swap3A_705 = tpu.vector_load %arg12[%swap3A_704] {strides = array<i32>} : memref<256xi32, #tpu.memory_space<vmem>>, vector<16xi32>,
      tpu.vector_store %arg12[%swap3A_704], %add3A_703 {strides = array<i32>} : memref<256xi32, #tpu.memory_space<vmem>>, vector<16xi32>,
      %reduce_sum3A_706 = arith.constant true
      %reduce_sum3A_707 = vector.broadcast %reduce_sum3A_706 : i1 to vector<16xi1>
      %reduce_sum3A_708 = tpu.scan <sum>, %get3A_689 masked %reduce_sum3A_707 : vector<16xi32>, vector<16xi1> -> vector<16xi32>
      %reduce_sum3A_709 = vector.extract %reduce_sum3A_708[15] : i32 from vector<16xi32>
      %add3A_710 = vector.broadcast %reduce_sum3A_709 : i32 to vector<16xi32>
      %add3A_711 = arith.addi %add3A_684, %add3A_710 : vector<16xi32>
      %ge3A_712 = arith.cmpi sge, %add3A_703, %sub3A_472 : vector<16xi32>
      %all_reduce_population_count3A_713 = tpu.all_reduce %ge3A_712 {dim = 0 : i64, kind = #tpu.reduction_kind<sum>} : vector<16xi1> -> vector<16xi32>
      %add3A_714 = arith.addi %add3A_687, %all_reduce_population_count3A_713 : vector<16xi32>
      %get3A_715 = arith.constant 112 : index
      %get3A_716 = tpu.vector_load %arg13[%get3A_715] {strides = array<i32>} : memref<256xi32, #tpu.memory_space<vmem>>, vector<16xi32>,
      %rev3A_717 = arith.constant 15 : i32
      %rev3A_718 = vector.broadcast %rev3A_717 : i32 to vector<16xi32>
      %rev3A_719 = tpu.iota {dimensions = array<i32: 0>} : vector<16xi32>
      %rev3A_720 = arith.subi %rev3A_718, %rev3A_719 : vector<16xi32>
      %rev3A_721 = tpu.dynamic_gather %get3A_716[%rev3A_720] in [0] : vector<16xi32>, vector<16xi32> -> vector<16xi32>
      %broadcast_in_dim3A_722 = arith.constant true
      %broadcast_in_dim3A_723 = vector.broadcast %broadcast_in_dim3A_722 : i1 to vector<16xi1>
      %masked_cumsum3A_724 = tpu.scan <sum>, %rev3A_721 masked %broadcast_in_dim3A_723 : vector<16xi32>, vector<16xi1> -> vector<16xi32>
      %rev3A_725 = arith.constant 15 : i32
      %rev3A_726 = vector.broadcast %rev3A_725 : i32 to vector<16xi32>
      %rev3A_727 = tpu.iota {dimensions = array<i32: 0>} : vector<16xi32>
      %rev3A_728 = arith.subi %rev3A_726, %rev3A_727 : vector<16xi32>
      %rev3A_729 = tpu.dynamic_gather %masked_cumsum3A_724[%rev3A_728] in [0] : vector<16xi32>, vector<16xi32> -> vector<16xi32>
      %add3A_730 = arith.addi %rev3A_729, %add3A_711 : vector<16xi32>
      %swap3A_731 = arith.constant 112 : index
      %swap3A_732 = tpu.vector_load %arg12[%swap3A_731] {strides = array<i32>} : memref<256xi32, #tpu.memory_space<vmem>>, vector<16xi32>,
      tpu.vector_store %arg12[%swap3A_731], %add3A_730 {strides = array<i32>} : memref<256xi32, #tpu.memory_space<vmem>>, vector<16xi32>,
      %reduce_sum3A_733 = arith.constant true
      %reduce_sum3A_734 = vector.broadcast %reduce_sum3A_733 : i1 to vector<16xi1>
      %reduce_sum3A_735 = tpu.scan <sum>, %get3A_716 masked %reduce_sum3A_734 : vector<16xi32>, vector<16xi1> -> vector<16xi32>
      %reduce_sum3A_736 = vector.extract %reduce_sum3A_735[15] : i32 from vector<16xi32>
      %add3A_737 = vector.broadcast %reduce_sum3A_736 : i32 to vector<16xi32>
      %add3A_738 = arith.addi %add3A_711, %add3A_737 : vector<16xi32>
      %ge3A_739 = arith.cmpi sge, %add3A_730, %sub3A_472 : vector<16xi32>
      %all_reduce_population_count3A_740 = tpu.all_reduce %ge3A_739 {dim = 0 : i64, kind = #tpu.reduction_kind<sum>} : vector<16xi1> -> vector<16xi32>
      %add3A_741 = arith.addi %add3A_714, %all_reduce_population_count3A_740 : vector<16xi32>
      %get3A_742 = arith.constant 96 : index
      %get3A_743 = tpu.vector_load %arg13[%get3A_742] {strides = array<i32>} : memref<256xi32, #tpu.memory_space<vmem>>, vector<16xi32>,
      %rev3A_744 = arith.constant 15 : i32
      %rev3A_745 = vector.broadcast %rev3A_744 : i32 to vector<16xi32>
      %rev3A_746 = tpu.iota {dimensions = array<i32: 0>} : vector<16xi32>
      %rev3A_747 = arith.subi %rev3A_745, %rev3A_746 : vector<16xi32>
      %rev3A_748 = tpu.dynamic_gather %get3A_743[%rev3A_747] in [0] : vector<16xi32>, vector<16xi32> -> vector<16xi32>
      %broadcast_in_dim3A_749 = arith.constant true
      %broadcast_in_dim3A_750 = vector.broadcast %broadcast_in_dim3A_749 : i1 to vector<16xi1>
      %masked_cumsum3A_751 = tpu.scan <sum>, %rev3A_748 masked %broadcast_in_dim3A_750 : vector<16xi32>, vector<16xi1> -> vector<16xi32>
      %rev3A_752 = arith.constant 15 : i32
      %rev3A_753 = vector.broadcast %rev3A_752 : i32 to vector<16xi32>
      %rev3A_754 = tpu.iota {dimensions = array<i32: 0>} : vector<16xi32>
      %rev3A_755 = arith.subi %rev3A_753, %rev3A_754 : vector<16xi32>
      %rev3A_756 = tpu.dynamic_gather %masked_cumsum3A_751[%rev3A_755] in [0] : vector<16xi32>, vector<16xi32> -> vector<16xi32>
      %add3A_757 = arith.addi %rev3A_756, %add3A_738 : vector<16xi32>
      %swap3A_758 = arith.constant 96 : index
      %swap3A_759 = tpu.vector_load %arg12[%swap3A_758] {strides = array<i32>} : memref<256xi32, #tpu.memory_space<vmem>>, vector<16xi32>,
      tpu.vector_store %arg12[%swap3A_758], %add3A_757 {strides = array<i32>} : memref<256xi32, #tpu.memory_space<vmem>>, vector<16xi32>,
      %reduce_sum3A_760 = arith.constant true
      %reduce_sum3A_761 = vector.broadcast %reduce_sum3A_760 : i1 to vector<16xi1>
      %reduce_sum3A_762 = tpu.scan <sum>, %get3A_743 masked %reduce_sum3A_761 : vector<16xi32>, vector<16xi1> -> vector<16xi32>
      %reduce_sum3A_763 = vector.extract %reduce_sum3A_762[15] : i32 from vector<16xi32>
      %add3A_764 = vector.broadcast %reduce_sum3A_763 : i32 to vector<16xi32>
      %add3A_765 = arith.addi %add3A_738, %add3A_764 : vector<16xi32>
      %ge3A_766 = arith.cmpi sge, %add3A_757, %sub3A_472 : vector<16xi32>
      %all_reduce_population_count3A_767 = tpu.all_reduce %ge3A_766 {dim = 0 : i64, kind = #tpu.reduction_kind<sum>} : vector<16xi1> -> vector<16xi32>
      %add3A_768 = arith.addi %add3A_741, %all_reduce_population_count3A_767 : vector<16xi32>
      %get3A_769 = arith.constant 80 : index
      %get3A_770 = tpu.vector_load %arg13[%get3A_769] {strides = array<i32>} : memref<256xi32, #tpu.memory_space<vmem>>, vector<16xi32>,
      %rev3A_771 = arith.constant 15 : i32
      %rev3A_772 = vector.broadcast %rev3A_771 : i32 to vector<16xi32>
      %rev3A_773 = tpu.iota {dimensions = array<i32: 0>} : vector<16xi32>
      %rev3A_774 = arith.subi %rev3A_772, %rev3A_773 : vector<16xi32>
      %rev3A_775 = tpu.dynamic_gather %get3A_770[%rev3A_774] in [0] : vector<16xi32>, vector<16xi32> -> vector<16xi32>
      %broadcast_in_dim3A_776 = arith.constant true
      %broadcast_in_dim3A_777 = vector.broadcast %broadcast_in_dim3A_776 : i1 to vector<16xi1>
      %masked_cumsum3A_778 = tpu.scan <sum>, %rev3A_775 masked %broadcast_in_dim3A_777 : vector<16xi32>, vector<16xi1> -> vector<16xi32>
      %rev3A_779 = arith.constant 15 : i32
      %rev3A_780 = vector.broadcast %rev3A_779 : i32 to vector<16xi32>
      %rev3A_781 = tpu.iota {dimensions = array<i32: 0>} : vector<16xi32>
      %rev3A_782 = arith.subi %rev3A_780, %rev3A_781 : vector<16xi32>
      %rev3A_783 = tpu.dynamic_gather %masked_cumsum3A_778[%rev3A_782] in [0] : vector<16xi32>, vector<16xi32> -> vector<16xi32>
      %add3A_784 = arith.addi %rev3A_783, %add3A_765 : vector<16xi32>
      %swap3A_785 = arith.constant 80 : index
      %swap3A_786 = tpu.vector_load %arg12[%swap3A_785] {strides = array<i32>} : memref<256xi32, #tpu.memory_space<vmem>>, vector<16xi32>,
      tpu.vector_store %arg12[%swap3A_785], %add3A_784 {strides = array<i32>} : memref<256xi32, #tpu.memory_space<vmem>>, vector<16xi32>,
      %reduce_sum3A_787 = arith.constant true
      %reduce_sum3A_788 = vector.broadcast %reduce_sum3A_787 : i1 to vector<16xi1>
      %reduce_sum3A_789 = tpu.scan <sum>, %get3A_770 masked %reduce_sum3A_788 : vector<16xi32>, vector<16xi1> -> vector<16xi32>
      %reduce_sum3A_790 = vector.extract %reduce_sum3A_789[15] : i32 from vector<16xi32>
      %add3A_791 = vector.broadcast %reduce_sum3A_790 : i32 to vector<16xi32>
      %add3A_792 = arith.addi %add3A_765, %add3A_791 : vector<16xi32>
      %ge3A_793 = arith.cmpi sge, %add3A_784, %sub3A_472 : vector<16xi32>
      %all_reduce_population_count3A_794 = tpu.all_reduce %ge3A_793 {dim = 0 : i64, kind = #tpu.reduction_kind<sum>} : vector<16xi1> -> vector<16xi32>
      %add3A_795 = arith.addi %add3A_768, %all_reduce_population_count3A_794 : vector<16xi32>
      %get3A_796 = arith.constant 64 : index
      %get3A_797 = tpu.vector_load %arg13[%get3A_796] {strides = array<i32>} : memref<256xi32, #tpu.memory_space<vmem>>, vector<16xi32>,
      %rev3A_798 = arith.constant 15 : i32
      %rev3A_799 = vector.broadcast %rev3A_798 : i32 to vector<16xi32>
      %rev3A_800 = tpu.iota {dimensions = array<i32: 0>} : vector<16xi32>
      %rev3A_801 = arith.subi %rev3A_799, %rev3A_800 : vector<16xi32>
      %rev3A_802 = tpu.dynamic_gather %get3A_797[%rev3A_801] in [0] : vector<16xi32>, vector<16xi32> -> vector<16xi32>
      %broadcast_in_dim3A_803 = arith.constant true
      %broadcast_in_dim3A_804 = vector.broadcast %broadcast_in_dim3A_803 : i1 to vector<16xi1>
      %masked_cumsum3A_805 = tpu.scan <sum>, %rev3A_802 masked %broadcast_in_dim3A_804 : vector<16xi32>, vector<16xi1> -> vector<16xi32>
      %rev3A_806 = arith.constant 15 : i32
      %rev3A_807 = vector.broadcast %rev3A_806 : i32 to vector<16xi32>
      %rev3A_808 = tpu.iota {dimensions = array<i32: 0>} : vector<16xi32>
      %rev3A_809 = arith.subi %rev3A_807, %rev3A_808 : vector<16xi32>
      %rev3A_810 = tpu.dynamic_gather %masked_cumsum3A_805[%rev3A_809] in [0] : vector<16xi32>, vector<16xi32> -> vector<16xi32>
      %add3A_811 = arith.addi %rev3A_810, %add3A_792 : vector<16xi32>
      %swap3A_812 = arith.constant 64 : index
      %swap3A_813 = tpu.vector_load %arg12[%swap3A_812] {strides = array<i32>} : memref<256xi32, #tpu.memory_space<vmem>>, vector<16xi32>,
      tpu.vector_store %arg12[%swap3A_812], %add3A_811 {strides = array<i32>} : memref<256xi32, #tpu.memory_space<vmem>>, vector<16xi32>,
      %reduce_sum3A_814 = arith.constant true
      %reduce_sum3A_815 = vector.broadcast %reduce_sum3A_814 : i1 to vector<16xi1>
      %reduce_sum3A_816 = tpu.scan <sum>, %get3A_797 masked %reduce_sum3A_815 : vector<16xi32>, vector<16xi1> -> vector<16xi32>
      %reduce_sum3A_817 = vector.extract %reduce_sum3A_816[15] : i32 from vector<16xi32>
      %add3A_818 = vector.broadcast %reduce_sum3A_817 : i32 to vector<16xi32>
      %add3A_819 = arith.addi %add3A_792, %add3A_818 : vector<16xi32>
      %ge3A_820 = arith.cmpi sge, %add3A_811, %sub3A_472 : vector<16xi32>
      %all_reduce_population_count3A_821 = tpu.all_reduce %ge3A_820 {dim = 0 : i64, kind = #tpu.reduction_kind<sum>} : vector<16xi1> -> vector<16xi32>
      %add3A_822 = arith.addi %add3A_795, %all_reduce_population_count3A_821 : vector<16xi32>
      %get3A_823 = arith.constant 48 : index
      %get3A_824 = tpu.vector_load %arg13[%get3A_823] {strides = array<i32>} : memref<256xi32, #tpu.memory_space<vmem>>, vector<16xi32>,
      %rev3A_825 = arith.constant 15 : i32
      %rev3A_826 = vector.broadcast %rev3A_825 : i32 to vector<16xi32>
      %rev3A_827 = tpu.iota {dimensions = array<i32: 0>} : vector<16xi32>
      %rev3A_828 = arith.subi %rev3A_826, %rev3A_827 : vector<16xi32>
      %rev3A_829 = tpu.dynamic_gather %get3A_824[%rev3A_828] in [0] : vector<16xi32>, vector<16xi32> -> vector<16xi32>
      %broadcast_in_dim3A_830 = arith.constant true
      %broadcast_in_dim3A_831 = vector.broadcast %broadcast_in_dim3A_830 : i1 to vector<16xi1>
      %masked_cumsum3A_832 = tpu.scan <sum>, %rev3A_829 masked %broadcast_in_dim3A_831 : vector<16xi32>, vector<16xi1> -> vector<16xi32>
      %rev3A_833 = arith.constant 15 : i32
      %rev3A_834 = vector.broadcast %rev3A_833 : i32 to vector<16xi32>
      %rev3A_835 = tpu.iota {dimensions = array<i32: 0>} : vector<16xi32>
      %rev3A_836 = arith.subi %rev3A_834, %rev3A_835 : vector<16xi32>
      %rev3A_837 = tpu.dynamic_gather %masked_cumsum3A_832[%rev3A_836] in [0] : vector<16xi32>, vector<16xi32> -> vector<16xi32>
      %add3A_838 = arith.addi %rev3A_837, %add3A_819 : vector<16xi32>
      %swap3A_839 = arith.constant 48 : index
      %swap3A_840 = tpu.vector_load %arg12[%swap3A_839] {strides = array<i32>} : memref<256xi32, #tpu.memory_space<vmem>>, vector<16xi32>,
      tpu.vector_store %arg12[%swap3A_839], %add3A_838 {strides = array<i32>} : memref<256xi32, #tpu.memory_space<vmem>>, vector<16xi32>,
      %reduce_sum3A_841 = arith.constant true
      %reduce_sum3A_842 = vector.broadcast %reduce_sum3A_841 : i1 to vector<16xi1>
      %reduce_sum3A_843 = tpu.scan <sum>, %get3A_824 masked %reduce_sum3A_842 : vector<16xi32>, vector<16xi1> -> vector<16xi32>
      %reduce_sum3A_844 = vector.extract %reduce_sum3A_843[15] : i32 from vector<16xi32>
      %add3A_845 = vector.broadcast %reduce_sum3A_844 : i32 to vector<16xi32>
      %add3A_846 = arith.addi %add3A_819, %add3A_845 : vector<16xi32>
      %ge3A_847 = arith.cmpi sge, %add3A_838, %sub3A_472 : vector<16xi32>
      %all_reduce_population_count3A_848 = tpu.all_reduce %ge3A_847 {dim = 0 : i64, kind = #tpu.reduction_kind<sum>} : vector<16xi1> -> vector<16xi32>
      %add3A_849 = arith.addi %add3A_822, %all_reduce_population_count3A_848 : vector<16xi32>
      %get3A_850 = arith.constant 32 : index
      %get3A_851 = tpu.vector_load %arg13[%get3A_850] {strides = array<i32>} : memref<256xi32, #tpu.memory_space<vmem>>, vector<16xi32>,
      %rev3A_852 = arith.constant 15 : i32
      %rev3A_853 = vector.broadcast %rev3A_852 : i32 to vector<16xi32>
      %rev3A_854 = tpu.iota {dimensions = array<i32: 0>} : vector<16xi32>
      %rev3A_855 = arith.subi %rev3A_853, %rev3A_854 : vector<16xi32>
      %rev3A_856 = tpu.dynamic_gather %get3A_851[%rev3A_855] in [0] : vector<16xi32>, vector<16xi32> -> vector<16xi32>
      %broadcast_in_dim3A_857 = arith.constant true
      %broadcast_in_dim3A_858 = vector.broadcast %broadcast_in_dim3A_857 : i1 to vector<16xi1>
      %masked_cumsum3A_859 = tpu.scan <sum>, %rev3A_856 masked %broadcast_in_dim3A_858 : vector<16xi32>, vector<16xi1> -> vector<16xi32>
      %rev3A_860 = arith.constant 15 : i32
      %rev3A_861 = vector.broadcast %rev3A_860 : i32 to vector<16xi32>
      %rev3A_862 = tpu.iota {dimensions = array<i32: 0>} : vector<16xi32>
      %rev3A_863 = arith.subi %rev3A_861, %rev3A_862 : vector<16xi32>
      %rev3A_864 = tpu.dynamic_gather %masked_cumsum3A_859[%rev3A_863] in [0] : vector<16xi32>, vector<16xi32> -> vector<16xi32>
      %add3A_865 = arith.addi %rev3A_864, %add3A_846 : vector<16xi32>
      %swap3A_866 = arith.constant 32 : index
      %swap3A_867 = tpu.vector_load %arg12[%swap3A_866] {strides = array<i32>} : memref<256xi32, #tpu.memory_space<vmem>>, vector<16xi32>,
      tpu.vector_store %arg12[%swap3A_866], %add3A_865 {strides = array<i32>} : memref<256xi32, #tpu.memory_space<vmem>>, vector<16xi32>,
      %reduce_sum3A_868 = arith.constant true
      %reduce_sum3A_869 = vector.broadcast %reduce_sum3A_868 : i1 to vector<16xi1>
      %reduce_sum3A_870 = tpu.scan <sum>, %get3A_851 masked %reduce_sum3A_869 : vector<16xi32>, vector<16xi1> -> vector<16xi32>
      %reduce_sum3A_871 = vector.extract %reduce_sum3A_870[15] : i32 from vector<16xi32>
      %add3A_872 = vector.broadcast %reduce_sum3A_871 : i32 to vector<16xi32>
      %add3A_873 = arith.addi %add3A_846, %add3A_872 : vector<16xi32>
      %ge3A_874 = arith.cmpi sge, %add3A_865, %sub3A_472 : vector<16xi32>
      %all_reduce_population_count3A_875 = tpu.all_reduce %ge3A_874 {dim = 0 : i64, kind = #tpu.reduction_kind<sum>} : vector<16xi1> -> vector<16xi32>
      %add3A_876 = arith.addi %add3A_849, %all_reduce_population_count3A_875 : vector<16xi32>
      %get3A_877 = arith.constant 16 : index
      %get3A_878 = tpu.vector_load %arg13[%get3A_877] {strides = array<i32>} : memref<256xi32, #tpu.memory_space<vmem>>, vector<16xi32>,
      %rev3A_879 = arith.constant 15 : i32
      %rev3A_880 = vector.broadcast %rev3A_879 : i32 to vector<16xi32>
      %rev3A_881 = tpu.iota {dimensions = array<i32: 0>} : vector<16xi32>
      %rev3A_882 = arith.subi %rev3A_880, %rev3A_881 : vector<16xi32>
      %rev3A_883 = tpu.dynamic_gather %get3A_878[%rev3A_882] in [0] : vector<16xi32>, vector<16xi32> -> vector<16xi32>
      %broadcast_in_dim3A_884 = arith.constant true
      %broadcast_in_dim3A_885 = vector.broadcast %broadcast_in_dim3A_884 : i1 to vector<16xi1>
      %masked_cumsum3A_886 = tpu.scan <sum>, %rev3A_883 masked %broadcast_in_dim3A_885 : vector<16xi32>, vector<16xi1> -> vector<16xi32>
      %rev3A_887 = arith.constant 15 : i32
      %rev3A_888 = vector.broadcast %rev3A_887 : i32 to vector<16xi32>
      %rev3A_889 = tpu.iota {dimensions = array<i32: 0>} : vector<16xi32>
      %rev3A_890 = arith.subi %rev3A_888, %rev3A_889 : vector<16xi32>
      %rev3A_891 = tpu.dynamic_gather %masked_cumsum3A_886[%rev3A_890] in [0] : vector<16xi32>, vector<16xi32> -> vector<16xi32>
      %add3A_892 = arith.addi %rev3A_891, %add3A_873 : vector<16xi32>
      %swap3A_893 = arith.constant 16 : index
      %swap3A_894 = tpu.vector_load %arg12[%swap3A_893] {strides = array<i32>} : memref<256xi32, #tpu.memory_space<vmem>>, vector<16xi32>,
      tpu.vector_store %arg12[%swap3A_893], %add3A_892 {strides = array<i32>} : memref<256xi32, #tpu.memory_space<vmem>>, vector<16xi32>,
      %reduce_sum3A_895 = arith.constant true
      %reduce_sum3A_896 = vector.broadcast %reduce_sum3A_895 : i1 to vector<16xi1>
      %reduce_sum3A_897 = tpu.scan <sum>, %get3A_878 masked %reduce_sum3A_896 : vector<16xi32>, vector<16xi1> -> vector<16xi32>
      %reduce_sum3A_898 = vector.extract %reduce_sum3A_897[15] : i32 from vector<16xi32>
      %add3A_899 = vector.broadcast %reduce_sum3A_898 : i32 to vector<16xi32>
      %add3A_900 = arith.addi %add3A_873, %add3A_899 : vector<16xi32>
      %ge3A_901 = arith.cmpi sge, %add3A_892, %sub3A_472 : vector<16xi32>
      %all_reduce_population_count3A_902 = tpu.all_reduce %ge3A_901 {dim = 0 : i64, kind = #tpu.reduction_kind<sum>} : vector<16xi1> -> vector<16xi32>
      %add3A_903 = arith.addi %add3A_876, %all_reduce_population_count3A_902 : vector<16xi32>
      %get3A_904 = arith.constant 0 : index
      %get3A_905 = tpu.vector_load %arg13[%get3A_904] {strides = array<i32>} : memref<256xi32, #tpu.memory_space<vmem>>, vector<16xi32>,
      %rev3A_906 = arith.constant 15 : i32
      %rev3A_907 = vector.broadcast %rev3A_906 : i32 to vector<16xi32>
      %rev3A_908 = tpu.iota {dimensions = array<i32: 0>} : vector<16xi32>
      %rev3A_909 = arith.subi %rev3A_907, %rev3A_908 : vector<16xi32>
      %rev3A_910 = tpu.dynamic_gather %get3A_905[%rev3A_909] in [0] : vector<16xi32>, vector<16xi32> -> vector<16xi32>
      %broadcast_in_dim3A_911 = arith.constant true
      %broadcast_in_dim3A_912 = vector.broadcast %broadcast_in_dim3A_911 : i1 to vector<16xi1>
      %masked_cumsum3A_913 = tpu.scan <sum>, %rev3A_910 masked %broadcast_in_dim3A_912 : vector<16xi32>, vector<16xi1> -> vector<16xi32>
      %rev3A_914 = arith.constant 15 : i32
      %rev3A_915 = vector.broadcast %rev3A_914 : i32 to vector<16xi32>
      %rev3A_916 = tpu.iota {dimensions = array<i32: 0>} : vector<16xi32>
      %rev3A_917 = arith.subi %rev3A_915, %rev3A_916 : vector<16xi32>
      %rev3A_918 = tpu.dynamic_gather %masked_cumsum3A_913[%rev3A_917] in [0] : vector<16xi32>, vector<16xi32> -> vector<16xi32>
      %add3A_919 = arith.addi %rev3A_918, %add3A_900 : vector<16xi32>
      %swap3A_920 = arith.constant 0 : index
      %swap3A_921 = tpu.vector_load %arg12[%swap3A_920] {strides = array<i32>} : memref<256xi32, #tpu.memory_space<vmem>>, vector<16xi32>,
      tpu.vector_store %arg12[%swap3A_920], %add3A_919 {strides = array<i32>} : memref<256xi32, #tpu.memory_space<vmem>>, vector<16xi32>,
      %reduce_sum3A_922 = arith.constant true
      %reduce_sum3A_923 = vector.broadcast %reduce_sum3A_922 : i1 to vector<16xi1>
      %reduce_sum3A_924 = tpu.scan <sum>, %get3A_905 masked %reduce_sum3A_923 : vector<16xi32>, vector<16xi1> -> vector<16xi32>
      %reduce_sum3A_925 = vector.extract %reduce_sum3A_924[15] : i32 from vector<16xi32>
      %add3A_926 = vector.broadcast %reduce_sum3A_925 : i32 to vector<16xi32>
      %add3A_927 = arith.addi %add3A_900, %add3A_926 : vector<16xi32>
      %ge3A_928 = arith.cmpi sge, %add3A_919, %sub3A_472 : vector<16xi32>
      %all_reduce_population_count3A_929 = tpu.all_reduce %ge3A_928 {dim = 0 : i64, kind = #tpu.reduction_kind<sum>} : vector<16xi1> -> vector<16xi32>
      %add3A_930 = arith.addi %add3A_903, %all_reduce_population_count3A_929 : vector<16xi32>
      %sub3A_931 = arith.constant 1 : i32
      %sub3A_932 = vector.broadcast %sub3A_931 : i32 to vector<16xi32>
      %sub3A_933 = arith.subi %add3A_930, %sub3A_932 : vector<16xi32>
      %gather3A_934 = tpu.vector_load_idx %arg12[%sub3A_933] : memref<256xi32, #tpu.memory_space<vmem>>[vector<16xi32>], vector<16xi32>,
      %gather3A_935 = tpu.vector_load_idx %arg13[%sub3A_933] : memref<256xi32, #tpu.memory_space<vmem>>[vector<16xi32>], vector<16xi32>,
      %sub3A_936 = arith.subi %gather3A_934, %gather3A_935 : vector<16xi32>
      %sub3A_937 = arith.subi %sub3A_472, %sub3A_936 : vector<16xi32>
      %shift_left3A_938 = arith.constant 16 : i32
      %shift_left3A_939 = vector.broadcast %shift_left3A_938 : i32 to vector<16xi32>
      %shift_left3A_940 = arith.shli %sub3A_933, %shift_left3A_939 : vector<16xi32>
      %or3A_941 = arith.ori %or3A, %shift_left3A_940 : vector<16xi32>
      %scan3A_942 = arith.constant 0 : i32
      %scan3A_943 = arith.constant -65536 : i32
      %scan3A_944 = arith.constant 0 : i32
      %scan3A_945 = arith.constant 16 : i32
      %scan3A_946 = arith.addi %scan3A_944, %scan3A_945 : i32
      %scan3A_947 = arith.constant 1 : i32
      scf.for %scan3A_2025 = %scan3A_944 to %scan3A_946 step %scan3A_947  : i32 {
        %mul3A_2026 = arith.constant 4 : i32
        %mul3A_2027 = arith.muli %scan3A_2025, %mul3A_2026 : i32
        %add3A_2028 = arith.constant 0 : i32
        %add3A_2029 = arith.addi %mul3A_2027, %add3A_2028 : i32
        %mul3A_2030 = arith.constant 16 : i32
        %mul3A_2031 = arith.muli %add3A_2029, %mul3A_2030 : i32
        %get3A_2032 = arith.index_cast %mul3A_2031 : i32 to index
        %get3A_2033 = tpu.vector_load %arg9[%get3A_2032] {strides = array<i32>} : memref<1024xi32, #tpu.memory_space<vmem>>, vector<16xi32>,
        %and3A = vector.broadcast %scan3A_943 : i32 to vector<16xi32>
        %and3A_2034 = arith.andi %get3A_2033, %and3A : vector<16xi32>
        %and3A_2035 = vector.broadcast %scan3A_943 : i32 to vector<16xi32>
        %and3A_2036 = arith.andi %or3A_941, %and3A_2035 : vector<16xi32>
        %eq3A_2037 = arith.cmpi eq, %and3A_2034, %and3A_2036 : vector<16xi32>
        %shift_right_logical3A = arith.constant 8 : i32
        %shift_right_logical3A_2038 = vector.broadcast %shift_right_logical3A : i32 to vector<16xi32>
        %shift_right_logical3A_2039 = arith.shrui %get3A_2033, %shift_right_logical3A_2038 : vector<16xi32>
        %and3A_2040 = arith.constant 255 : i32
        %and3A_2041 = vector.broadcast %and3A_2040 : i32 to vector<16xi32>
        %and3A_2042 = arith.andi %shift_right_logical3A_2039, %and3A_2041 : vector<16xi32>
        tpu.vector_store_idx %arg10[%and3A_2042], %broadcast_in_dim3A_7 masked %eq3A_2037 {add = true} : memref<256xi32, #tpu.memory_space<vmem>>[vector<16xi32>], vector<16xi32>, vector<16xi1>
        %mul3A_2043 = arith.constant 4 : i32
        %mul3A_2044 = arith.muli %scan3A_2025, %mul3A_2043 : i32
        %add3A_2045 = arith.constant 1 : i32
        %add3A_2046 = arith.addi %mul3A_2044, %add3A_2045 : i32
        %mul3A_2047 = arith.constant 16 : i32
        %mul3A_2048 = arith.muli %add3A_2046, %mul3A_2047 : i32
        %get3A_2049 = arith.index_cast %mul3A_2048 : i32 to index
        %get3A_2050 = tpu.vector_load %arg9[%get3A_2049] {strides = array<i32>} : memref<1024xi32, #tpu.memory_space<vmem>>, vector<16xi32>,
        %and3A_2051 = vector.broadcast %scan3A_943 : i32 to vector<16xi32>
        %and3A_2052 = arith.andi %get3A_2050, %and3A_2051 : vector<16xi32>
        %and3A_2053 = vector.broadcast %scan3A_943 : i32 to vector<16xi32>
        %and3A_2054 = arith.andi %or3A_941, %and3A_2053 : vector<16xi32>
        %eq3A_2055 = arith.cmpi eq, %and3A_2052, %and3A_2054 : vector<16xi32>
        %shift_right_logical3A_2056 = arith.constant 8 : i32
        %shift_right_logical3A_2057 = vector.broadcast %shift_right_logical3A_2056 : i32 to vector<16xi32>
        %shift_right_logical3A_2058 = arith.shrui %get3A_2050, %shift_right_logical3A_2057 : vector<16xi32>
        %and3A_2059 = arith.constant 255 : i32
        %and3A_2060 = vector.broadcast %and3A_2059 : i32 to vector<16xi32>
        %and3A_2061 = arith.andi %shift_right_logical3A_2058, %and3A_2060 : vector<16xi32>
        tpu.vector_store_idx %arg10[%and3A_2061], %broadcast_in_dim3A_7 masked %eq3A_2055 {add = true} : memref<256xi32, #tpu.memory_space<vmem>>[vector<16xi32>], vector<16xi32>, vector<16xi1>
        %mul3A_2062 = arith.constant 4 : i32
        %mul3A_2063 = arith.muli %scan3A_2025, %mul3A_2062 : i32
        %add3A_2064 = arith.constant 2 : i32
        %add3A_2065 = arith.addi %mul3A_2063, %add3A_2064 : i32
        %mul3A_2066 = arith.constant 16 : i32
        %mul3A_2067 = arith.muli %add3A_2065, %mul3A_2066 : i32
        %get3A_2068 = arith.index_cast %mul3A_2067 : i32 to index
        %get3A_2069 = tpu.vector_load %arg9[%get3A_2068] {strides = array<i32>} : memref<1024xi32, #tpu.memory_space<vmem>>, vector<16xi32>,
        %and3A_2070 = vector.broadcast %scan3A_943 : i32 to vector<16xi32>
        %and3A_2071 = arith.andi %get3A_2069, %and3A_2070 : vector<16xi32>
        %and3A_2072 = vector.broadcast %scan3A_943 : i32 to vector<16xi32>
        %and3A_2073 = arith.andi %or3A_941, %and3A_2072 : vector<16xi32>
        %eq3A_2074 = arith.cmpi eq, %and3A_2071, %and3A_2073 : vector<16xi32>
        %shift_right_logical3A_2075 = arith.constant 8 : i32
        %shift_right_logical3A_2076 = vector.broadcast %shift_right_logical3A_2075 : i32 to vector<16xi32>
        %shift_right_logical3A_2077 = arith.shrui %get3A_2069, %shift_right_logical3A_2076 : vector<16xi32>
        %and3A_2078 = arith.constant 255 : i32
        %and3A_2079 = vector.broadcast %and3A_2078 : i32 to vector<16xi32>
        %and3A_2080 = arith.andi %shift_right_logical3A_2077, %and3A_2079 : vector<16xi32>
        tpu.vector_store_idx %arg10[%and3A_2080], %broadcast_in_dim3A_7 masked %eq3A_2074 {add = true} : memref<256xi32, #tpu.memory_space<vmem>>[vector<16xi32>], vector<16xi32>, vector<16xi1>
        %mul3A_2081 = arith.constant 4 : i32
        %mul3A_2082 = arith.muli %scan3A_2025, %mul3A_2081 : i32
        %add3A_2083 = arith.constant 3 : i32
        %add3A_2084 = arith.addi %mul3A_2082, %add3A_2083 : i32
        %mul3A_2085 = arith.constant 16 : i32
        %mul3A_2086 = arith.muli %add3A_2084, %mul3A_2085 : i32
        %get3A_2087 = arith.index_cast %mul3A_2086 : i32 to index
        %get3A_2088 = tpu.vector_load %arg9[%get3A_2087] {strides = array<i32>} : memref<1024xi32, #tpu.memory_space<vmem>>, vector<16xi32>,
        %and3A_2089 = vector.broadcast %scan3A_943 : i32 to vector<16xi32>
        %and3A_2090 = arith.andi %get3A_2088, %and3A_2089 : vector<16xi32>
        %and3A_2091 = vector.broadcast %scan3A_943 : i32 to vector<16xi32>
        %and3A_2092 = arith.andi %or3A_941, %and3A_2091 : vector<16xi32>
        %eq3A_2093 = arith.cmpi eq, %and3A_2090, %and3A_2092 : vector<16xi32>
        %shift_right_logical3A_2094 = arith.constant 8 : i32
        %shift_right_logical3A_2095 = vector.broadcast %shift_right_logical3A_2094 : i32 to vector<16xi32>
        %shift_right_logical3A_2096 = arith.shrui %get3A_2088, %shift_right_logical3A_2095 : vector<16xi32>
        %and3A_2097 = arith.constant 255 : i32
        %and3A_2098 = vector.broadcast %and3A_2097 : i32 to vector<16xi32>
        %and3A_2099 = arith.andi %shift_right_logical3A_2096, %and3A_2098 : vector<16xi32>
        tpu.vector_store_idx %arg10[%and3A_2099], %broadcast_in_dim3A_7 masked %eq3A_2093 {add = true} : memref<256xi32, #tpu.memory_space<vmem>>[vector<16xi32>], vector<16xi32>, vector<16xi1>
      }
      %scan3A_948 = arith.constant 16 : i32
      %mul3A_949 = arith.constant 256 : i32
      %mul3A_950 = arith.muli %arg1, %mul3A_949 : i32
      %add3A_951 = arith.constant 0 : i32
      %add3A_952 = arith.addi %add3A_951, %mul3A_950 : i32
      "tpu.region"() ({
        %run_scoped3A = tpu.sem_alloc : memref<!tpu.dma_semaphore, #tpu.memory_space<semaphore_mem>>
        %dma_start3A = tpu.memref_slice %arg16[%add3A_952] : memref<8192xi32, #tpu.memory_space<vmem_shared>> -> memref<256xi32, #tpu.memory_space<vmem_shared>>
        %dma_start3A_2025 = tpu.memref_slice %arg16[%add3A_952] : memref<8192xi32, #tpu.memory_space<vmem_shared>> -> memref<256xi32, #tpu.memory_space<vmem_shared>>
        tpu.enqueue_dma source(%arg10 : memref<256xi32, #tpu.memory_space<vmem>>) target(%dma_start3A_2025 : memref<256xi32, #tpu.memory_space<vmem_shared>>) target_semaphore(%run_scoped3A : memref<!tpu.dma_semaphore, #tpu.memory_space<semaphore_mem>>)
        %dma_wait3A = tpu.memref_slice %arg16[%add3A_952] : memref<8192xi32, #tpu.memory_space<vmem_shared>> -> memref<256xi32, #tpu.memory_space<vmem_shared>>
        %dma_wait3A_2026 = tpu.memref_slice %arg16[%add3A_952] : memref<8192xi32, #tpu.memory_space<vmem_shared>> -> memref<256xi32, #tpu.memory_space<vmem_shared>>
        tpu.wait_dma2 semaphore(%run_scoped3A : memref<!tpu.dma_semaphore, #tpu.memory_space<semaphore_mem>>) src(%arg10 : memref<256xi32, #tpu.memory_space<vmem>>) dst(%dma_wait3A_2026 : memref<256xi32, #tpu.memory_space<vmem_shared>>)
        tpu.yield
      }) : () -> ()
      %scan3A_953 = arith.constant 0 : i32
      %scan3A_954 = arith.constant 0 : i32
      %scan3A_955 = arith.constant 16 : i32
      %scan3A_956 = arith.addi %scan3A_954, %scan3A_955 : i32
      %scan3A_957 = arith.constant 1 : i32
      scf.for %scan3A_2025 = %scan3A_954 to %scan3A_956 step %scan3A_957  : i32 {
        %mul3A_2026 = arith.constant 16 : i32
        %mul3A_2027 = arith.muli %scan3A_2025, %mul3A_2026 : i32
        %swap3A_2028 = arith.index_cast %mul3A_2027 : i32 to index
        %swap3A_2029 = tpu.vector_load %arg10[%swap3A_2028] {strides = array<i32>} : memref<256xi32, #tpu.memory_space<vmem>>, vector<16xi32>,
        tpu.vector_store %arg10[%swap3A_2028], %broadcast_in_dim3A_3 {strides = array<i32>} : memref<256xi32, #tpu.memory_space<vmem>>, vector<16xi32>,
      }
      %scan3A_958 = arith.constant 16 : i32
      %barrier3A_959 = arith.constant 0 : index
      tpu.barrier barrier_id(%barrier3A_959)
      "tpu.region"() ({
        %run_scoped3A = tpu.sem_alloc : memref<!tpu.dma_semaphore, #tpu.memory_space<semaphore_mem>>
        %dma_start3A = arith.constant 0 : i32
        %dma_start3A_2025 = tpu.memref_slice %arg16[%dma_start3A] : memref<8192xi32, #tpu.memory_space<vmem_shared>> -> memref<4096xi32, #tpu.memory_space<vmem_shared>>
        %dma_start3A_2026 = arith.constant 0 : i32
        %dma_start3A_2027 = tpu.memref_slice %arg16[%dma_start3A_2026] : memref<8192xi32, #tpu.memory_space<vmem_shared>> -> memref<4096xi32, #tpu.memory_space<vmem_shared>>
        tpu.enqueue_dma source(%dma_start3A_2027 : memref<4096xi32, #tpu.memory_space<vmem_shared>>) target(%arg11 : memref<4096xi32, #tpu.memory_space<vmem>>) target_semaphore(%run_scoped3A : memref<!tpu.dma_semaphore, #tpu.memory_space<semaphore_mem>>)
        %dma_wait3A = arith.constant 0 : i32
        %dma_wait3A_2028 = tpu.memref_slice %arg16[%dma_wait3A] : memref<8192xi32, #tpu.memory_space<vmem_shared>> -> memref<4096xi32, #tpu.memory_space<vmem_shared>>
        %dma_wait3A_2029 = arith.constant 0 : i32
        %dma_wait3A_2030 = tpu.memref_slice %arg16[%dma_wait3A_2029] : memref<8192xi32, #tpu.memory_space<vmem_shared>> -> memref<4096xi32, #tpu.memory_space<vmem_shared>>
        tpu.wait_dma2 semaphore(%run_scoped3A : memref<!tpu.dma_semaphore, #tpu.memory_space<semaphore_mem>>) src(%dma_wait3A_2030 : memref<4096xi32, #tpu.memory_space<vmem_shared>>) dst(%arg11 : memref<4096xi32, #tpu.memory_space<vmem>>)
        tpu.yield
      }) : () -> ()
      %scan3A_960 = arith.constant 0 : i32
      %scan3A_961 = arith.constant 0 : i32
      %scan3A_962 = arith.constant 16 : i32
      %scan3A_963 = arith.addi %scan3A_961, %scan3A_962 : i32
      %scan3A_964 = arith.constant 1 : i32
      scf.for %scan3A_2025 = %scan3A_961 to %scan3A_963 step %scan3A_964  : i32 {
        %mul3A_2026 = arith.constant 16 : i32
        %mul3A_2027 = arith.muli %scan3A_2025, %mul3A_2026 : i32
        %add3A_2028 = arith.constant 0 : i32
        %add3A_2029 = arith.addi %add3A_2028, %mul3A_2027 : i32
        %get3A_2030 = arith.index_cast %add3A_2029 : i32 to index
        %get3A_2031 = tpu.vector_load %arg11[%get3A_2030] {strides = array<i32>} : memref<4096xi32, #tpu.memory_space<vmem>>, vector<16xi32>,
        %add3A_2032 = arith.addi %broadcast_in_dim3A_3, %get3A_2031 : vector<16xi32>
        %mul3A_2033 = arith.constant 16 : i32
        %mul3A_2034 = arith.muli %scan3A_2025, %mul3A_2033 : i32
        %add3A_2035 = arith.constant 256 : i32
        %add3A_2036 = arith.addi %add3A_2035, %mul3A_2034 : i32
        %get3A_2037 = arith.index_cast %add3A_2036 : i32 to index
        %get3A_2038 = tpu.vector_load %arg11[%get3A_2037] {strides = array<i32>} : memref<4096xi32, #tpu.memory_space<vmem>>, vector<16xi32>,
        %add3A_2039 = arith.addi %add3A_2032, %get3A_2038 : vector<16xi32>
        %mul3A_2040 = arith.constant 16 : i32
        %mul3A_2041 = arith.muli %scan3A_2025, %mul3A_2040 : i32
        %add3A_2042 = arith.constant 512 : i32
        %add3A_2043 = arith.addi %add3A_2042, %mul3A_2041 : i32
        %get3A_2044 = arith.index_cast %add3A_2043 : i32 to index
        %get3A_2045 = tpu.vector_load %arg11[%get3A_2044] {strides = array<i32>} : memref<4096xi32, #tpu.memory_space<vmem>>, vector<16xi32>,
        %add3A_2046 = arith.addi %add3A_2039, %get3A_2045 : vector<16xi32>
        %mul3A_2047 = arith.constant 16 : i32
        %mul3A_2048 = arith.muli %scan3A_2025, %mul3A_2047 : i32
        %add3A_2049 = arith.constant 768 : i32
        %add3A_2050 = arith.addi %add3A_2049, %mul3A_2048 : i32
        %get3A_2051 = arith.index_cast %add3A_2050 : i32 to index
        %get3A_2052 = tpu.vector_load %arg11[%get3A_2051] {strides = array<i32>} : memref<4096xi32, #tpu.memory_space<vmem>>, vector<16xi32>,
        %add3A_2053 = arith.addi %add3A_2046, %get3A_2052 : vector<16xi32>
        %mul3A_2054 = arith.constant 16 : i32
        %mul3A_2055 = arith.muli %scan3A_2025, %mul3A_2054 : i32
        %add3A_2056 = arith.constant 1024 : i32
        %add3A_2057 = arith.addi %add3A_2056, %mul3A_2055 : i32
        %get3A_2058 = arith.index_cast %add3A_2057 : i32 to index
        %get3A_2059 = tpu.vector_load %arg11[%get3A_2058] {strides = array<i32>} : memref<4096xi32, #tpu.memory_space<vmem>>, vector<16xi32>,
        %add3A_2060 = arith.addi %add3A_2053, %get3A_2059 : vector<16xi32>
        %mul3A_2061 = arith.constant 16 : i32
        %mul3A_2062 = arith.muli %scan3A_2025, %mul3A_2061 : i32
        %add3A_2063 = arith.constant 1280 : i32
        %add3A_2064 = arith.addi %add3A_2063, %mul3A_2062 : i32
        %get3A_2065 = arith.index_cast %add3A_2064 : i32 to index
        %get3A_2066 = tpu.vector_load %arg11[%get3A_2065] {strides = array<i32>} : memref<4096xi32, #tpu.memory_space<vmem>>, vector<16xi32>,
        %add3A_2067 = arith.addi %add3A_2060, %get3A_2066 : vector<16xi32>
        %mul3A_2068 = arith.constant 16 : i32
        %mul3A_2069 = arith.muli %scan3A_2025, %mul3A_2068 : i32
        %add3A_2070 = arith.constant 1536 : i32
        %add3A_2071 = arith.addi %add3A_2070, %mul3A_2069 : i32
        %get3A_2072 = arith.index_cast %add3A_2071 : i32 to index
        %get3A_2073 = tpu.vector_load %arg11[%get3A_2072] {strides = array<i32>} : memref<4096xi32, #tpu.memory_space<vmem>>, vector<16xi32>,
        %add3A_2074 = arith.addi %add3A_2067, %get3A_2073 : vector<16xi32>
        %mul3A_2075 = arith.constant 16 : i32
        %mul3A_2076 = arith.muli %scan3A_2025, %mul3A_2075 : i32
        %add3A_2077 = arith.constant 1792 : i32
        %add3A_2078 = arith.addi %add3A_2077, %mul3A_2076 : i32
        %get3A_2079 = arith.index_cast %add3A_2078 : i32 to index
        %get3A_2080 = tpu.vector_load %arg11[%get3A_2079] {strides = array<i32>} : memref<4096xi32, #tpu.memory_space<vmem>>, vector<16xi32>,
        %add3A_2081 = arith.addi %add3A_2074, %get3A_2080 : vector<16xi32>
        %mul3A_2082 = arith.constant 16 : i32
        %mul3A_2083 = arith.muli %scan3A_2025, %mul3A_2082 : i32
        %add3A_2084 = arith.constant 2048 : i32
        %add3A_2085 = arith.addi %add3A_2084, %mul3A_2083 : i32
        %get3A_2086 = arith.index_cast %add3A_2085 : i32 to index
        %get3A_2087 = tpu.vector_load %arg11[%get3A_2086] {strides = array<i32>} : memref<4096xi32, #tpu.memory_space<vmem>>, vector<16xi32>,
        %add3A_2088 = arith.addi %add3A_2081, %get3A_2087 : vector<16xi32>
        %mul3A_2089 = arith.constant 16 : i32
        %mul3A_2090 = arith.muli %scan3A_2025, %mul3A_2089 : i32
        %add3A_2091 = arith.constant 2304 : i32
        %add3A_2092 = arith.addi %add3A_2091, %mul3A_2090 : i32
        %get3A_2093 = arith.index_cast %add3A_2092 : i32 to index
        %get3A_2094 = tpu.vector_load %arg11[%get3A_2093] {strides = array<i32>} : memref<4096xi32, #tpu.memory_space<vmem>>, vector<16xi32>,
        %add3A_2095 = arith.addi %add3A_2088, %get3A_2094 : vector<16xi32>
        %mul3A_2096 = arith.constant 16 : i32
        %mul3A_2097 = arith.muli %scan3A_2025, %mul3A_2096 : i32
        %add3A_2098 = arith.constant 2560 : i32
        %add3A_2099 = arith.addi %add3A_2098, %mul3A_2097 : i32
        %get3A_2100 = arith.index_cast %add3A_2099 : i32 to index
        %get3A_2101 = tpu.vector_load %arg11[%get3A_2100] {strides = array<i32>} : memref<4096xi32, #tpu.memory_space<vmem>>, vector<16xi32>,
        %add3A_2102 = arith.addi %add3A_2095, %get3A_2101 : vector<16xi32>
        %mul3A_2103 = arith.constant 16 : i32
        %mul3A_2104 = arith.muli %scan3A_2025, %mul3A_2103 : i32
        %add3A_2105 = arith.constant 2816 : i32
        %add3A_2106 = arith.addi %add3A_2105, %mul3A_2104 : i32
        %get3A_2107 = arith.index_cast %add3A_2106 : i32 to index
        %get3A_2108 = tpu.vector_load %arg11[%get3A_2107] {strides = array<i32>} : memref<4096xi32, #tpu.memory_space<vmem>>, vector<16xi32>,
        %add3A_2109 = arith.addi %add3A_2102, %get3A_2108 : vector<16xi32>
        %mul3A_2110 = arith.constant 16 : i32
        %mul3A_2111 = arith.muli %scan3A_2025, %mul3A_2110 : i32
        %add3A_2112 = arith.constant 3072 : i32
        %add3A_2113 = arith.addi %add3A_2112, %mul3A_2111 : i32
        %get3A_2114 = arith.index_cast %add3A_2113 : i32 to index
        %get3A_2115 = tpu.vector_load %arg11[%get3A_2114] {strides = array<i32>} : memref<4096xi32, #tpu.memory_space<vmem>>, vector<16xi32>,
        %add3A_2116 = arith.addi %add3A_2109, %get3A_2115 : vector<16xi32>
        %mul3A_2117 = arith.constant 16 : i32
        %mul3A_2118 = arith.muli %scan3A_2025, %mul3A_2117 : i32
        %add3A_2119 = arith.constant 3328 : i32
        %add3A_2120 = arith.addi %add3A_2119, %mul3A_2118 : i32
        %get3A_2121 = arith.index_cast %add3A_2120 : i32 to index
        %get3A_2122 = tpu.vector_load %arg11[%get3A_2121] {strides = array<i32>} : memref<4096xi32, #tpu.memory_space<vmem>>, vector<16xi32>,
        %add3A_2123 = arith.addi %add3A_2116, %get3A_2122 : vector<16xi32>
        %mul3A_2124 = arith.constant 16 : i32
        %mul3A_2125 = arith.muli %scan3A_2025, %mul3A_2124 : i32
        %add3A_2126 = arith.constant 3584 : i32
        %add3A_2127 = arith.addi %add3A_2126, %mul3A_2125 : i32
        %get3A_2128 = arith.index_cast %add3A_2127 : i32 to index
        %get3A_2129 = tpu.vector_load %arg11[%get3A_2128] {strides = array<i32>} : memref<4096xi32, #tpu.memory_space<vmem>>, vector<16xi32>,
        %add3A_2130 = arith.addi %add3A_2123, %get3A_2129 : vector<16xi32>
        %mul3A_2131 = arith.constant 16 : i32
        %mul3A_2132 = arith.muli %scan3A_2025, %mul3A_2131 : i32
        %add3A_2133 = arith.constant 3840 : i32
        %add3A_2134 = arith.addi %add3A_2133, %mul3A_2132 : i32
        %get3A_2135 = arith.index_cast %add3A_2134 : i32 to index
        %get3A_2136 = tpu.vector_load %arg11[%get3A_2135] {strides = array<i32>} : memref<4096xi32, #tpu.memory_space<vmem>>, vector<16xi32>,
        %add3A_2137 = arith.addi %add3A_2130, %get3A_2136 : vector<16xi32>
        %mul3A_2138 = arith.constant 16 : i32
        %mul3A_2139 = arith.muli %scan3A_2025, %mul3A_2138 : i32
        %swap3A_2140 = arith.index_cast %mul3A_2139 : i32 to index
        %swap3A_2141 = tpu.vector_load %arg13[%swap3A_2140] {strides = array<i32>} : memref<256xi32, #tpu.memory_space<vmem>>, vector<16xi32>,
        tpu.vector_store %arg13[%swap3A_2140], %add3A_2137 {strides = array<i32>} : memref<256xi32, #tpu.memory_space<vmem>>, vector<16xi32>,
      }
      %scan3A_965 = arith.constant 16 : i32
      %get3A_966 = arith.constant 240 : index
      %get3A_967 = tpu.vector_load %arg13[%get3A_966] {strides = array<i32>} : memref<256xi32, #tpu.memory_space<vmem>>, vector<16xi32>,
      %rev3A_968 = arith.constant 15 : i32
      %rev3A_969 = vector.broadcast %rev3A_968 : i32 to vector<16xi32>
      %rev3A_970 = tpu.iota {dimensions = array<i32: 0>} : vector<16xi32>
      %rev3A_971 = arith.subi %rev3A_969, %rev3A_970 : vector<16xi32>
      %rev3A_972 = tpu.dynamic_gather %get3A_967[%rev3A_971] in [0] : vector<16xi32>, vector<16xi32> -> vector<16xi32>
      %broadcast_in_dim3A_973 = arith.constant true
      %broadcast_in_dim3A_974 = vector.broadcast %broadcast_in_dim3A_973 : i1 to vector<16xi1>
      %masked_cumsum3A_975 = tpu.scan <sum>, %rev3A_972 masked %broadcast_in_dim3A_974 : vector<16xi32>, vector<16xi1> -> vector<16xi32>
      %rev3A_976 = arith.constant 15 : i32
      %rev3A_977 = vector.broadcast %rev3A_976 : i32 to vector<16xi32>
      %rev3A_978 = tpu.iota {dimensions = array<i32: 0>} : vector<16xi32>
      %rev3A_979 = arith.subi %rev3A_977, %rev3A_978 : vector<16xi32>
      %rev3A_980 = tpu.dynamic_gather %masked_cumsum3A_975[%rev3A_979] in [0] : vector<16xi32>, vector<16xi32> -> vector<16xi32>
      %add3A_981 = arith.addi %rev3A_980, %broadcast_in_dim3A_3 : vector<16xi32>
      %swap3A_982 = arith.constant 240 : index
      %swap3A_983 = tpu.vector_load %arg12[%swap3A_982] {strides = array<i32>} : memref<256xi32, #tpu.memory_space<vmem>>, vector<16xi32>,
      tpu.vector_store %arg12[%swap3A_982], %add3A_981 {strides = array<i32>} : memref<256xi32, #tpu.memory_space<vmem>>, vector<16xi32>,
      %reduce_sum3A_984 = arith.constant true
      %reduce_sum3A_985 = vector.broadcast %reduce_sum3A_984 : i1 to vector<16xi1>
      %reduce_sum3A_986 = tpu.scan <sum>, %get3A_967 masked %reduce_sum3A_985 : vector<16xi32>, vector<16xi1> -> vector<16xi32>
      %reduce_sum3A_987 = vector.extract %reduce_sum3A_986[15] : i32 from vector<16xi32>
      %add3A_988 = vector.broadcast %reduce_sum3A_987 : i32 to vector<16xi32>
      %add3A_989 = arith.addi %broadcast_in_dim3A_3, %add3A_988 : vector<16xi32>
      %ge3A_990 = arith.cmpi sge, %add3A_981, %sub3A_937 : vector<16xi32>
      %all_reduce_population_count3A_991 = tpu.all_reduce %ge3A_990 {dim = 0 : i64, kind = #tpu.reduction_kind<sum>} : vector<16xi1> -> vector<16xi32>
      %add3A_992 = arith.addi %broadcast_in_dim3A_3, %all_reduce_population_count3A_991 : vector<16xi32>
      %get3A_993 = arith.constant 224 : index
      %get3A_994 = tpu.vector_load %arg13[%get3A_993] {strides = array<i32>} : memref<256xi32, #tpu.memory_space<vmem>>, vector<16xi32>,
      %rev3A_995 = arith.constant 15 : i32
      %rev3A_996 = vector.broadcast %rev3A_995 : i32 to vector<16xi32>
      %rev3A_997 = tpu.iota {dimensions = array<i32: 0>} : vector<16xi32>
      %rev3A_998 = arith.subi %rev3A_996, %rev3A_997 : vector<16xi32>
      %rev3A_999 = tpu.dynamic_gather %get3A_994[%rev3A_998] in [0] : vector<16xi32>, vector<16xi32> -> vector<16xi32>
      %broadcast_in_dim3A_1000 = arith.constant true
      %broadcast_in_dim3A_1001 = vector.broadcast %broadcast_in_dim3A_1000 : i1 to vector<16xi1>
      %masked_cumsum3A_1002 = tpu.scan <sum>, %rev3A_999 masked %broadcast_in_dim3A_1001 : vector<16xi32>, vector<16xi1> -> vector<16xi32>
      %rev3A_1003 = arith.constant 15 : i32
      %rev3A_1004 = vector.broadcast %rev3A_1003 : i32 to vector<16xi32>
      %rev3A_1005 = tpu.iota {dimensions = array<i32: 0>} : vector<16xi32>
      %rev3A_1006 = arith.subi %rev3A_1004, %rev3A_1005 : vector<16xi32>
      %rev3A_1007 = tpu.dynamic_gather %masked_cumsum3A_1002[%rev3A_1006] in [0] : vector<16xi32>, vector<16xi32> -> vector<16xi32>
      %add3A_1008 = arith.addi %rev3A_1007, %add3A_989 : vector<16xi32>
      %swap3A_1009 = arith.constant 224 : index
      %swap3A_1010 = tpu.vector_load %arg12[%swap3A_1009] {strides = array<i32>} : memref<256xi32, #tpu.memory_space<vmem>>, vector<16xi32>,
      tpu.vector_store %arg12[%swap3A_1009], %add3A_1008 {strides = array<i32>} : memref<256xi32, #tpu.memory_space<vmem>>, vector<16xi32>,
      %reduce_sum3A_1011 = arith.constant true
      %reduce_sum3A_1012 = vector.broadcast %reduce_sum3A_1011 : i1 to vector<16xi1>
      %reduce_sum3A_1013 = tpu.scan <sum>, %get3A_994 masked %reduce_sum3A_1012 : vector<16xi32>, vector<16xi1> -> vector<16xi32>
      %reduce_sum3A_1014 = vector.extract %reduce_sum3A_1013[15] : i32 from vector<16xi32>
      %add3A_1015 = vector.broadcast %reduce_sum3A_1014 : i32 to vector<16xi32>
      %add3A_1016 = arith.addi %add3A_989, %add3A_1015 : vector<16xi32>
      %ge3A_1017 = arith.cmpi sge, %add3A_1008, %sub3A_937 : vector<16xi32>
      %all_reduce_population_count3A_1018 = tpu.all_reduce %ge3A_1017 {dim = 0 : i64, kind = #tpu.reduction_kind<sum>} : vector<16xi1> -> vector<16xi32>
      %add3A_1019 = arith.addi %add3A_992, %all_reduce_population_count3A_1018 : vector<16xi32>
      %get3A_1020 = arith.constant 208 : index
      %get3A_1021 = tpu.vector_load %arg13[%get3A_1020] {strides = array<i32>} : memref<256xi32, #tpu.memory_space<vmem>>, vector<16xi32>,
      %rev3A_1022 = arith.constant 15 : i32
      %rev3A_1023 = vector.broadcast %rev3A_1022 : i32 to vector<16xi32>
      %rev3A_1024 = tpu.iota {dimensions = array<i32: 0>} : vector<16xi32>
      %rev3A_1025 = arith.subi %rev3A_1023, %rev3A_1024 : vector<16xi32>
      %rev3A_1026 = tpu.dynamic_gather %get3A_1021[%rev3A_1025] in [0] : vector<16xi32>, vector<16xi32> -> vector<16xi32>
      %broadcast_in_dim3A_1027 = arith.constant true
      %broadcast_in_dim3A_1028 = vector.broadcast %broadcast_in_dim3A_1027 : i1 to vector<16xi1>
      %masked_cumsum3A_1029 = tpu.scan <sum>, %rev3A_1026 masked %broadcast_in_dim3A_1028 : vector<16xi32>, vector<16xi1> -> vector<16xi32>
      %rev3A_1030 = arith.constant 15 : i32
      %rev3A_1031 = vector.broadcast %rev3A_1030 : i32 to vector<16xi32>
      %rev3A_1032 = tpu.iota {dimensions = array<i32: 0>} : vector<16xi32>
      %rev3A_1033 = arith.subi %rev3A_1031, %rev3A_1032 : vector<16xi32>
      %rev3A_1034 = tpu.dynamic_gather %masked_cumsum3A_1029[%rev3A_1033] in [0] : vector<16xi32>, vector<16xi32> -> vector<16xi32>
      %add3A_1035 = arith.addi %rev3A_1034, %add3A_1016 : vector<16xi32>
      %swap3A_1036 = arith.constant 208 : index
      %swap3A_1037 = tpu.vector_load %arg12[%swap3A_1036] {strides = array<i32>} : memref<256xi32, #tpu.memory_space<vmem>>, vector<16xi32>,
      tpu.vector_store %arg12[%swap3A_1036], %add3A_1035 {strides = array<i32>} : memref<256xi32, #tpu.memory_space<vmem>>, vector<16xi32>,
      %reduce_sum3A_1038 = arith.constant true
      %reduce_sum3A_1039 = vector.broadcast %reduce_sum3A_1038 : i1 to vector<16xi1>
      %reduce_sum3A_1040 = tpu.scan <sum>, %get3A_1021 masked %reduce_sum3A_1039 : vector<16xi32>, vector<16xi1> -> vector<16xi32>
      %reduce_sum3A_1041 = vector.extract %reduce_sum3A_1040[15] : i32 from vector<16xi32>
      %add3A_1042 = vector.broadcast %reduce_sum3A_1041 : i32 to vector<16xi32>
      %add3A_1043 = arith.addi %add3A_1016, %add3A_1042 : vector<16xi32>
      %ge3A_1044 = arith.cmpi sge, %add3A_1035, %sub3A_937 : vector<16xi32>
      %all_reduce_population_count3A_1045 = tpu.all_reduce %ge3A_1044 {dim = 0 : i64, kind = #tpu.reduction_kind<sum>} : vector<16xi1> -> vector<16xi32>
      %add3A_1046 = arith.addi %add3A_1019, %all_reduce_population_count3A_1045 : vector<16xi32>
      %get3A_1047 = arith.constant 192 : index
      %get3A_1048 = tpu.vector_load %arg13[%get3A_1047] {strides = array<i32>} : memref<256xi32, #tpu.memory_space<vmem>>, vector<16xi32>,
      %rev3A_1049 = arith.constant 15 : i32
      %rev3A_1050 = vector.broadcast %rev3A_1049 : i32 to vector<16xi32>
      %rev3A_1051 = tpu.iota {dimensions = array<i32: 0>} : vector<16xi32>
      %rev3A_1052 = arith.subi %rev3A_1050, %rev3A_1051 : vector<16xi32>
      %rev3A_1053 = tpu.dynamic_gather %get3A_1048[%rev3A_1052] in [0] : vector<16xi32>, vector<16xi32> -> vector<16xi32>
      %broadcast_in_dim3A_1054 = arith.constant true
      %broadcast_in_dim3A_1055 = vector.broadcast %broadcast_in_dim3A_1054 : i1 to vector<16xi1>
      %masked_cumsum3A_1056 = tpu.scan <sum>, %rev3A_1053 masked %broadcast_in_dim3A_1055 : vector<16xi32>, vector<16xi1> -> vector<16xi32>
      %rev3A_1057 = arith.constant 15 : i32
      %rev3A_1058 = vector.broadcast %rev3A_1057 : i32 to vector<16xi32>
      %rev3A_1059 = tpu.iota {dimensions = array<i32: 0>} : vector<16xi32>
      %rev3A_1060 = arith.subi %rev3A_1058, %rev3A_1059 : vector<16xi32>
      %rev3A_1061 = tpu.dynamic_gather %masked_cumsum3A_1056[%rev3A_1060] in [0] : vector<16xi32>, vector<16xi32> -> vector<16xi32>
      %add3A_1062 = arith.addi %rev3A_1061, %add3A_1043 : vector<16xi32>
      %swap3A_1063 = arith.constant 192 : index
      %swap3A_1064 = tpu.vector_load %arg12[%swap3A_1063] {strides = array<i32>} : memref<256xi32, #tpu.memory_space<vmem>>, vector<16xi32>,
      tpu.vector_store %arg12[%swap3A_1063], %add3A_1062 {strides = array<i32>} : memref<256xi32, #tpu.memory_space<vmem>>, vector<16xi32>,
      %reduce_sum3A_1065 = arith.constant true
      %reduce_sum3A_1066 = vector.broadcast %reduce_sum3A_1065 : i1 to vector<16xi1>
      %reduce_sum3A_1067 = tpu.scan <sum>, %get3A_1048 masked %reduce_sum3A_1066 : vector<16xi32>, vector<16xi1> -> vector<16xi32>
      %reduce_sum3A_1068 = vector.extract %reduce_sum3A_1067[15] : i32 from vector<16xi32>
      %add3A_1069 = vector.broadcast %reduce_sum3A_1068 : i32 to vector<16xi32>
      %add3A_1070 = arith.addi %add3A_1043, %add3A_1069 : vector<16xi32>
      %ge3A_1071 = arith.cmpi sge, %add3A_1062, %sub3A_937 : vector<16xi32>
      %all_reduce_population_count3A_1072 = tpu.all_reduce %ge3A_1071 {dim = 0 : i64, kind = #tpu.reduction_kind<sum>} : vector<16xi1> -> vector<16xi32>
      %add3A_1073 = arith.addi %add3A_1046, %all_reduce_population_count3A_1072 : vector<16xi32>
      %get3A_1074 = arith.constant 176 : index
      %get3A_1075 = tpu.vector_load %arg13[%get3A_1074] {strides = array<i32>} : memref<256xi32, #tpu.memory_space<vmem>>, vector<16xi32>,
      %rev3A_1076 = arith.constant 15 : i32
      %rev3A_1077 = vector.broadcast %rev3A_1076 : i32 to vector<16xi32>
      %rev3A_1078 = tpu.iota {dimensions = array<i32: 0>} : vector<16xi32>
      %rev3A_1079 = arith.subi %rev3A_1077, %rev3A_1078 : vector<16xi32>
      %rev3A_1080 = tpu.dynamic_gather %get3A_1075[%rev3A_1079] in [0] : vector<16xi32>, vector<16xi32> -> vector<16xi32>
      %broadcast_in_dim3A_1081 = arith.constant true
      %broadcast_in_dim3A_1082 = vector.broadcast %broadcast_in_dim3A_1081 : i1 to vector<16xi1>
      %masked_cumsum3A_1083 = tpu.scan <sum>, %rev3A_1080 masked %broadcast_in_dim3A_1082 : vector<16xi32>, vector<16xi1> -> vector<16xi32>
      %rev3A_1084 = arith.constant 15 : i32
      %rev3A_1085 = vector.broadcast %rev3A_1084 : i32 to vector<16xi32>
      %rev3A_1086 = tpu.iota {dimensions = array<i32: 0>} : vector<16xi32>
      %rev3A_1087 = arith.subi %rev3A_1085, %rev3A_1086 : vector<16xi32>
      %rev3A_1088 = tpu.dynamic_gather %masked_cumsum3A_1083[%rev3A_1087] in [0] : vector<16xi32>, vector<16xi32> -> vector<16xi32>
      %add3A_1089 = arith.addi %rev3A_1088, %add3A_1070 : vector<16xi32>
      %swap3A_1090 = arith.constant 176 : index
      %swap3A_1091 = tpu.vector_load %arg12[%swap3A_1090] {strides = array<i32>} : memref<256xi32, #tpu.memory_space<vmem>>, vector<16xi32>,
      tpu.vector_store %arg12[%swap3A_1090], %add3A_1089 {strides = array<i32>} : memref<256xi32, #tpu.memory_space<vmem>>, vector<16xi32>,
      %reduce_sum3A_1092 = arith.constant true
      %reduce_sum3A_1093 = vector.broadcast %reduce_sum3A_1092 : i1 to vector<16xi1>
      %reduce_sum3A_1094 = tpu.scan <sum>, %get3A_1075 masked %reduce_sum3A_1093 : vector<16xi32>, vector<16xi1> -> vector<16xi32>
      %reduce_sum3A_1095 = vector.extract %reduce_sum3A_1094[15] : i32 from vector<16xi32>
      %add3A_1096 = vector.broadcast %reduce_sum3A_1095 : i32 to vector<16xi32>
      %add3A_1097 = arith.addi %add3A_1070, %add3A_1096 : vector<16xi32>
      %ge3A_1098 = arith.cmpi sge, %add3A_1089, %sub3A_937 : vector<16xi32>
      %all_reduce_population_count3A_1099 = tpu.all_reduce %ge3A_1098 {dim = 0 : i64, kind = #tpu.reduction_kind<sum>} : vector<16xi1> -> vector<16xi32>
      %add3A_1100 = arith.addi %add3A_1073, %all_reduce_population_count3A_1099 : vector<16xi32>
      %get3A_1101 = arith.constant 160 : index
      %get3A_1102 = tpu.vector_load %arg13[%get3A_1101] {strides = array<i32>} : memref<256xi32, #tpu.memory_space<vmem>>, vector<16xi32>,
      %rev3A_1103 = arith.constant 15 : i32
      %rev3A_1104 = vector.broadcast %rev3A_1103 : i32 to vector<16xi32>
      %rev3A_1105 = tpu.iota {dimensions = array<i32: 0>} : vector<16xi32>
      %rev3A_1106 = arith.subi %rev3A_1104, %rev3A_1105 : vector<16xi32>
      %rev3A_1107 = tpu.dynamic_gather %get3A_1102[%rev3A_1106] in [0] : vector<16xi32>, vector<16xi32> -> vector<16xi32>
      %broadcast_in_dim3A_1108 = arith.constant true
      %broadcast_in_dim3A_1109 = vector.broadcast %broadcast_in_dim3A_1108 : i1 to vector<16xi1>
      %masked_cumsum3A_1110 = tpu.scan <sum>, %rev3A_1107 masked %broadcast_in_dim3A_1109 : vector<16xi32>, vector<16xi1> -> vector<16xi32>
      %rev3A_1111 = arith.constant 15 : i32
      %rev3A_1112 = vector.broadcast %rev3A_1111 : i32 to vector<16xi32>
      %rev3A_1113 = tpu.iota {dimensions = array<i32: 0>} : vector<16xi32>
      %rev3A_1114 = arith.subi %rev3A_1112, %rev3A_1113 : vector<16xi32>
      %rev3A_1115 = tpu.dynamic_gather %masked_cumsum3A_1110[%rev3A_1114] in [0] : vector<16xi32>, vector<16xi32> -> vector<16xi32>
      %add3A_1116 = arith.addi %rev3A_1115, %add3A_1097 : vector<16xi32>
      %swap3A_1117 = arith.constant 160 : index
      %swap3A_1118 = tpu.vector_load %arg12[%swap3A_1117] {strides = array<i32>} : memref<256xi32, #tpu.memory_space<vmem>>, vector<16xi32>,
      tpu.vector_store %arg12[%swap3A_1117], %add3A_1116 {strides = array<i32>} : memref<256xi32, #tpu.memory_space<vmem>>, vector<16xi32>,
      %reduce_sum3A_1119 = arith.constant true
      %reduce_sum3A_1120 = vector.broadcast %reduce_sum3A_1119 : i1 to vector<16xi1>
      %reduce_sum3A_1121 = tpu.scan <sum>, %get3A_1102 masked %reduce_sum3A_1120 : vector<16xi32>, vector<16xi1> -> vector<16xi32>
      %reduce_sum3A_1122 = vector.extract %reduce_sum3A_1121[15] : i32 from vector<16xi32>
      %add3A_1123 = vector.broadcast %reduce_sum3A_1122 : i32 to vector<16xi32>
      %add3A_1124 = arith.addi %add3A_1097, %add3A_1123 : vector<16xi32>
      %ge3A_1125 = arith.cmpi sge, %add3A_1116, %sub3A_937 : vector<16xi32>
      %all_reduce_population_count3A_1126 = tpu.all_reduce %ge3A_1125 {dim = 0 : i64, kind = #tpu.reduction_kind<sum>} : vector<16xi1> -> vector<16xi32>
      %add3A_1127 = arith.addi %add3A_1100, %all_reduce_population_count3A_1126 : vector<16xi32>
      %get3A_1128 = arith.constant 144 : index
      %get3A_1129 = tpu.vector_load %arg13[%get3A_1128] {strides = array<i32>} : memref<256xi32, #tpu.memory_space<vmem>>, vector<16xi32>,
      %rev3A_1130 = arith.constant 15 : i32
      %rev3A_1131 = vector.broadcast %rev3A_1130 : i32 to vector<16xi32>
      %rev3A_1132 = tpu.iota {dimensions = array<i32: 0>} : vector<16xi32>
      %rev3A_1133 = arith.subi %rev3A_1131, %rev3A_1132 : vector<16xi32>
      %rev3A_1134 = tpu.dynamic_gather %get3A_1129[%rev3A_1133] in [0] : vector<16xi32>, vector<16xi32> -> vector<16xi32>
      %broadcast_in_dim3A_1135 = arith.constant true
      %broadcast_in_dim3A_1136 = vector.broadcast %broadcast_in_dim3A_1135 : i1 to vector<16xi1>
      %masked_cumsum3A_1137 = tpu.scan <sum>, %rev3A_1134 masked %broadcast_in_dim3A_1136 : vector<16xi32>, vector<16xi1> -> vector<16xi32>
      %rev3A_1138 = arith.constant 15 : i32
      %rev3A_1139 = vector.broadcast %rev3A_1138 : i32 to vector<16xi32>
      %rev3A_1140 = tpu.iota {dimensions = array<i32: 0>} : vector<16xi32>
      %rev3A_1141 = arith.subi %rev3A_1139, %rev3A_1140 : vector<16xi32>
      %rev3A_1142 = tpu.dynamic_gather %masked_cumsum3A_1137[%rev3A_1141] in [0] : vector<16xi32>, vector<16xi32> -> vector<16xi32>
      %add3A_1143 = arith.addi %rev3A_1142, %add3A_1124 : vector<16xi32>
      %swap3A_1144 = arith.constant 144 : index
      %swap3A_1145 = tpu.vector_load %arg12[%swap3A_1144] {strides = array<i32>} : memref<256xi32, #tpu.memory_space<vmem>>, vector<16xi32>,
      tpu.vector_store %arg12[%swap3A_1144], %add3A_1143 {strides = array<i32>} : memref<256xi32, #tpu.memory_space<vmem>>, vector<16xi32>,
      %reduce_sum3A_1146 = arith.constant true
      %reduce_sum3A_1147 = vector.broadcast %reduce_sum3A_1146 : i1 to vector<16xi1>
      %reduce_sum3A_1148 = tpu.scan <sum>, %get3A_1129 masked %reduce_sum3A_1147 : vector<16xi32>, vector<16xi1> -> vector<16xi32>
      %reduce_sum3A_1149 = vector.extract %reduce_sum3A_1148[15] : i32 from vector<16xi32>
      %add3A_1150 = vector.broadcast %reduce_sum3A_1149 : i32 to vector<16xi32>
      %add3A_1151 = arith.addi %add3A_1124, %add3A_1150 : vector<16xi32>
      %ge3A_1152 = arith.cmpi sge, %add3A_1143, %sub3A_937 : vector<16xi32>
      %all_reduce_population_count3A_1153 = tpu.all_reduce %ge3A_1152 {dim = 0 : i64, kind = #tpu.reduction_kind<sum>} : vector<16xi1> -> vector<16xi32>
      %add3A_1154 = arith.addi %add3A_1127, %all_reduce_population_count3A_1153 : vector<16xi32>
      %get3A_1155 = arith.constant 128 : index
      %get3A_1156 = tpu.vector_load %arg13[%get3A_1155] {strides = array<i32>} : memref<256xi32, #tpu.memory_space<vmem>>, vector<16xi32>,
      %rev3A_1157 = arith.constant 15 : i32
      %rev3A_1158 = vector.broadcast %rev3A_1157 : i32 to vector<16xi32>
      %rev3A_1159 = tpu.iota {dimensions = array<i32: 0>} : vector<16xi32>
      %rev3A_1160 = arith.subi %rev3A_1158, %rev3A_1159 : vector<16xi32>
      %rev3A_1161 = tpu.dynamic_gather %get3A_1156[%rev3A_1160] in [0] : vector<16xi32>, vector<16xi32> -> vector<16xi32>
      %broadcast_in_dim3A_1162 = arith.constant true
      %broadcast_in_dim3A_1163 = vector.broadcast %broadcast_in_dim3A_1162 : i1 to vector<16xi1>
      %masked_cumsum3A_1164 = tpu.scan <sum>, %rev3A_1161 masked %broadcast_in_dim3A_1163 : vector<16xi32>, vector<16xi1> -> vector<16xi32>
      %rev3A_1165 = arith.constant 15 : i32
      %rev3A_1166 = vector.broadcast %rev3A_1165 : i32 to vector<16xi32>
      %rev3A_1167 = tpu.iota {dimensions = array<i32: 0>} : vector<16xi32>
      %rev3A_1168 = arith.subi %rev3A_1166, %rev3A_1167 : vector<16xi32>
      %rev3A_1169 = tpu.dynamic_gather %masked_cumsum3A_1164[%rev3A_1168] in [0] : vector<16xi32>, vector<16xi32> -> vector<16xi32>
      %add3A_1170 = arith.addi %rev3A_1169, %add3A_1151 : vector<16xi32>
      %swap3A_1171 = arith.constant 128 : index
      %swap3A_1172 = tpu.vector_load %arg12[%swap3A_1171] {strides = array<i32>} : memref<256xi32, #tpu.memory_space<vmem>>, vector<16xi32>,
      tpu.vector_store %arg12[%swap3A_1171], %add3A_1170 {strides = array<i32>} : memref<256xi32, #tpu.memory_space<vmem>>, vector<16xi32>,
      %reduce_sum3A_1173 = arith.constant true
      %reduce_sum3A_1174 = vector.broadcast %reduce_sum3A_1173 : i1 to vector<16xi1>
      %reduce_sum3A_1175 = tpu.scan <sum>, %get3A_1156 masked %reduce_sum3A_1174 : vector<16xi32>, vector<16xi1> -> vector<16xi32>
      %reduce_sum3A_1176 = vector.extract %reduce_sum3A_1175[15] : i32 from vector<16xi32>
      %add3A_1177 = vector.broadcast %reduce_sum3A_1176 : i32 to vector<16xi32>
      %add3A_1178 = arith.addi %add3A_1151, %add3A_1177 : vector<16xi32>
      %ge3A_1179 = arith.cmpi sge, %add3A_1170, %sub3A_937 : vector<16xi32>
      %all_reduce_population_count3A_1180 = tpu.all_reduce %ge3A_1179 {dim = 0 : i64, kind = #tpu.reduction_kind<sum>} : vector<16xi1> -> vector<16xi32>
      %add3A_1181 = arith.addi %add3A_1154, %all_reduce_population_count3A_1180 : vector<16xi32>
      %get3A_1182 = arith.constant 112 : index
      %get3A_1183 = tpu.vector_load %arg13[%get3A_1182] {strides = array<i32>} : memref<256xi32, #tpu.memory_space<vmem>>, vector<16xi32>,
      %rev3A_1184 = arith.constant 15 : i32
      %rev3A_1185 = vector.broadcast %rev3A_1184 : i32 to vector<16xi32>
      %rev3A_1186 = tpu.iota {dimensions = array<i32: 0>} : vector<16xi32>
      %rev3A_1187 = arith.subi %rev3A_1185, %rev3A_1186 : vector<16xi32>
      %rev3A_1188 = tpu.dynamic_gather %get3A_1183[%rev3A_1187] in [0] : vector<16xi32>, vector<16xi32> -> vector<16xi32>
      %broadcast_in_dim3A_1189 = arith.constant true
      %broadcast_in_dim3A_1190 = vector.broadcast %broadcast_in_dim3A_1189 : i1 to vector<16xi1>
      %masked_cumsum3A_1191 = tpu.scan <sum>, %rev3A_1188 masked %broadcast_in_dim3A_1190 : vector<16xi32>, vector<16xi1> -> vector<16xi32>
      %rev3A_1192 = arith.constant 15 : i32
      %rev3A_1193 = vector.broadcast %rev3A_1192 : i32 to vector<16xi32>
      %rev3A_1194 = tpu.iota {dimensions = array<i32: 0>} : vector<16xi32>
      %rev3A_1195 = arith.subi %rev3A_1193, %rev3A_1194 : vector<16xi32>
      %rev3A_1196 = tpu.dynamic_gather %masked_cumsum3A_1191[%rev3A_1195] in [0] : vector<16xi32>, vector<16xi32> -> vector<16xi32>
      %add3A_1197 = arith.addi %rev3A_1196, %add3A_1178 : vector<16xi32>
      %swap3A_1198 = arith.constant 112 : index
      %swap3A_1199 = tpu.vector_load %arg12[%swap3A_1198] {strides = array<i32>} : memref<256xi32, #tpu.memory_space<vmem>>, vector<16xi32>,
      tpu.vector_store %arg12[%swap3A_1198], %add3A_1197 {strides = array<i32>} : memref<256xi32, #tpu.memory_space<vmem>>, vector<16xi32>,
      %reduce_sum3A_1200 = arith.constant true
      %reduce_sum3A_1201 = vector.broadcast %reduce_sum3A_1200 : i1 to vector<16xi1>
      %reduce_sum3A_1202 = tpu.scan <sum>, %get3A_1183 masked %reduce_sum3A_1201 : vector<16xi32>, vector<16xi1> -> vector<16xi32>
      %reduce_sum3A_1203 = vector.extract %reduce_sum3A_1202[15] : i32 from vector<16xi32>
      %add3A_1204 = vector.broadcast %reduce_sum3A_1203 : i32 to vector<16xi32>
      %add3A_1205 = arith.addi %add3A_1178, %add3A_1204 : vector<16xi32>
      %ge3A_1206 = arith.cmpi sge, %add3A_1197, %sub3A_937 : vector<16xi32>
      %all_reduce_population_count3A_1207 = tpu.all_reduce %ge3A_1206 {dim = 0 : i64, kind = #tpu.reduction_kind<sum>} : vector<16xi1> -> vector<16xi32>
      %add3A_1208 = arith.addi %add3A_1181, %all_reduce_population_count3A_1207 : vector<16xi32>
      %get3A_1209 = arith.constant 96 : index
      %get3A_1210 = tpu.vector_load %arg13[%get3A_1209] {strides = array<i32>} : memref<256xi32, #tpu.memory_space<vmem>>, vector<16xi32>,
      %rev3A_1211 = arith.constant 15 : i32
      %rev3A_1212 = vector.broadcast %rev3A_1211 : i32 to vector<16xi32>
      %rev3A_1213 = tpu.iota {dimensions = array<i32: 0>} : vector<16xi32>
      %rev3A_1214 = arith.subi %rev3A_1212, %rev3A_1213 : vector<16xi32>
      %rev3A_1215 = tpu.dynamic_gather %get3A_1210[%rev3A_1214] in [0] : vector<16xi32>, vector<16xi32> -> vector<16xi32>
      %broadcast_in_dim3A_1216 = arith.constant true
      %broadcast_in_dim3A_1217 = vector.broadcast %broadcast_in_dim3A_1216 : i1 to vector<16xi1>
      %masked_cumsum3A_1218 = tpu.scan <sum>, %rev3A_1215 masked %broadcast_in_dim3A_1217 : vector<16xi32>, vector<16xi1> -> vector<16xi32>
      %rev3A_1219 = arith.constant 15 : i32
      %rev3A_1220 = vector.broadcast %rev3A_1219 : i32 to vector<16xi32>
      %rev3A_1221 = tpu.iota {dimensions = array<i32: 0>} : vector<16xi32>
      %rev3A_1222 = arith.subi %rev3A_1220, %rev3A_1221 : vector<16xi32>
      %rev3A_1223 = tpu.dynamic_gather %masked_cumsum3A_1218[%rev3A_1222] in [0] : vector<16xi32>, vector<16xi32> -> vector<16xi32>
      %add3A_1224 = arith.addi %rev3A_1223, %add3A_1205 : vector<16xi32>
      %swap3A_1225 = arith.constant 96 : index
      %swap3A_1226 = tpu.vector_load %arg12[%swap3A_1225] {strides = array<i32>} : memref<256xi32, #tpu.memory_space<vmem>>, vector<16xi32>,
      tpu.vector_store %arg12[%swap3A_1225], %add3A_1224 {strides = array<i32>} : memref<256xi32, #tpu.memory_space<vmem>>, vector<16xi32>,
      %reduce_sum3A_1227 = arith.constant true
      %reduce_sum3A_1228 = vector.broadcast %reduce_sum3A_1227 : i1 to vector<16xi1>
      %reduce_sum3A_1229 = tpu.scan <sum>, %get3A_1210 masked %reduce_sum3A_1228 : vector<16xi32>, vector<16xi1> -> vector<16xi32>
      %reduce_sum3A_1230 = vector.extract %reduce_sum3A_1229[15] : i32 from vector<16xi32>
      %add3A_1231 = vector.broadcast %reduce_sum3A_1230 : i32 to vector<16xi32>
      %add3A_1232 = arith.addi %add3A_1205, %add3A_1231 : vector<16xi32>
      %ge3A_1233 = arith.cmpi sge, %add3A_1224, %sub3A_937 : vector<16xi32>
      %all_reduce_population_count3A_1234 = tpu.all_reduce %ge3A_1233 {dim = 0 : i64, kind = #tpu.reduction_kind<sum>} : vector<16xi1> -> vector<16xi32>
      %add3A_1235 = arith.addi %add3A_1208, %all_reduce_population_count3A_1234 : vector<16xi32>
      %get3A_1236 = arith.constant 80 : index
      %get3A_1237 = tpu.vector_load %arg13[%get3A_1236] {strides = array<i32>} : memref<256xi32, #tpu.memory_space<vmem>>, vector<16xi32>,
      %rev3A_1238 = arith.constant 15 : i32
      %rev3A_1239 = vector.broadcast %rev3A_1238 : i32 to vector<16xi32>
      %rev3A_1240 = tpu.iota {dimensions = array<i32: 0>} : vector<16xi32>
      %rev3A_1241 = arith.subi %rev3A_1239, %rev3A_1240 : vector<16xi32>
      %rev3A_1242 = tpu.dynamic_gather %get3A_1237[%rev3A_1241] in [0] : vector<16xi32>, vector<16xi32> -> vector<16xi32>
      %broadcast_in_dim3A_1243 = arith.constant true
      %broadcast_in_dim3A_1244 = vector.broadcast %broadcast_in_dim3A_1243 : i1 to vector<16xi1>
      %masked_cumsum3A_1245 = tpu.scan <sum>, %rev3A_1242 masked %broadcast_in_dim3A_1244 : vector<16xi32>, vector<16xi1> -> vector<16xi32>
      %rev3A_1246 = arith.constant 15 : i32
      %rev3A_1247 = vector.broadcast %rev3A_1246 : i32 to vector<16xi32>
      %rev3A_1248 = tpu.iota {dimensions = array<i32: 0>} : vector<16xi32>
      %rev3A_1249 = arith.subi %rev3A_1247, %rev3A_1248 : vector<16xi32>
      %rev3A_1250 = tpu.dynamic_gather %masked_cumsum3A_1245[%rev3A_1249] in [0] : vector<16xi32>, vector<16xi32> -> vector<16xi32>
      %add3A_1251 = arith.addi %rev3A_1250, %add3A_1232 : vector<16xi32>
      %swap3A_1252 = arith.constant 80 : index
      %swap3A_1253 = tpu.vector_load %arg12[%swap3A_1252] {strides = array<i32>} : memref<256xi32, #tpu.memory_space<vmem>>, vector<16xi32>,
      tpu.vector_store %arg12[%swap3A_1252], %add3A_1251 {strides = array<i32>} : memref<256xi32, #tpu.memory_space<vmem>>, vector<16xi32>,
      %reduce_sum3A_1254 = arith.constant true
      %reduce_sum3A_1255 = vector.broadcast %reduce_sum3A_1254 : i1 to vector<16xi1>
      %reduce_sum3A_1256 = tpu.scan <sum>, %get3A_1237 masked %reduce_sum3A_1255 : vector<16xi32>, vector<16xi1> -> vector<16xi32>
      %reduce_sum3A_1257 = vector.extract %reduce_sum3A_1256[15] : i32 from vector<16xi32>
      %add3A_1258 = vector.broadcast %reduce_sum3A_1257 : i32 to vector<16xi32>
      %add3A_1259 = arith.addi %add3A_1232, %add3A_1258 : vector<16xi32>
      %ge3A_1260 = arith.cmpi sge, %add3A_1251, %sub3A_937 : vector<16xi32>
      %all_reduce_population_count3A_1261 = tpu.all_reduce %ge3A_1260 {dim = 0 : i64, kind = #tpu.reduction_kind<sum>} : vector<16xi1> -> vector<16xi32>
      %add3A_1262 = arith.addi %add3A_1235, %all_reduce_population_count3A_1261 : vector<16xi32>
      %get3A_1263 = arith.constant 64 : index
      %get3A_1264 = tpu.vector_load %arg13[%get3A_1263] {strides = array<i32>} : memref<256xi32, #tpu.memory_space<vmem>>, vector<16xi32>,
      %rev3A_1265 = arith.constant 15 : i32
      %rev3A_1266 = vector.broadcast %rev3A_1265 : i32 to vector<16xi32>
      %rev3A_1267 = tpu.iota {dimensions = array<i32: 0>} : vector<16xi32>
      %rev3A_1268 = arith.subi %rev3A_1266, %rev3A_1267 : vector<16xi32>
      %rev3A_1269 = tpu.dynamic_gather %get3A_1264[%rev3A_1268] in [0] : vector<16xi32>, vector<16xi32> -> vector<16xi32>
      %broadcast_in_dim3A_1270 = arith.constant true
      %broadcast_in_dim3A_1271 = vector.broadcast %broadcast_in_dim3A_1270 : i1 to vector<16xi1>
      %masked_cumsum3A_1272 = tpu.scan <sum>, %rev3A_1269 masked %broadcast_in_dim3A_1271 : vector<16xi32>, vector<16xi1> -> vector<16xi32>
      %rev3A_1273 = arith.constant 15 : i32
      %rev3A_1274 = vector.broadcast %rev3A_1273 : i32 to vector<16xi32>
      %rev3A_1275 = tpu.iota {dimensions = array<i32: 0>} : vector<16xi32>
      %rev3A_1276 = arith.subi %rev3A_1274, %rev3A_1275 : vector<16xi32>
      %rev3A_1277 = tpu.dynamic_gather %masked_cumsum3A_1272[%rev3A_1276] in [0] : vector<16xi32>, vector<16xi32> -> vector<16xi32>
      %add3A_1278 = arith.addi %rev3A_1277, %add3A_1259 : vector<16xi32>
      %swap3A_1279 = arith.constant 64 : index
      %swap3A_1280 = tpu.vector_load %arg12[%swap3A_1279] {strides = array<i32>} : memref<256xi32, #tpu.memory_space<vmem>>, vector<16xi32>,
      tpu.vector_store %arg12[%swap3A_1279], %add3A_1278 {strides = array<i32>} : memref<256xi32, #tpu.memory_space<vmem>>, vector<16xi32>,
      %reduce_sum3A_1281 = arith.constant true
      %reduce_sum3A_1282 = vector.broadcast %reduce_sum3A_1281 : i1 to vector<16xi1>
      %reduce_sum3A_1283 = tpu.scan <sum>, %get3A_1264 masked %reduce_sum3A_1282 : vector<16xi32>, vector<16xi1> -> vector<16xi32>
      %reduce_sum3A_1284 = vector.extract %reduce_sum3A_1283[15] : i32 from vector<16xi32>
      %add3A_1285 = vector.broadcast %reduce_sum3A_1284 : i32 to vector<16xi32>
      %add3A_1286 = arith.addi %add3A_1259, %add3A_1285 : vector<16xi32>
      %ge3A_1287 = arith.cmpi sge, %add3A_1278, %sub3A_937 : vector<16xi32>
      %all_reduce_population_count3A_1288 = tpu.all_reduce %ge3A_1287 {dim = 0 : i64, kind = #tpu.reduction_kind<sum>} : vector<16xi1> -> vector<16xi32>
      %add3A_1289 = arith.addi %add3A_1262, %all_reduce_population_count3A_1288 : vector<16xi32>
      %get3A_1290 = arith.constant 48 : index
      %get3A_1291 = tpu.vector_load %arg13[%get3A_1290] {strides = array<i32>} : memref<256xi32, #tpu.memory_space<vmem>>, vector<16xi32>,
      %rev3A_1292 = arith.constant 15 : i32
      %rev3A_1293 = vector.broadcast %rev3A_1292 : i32 to vector<16xi32>
      %rev3A_1294 = tpu.iota {dimensions = array<i32: 0>} : vector<16xi32>
      %rev3A_1295 = arith.subi %rev3A_1293, %rev3A_1294 : vector<16xi32>
      %rev3A_1296 = tpu.dynamic_gather %get3A_1291[%rev3A_1295] in [0] : vector<16xi32>, vector<16xi32> -> vector<16xi32>
      %broadcast_in_dim3A_1297 = arith.constant true
      %broadcast_in_dim3A_1298 = vector.broadcast %broadcast_in_dim3A_1297 : i1 to vector<16xi1>
      %masked_cumsum3A_1299 = tpu.scan <sum>, %rev3A_1296 masked %broadcast_in_dim3A_1298 : vector<16xi32>, vector<16xi1> -> vector<16xi32>
      %rev3A_1300 = arith.constant 15 : i32
      %rev3A_1301 = vector.broadcast %rev3A_1300 : i32 to vector<16xi32>
      %rev3A_1302 = tpu.iota {dimensions = array<i32: 0>} : vector<16xi32>
      %rev3A_1303 = arith.subi %rev3A_1301, %rev3A_1302 : vector<16xi32>
      %rev3A_1304 = tpu.dynamic_gather %masked_cumsum3A_1299[%rev3A_1303] in [0] : vector<16xi32>, vector<16xi32> -> vector<16xi32>
      %add3A_1305 = arith.addi %rev3A_1304, %add3A_1286 : vector<16xi32>
      %swap3A_1306 = arith.constant 48 : index
      %swap3A_1307 = tpu.vector_load %arg12[%swap3A_1306] {strides = array<i32>} : memref<256xi32, #tpu.memory_space<vmem>>, vector<16xi32>,
      tpu.vector_store %arg12[%swap3A_1306], %add3A_1305 {strides = array<i32>} : memref<256xi32, #tpu.memory_space<vmem>>, vector<16xi32>,
      %reduce_sum3A_1308 = arith.constant true
      %reduce_sum3A_1309 = vector.broadcast %reduce_sum3A_1308 : i1 to vector<16xi1>
      %reduce_sum3A_1310 = tpu.scan <sum>, %get3A_1291 masked %reduce_sum3A_1309 : vector<16xi32>, vector<16xi1> -> vector<16xi32>
      %reduce_sum3A_1311 = vector.extract %reduce_sum3A_1310[15] : i32 from vector<16xi32>
      %add3A_1312 = vector.broadcast %reduce_sum3A_1311 : i32 to vector<16xi32>
      %add3A_1313 = arith.addi %add3A_1286, %add3A_1312 : vector<16xi32>
      %ge3A_1314 = arith.cmpi sge, %add3A_1305, %sub3A_937 : vector<16xi32>
      %all_reduce_population_count3A_1315 = tpu.all_reduce %ge3A_1314 {dim = 0 : i64, kind = #tpu.reduction_kind<sum>} : vector<16xi1> -> vector<16xi32>
      %add3A_1316 = arith.addi %add3A_1289, %all_reduce_population_count3A_1315 : vector<16xi32>
      %get3A_1317 = arith.constant 32 : index
      %get3A_1318 = tpu.vector_load %arg13[%get3A_1317] {strides = array<i32>} : memref<256xi32, #tpu.memory_space<vmem>>, vector<16xi32>,
      %rev3A_1319 = arith.constant 15 : i32
      %rev3A_1320 = vector.broadcast %rev3A_1319 : i32 to vector<16xi32>
      %rev3A_1321 = tpu.iota {dimensions = array<i32: 0>} : vector<16xi32>
      %rev3A_1322 = arith.subi %rev3A_1320, %rev3A_1321 : vector<16xi32>
      %rev3A_1323 = tpu.dynamic_gather %get3A_1318[%rev3A_1322] in [0] : vector<16xi32>, vector<16xi32> -> vector<16xi32>
      %broadcast_in_dim3A_1324 = arith.constant true
      %broadcast_in_dim3A_1325 = vector.broadcast %broadcast_in_dim3A_1324 : i1 to vector<16xi1>
      %masked_cumsum3A_1326 = tpu.scan <sum>, %rev3A_1323 masked %broadcast_in_dim3A_1325 : vector<16xi32>, vector<16xi1> -> vector<16xi32>
      %rev3A_1327 = arith.constant 15 : i32
      %rev3A_1328 = vector.broadcast %rev3A_1327 : i32 to vector<16xi32>
      %rev3A_1329 = tpu.iota {dimensions = array<i32: 0>} : vector<16xi32>
      %rev3A_1330 = arith.subi %rev3A_1328, %rev3A_1329 : vector<16xi32>
      %rev3A_1331 = tpu.dynamic_gather %masked_cumsum3A_1326[%rev3A_1330] in [0] : vector<16xi32>, vector<16xi32> -> vector<16xi32>
      %add3A_1332 = arith.addi %rev3A_1331, %add3A_1313 : vector<16xi32>
      %swap3A_1333 = arith.constant 32 : index
      %swap3A_1334 = tpu.vector_load %arg12[%swap3A_1333] {strides = array<i32>} : memref<256xi32, #tpu.memory_space<vmem>>, vector<16xi32>,
      tpu.vector_store %arg12[%swap3A_1333], %add3A_1332 {strides = array<i32>} : memref<256xi32, #tpu.memory_space<vmem>>, vector<16xi32>,
      %reduce_sum3A_1335 = arith.constant true
      %reduce_sum3A_1336 = vector.broadcast %reduce_sum3A_1335 : i1 to vector<16xi1>
      %reduce_sum3A_1337 = tpu.scan <sum>, %get3A_1318 masked %reduce_sum3A_1336 : vector<16xi32>, vector<16xi1> -> vector<16xi32>
      %reduce_sum3A_1338 = vector.extract %reduce_sum3A_1337[15] : i32 from vector<16xi32>
      %add3A_1339 = vector.broadcast %reduce_sum3A_1338 : i32 to vector<16xi32>
      %add3A_1340 = arith.addi %add3A_1313, %add3A_1339 : vector<16xi32>
      %ge3A_1341 = arith.cmpi sge, %add3A_1332, %sub3A_937 : vector<16xi32>
      %all_reduce_population_count3A_1342 = tpu.all_reduce %ge3A_1341 {dim = 0 : i64, kind = #tpu.reduction_kind<sum>} : vector<16xi1> -> vector<16xi32>
      %add3A_1343 = arith.addi %add3A_1316, %all_reduce_population_count3A_1342 : vector<16xi32>
      %get3A_1344 = arith.constant 16 : index
      %get3A_1345 = tpu.vector_load %arg13[%get3A_1344] {strides = array<i32>} : memref<256xi32, #tpu.memory_space<vmem>>, vector<16xi32>,
      %rev3A_1346 = arith.constant 15 : i32
      %rev3A_1347 = vector.broadcast %rev3A_1346 : i32 to vector<16xi32>
      %rev3A_1348 = tpu.iota {dimensions = array<i32: 0>} : vector<16xi32>
      %rev3A_1349 = arith.subi %rev3A_1347, %rev3A_1348 : vector<16xi32>
      %rev3A_1350 = tpu.dynamic_gather %get3A_1345[%rev3A_1349] in [0] : vector<16xi32>, vector<16xi32> -> vector<16xi32>
      %broadcast_in_dim3A_1351 = arith.constant true
      %broadcast_in_dim3A_1352 = vector.broadcast %broadcast_in_dim3A_1351 : i1 to vector<16xi1>
      %masked_cumsum3A_1353 = tpu.scan <sum>, %rev3A_1350 masked %broadcast_in_dim3A_1352 : vector<16xi32>, vector<16xi1> -> vector<16xi32>
      %rev3A_1354 = arith.constant 15 : i32
      %rev3A_1355 = vector.broadcast %rev3A_1354 : i32 to vector<16xi32>
      %rev3A_1356 = tpu.iota {dimensions = array<i32: 0>} : vector<16xi32>
      %rev3A_1357 = arith.subi %rev3A_1355, %rev3A_1356 : vector<16xi32>
      %rev3A_1358 = tpu.dynamic_gather %masked_cumsum3A_1353[%rev3A_1357] in [0] : vector<16xi32>, vector<16xi32> -> vector<16xi32>
      %add3A_1359 = arith.addi %rev3A_1358, %add3A_1340 : vector<16xi32>
      %swap3A_1360 = arith.constant 16 : index
      %swap3A_1361 = tpu.vector_load %arg12[%swap3A_1360] {strides = array<i32>} : memref<256xi32, #tpu.memory_space<vmem>>, vector<16xi32>,
      tpu.vector_store %arg12[%swap3A_1360], %add3A_1359 {strides = array<i32>} : memref<256xi32, #tpu.memory_space<vmem>>, vector<16xi32>,
      %reduce_sum3A_1362 = arith.constant true
      %reduce_sum3A_1363 = vector.broadcast %reduce_sum3A_1362 : i1 to vector<16xi1>
      %reduce_sum3A_1364 = tpu.scan <sum>, %get3A_1345 masked %reduce_sum3A_1363 : vector<16xi32>, vector<16xi1> -> vector<16xi32>
      %reduce_sum3A_1365 = vector.extract %reduce_sum3A_1364[15] : i32 from vector<16xi32>
      %add3A_1366 = vector.broadcast %reduce_sum3A_1365 : i32 to vector<16xi32>
      %add3A_1367 = arith.addi %add3A_1340, %add3A_1366 : vector<16xi32>
      %ge3A_1368 = arith.cmpi sge, %add3A_1359, %sub3A_937 : vector<16xi32>
      %all_reduce_population_count3A_1369 = tpu.all_reduce %ge3A_1368 {dim = 0 : i64, kind = #tpu.reduction_kind<sum>} : vector<16xi1> -> vector<16xi32>
      %add3A_1370 = arith.addi %add3A_1343, %all_reduce_population_count3A_1369 : vector<16xi32>
      %get3A_1371 = arith.constant 0 : index
      %get3A_1372 = tpu.vector_load %arg13[%get3A_1371] {strides = array<i32>} : memref<256xi32, #tpu.memory_space<vmem>>, vector<16xi32>,
      %rev3A_1373 = arith.constant 15 : i32
      %rev3A_1374 = vector.broadcast %rev3A_1373 : i32 to vector<16xi32>
      %rev3A_1375 = tpu.iota {dimensions = array<i32: 0>} : vector<16xi32>
      %rev3A_1376 = arith.subi %rev3A_1374, %rev3A_1375 : vector<16xi32>
      %rev3A_1377 = tpu.dynamic_gather %get3A_1372[%rev3A_1376] in [0] : vector<16xi32>, vector<16xi32> -> vector<16xi32>
      %broadcast_in_dim3A_1378 = arith.constant true
      %broadcast_in_dim3A_1379 = vector.broadcast %broadcast_in_dim3A_1378 : i1 to vector<16xi1>
      %masked_cumsum3A_1380 = tpu.scan <sum>, %rev3A_1377 masked %broadcast_in_dim3A_1379 : vector<16xi32>, vector<16xi1> -> vector<16xi32>
      %rev3A_1381 = arith.constant 15 : i32
      %rev3A_1382 = vector.broadcast %rev3A_1381 : i32 to vector<16xi32>
      %rev3A_1383 = tpu.iota {dimensions = array<i32: 0>} : vector<16xi32>
      %rev3A_1384 = arith.subi %rev3A_1382, %rev3A_1383 : vector<16xi32>
      %rev3A_1385 = tpu.dynamic_gather %masked_cumsum3A_1380[%rev3A_1384] in [0] : vector<16xi32>, vector<16xi32> -> vector<16xi32>
      %add3A_1386 = arith.addi %rev3A_1385, %add3A_1367 : vector<16xi32>
      %swap3A_1387 = arith.constant 0 : index
      %swap3A_1388 = tpu.vector_load %arg12[%swap3A_1387] {strides = array<i32>} : memref<256xi32, #tpu.memory_space<vmem>>, vector<16xi32>,
      tpu.vector_store %arg12[%swap3A_1387], %add3A_1386 {strides = array<i32>} : memref<256xi32, #tpu.memory_space<vmem>>, vector<16xi32>,
      %reduce_sum3A_1389 = arith.constant true
      %reduce_sum3A_1390 = vector.broadcast %reduce_sum3A_1389 : i1 to vector<16xi1>
      %reduce_sum3A_1391 = tpu.scan <sum>, %get3A_1372 masked %reduce_sum3A_1390 : vector<16xi32>, vector<16xi1> -> vector<16xi32>
      %reduce_sum3A_1392 = vector.extract %reduce_sum3A_1391[15] : i32 from vector<16xi32>
      %add3A_1393 = vector.broadcast %reduce_sum3A_1392 : i32 to vector<16xi32>
      %add3A_1394 = arith.addi %add3A_1367, %add3A_1393 : vector<16xi32>
      %ge3A_1395 = arith.cmpi sge, %add3A_1386, %sub3A_937 : vector<16xi32>
      %all_reduce_population_count3A_1396 = tpu.all_reduce %ge3A_1395 {dim = 0 : i64, kind = #tpu.reduction_kind<sum>} : vector<16xi1> -> vector<16xi32>
      %add3A_1397 = arith.addi %add3A_1370, %all_reduce_population_count3A_1396 : vector<16xi32>
      %sub3A_1398 = arith.constant 1 : i32
      %sub3A_1399 = vector.broadcast %sub3A_1398 : i32 to vector<16xi32>
      %sub3A_1400 = arith.subi %add3A_1397, %sub3A_1399 : vector<16xi32>
      %gather3A_1401 = tpu.vector_load_idx %arg12[%sub3A_1400] : memref<256xi32, #tpu.memory_space<vmem>>[vector<16xi32>], vector<16xi32>,
      %gather3A_1402 = tpu.vector_load_idx %arg13[%sub3A_1400] : memref<256xi32, #tpu.memory_space<vmem>>[vector<16xi32>], vector<16xi32>,
      %sub3A_1403 = arith.subi %gather3A_1401, %gather3A_1402 : vector<16xi32>
      %sub3A_1404 = arith.subi %sub3A_937, %sub3A_1403 : vector<16xi32>
      %shift_left3A_1405 = arith.constant 8 : i32
      %shift_left3A_1406 = vector.broadcast %shift_left3A_1405 : i32 to vector<16xi32>
      %shift_left3A_1407 = arith.shli %sub3A_1400, %shift_left3A_1406 : vector<16xi32>
      %or3A_1408 = arith.ori %or3A_941, %shift_left3A_1407 : vector<16xi32>
      %scan3A_1409 = arith.constant 0 : i32
      %scan3A_1410 = arith.constant -256 : i32
      %scan3A_1411 = arith.constant 0 : i32
      %scan3A_1412 = arith.constant 16 : i32
      %scan3A_1413 = arith.addi %scan3A_1411, %scan3A_1412 : i32
      %scan3A_1414 = arith.constant 1 : i32
      scf.for %scan3A_2025 = %scan3A_1411 to %scan3A_1413 step %scan3A_1414  : i32 {
        %mul3A_2026 = arith.constant 4 : i32
        %mul3A_2027 = arith.muli %scan3A_2025, %mul3A_2026 : i32
        %add3A_2028 = arith.constant 0 : i32
        %add3A_2029 = arith.addi %mul3A_2027, %add3A_2028 : i32
        %mul3A_2030 = arith.constant 16 : i32
        %mul3A_2031 = arith.muli %add3A_2029, %mul3A_2030 : i32
        %get3A_2032 = arith.index_cast %mul3A_2031 : i32 to index
        %get3A_2033 = tpu.vector_load %arg9[%get3A_2032] {strides = array<i32>} : memref<1024xi32, #tpu.memory_space<vmem>>, vector<16xi32>,
        %and3A = vector.broadcast %scan3A_1410 : i32 to vector<16xi32>
        %and3A_2034 = arith.andi %get3A_2033, %and3A : vector<16xi32>
        %and3A_2035 = vector.broadcast %scan3A_1410 : i32 to vector<16xi32>
        %and3A_2036 = arith.andi %or3A_1408, %and3A_2035 : vector<16xi32>
        %eq3A_2037 = arith.cmpi eq, %and3A_2034, %and3A_2036 : vector<16xi32>
        %shift_right_logical3A = arith.constant 0 : i32
        %shift_right_logical3A_2038 = vector.broadcast %shift_right_logical3A : i32 to vector<16xi32>
        %shift_right_logical3A_2039 = arith.shrui %get3A_2033, %shift_right_logical3A_2038 : vector<16xi32>
        %and3A_2040 = arith.constant 255 : i32
        %and3A_2041 = vector.broadcast %and3A_2040 : i32 to vector<16xi32>
        %and3A_2042 = arith.andi %shift_right_logical3A_2039, %and3A_2041 : vector<16xi32>
        tpu.vector_store_idx %arg10[%and3A_2042], %broadcast_in_dim3A_7 masked %eq3A_2037 {add = true} : memref<256xi32, #tpu.memory_space<vmem>>[vector<16xi32>], vector<16xi32>, vector<16xi1>
        %mul3A_2043 = arith.constant 4 : i32
        %mul3A_2044 = arith.muli %scan3A_2025, %mul3A_2043 : i32
        %add3A_2045 = arith.constant 1 : i32
        %add3A_2046 = arith.addi %mul3A_2044, %add3A_2045 : i32
        %mul3A_2047 = arith.constant 16 : i32
        %mul3A_2048 = arith.muli %add3A_2046, %mul3A_2047 : i32
        %get3A_2049 = arith.index_cast %mul3A_2048 : i32 to index
        %get3A_2050 = tpu.vector_load %arg9[%get3A_2049] {strides = array<i32>} : memref<1024xi32, #tpu.memory_space<vmem>>, vector<16xi32>,
        %and3A_2051 = vector.broadcast %scan3A_1410 : i32 to vector<16xi32>
        %and3A_2052 = arith.andi %get3A_2050, %and3A_2051 : vector<16xi32>
        %and3A_2053 = vector.broadcast %scan3A_1410 : i32 to vector<16xi32>
        %and3A_2054 = arith.andi %or3A_1408, %and3A_2053 : vector<16xi32>
        %eq3A_2055 = arith.cmpi eq, %and3A_2052, %and3A_2054 : vector<16xi32>
        %shift_right_logical3A_2056 = arith.constant 0 : i32
        %shift_right_logical3A_2057 = vector.broadcast %shift_right_logical3A_2056 : i32 to vector<16xi32>
        %shift_right_logical3A_2058 = arith.shrui %get3A_2050, %shift_right_logical3A_2057 : vector<16xi32>
        %and3A_2059 = arith.constant 255 : i32
        %and3A_2060 = vector.broadcast %and3A_2059 : i32 to vector<16xi32>
        %and3A_2061 = arith.andi %shift_right_logical3A_2058, %and3A_2060 : vector<16xi32>
        tpu.vector_store_idx %arg10[%and3A_2061], %broadcast_in_dim3A_7 masked %eq3A_2055 {add = true} : memref<256xi32, #tpu.memory_space<vmem>>[vector<16xi32>], vector<16xi32>, vector<16xi1>
        %mul3A_2062 = arith.constant 4 : i32
        %mul3A_2063 = arith.muli %scan3A_2025, %mul3A_2062 : i32
        %add3A_2064 = arith.constant 2 : i32
        %add3A_2065 = arith.addi %mul3A_2063, %add3A_2064 : i32
        %mul3A_2066 = arith.constant 16 : i32
        %mul3A_2067 = arith.muli %add3A_2065, %mul3A_2066 : i32
        %get3A_2068 = arith.index_cast %mul3A_2067 : i32 to index
        %get3A_2069 = tpu.vector_load %arg9[%get3A_2068] {strides = array<i32>} : memref<1024xi32, #tpu.memory_space<vmem>>, vector<16xi32>,
        %and3A_2070 = vector.broadcast %scan3A_1410 : i32 to vector<16xi32>
        %and3A_2071 = arith.andi %get3A_2069, %and3A_2070 : vector<16xi32>
        %and3A_2072 = vector.broadcast %scan3A_1410 : i32 to vector<16xi32>
        %and3A_2073 = arith.andi %or3A_1408, %and3A_2072 : vector<16xi32>
        %eq3A_2074 = arith.cmpi eq, %and3A_2071, %and3A_2073 : vector<16xi32>
        %shift_right_logical3A_2075 = arith.constant 0 : i32
        %shift_right_logical3A_2076 = vector.broadcast %shift_right_logical3A_2075 : i32 to vector<16xi32>
        %shift_right_logical3A_2077 = arith.shrui %get3A_2069, %shift_right_logical3A_2076 : vector<16xi32>
        %and3A_2078 = arith.constant 255 : i32
        %and3A_2079 = vector.broadcast %and3A_2078 : i32 to vector<16xi32>
        %and3A_2080 = arith.andi %shift_right_logical3A_2077, %and3A_2079 : vector<16xi32>
        tpu.vector_store_idx %arg10[%and3A_2080], %broadcast_in_dim3A_7 masked %eq3A_2074 {add = true} : memref<256xi32, #tpu.memory_space<vmem>>[vector<16xi32>], vector<16xi32>, vector<16xi1>
        %mul3A_2081 = arith.constant 4 : i32
        %mul3A_2082 = arith.muli %scan3A_2025, %mul3A_2081 : i32
        %add3A_2083 = arith.constant 3 : i32
        %add3A_2084 = arith.addi %mul3A_2082, %add3A_2083 : i32
        %mul3A_2085 = arith.constant 16 : i32
        %mul3A_2086 = arith.muli %add3A_2084, %mul3A_2085 : i32
        %get3A_2087 = arith.index_cast %mul3A_2086 : i32 to index
        %get3A_2088 = tpu.vector_load %arg9[%get3A_2087] {strides = array<i32>} : memref<1024xi32, #tpu.memory_space<vmem>>, vector<16xi32>,
        %and3A_2089 = vector.broadcast %scan3A_1410 : i32 to vector<16xi32>
        %and3A_2090 = arith.andi %get3A_2088, %and3A_2089 : vector<16xi32>
        %and3A_2091 = vector.broadcast %scan3A_1410 : i32 to vector<16xi32>
        %and3A_2092 = arith.andi %or3A_1408, %and3A_2091 : vector<16xi32>
        %eq3A_2093 = arith.cmpi eq, %and3A_2090, %and3A_2092 : vector<16xi32>
        %shift_right_logical3A_2094 = arith.constant 0 : i32
        %shift_right_logical3A_2095 = vector.broadcast %shift_right_logical3A_2094 : i32 to vector<16xi32>
        %shift_right_logical3A_2096 = arith.shrui %get3A_2088, %shift_right_logical3A_2095 : vector<16xi32>
        %and3A_2097 = arith.constant 255 : i32
        %and3A_2098 = vector.broadcast %and3A_2097 : i32 to vector<16xi32>
        %and3A_2099 = arith.andi %shift_right_logical3A_2096, %and3A_2098 : vector<16xi32>
        tpu.vector_store_idx %arg10[%and3A_2099], %broadcast_in_dim3A_7 masked %eq3A_2093 {add = true} : memref<256xi32, #tpu.memory_space<vmem>>[vector<16xi32>], vector<16xi32>, vector<16xi1>
      }
      %scan3A_1415 = arith.constant 16 : i32
      %mul3A_1416 = arith.constant 256 : i32
      %mul3A_1417 = arith.muli %arg1, %mul3A_1416 : i32
      %add3A_1418 = arith.constant 4096 : i32
      %add3A_1419 = arith.addi %add3A_1418, %mul3A_1417 : i32
      "tpu.region"() ({
        %run_scoped3A = tpu.sem_alloc : memref<!tpu.dma_semaphore, #tpu.memory_space<semaphore_mem>>
        %dma_start3A = tpu.memref_slice %arg16[%add3A_1419] : memref<8192xi32, #tpu.memory_space<vmem_shared>> -> memref<256xi32, #tpu.memory_space<vmem_shared>>
        %dma_start3A_2025 = tpu.memref_slice %arg16[%add3A_1419] : memref<8192xi32, #tpu.memory_space<vmem_shared>> -> memref<256xi32, #tpu.memory_space<vmem_shared>>
        tpu.enqueue_dma source(%arg10 : memref<256xi32, #tpu.memory_space<vmem>>) target(%dma_start3A_2025 : memref<256xi32, #tpu.memory_space<vmem_shared>>) target_semaphore(%run_scoped3A : memref<!tpu.dma_semaphore, #tpu.memory_space<semaphore_mem>>)
        %dma_wait3A = tpu.memref_slice %arg16[%add3A_1419] : memref<8192xi32, #tpu.memory_space<vmem_shared>> -> memref<256xi32, #tpu.memory_space<vmem_shared>>
        %dma_wait3A_2026 = tpu.memref_slice %arg16[%add3A_1419] : memref<8192xi32, #tpu.memory_space<vmem_shared>> -> memref<256xi32, #tpu.memory_space<vmem_shared>>
        tpu.wait_dma2 semaphore(%run_scoped3A : memref<!tpu.dma_semaphore, #tpu.memory_space<semaphore_mem>>) src(%arg10 : memref<256xi32, #tpu.memory_space<vmem>>) dst(%dma_wait3A_2026 : memref<256xi32, #tpu.memory_space<vmem_shared>>)
        tpu.yield
      }) : () -> ()
      %scan3A_1420 = arith.constant 0 : i32
      %scan3A_1421 = arith.constant 0 : i32
      %scan3A_1422 = arith.constant 16 : i32
      %scan3A_1423 = arith.addi %scan3A_1421, %scan3A_1422 : i32
      %scan3A_1424 = arith.constant 1 : i32
      scf.for %scan3A_2025 = %scan3A_1421 to %scan3A_1423 step %scan3A_1424  : i32 {
        %mul3A_2026 = arith.constant 16 : i32
        %mul3A_2027 = arith.muli %scan3A_2025, %mul3A_2026 : i32
        %swap3A_2028 = arith.index_cast %mul3A_2027 : i32 to index
        %swap3A_2029 = tpu.vector_load %arg10[%swap3A_2028] {strides = array<i32>} : memref<256xi32, #tpu.memory_space<vmem>>, vector<16xi32>,
        tpu.vector_store %arg10[%swap3A_2028], %broadcast_in_dim3A_3 {strides = array<i32>} : memref<256xi32, #tpu.memory_space<vmem>>, vector<16xi32>,
      }
      %scan3A_1425 = arith.constant 16 : i32
      %barrier3A_1426 = arith.constant 0 : index
      tpu.barrier barrier_id(%barrier3A_1426)
      "tpu.region"() ({
        %run_scoped3A = tpu.sem_alloc : memref<!tpu.dma_semaphore, #tpu.memory_space<semaphore_mem>>
        %dma_start3A = arith.constant 4096 : i32
        %dma_start3A_2025 = tpu.memref_slice %arg16[%dma_start3A] : memref<8192xi32, #tpu.memory_space<vmem_shared>> -> memref<4096xi32, #tpu.memory_space<vmem_shared>>
        %dma_start3A_2026 = arith.constant 4096 : i32
        %dma_start3A_2027 = tpu.memref_slice %arg16[%dma_start3A_2026] : memref<8192xi32, #tpu.memory_space<vmem_shared>> -> memref<4096xi32, #tpu.memory_space<vmem_shared>>
        tpu.enqueue_dma source(%dma_start3A_2027 : memref<4096xi32, #tpu.memory_space<vmem_shared>>) target(%arg11 : memref<4096xi32, #tpu.memory_space<vmem>>) target_semaphore(%run_scoped3A : memref<!tpu.dma_semaphore, #tpu.memory_space<semaphore_mem>>)
        %dma_wait3A = arith.constant 4096 : i32
        %dma_wait3A_2028 = tpu.memref_slice %arg16[%dma_wait3A] : memref<8192xi32, #tpu.memory_space<vmem_shared>> -> memref<4096xi32, #tpu.memory_space<vmem_shared>>
        %dma_wait3A_2029 = arith.constant 4096 : i32
        %dma_wait3A_2030 = tpu.memref_slice %arg16[%dma_wait3A_2029] : memref<8192xi32, #tpu.memory_space<vmem_shared>> -> memref<4096xi32, #tpu.memory_space<vmem_shared>>
        tpu.wait_dma2 semaphore(%run_scoped3A : memref<!tpu.dma_semaphore, #tpu.memory_space<semaphore_mem>>) src(%dma_wait3A_2030 : memref<4096xi32, #tpu.memory_space<vmem_shared>>) dst(%arg11 : memref<4096xi32, #tpu.memory_space<vmem>>)
        tpu.yield
      }) : () -> ()
      %scan3A_1427 = arith.constant 0 : i32
      %scan3A_1428 = arith.constant 0 : i32
      %scan3A_1429 = arith.constant 16 : i32
      %scan3A_1430 = arith.addi %scan3A_1428, %scan3A_1429 : i32
      %scan3A_1431 = arith.constant 1 : i32
      scf.for %scan3A_2025 = %scan3A_1428 to %scan3A_1430 step %scan3A_1431  : i32 {
        %mul3A_2026 = arith.constant 16 : i32
        %mul3A_2027 = arith.muli %scan3A_2025, %mul3A_2026 : i32
        %add3A_2028 = arith.constant 0 : i32
        %add3A_2029 = arith.addi %add3A_2028, %mul3A_2027 : i32
        %get3A_2030 = arith.index_cast %add3A_2029 : i32 to index
        %get3A_2031 = tpu.vector_load %arg11[%get3A_2030] {strides = array<i32>} : memref<4096xi32, #tpu.memory_space<vmem>>, vector<16xi32>,
        %add3A_2032 = arith.addi %broadcast_in_dim3A_3, %get3A_2031 : vector<16xi32>
        %mul3A_2033 = arith.constant 16 : i32
        %mul3A_2034 = arith.muli %scan3A_2025, %mul3A_2033 : i32
        %add3A_2035 = arith.constant 256 : i32
        %add3A_2036 = arith.addi %add3A_2035, %mul3A_2034 : i32
        %get3A_2037 = arith.index_cast %add3A_2036 : i32 to index
        %get3A_2038 = tpu.vector_load %arg11[%get3A_2037] {strides = array<i32>} : memref<4096xi32, #tpu.memory_space<vmem>>, vector<16xi32>,
        %add3A_2039 = arith.addi %add3A_2032, %get3A_2038 : vector<16xi32>
        %mul3A_2040 = arith.constant 16 : i32
        %mul3A_2041 = arith.muli %scan3A_2025, %mul3A_2040 : i32
        %add3A_2042 = arith.constant 512 : i32
        %add3A_2043 = arith.addi %add3A_2042, %mul3A_2041 : i32
        %get3A_2044 = arith.index_cast %add3A_2043 : i32 to index
        %get3A_2045 = tpu.vector_load %arg11[%get3A_2044] {strides = array<i32>} : memref<4096xi32, #tpu.memory_space<vmem>>, vector<16xi32>,
        %add3A_2046 = arith.addi %add3A_2039, %get3A_2045 : vector<16xi32>
        %mul3A_2047 = arith.constant 16 : i32
        %mul3A_2048 = arith.muli %scan3A_2025, %mul3A_2047 : i32
        %add3A_2049 = arith.constant 768 : i32
        %add3A_2050 = arith.addi %add3A_2049, %mul3A_2048 : i32
        %get3A_2051 = arith.index_cast %add3A_2050 : i32 to index
        %get3A_2052 = tpu.vector_load %arg11[%get3A_2051] {strides = array<i32>} : memref<4096xi32, #tpu.memory_space<vmem>>, vector<16xi32>,
        %add3A_2053 = arith.addi %add3A_2046, %get3A_2052 : vector<16xi32>
        %mul3A_2054 = arith.constant 16 : i32
        %mul3A_2055 = arith.muli %scan3A_2025, %mul3A_2054 : i32
        %add3A_2056 = arith.constant 1024 : i32
        %add3A_2057 = arith.addi %add3A_2056, %mul3A_2055 : i32
        %get3A_2058 = arith.index_cast %add3A_2057 : i32 to index
        %get3A_2059 = tpu.vector_load %arg11[%get3A_2058] {strides = array<i32>} : memref<4096xi32, #tpu.memory_space<vmem>>, vector<16xi32>,
        %add3A_2060 = arith.addi %add3A_2053, %get3A_2059 : vector<16xi32>
        %mul3A_2061 = arith.constant 16 : i32
        %mul3A_2062 = arith.muli %scan3A_2025, %mul3A_2061 : i32
        %add3A_2063 = arith.constant 1280 : i32
        %add3A_2064 = arith.addi %add3A_2063, %mul3A_2062 : i32
        %get3A_2065 = arith.index_cast %add3A_2064 : i32 to index
        %get3A_2066 = tpu.vector_load %arg11[%get3A_2065] {strides = array<i32>} : memref<4096xi32, #tpu.memory_space<vmem>>, vector<16xi32>,
        %add3A_2067 = arith.addi %add3A_2060, %get3A_2066 : vector<16xi32>
        %mul3A_2068 = arith.constant 16 : i32
        %mul3A_2069 = arith.muli %scan3A_2025, %mul3A_2068 : i32
        %add3A_2070 = arith.constant 1536 : i32
        %add3A_2071 = arith.addi %add3A_2070, %mul3A_2069 : i32
        %get3A_2072 = arith.index_cast %add3A_2071 : i32 to index
        %get3A_2073 = tpu.vector_load %arg11[%get3A_2072] {strides = array<i32>} : memref<4096xi32, #tpu.memory_space<vmem>>, vector<16xi32>,
        %add3A_2074 = arith.addi %add3A_2067, %get3A_2073 : vector<16xi32>
        %mul3A_2075 = arith.constant 16 : i32
        %mul3A_2076 = arith.muli %scan3A_2025, %mul3A_2075 : i32
        %add3A_2077 = arith.constant 1792 : i32
        %add3A_2078 = arith.addi %add3A_2077, %mul3A_2076 : i32
        %get3A_2079 = arith.index_cast %add3A_2078 : i32 to index
        %get3A_2080 = tpu.vector_load %arg11[%get3A_2079] {strides = array<i32>} : memref<4096xi32, #tpu.memory_space<vmem>>, vector<16xi32>,
        %add3A_2081 = arith.addi %add3A_2074, %get3A_2080 : vector<16xi32>
        %mul3A_2082 = arith.constant 16 : i32
        %mul3A_2083 = arith.muli %scan3A_2025, %mul3A_2082 : i32
        %add3A_2084 = arith.constant 2048 : i32
        %add3A_2085 = arith.addi %add3A_2084, %mul3A_2083 : i32
        %get3A_2086 = arith.index_cast %add3A_2085 : i32 to index
        %get3A_2087 = tpu.vector_load %arg11[%get3A_2086] {strides = array<i32>} : memref<4096xi32, #tpu.memory_space<vmem>>, vector<16xi32>,
        %add3A_2088 = arith.addi %add3A_2081, %get3A_2087 : vector<16xi32>
        %mul3A_2089 = arith.constant 16 : i32
        %mul3A_2090 = arith.muli %scan3A_2025, %mul3A_2089 : i32
        %add3A_2091 = arith.constant 2304 : i32
        %add3A_2092 = arith.addi %add3A_2091, %mul3A_2090 : i32
        %get3A_2093 = arith.index_cast %add3A_2092 : i32 to index
        %get3A_2094 = tpu.vector_load %arg11[%get3A_2093] {strides = array<i32>} : memref<4096xi32, #tpu.memory_space<vmem>>, vector<16xi32>,
        %add3A_2095 = arith.addi %add3A_2088, %get3A_2094 : vector<16xi32>
        %mul3A_2096 = arith.constant 16 : i32
        %mul3A_2097 = arith.muli %scan3A_2025, %mul3A_2096 : i32
        %add3A_2098 = arith.constant 2560 : i32
        %add3A_2099 = arith.addi %add3A_2098, %mul3A_2097 : i32
        %get3A_2100 = arith.index_cast %add3A_2099 : i32 to index
        %get3A_2101 = tpu.vector_load %arg11[%get3A_2100] {strides = array<i32>} : memref<4096xi32, #tpu.memory_space<vmem>>, vector<16xi32>,
        %add3A_2102 = arith.addi %add3A_2095, %get3A_2101 : vector<16xi32>
        %mul3A_2103 = arith.constant 16 : i32
        %mul3A_2104 = arith.muli %scan3A_2025, %mul3A_2103 : i32
        %add3A_2105 = arith.constant 2816 : i32
        %add3A_2106 = arith.addi %add3A_2105, %mul3A_2104 : i32
        %get3A_2107 = arith.index_cast %add3A_2106 : i32 to index
        %get3A_2108 = tpu.vector_load %arg11[%get3A_2107] {strides = array<i32>} : memref<4096xi32, #tpu.memory_space<vmem>>, vector<16xi32>,
        %add3A_2109 = arith.addi %add3A_2102, %get3A_2108 : vector<16xi32>
        %mul3A_2110 = arith.constant 16 : i32
        %mul3A_2111 = arith.muli %scan3A_2025, %mul3A_2110 : i32
        %add3A_2112 = arith.constant 3072 : i32
        %add3A_2113 = arith.addi %add3A_2112, %mul3A_2111 : i32
        %get3A_2114 = arith.index_cast %add3A_2113 : i32 to index
        %get3A_2115 = tpu.vector_load %arg11[%get3A_2114] {strides = array<i32>} : memref<4096xi32, #tpu.memory_space<vmem>>, vector<16xi32>,
        %add3A_2116 = arith.addi %add3A_2109, %get3A_2115 : vector<16xi32>
        %mul3A_2117 = arith.constant 16 : i32
        %mul3A_2118 = arith.muli %scan3A_2025, %mul3A_2117 : i32
        %add3A_2119 = arith.constant 3328 : i32
        %add3A_2120 = arith.addi %add3A_2119, %mul3A_2118 : i32
        %get3A_2121 = arith.index_cast %add3A_2120 : i32 to index
        %get3A_2122 = tpu.vector_load %arg11[%get3A_2121] {strides = array<i32>} : memref<4096xi32, #tpu.memory_space<vmem>>, vector<16xi32>,
        %add3A_2123 = arith.addi %add3A_2116, %get3A_2122 : vector<16xi32>
        %mul3A_2124 = arith.constant 16 : i32
        %mul3A_2125 = arith.muli %scan3A_2025, %mul3A_2124 : i32
        %add3A_2126 = arith.constant 3584 : i32
        %add3A_2127 = arith.addi %add3A_2126, %mul3A_2125 : i32
        %get3A_2128 = arith.index_cast %add3A_2127 : i32 to index
        %get3A_2129 = tpu.vector_load %arg11[%get3A_2128] {strides = array<i32>} : memref<4096xi32, #tpu.memory_space<vmem>>, vector<16xi32>,
        %add3A_2130 = arith.addi %add3A_2123, %get3A_2129 : vector<16xi32>
        %mul3A_2131 = arith.constant 16 : i32
        %mul3A_2132 = arith.muli %scan3A_2025, %mul3A_2131 : i32
        %add3A_2133 = arith.constant 3840 : i32
        %add3A_2134 = arith.addi %add3A_2133, %mul3A_2132 : i32
        %get3A_2135 = arith.index_cast %add3A_2134 : i32 to index
        %get3A_2136 = tpu.vector_load %arg11[%get3A_2135] {strides = array<i32>} : memref<4096xi32, #tpu.memory_space<vmem>>, vector<16xi32>,
        %add3A_2137 = arith.addi %add3A_2130, %get3A_2136 : vector<16xi32>
        %mul3A_2138 = arith.constant 16 : i32
        %mul3A_2139 = arith.muli %scan3A_2025, %mul3A_2138 : i32
        %swap3A_2140 = arith.index_cast %mul3A_2139 : i32 to index
        %swap3A_2141 = tpu.vector_load %arg13[%swap3A_2140] {strides = array<i32>} : memref<256xi32, #tpu.memory_space<vmem>>, vector<16xi32>,
        tpu.vector_store %arg13[%swap3A_2140], %add3A_2137 {strides = array<i32>} : memref<256xi32, #tpu.memory_space<vmem>>, vector<16xi32>,
      }
      %scan3A_1432 = arith.constant 16 : i32
      %get3A_1433 = arith.constant 240 : index
      %get3A_1434 = tpu.vector_load %arg13[%get3A_1433] {strides = array<i32>} : memref<256xi32, #tpu.memory_space<vmem>>, vector<16xi32>,
      %rev3A_1435 = arith.constant 15 : i32
      %rev3A_1436 = vector.broadcast %rev3A_1435 : i32 to vector<16xi32>
      %rev3A_1437 = tpu.iota {dimensions = array<i32: 0>} : vector<16xi32>
      %rev3A_1438 = arith.subi %rev3A_1436, %rev3A_1437 : vector<16xi32>
      %rev3A_1439 = tpu.dynamic_gather %get3A_1434[%rev3A_1438] in [0] : vector<16xi32>, vector<16xi32> -> vector<16xi32>
      %broadcast_in_dim3A_1440 = arith.constant true
      %broadcast_in_dim3A_1441 = vector.broadcast %broadcast_in_dim3A_1440 : i1 to vector<16xi1>
      %masked_cumsum3A_1442 = tpu.scan <sum>, %rev3A_1439 masked %broadcast_in_dim3A_1441 : vector<16xi32>, vector<16xi1> -> vector<16xi32>
      %rev3A_1443 = arith.constant 15 : i32
      %rev3A_1444 = vector.broadcast %rev3A_1443 : i32 to vector<16xi32>
      %rev3A_1445 = tpu.iota {dimensions = array<i32: 0>} : vector<16xi32>
      %rev3A_1446 = arith.subi %rev3A_1444, %rev3A_1445 : vector<16xi32>
      %rev3A_1447 = tpu.dynamic_gather %masked_cumsum3A_1442[%rev3A_1446] in [0] : vector<16xi32>, vector<16xi32> -> vector<16xi32>
      %add3A_1448 = arith.addi %rev3A_1447, %broadcast_in_dim3A_3 : vector<16xi32>
      %swap3A_1449 = arith.constant 240 : index
      %swap3A_1450 = tpu.vector_load %arg12[%swap3A_1449] {strides = array<i32>} : memref<256xi32, #tpu.memory_space<vmem>>, vector<16xi32>,
      tpu.vector_store %arg12[%swap3A_1449], %add3A_1448 {strides = array<i32>} : memref<256xi32, #tpu.memory_space<vmem>>, vector<16xi32>,
      %reduce_sum3A_1451 = arith.constant true
      %reduce_sum3A_1452 = vector.broadcast %reduce_sum3A_1451 : i1 to vector<16xi1>
      %reduce_sum3A_1453 = tpu.scan <sum>, %get3A_1434 masked %reduce_sum3A_1452 : vector<16xi32>, vector<16xi1> -> vector<16xi32>
      %reduce_sum3A_1454 = vector.extract %reduce_sum3A_1453[15] : i32 from vector<16xi32>
      %add3A_1455 = vector.broadcast %reduce_sum3A_1454 : i32 to vector<16xi32>
      %add3A_1456 = arith.addi %broadcast_in_dim3A_3, %add3A_1455 : vector<16xi32>
      %ge3A_1457 = arith.cmpi sge, %add3A_1448, %sub3A_1404 : vector<16xi32>
      %all_reduce_population_count3A_1458 = tpu.all_reduce %ge3A_1457 {dim = 0 : i64, kind = #tpu.reduction_kind<sum>} : vector<16xi1> -> vector<16xi32>
      %add3A_1459 = arith.addi %broadcast_in_dim3A_3, %all_reduce_population_count3A_1458 : vector<16xi32>
      %get3A_1460 = arith.constant 224 : index
      %get3A_1461 = tpu.vector_load %arg13[%get3A_1460] {strides = array<i32>} : memref<256xi32, #tpu.memory_space<vmem>>, vector<16xi32>,
      %rev3A_1462 = arith.constant 15 : i32
      %rev3A_1463 = vector.broadcast %rev3A_1462 : i32 to vector<16xi32>
      %rev3A_1464 = tpu.iota {dimensions = array<i32: 0>} : vector<16xi32>
      %rev3A_1465 = arith.subi %rev3A_1463, %rev3A_1464 : vector<16xi32>
      %rev3A_1466 = tpu.dynamic_gather %get3A_1461[%rev3A_1465] in [0] : vector<16xi32>, vector<16xi32> -> vector<16xi32>
      %broadcast_in_dim3A_1467 = arith.constant true
      %broadcast_in_dim3A_1468 = vector.broadcast %broadcast_in_dim3A_1467 : i1 to vector<16xi1>
      %masked_cumsum3A_1469 = tpu.scan <sum>, %rev3A_1466 masked %broadcast_in_dim3A_1468 : vector<16xi32>, vector<16xi1> -> vector<16xi32>
      %rev3A_1470 = arith.constant 15 : i32
      %rev3A_1471 = vector.broadcast %rev3A_1470 : i32 to vector<16xi32>
      %rev3A_1472 = tpu.iota {dimensions = array<i32: 0>} : vector<16xi32>
      %rev3A_1473 = arith.subi %rev3A_1471, %rev3A_1472 : vector<16xi32>
      %rev3A_1474 = tpu.dynamic_gather %masked_cumsum3A_1469[%rev3A_1473] in [0] : vector<16xi32>, vector<16xi32> -> vector<16xi32>
      %add3A_1475 = arith.addi %rev3A_1474, %add3A_1456 : vector<16xi32>
      %swap3A_1476 = arith.constant 224 : index
      %swap3A_1477 = tpu.vector_load %arg12[%swap3A_1476] {strides = array<i32>} : memref<256xi32, #tpu.memory_space<vmem>>, vector<16xi32>,
      tpu.vector_store %arg12[%swap3A_1476], %add3A_1475 {strides = array<i32>} : memref<256xi32, #tpu.memory_space<vmem>>, vector<16xi32>,
      %reduce_sum3A_1478 = arith.constant true
      %reduce_sum3A_1479 = vector.broadcast %reduce_sum3A_1478 : i1 to vector<16xi1>
      %reduce_sum3A_1480 = tpu.scan <sum>, %get3A_1461 masked %reduce_sum3A_1479 : vector<16xi32>, vector<16xi1> -> vector<16xi32>
      %reduce_sum3A_1481 = vector.extract %reduce_sum3A_1480[15] : i32 from vector<16xi32>
      %add3A_1482 = vector.broadcast %reduce_sum3A_1481 : i32 to vector<16xi32>
      %add3A_1483 = arith.addi %add3A_1456, %add3A_1482 : vector<16xi32>
      %ge3A_1484 = arith.cmpi sge, %add3A_1475, %sub3A_1404 : vector<16xi32>
      %all_reduce_population_count3A_1485 = tpu.all_reduce %ge3A_1484 {dim = 0 : i64, kind = #tpu.reduction_kind<sum>} : vector<16xi1> -> vector<16xi32>
      %add3A_1486 = arith.addi %add3A_1459, %all_reduce_population_count3A_1485 : vector<16xi32>
      %get3A_1487 = arith.constant 208 : index
      %get3A_1488 = tpu.vector_load %arg13[%get3A_1487] {strides = array<i32>} : memref<256xi32, #tpu.memory_space<vmem>>, vector<16xi32>,
      %rev3A_1489 = arith.constant 15 : i32
      %rev3A_1490 = vector.broadcast %rev3A_1489 : i32 to vector<16xi32>
      %rev3A_1491 = tpu.iota {dimensions = array<i32: 0>} : vector<16xi32>
      %rev3A_1492 = arith.subi %rev3A_1490, %rev3A_1491 : vector<16xi32>
      %rev3A_1493 = tpu.dynamic_gather %get3A_1488[%rev3A_1492] in [0] : vector<16xi32>, vector<16xi32> -> vector<16xi32>
      %broadcast_in_dim3A_1494 = arith.constant true
      %broadcast_in_dim3A_1495 = vector.broadcast %broadcast_in_dim3A_1494 : i1 to vector<16xi1>
      %masked_cumsum3A_1496 = tpu.scan <sum>, %rev3A_1493 masked %broadcast_in_dim3A_1495 : vector<16xi32>, vector<16xi1> -> vector<16xi32>
      %rev3A_1497 = arith.constant 15 : i32
      %rev3A_1498 = vector.broadcast %rev3A_1497 : i32 to vector<16xi32>
      %rev3A_1499 = tpu.iota {dimensions = array<i32: 0>} : vector<16xi32>
      %rev3A_1500 = arith.subi %rev3A_1498, %rev3A_1499 : vector<16xi32>
      %rev3A_1501 = tpu.dynamic_gather %masked_cumsum3A_1496[%rev3A_1500] in [0] : vector<16xi32>, vector<16xi32> -> vector<16xi32>
      %add3A_1502 = arith.addi %rev3A_1501, %add3A_1483 : vector<16xi32>
      %swap3A_1503 = arith.constant 208 : index
      %swap3A_1504 = tpu.vector_load %arg12[%swap3A_1503] {strides = array<i32>} : memref<256xi32, #tpu.memory_space<vmem>>, vector<16xi32>,
      tpu.vector_store %arg12[%swap3A_1503], %add3A_1502 {strides = array<i32>} : memref<256xi32, #tpu.memory_space<vmem>>, vector<16xi32>,
      %reduce_sum3A_1505 = arith.constant true
      %reduce_sum3A_1506 = vector.broadcast %reduce_sum3A_1505 : i1 to vector<16xi1>
      %reduce_sum3A_1507 = tpu.scan <sum>, %get3A_1488 masked %reduce_sum3A_1506 : vector<16xi32>, vector<16xi1> -> vector<16xi32>
      %reduce_sum3A_1508 = vector.extract %reduce_sum3A_1507[15] : i32 from vector<16xi32>
      %add3A_1509 = vector.broadcast %reduce_sum3A_1508 : i32 to vector<16xi32>
      %add3A_1510 = arith.addi %add3A_1483, %add3A_1509 : vector<16xi32>
      %ge3A_1511 = arith.cmpi sge, %add3A_1502, %sub3A_1404 : vector<16xi32>
      %all_reduce_population_count3A_1512 = tpu.all_reduce %ge3A_1511 {dim = 0 : i64, kind = #tpu.reduction_kind<sum>} : vector<16xi1> -> vector<16xi32>
      %add3A_1513 = arith.addi %add3A_1486, %all_reduce_population_count3A_1512 : vector<16xi32>
      %get3A_1514 = arith.constant 192 : index
      %get3A_1515 = tpu.vector_load %arg13[%get3A_1514] {strides = array<i32>} : memref<256xi32, #tpu.memory_space<vmem>>, vector<16xi32>,
      %rev3A_1516 = arith.constant 15 : i32
      %rev3A_1517 = vector.broadcast %rev3A_1516 : i32 to vector<16xi32>
      %rev3A_1518 = tpu.iota {dimensions = array<i32: 0>} : vector<16xi32>
      %rev3A_1519 = arith.subi %rev3A_1517, %rev3A_1518 : vector<16xi32>
      %rev3A_1520 = tpu.dynamic_gather %get3A_1515[%rev3A_1519] in [0] : vector<16xi32>, vector<16xi32> -> vector<16xi32>
      %broadcast_in_dim3A_1521 = arith.constant true
      %broadcast_in_dim3A_1522 = vector.broadcast %broadcast_in_dim3A_1521 : i1 to vector<16xi1>
      %masked_cumsum3A_1523 = tpu.scan <sum>, %rev3A_1520 masked %broadcast_in_dim3A_1522 : vector<16xi32>, vector<16xi1> -> vector<16xi32>
      %rev3A_1524 = arith.constant 15 : i32
      %rev3A_1525 = vector.broadcast %rev3A_1524 : i32 to vector<16xi32>
      %rev3A_1526 = tpu.iota {dimensions = array<i32: 0>} : vector<16xi32>
      %rev3A_1527 = arith.subi %rev3A_1525, %rev3A_1526 : vector<16xi32>
      %rev3A_1528 = tpu.dynamic_gather %masked_cumsum3A_1523[%rev3A_1527] in [0] : vector<16xi32>, vector<16xi32> -> vector<16xi32>
      %add3A_1529 = arith.addi %rev3A_1528, %add3A_1510 : vector<16xi32>
      %swap3A_1530 = arith.constant 192 : index
      %swap3A_1531 = tpu.vector_load %arg12[%swap3A_1530] {strides = array<i32>} : memref<256xi32, #tpu.memory_space<vmem>>, vector<16xi32>,
      tpu.vector_store %arg12[%swap3A_1530], %add3A_1529 {strides = array<i32>} : memref<256xi32, #tpu.memory_space<vmem>>, vector<16xi32>,
      %reduce_sum3A_1532 = arith.constant true
      %reduce_sum3A_1533 = vector.broadcast %reduce_sum3A_1532 : i1 to vector<16xi1>
      %reduce_sum3A_1534 = tpu.scan <sum>, %get3A_1515 masked %reduce_sum3A_1533 : vector<16xi32>, vector<16xi1> -> vector<16xi32>
      %reduce_sum3A_1535 = vector.extract %reduce_sum3A_1534[15] : i32 from vector<16xi32>
      %add3A_1536 = vector.broadcast %reduce_sum3A_1535 : i32 to vector<16xi32>
      %add3A_1537 = arith.addi %add3A_1510, %add3A_1536 : vector<16xi32>
      %ge3A_1538 = arith.cmpi sge, %add3A_1529, %sub3A_1404 : vector<16xi32>
      %all_reduce_population_count3A_1539 = tpu.all_reduce %ge3A_1538 {dim = 0 : i64, kind = #tpu.reduction_kind<sum>} : vector<16xi1> -> vector<16xi32>
      %add3A_1540 = arith.addi %add3A_1513, %all_reduce_population_count3A_1539 : vector<16xi32>
      %get3A_1541 = arith.constant 176 : index
      %get3A_1542 = tpu.vector_load %arg13[%get3A_1541] {strides = array<i32>} : memref<256xi32, #tpu.memory_space<vmem>>, vector<16xi32>,
      %rev3A_1543 = arith.constant 15 : i32
      %rev3A_1544 = vector.broadcast %rev3A_1543 : i32 to vector<16xi32>
      %rev3A_1545 = tpu.iota {dimensions = array<i32: 0>} : vector<16xi32>
      %rev3A_1546 = arith.subi %rev3A_1544, %rev3A_1545 : vector<16xi32>
      %rev3A_1547 = tpu.dynamic_gather %get3A_1542[%rev3A_1546] in [0] : vector<16xi32>, vector<16xi32> -> vector<16xi32>
      %broadcast_in_dim3A_1548 = arith.constant true
      %broadcast_in_dim3A_1549 = vector.broadcast %broadcast_in_dim3A_1548 : i1 to vector<16xi1>
      %masked_cumsum3A_1550 = tpu.scan <sum>, %rev3A_1547 masked %broadcast_in_dim3A_1549 : vector<16xi32>, vector<16xi1> -> vector<16xi32>
      %rev3A_1551 = arith.constant 15 : i32
      %rev3A_1552 = vector.broadcast %rev3A_1551 : i32 to vector<16xi32>
      %rev3A_1553 = tpu.iota {dimensions = array<i32: 0>} : vector<16xi32>
      %rev3A_1554 = arith.subi %rev3A_1552, %rev3A_1553 : vector<16xi32>
      %rev3A_1555 = tpu.dynamic_gather %masked_cumsum3A_1550[%rev3A_1554] in [0] : vector<16xi32>, vector<16xi32> -> vector<16xi32>
      %add3A_1556 = arith.addi %rev3A_1555, %add3A_1537 : vector<16xi32>
      %swap3A_1557 = arith.constant 176 : index
      %swap3A_1558 = tpu.vector_load %arg12[%swap3A_1557] {strides = array<i32>} : memref<256xi32, #tpu.memory_space<vmem>>, vector<16xi32>,
      tpu.vector_store %arg12[%swap3A_1557], %add3A_1556 {strides = array<i32>} : memref<256xi32, #tpu.memory_space<vmem>>, vector<16xi32>,
      %reduce_sum3A_1559 = arith.constant true
      %reduce_sum3A_1560 = vector.broadcast %reduce_sum3A_1559 : i1 to vector<16xi1>
      %reduce_sum3A_1561 = tpu.scan <sum>, %get3A_1542 masked %reduce_sum3A_1560 : vector<16xi32>, vector<16xi1> -> vector<16xi32>
      %reduce_sum3A_1562 = vector.extract %reduce_sum3A_1561[15] : i32 from vector<16xi32>
      %add3A_1563 = vector.broadcast %reduce_sum3A_1562 : i32 to vector<16xi32>
      %add3A_1564 = arith.addi %add3A_1537, %add3A_1563 : vector<16xi32>
      %ge3A_1565 = arith.cmpi sge, %add3A_1556, %sub3A_1404 : vector<16xi32>
      %all_reduce_population_count3A_1566 = tpu.all_reduce %ge3A_1565 {dim = 0 : i64, kind = #tpu.reduction_kind<sum>} : vector<16xi1> -> vector<16xi32>
      %add3A_1567 = arith.addi %add3A_1540, %all_reduce_population_count3A_1566 : vector<16xi32>
      %get3A_1568 = arith.constant 160 : index
      %get3A_1569 = tpu.vector_load %arg13[%get3A_1568] {strides = array<i32>} : memref<256xi32, #tpu.memory_space<vmem>>, vector<16xi32>,
      %rev3A_1570 = arith.constant 15 : i32
      %rev3A_1571 = vector.broadcast %rev3A_1570 : i32 to vector<16xi32>
      %rev3A_1572 = tpu.iota {dimensions = array<i32: 0>} : vector<16xi32>
      %rev3A_1573 = arith.subi %rev3A_1571, %rev3A_1572 : vector<16xi32>
      %rev3A_1574 = tpu.dynamic_gather %get3A_1569[%rev3A_1573] in [0] : vector<16xi32>, vector<16xi32> -> vector<16xi32>
      %broadcast_in_dim3A_1575 = arith.constant true
      %broadcast_in_dim3A_1576 = vector.broadcast %broadcast_in_dim3A_1575 : i1 to vector<16xi1>
      %masked_cumsum3A_1577 = tpu.scan <sum>, %rev3A_1574 masked %broadcast_in_dim3A_1576 : vector<16xi32>, vector<16xi1> -> vector<16xi32>
      %rev3A_1578 = arith.constant 15 : i32
      %rev3A_1579 = vector.broadcast %rev3A_1578 : i32 to vector<16xi32>
      %rev3A_1580 = tpu.iota {dimensions = array<i32: 0>} : vector<16xi32>
      %rev3A_1581 = arith.subi %rev3A_1579, %rev3A_1580 : vector<16xi32>
      %rev3A_1582 = tpu.dynamic_gather %masked_cumsum3A_1577[%rev3A_1581] in [0] : vector<16xi32>, vector<16xi32> -> vector<16xi32>
      %add3A_1583 = arith.addi %rev3A_1582, %add3A_1564 : vector<16xi32>
      %swap3A_1584 = arith.constant 160 : index
      %swap3A_1585 = tpu.vector_load %arg12[%swap3A_1584] {strides = array<i32>} : memref<256xi32, #tpu.memory_space<vmem>>, vector<16xi32>,
      tpu.vector_store %arg12[%swap3A_1584], %add3A_1583 {strides = array<i32>} : memref<256xi32, #tpu.memory_space<vmem>>, vector<16xi32>,
      %reduce_sum3A_1586 = arith.constant true
      %reduce_sum3A_1587 = vector.broadcast %reduce_sum3A_1586 : i1 to vector<16xi1>
      %reduce_sum3A_1588 = tpu.scan <sum>, %get3A_1569 masked %reduce_sum3A_1587 : vector<16xi32>, vector<16xi1> -> vector<16xi32>
      %reduce_sum3A_1589 = vector.extract %reduce_sum3A_1588[15] : i32 from vector<16xi32>
      %add3A_1590 = vector.broadcast %reduce_sum3A_1589 : i32 to vector<16xi32>
      %add3A_1591 = arith.addi %add3A_1564, %add3A_1590 : vector<16xi32>
      %ge3A_1592 = arith.cmpi sge, %add3A_1583, %sub3A_1404 : vector<16xi32>
      %all_reduce_population_count3A_1593 = tpu.all_reduce %ge3A_1592 {dim = 0 : i64, kind = #tpu.reduction_kind<sum>} : vector<16xi1> -> vector<16xi32>
      %add3A_1594 = arith.addi %add3A_1567, %all_reduce_population_count3A_1593 : vector<16xi32>
      %get3A_1595 = arith.constant 144 : index
      %get3A_1596 = tpu.vector_load %arg13[%get3A_1595] {strides = array<i32>} : memref<256xi32, #tpu.memory_space<vmem>>, vector<16xi32>,
      %rev3A_1597 = arith.constant 15 : i32
      %rev3A_1598 = vector.broadcast %rev3A_1597 : i32 to vector<16xi32>
      %rev3A_1599 = tpu.iota {dimensions = array<i32: 0>} : vector<16xi32>
      %rev3A_1600 = arith.subi %rev3A_1598, %rev3A_1599 : vector<16xi32>
      %rev3A_1601 = tpu.dynamic_gather %get3A_1596[%rev3A_1600] in [0] : vector<16xi32>, vector<16xi32> -> vector<16xi32>
      %broadcast_in_dim3A_1602 = arith.constant true
      %broadcast_in_dim3A_1603 = vector.broadcast %broadcast_in_dim3A_1602 : i1 to vector<16xi1>
      %masked_cumsum3A_1604 = tpu.scan <sum>, %rev3A_1601 masked %broadcast_in_dim3A_1603 : vector<16xi32>, vector<16xi1> -> vector<16xi32>
      %rev3A_1605 = arith.constant 15 : i32
      %rev3A_1606 = vector.broadcast %rev3A_1605 : i32 to vector<16xi32>
      %rev3A_1607 = tpu.iota {dimensions = array<i32: 0>} : vector<16xi32>
      %rev3A_1608 = arith.subi %rev3A_1606, %rev3A_1607 : vector<16xi32>
      %rev3A_1609 = tpu.dynamic_gather %masked_cumsum3A_1604[%rev3A_1608] in [0] : vector<16xi32>, vector<16xi32> -> vector<16xi32>
      %add3A_1610 = arith.addi %rev3A_1609, %add3A_1591 : vector<16xi32>
      %swap3A_1611 = arith.constant 144 : index
      %swap3A_1612 = tpu.vector_load %arg12[%swap3A_1611] {strides = array<i32>} : memref<256xi32, #tpu.memory_space<vmem>>, vector<16xi32>,
      tpu.vector_store %arg12[%swap3A_1611], %add3A_1610 {strides = array<i32>} : memref<256xi32, #tpu.memory_space<vmem>>, vector<16xi32>,
      %reduce_sum3A_1613 = arith.constant true
      %reduce_sum3A_1614 = vector.broadcast %reduce_sum3A_1613 : i1 to vector<16xi1>
      %reduce_sum3A_1615 = tpu.scan <sum>, %get3A_1596 masked %reduce_sum3A_1614 : vector<16xi32>, vector<16xi1> -> vector<16xi32>
      %reduce_sum3A_1616 = vector.extract %reduce_sum3A_1615[15] : i32 from vector<16xi32>
      %add3A_1617 = vector.broadcast %reduce_sum3A_1616 : i32 to vector<16xi32>
      %add3A_1618 = arith.addi %add3A_1591, %add3A_1617 : vector<16xi32>
      %ge3A_1619 = arith.cmpi sge, %add3A_1610, %sub3A_1404 : vector<16xi32>
      %all_reduce_population_count3A_1620 = tpu.all_reduce %ge3A_1619 {dim = 0 : i64, kind = #tpu.reduction_kind<sum>} : vector<16xi1> -> vector<16xi32>
      %add3A_1621 = arith.addi %add3A_1594, %all_reduce_population_count3A_1620 : vector<16xi32>
      %get3A_1622 = arith.constant 128 : index
      %get3A_1623 = tpu.vector_load %arg13[%get3A_1622] {strides = array<i32>} : memref<256xi32, #tpu.memory_space<vmem>>, vector<16xi32>,
      %rev3A_1624 = arith.constant 15 : i32
      %rev3A_1625 = vector.broadcast %rev3A_1624 : i32 to vector<16xi32>
      %rev3A_1626 = tpu.iota {dimensions = array<i32: 0>} : vector<16xi32>
      %rev3A_1627 = arith.subi %rev3A_1625, %rev3A_1626 : vector<16xi32>
      %rev3A_1628 = tpu.dynamic_gather %get3A_1623[%rev3A_1627] in [0] : vector<16xi32>, vector<16xi32> -> vector<16xi32>
      %broadcast_in_dim3A_1629 = arith.constant true
      %broadcast_in_dim3A_1630 = vector.broadcast %broadcast_in_dim3A_1629 : i1 to vector<16xi1>
      %masked_cumsum3A_1631 = tpu.scan <sum>, %rev3A_1628 masked %broadcast_in_dim3A_1630 : vector<16xi32>, vector<16xi1> -> vector<16xi32>
      %rev3A_1632 = arith.constant 15 : i32
      %rev3A_1633 = vector.broadcast %rev3A_1632 : i32 to vector<16xi32>
      %rev3A_1634 = tpu.iota {dimensions = array<i32: 0>} : vector<16xi32>
      %rev3A_1635 = arith.subi %rev3A_1633, %rev3A_1634 : vector<16xi32>
      %rev3A_1636 = tpu.dynamic_gather %masked_cumsum3A_1631[%rev3A_1635] in [0] : vector<16xi32>, vector<16xi32> -> vector<16xi32>
      %add3A_1637 = arith.addi %rev3A_1636, %add3A_1618 : vector<16xi32>
      %swap3A_1638 = arith.constant 128 : index
      %swap3A_1639 = tpu.vector_load %arg12[%swap3A_1638] {strides = array<i32>} : memref<256xi32, #tpu.memory_space<vmem>>, vector<16xi32>,
      tpu.vector_store %arg12[%swap3A_1638], %add3A_1637 {strides = array<i32>} : memref<256xi32, #tpu.memory_space<vmem>>, vector<16xi32>,
      %reduce_sum3A_1640 = arith.constant true
      %reduce_sum3A_1641 = vector.broadcast %reduce_sum3A_1640 : i1 to vector<16xi1>
      %reduce_sum3A_1642 = tpu.scan <sum>, %get3A_1623 masked %reduce_sum3A_1641 : vector<16xi32>, vector<16xi1> -> vector<16xi32>
      %reduce_sum3A_1643 = vector.extract %reduce_sum3A_1642[15] : i32 from vector<16xi32>
      %add3A_1644 = vector.broadcast %reduce_sum3A_1643 : i32 to vector<16xi32>
      %add3A_1645 = arith.addi %add3A_1618, %add3A_1644 : vector<16xi32>
      %ge3A_1646 = arith.cmpi sge, %add3A_1637, %sub3A_1404 : vector<16xi32>
      %all_reduce_population_count3A_1647 = tpu.all_reduce %ge3A_1646 {dim = 0 : i64, kind = #tpu.reduction_kind<sum>} : vector<16xi1> -> vector<16xi32>
      %add3A_1648 = arith.addi %add3A_1621, %all_reduce_population_count3A_1647 : vector<16xi32>
      %get3A_1649 = arith.constant 112 : index
      %get3A_1650 = tpu.vector_load %arg13[%get3A_1649] {strides = array<i32>} : memref<256xi32, #tpu.memory_space<vmem>>, vector<16xi32>,
      %rev3A_1651 = arith.constant 15 : i32
      %rev3A_1652 = vector.broadcast %rev3A_1651 : i32 to vector<16xi32>
      %rev3A_1653 = tpu.iota {dimensions = array<i32: 0>} : vector<16xi32>
      %rev3A_1654 = arith.subi %rev3A_1652, %rev3A_1653 : vector<16xi32>
      %rev3A_1655 = tpu.dynamic_gather %get3A_1650[%rev3A_1654] in [0] : vector<16xi32>, vector<16xi32> -> vector<16xi32>
      %broadcast_in_dim3A_1656 = arith.constant true
      %broadcast_in_dim3A_1657 = vector.broadcast %broadcast_in_dim3A_1656 : i1 to vector<16xi1>
      %masked_cumsum3A_1658 = tpu.scan <sum>, %rev3A_1655 masked %broadcast_in_dim3A_1657 : vector<16xi32>, vector<16xi1> -> vector<16xi32>
      %rev3A_1659 = arith.constant 15 : i32
      %rev3A_1660 = vector.broadcast %rev3A_1659 : i32 to vector<16xi32>
      %rev3A_1661 = tpu.iota {dimensions = array<i32: 0>} : vector<16xi32>
      %rev3A_1662 = arith.subi %rev3A_1660, %rev3A_1661 : vector<16xi32>
      %rev3A_1663 = tpu.dynamic_gather %masked_cumsum3A_1658[%rev3A_1662] in [0] : vector<16xi32>, vector<16xi32> -> vector<16xi32>
      %add3A_1664 = arith.addi %rev3A_1663, %add3A_1645 : vector<16xi32>
      %swap3A_1665 = arith.constant 112 : index
      %swap3A_1666 = tpu.vector_load %arg12[%swap3A_1665] {strides = array<i32>} : memref<256xi32, #tpu.memory_space<vmem>>, vector<16xi32>,
      tpu.vector_store %arg12[%swap3A_1665], %add3A_1664 {strides = array<i32>} : memref<256xi32, #tpu.memory_space<vmem>>, vector<16xi32>,
      %reduce_sum3A_1667 = arith.constant true
      %reduce_sum3A_1668 = vector.broadcast %reduce_sum3A_1667 : i1 to vector<16xi1>
      %reduce_sum3A_1669 = tpu.scan <sum>, %get3A_1650 masked %reduce_sum3A_1668 : vector<16xi32>, vector<16xi1> -> vector<16xi32>
      %reduce_sum3A_1670 = vector.extract %reduce_sum3A_1669[15] : i32 from vector<16xi32>
      %add3A_1671 = vector.broadcast %reduce_sum3A_1670 : i32 to vector<16xi32>
      %add3A_1672 = arith.addi %add3A_1645, %add3A_1671 : vector<16xi32>
      %ge3A_1673 = arith.cmpi sge, %add3A_1664, %sub3A_1404 : vector<16xi32>
      %all_reduce_population_count3A_1674 = tpu.all_reduce %ge3A_1673 {dim = 0 : i64, kind = #tpu.reduction_kind<sum>} : vector<16xi1> -> vector<16xi32>
      %add3A_1675 = arith.addi %add3A_1648, %all_reduce_population_count3A_1674 : vector<16xi32>
      %get3A_1676 = arith.constant 96 : index
      %get3A_1677 = tpu.vector_load %arg13[%get3A_1676] {strides = array<i32>} : memref<256xi32, #tpu.memory_space<vmem>>, vector<16xi32>,
      %rev3A_1678 = arith.constant 15 : i32
      %rev3A_1679 = vector.broadcast %rev3A_1678 : i32 to vector<16xi32>
      %rev3A_1680 = tpu.iota {dimensions = array<i32: 0>} : vector<16xi32>
      %rev3A_1681 = arith.subi %rev3A_1679, %rev3A_1680 : vector<16xi32>
      %rev3A_1682 = tpu.dynamic_gather %get3A_1677[%rev3A_1681] in [0] : vector<16xi32>, vector<16xi32> -> vector<16xi32>
      %broadcast_in_dim3A_1683 = arith.constant true
      %broadcast_in_dim3A_1684 = vector.broadcast %broadcast_in_dim3A_1683 : i1 to vector<16xi1>
      %masked_cumsum3A_1685 = tpu.scan <sum>, %rev3A_1682 masked %broadcast_in_dim3A_1684 : vector<16xi32>, vector<16xi1> -> vector<16xi32>
      %rev3A_1686 = arith.constant 15 : i32
      %rev3A_1687 = vector.broadcast %rev3A_1686 : i32 to vector<16xi32>
      %rev3A_1688 = tpu.iota {dimensions = array<i32: 0>} : vector<16xi32>
      %rev3A_1689 = arith.subi %rev3A_1687, %rev3A_1688 : vector<16xi32>
      %rev3A_1690 = tpu.dynamic_gather %masked_cumsum3A_1685[%rev3A_1689] in [0] : vector<16xi32>, vector<16xi32> -> vector<16xi32>
      %add3A_1691 = arith.addi %rev3A_1690, %add3A_1672 : vector<16xi32>
      %swap3A_1692 = arith.constant 96 : index
      %swap3A_1693 = tpu.vector_load %arg12[%swap3A_1692] {strides = array<i32>} : memref<256xi32, #tpu.memory_space<vmem>>, vector<16xi32>,
      tpu.vector_store %arg12[%swap3A_1692], %add3A_1691 {strides = array<i32>} : memref<256xi32, #tpu.memory_space<vmem>>, vector<16xi32>,
      %reduce_sum3A_1694 = arith.constant true
      %reduce_sum3A_1695 = vector.broadcast %reduce_sum3A_1694 : i1 to vector<16xi1>
      %reduce_sum3A_1696 = tpu.scan <sum>, %get3A_1677 masked %reduce_sum3A_1695 : vector<16xi32>, vector<16xi1> -> vector<16xi32>
      %reduce_sum3A_1697 = vector.extract %reduce_sum3A_1696[15] : i32 from vector<16xi32>
      %add3A_1698 = vector.broadcast %reduce_sum3A_1697 : i32 to vector<16xi32>
      %add3A_1699 = arith.addi %add3A_1672, %add3A_1698 : vector<16xi32>
      %ge3A_1700 = arith.cmpi sge, %add3A_1691, %sub3A_1404 : vector<16xi32>
      %all_reduce_population_count3A_1701 = tpu.all_reduce %ge3A_1700 {dim = 0 : i64, kind = #tpu.reduction_kind<sum>} : vector<16xi1> -> vector<16xi32>
      %add3A_1702 = arith.addi %add3A_1675, %all_reduce_population_count3A_1701 : vector<16xi32>
      %get3A_1703 = arith.constant 80 : index
      %get3A_1704 = tpu.vector_load %arg13[%get3A_1703] {strides = array<i32>} : memref<256xi32, #tpu.memory_space<vmem>>, vector<16xi32>,
      %rev3A_1705 = arith.constant 15 : i32
      %rev3A_1706 = vector.broadcast %rev3A_1705 : i32 to vector<16xi32>
      %rev3A_1707 = tpu.iota {dimensions = array<i32: 0>} : vector<16xi32>
      %rev3A_1708 = arith.subi %rev3A_1706, %rev3A_1707 : vector<16xi32>
      %rev3A_1709 = tpu.dynamic_gather %get3A_1704[%rev3A_1708] in [0] : vector<16xi32>, vector<16xi32> -> vector<16xi32>
      %broadcast_in_dim3A_1710 = arith.constant true
      %broadcast_in_dim3A_1711 = vector.broadcast %broadcast_in_dim3A_1710 : i1 to vector<16xi1>
      %masked_cumsum3A_1712 = tpu.scan <sum>, %rev3A_1709 masked %broadcast_in_dim3A_1711 : vector<16xi32>, vector<16xi1> -> vector<16xi32>
      %rev3A_1713 = arith.constant 15 : i32
      %rev3A_1714 = vector.broadcast %rev3A_1713 : i32 to vector<16xi32>
      %rev3A_1715 = tpu.iota {dimensions = array<i32: 0>} : vector<16xi32>
      %rev3A_1716 = arith.subi %rev3A_1714, %rev3A_1715 : vector<16xi32>
      %rev3A_1717 = tpu.dynamic_gather %masked_cumsum3A_1712[%rev3A_1716] in [0] : vector<16xi32>, vector<16xi32> -> vector<16xi32>
      %add3A_1718 = arith.addi %rev3A_1717, %add3A_1699 : vector<16xi32>
      %swap3A_1719 = arith.constant 80 : index
      %swap3A_1720 = tpu.vector_load %arg12[%swap3A_1719] {strides = array<i32>} : memref<256xi32, #tpu.memory_space<vmem>>, vector<16xi32>,
      tpu.vector_store %arg12[%swap3A_1719], %add3A_1718 {strides = array<i32>} : memref<256xi32, #tpu.memory_space<vmem>>, vector<16xi32>,
      %reduce_sum3A_1721 = arith.constant true
      %reduce_sum3A_1722 = vector.broadcast %reduce_sum3A_1721 : i1 to vector<16xi1>
      %reduce_sum3A_1723 = tpu.scan <sum>, %get3A_1704 masked %reduce_sum3A_1722 : vector<16xi32>, vector<16xi1> -> vector<16xi32>
      %reduce_sum3A_1724 = vector.extract %reduce_sum3A_1723[15] : i32 from vector<16xi32>
      %add3A_1725 = vector.broadcast %reduce_sum3A_1724 : i32 to vector<16xi32>
      %add3A_1726 = arith.addi %add3A_1699, %add3A_1725 : vector<16xi32>
      %ge3A_1727 = arith.cmpi sge, %add3A_1718, %sub3A_1404 : vector<16xi32>
      %all_reduce_population_count3A_1728 = tpu.all_reduce %ge3A_1727 {dim = 0 : i64, kind = #tpu.reduction_kind<sum>} : vector<16xi1> -> vector<16xi32>
      %add3A_1729 = arith.addi %add3A_1702, %all_reduce_population_count3A_1728 : vector<16xi32>
      %get3A_1730 = arith.constant 64 : index
      %get3A_1731 = tpu.vector_load %arg13[%get3A_1730] {strides = array<i32>} : memref<256xi32, #tpu.memory_space<vmem>>, vector<16xi32>,
      %rev3A_1732 = arith.constant 15 : i32
      %rev3A_1733 = vector.broadcast %rev3A_1732 : i32 to vector<16xi32>
      %rev3A_1734 = tpu.iota {dimensions = array<i32: 0>} : vector<16xi32>
      %rev3A_1735 = arith.subi %rev3A_1733, %rev3A_1734 : vector<16xi32>
      %rev3A_1736 = tpu.dynamic_gather %get3A_1731[%rev3A_1735] in [0] : vector<16xi32>, vector<16xi32> -> vector<16xi32>
      %broadcast_in_dim3A_1737 = arith.constant true
      %broadcast_in_dim3A_1738 = vector.broadcast %broadcast_in_dim3A_1737 : i1 to vector<16xi1>
      %masked_cumsum3A_1739 = tpu.scan <sum>, %rev3A_1736 masked %broadcast_in_dim3A_1738 : vector<16xi32>, vector<16xi1> -> vector<16xi32>
      %rev3A_1740 = arith.constant 15 : i32
      %rev3A_1741 = vector.broadcast %rev3A_1740 : i32 to vector<16xi32>
      %rev3A_1742 = tpu.iota {dimensions = array<i32: 0>} : vector<16xi32>
      %rev3A_1743 = arith.subi %rev3A_1741, %rev3A_1742 : vector<16xi32>
      %rev3A_1744 = tpu.dynamic_gather %masked_cumsum3A_1739[%rev3A_1743] in [0] : vector<16xi32>, vector<16xi32> -> vector<16xi32>
      %add3A_1745 = arith.addi %rev3A_1744, %add3A_1726 : vector<16xi32>
      %swap3A_1746 = arith.constant 64 : index
      %swap3A_1747 = tpu.vector_load %arg12[%swap3A_1746] {strides = array<i32>} : memref<256xi32, #tpu.memory_space<vmem>>, vector<16xi32>,
      tpu.vector_store %arg12[%swap3A_1746], %add3A_1745 {strides = array<i32>} : memref<256xi32, #tpu.memory_space<vmem>>, vector<16xi32>,
      %reduce_sum3A_1748 = arith.constant true
      %reduce_sum3A_1749 = vector.broadcast %reduce_sum3A_1748 : i1 to vector<16xi1>
      %reduce_sum3A_1750 = tpu.scan <sum>, %get3A_1731 masked %reduce_sum3A_1749 : vector<16xi32>, vector<16xi1> -> vector<16xi32>
      %reduce_sum3A_1751 = vector.extract %reduce_sum3A_1750[15] : i32 from vector<16xi32>
      %add3A_1752 = vector.broadcast %reduce_sum3A_1751 : i32 to vector<16xi32>
      %add3A_1753 = arith.addi %add3A_1726, %add3A_1752 : vector<16xi32>
      %ge3A_1754 = arith.cmpi sge, %add3A_1745, %sub3A_1404 : vector<16xi32>
      %all_reduce_population_count3A_1755 = tpu.all_reduce %ge3A_1754 {dim = 0 : i64, kind = #tpu.reduction_kind<sum>} : vector<16xi1> -> vector<16xi32>
      %add3A_1756 = arith.addi %add3A_1729, %all_reduce_population_count3A_1755 : vector<16xi32>
      %get3A_1757 = arith.constant 48 : index
      %get3A_1758 = tpu.vector_load %arg13[%get3A_1757] {strides = array<i32>} : memref<256xi32, #tpu.memory_space<vmem>>, vector<16xi32>,
      %rev3A_1759 = arith.constant 15 : i32
      %rev3A_1760 = vector.broadcast %rev3A_1759 : i32 to vector<16xi32>
      %rev3A_1761 = tpu.iota {dimensions = array<i32: 0>} : vector<16xi32>
      %rev3A_1762 = arith.subi %rev3A_1760, %rev3A_1761 : vector<16xi32>
      %rev3A_1763 = tpu.dynamic_gather %get3A_1758[%rev3A_1762] in [0] : vector<16xi32>, vector<16xi32> -> vector<16xi32>
      %broadcast_in_dim3A_1764 = arith.constant true
      %broadcast_in_dim3A_1765 = vector.broadcast %broadcast_in_dim3A_1764 : i1 to vector<16xi1>
      %masked_cumsum3A_1766 = tpu.scan <sum>, %rev3A_1763 masked %broadcast_in_dim3A_1765 : vector<16xi32>, vector<16xi1> -> vector<16xi32>
      %rev3A_1767 = arith.constant 15 : i32
      %rev3A_1768 = vector.broadcast %rev3A_1767 : i32 to vector<16xi32>
      %rev3A_1769 = tpu.iota {dimensions = array<i32: 0>} : vector<16xi32>
      %rev3A_1770 = arith.subi %rev3A_1768, %rev3A_1769 : vector<16xi32>
      %rev3A_1771 = tpu.dynamic_gather %masked_cumsum3A_1766[%rev3A_1770] in [0] : vector<16xi32>, vector<16xi32> -> vector<16xi32>
      %add3A_1772 = arith.addi %rev3A_1771, %add3A_1753 : vector<16xi32>
      %swap3A_1773 = arith.constant 48 : index
      %swap3A_1774 = tpu.vector_load %arg12[%swap3A_1773] {strides = array<i32>} : memref<256xi32, #tpu.memory_space<vmem>>, vector<16xi32>,
      tpu.vector_store %arg12[%swap3A_1773], %add3A_1772 {strides = array<i32>} : memref<256xi32, #tpu.memory_space<vmem>>, vector<16xi32>,
      %reduce_sum3A_1775 = arith.constant true
      %reduce_sum3A_1776 = vector.broadcast %reduce_sum3A_1775 : i1 to vector<16xi1>
      %reduce_sum3A_1777 = tpu.scan <sum>, %get3A_1758 masked %reduce_sum3A_1776 : vector<16xi32>, vector<16xi1> -> vector<16xi32>
      %reduce_sum3A_1778 = vector.extract %reduce_sum3A_1777[15] : i32 from vector<16xi32>
      %add3A_1779 = vector.broadcast %reduce_sum3A_1778 : i32 to vector<16xi32>
      %add3A_1780 = arith.addi %add3A_1753, %add3A_1779 : vector<16xi32>
      %ge3A_1781 = arith.cmpi sge, %add3A_1772, %sub3A_1404 : vector<16xi32>
      %all_reduce_population_count3A_1782 = tpu.all_reduce %ge3A_1781 {dim = 0 : i64, kind = #tpu.reduction_kind<sum>} : vector<16xi1> -> vector<16xi32>
      %add3A_1783 = arith.addi %add3A_1756, %all_reduce_population_count3A_1782 : vector<16xi32>
      %get3A_1784 = arith.constant 32 : index
      %get3A_1785 = tpu.vector_load %arg13[%get3A_1784] {strides = array<i32>} : memref<256xi32, #tpu.memory_space<vmem>>, vector<16xi32>,
      %rev3A_1786 = arith.constant 15 : i32
      %rev3A_1787 = vector.broadcast %rev3A_1786 : i32 to vector<16xi32>
      %rev3A_1788 = tpu.iota {dimensions = array<i32: 0>} : vector<16xi32>
      %rev3A_1789 = arith.subi %rev3A_1787, %rev3A_1788 : vector<16xi32>
      %rev3A_1790 = tpu.dynamic_gather %get3A_1785[%rev3A_1789] in [0] : vector<16xi32>, vector<16xi32> -> vector<16xi32>
      %broadcast_in_dim3A_1791 = arith.constant true
      %broadcast_in_dim3A_1792 = vector.broadcast %broadcast_in_dim3A_1791 : i1 to vector<16xi1>
      %masked_cumsum3A_1793 = tpu.scan <sum>, %rev3A_1790 masked %broadcast_in_dim3A_1792 : vector<16xi32>, vector<16xi1> -> vector<16xi32>
      %rev3A_1794 = arith.constant 15 : i32
      %rev3A_1795 = vector.broadcast %rev3A_1794 : i32 to vector<16xi32>
      %rev3A_1796 = tpu.iota {dimensions = array<i32: 0>} : vector<16xi32>
      %rev3A_1797 = arith.subi %rev3A_1795, %rev3A_1796 : vector<16xi32>
      %rev3A_1798 = tpu.dynamic_gather %masked_cumsum3A_1793[%rev3A_1797] in [0] : vector<16xi32>, vector<16xi32> -> vector<16xi32>
      %add3A_1799 = arith.addi %rev3A_1798, %add3A_1780 : vector<16xi32>
      %swap3A_1800 = arith.constant 32 : index
      %swap3A_1801 = tpu.vector_load %arg12[%swap3A_1800] {strides = array<i32>} : memref<256xi32, #tpu.memory_space<vmem>>, vector<16xi32>,
      tpu.vector_store %arg12[%swap3A_1800], %add3A_1799 {strides = array<i32>} : memref<256xi32, #tpu.memory_space<vmem>>, vector<16xi32>,
      %reduce_sum3A_1802 = arith.constant true
      %reduce_sum3A_1803 = vector.broadcast %reduce_sum3A_1802 : i1 to vector<16xi1>
      %reduce_sum3A_1804 = tpu.scan <sum>, %get3A_1785 masked %reduce_sum3A_1803 : vector<16xi32>, vector<16xi1> -> vector<16xi32>
      %reduce_sum3A_1805 = vector.extract %reduce_sum3A_1804[15] : i32 from vector<16xi32>
      %add3A_1806 = vector.broadcast %reduce_sum3A_1805 : i32 to vector<16xi32>
      %add3A_1807 = arith.addi %add3A_1780, %add3A_1806 : vector<16xi32>
      %ge3A_1808 = arith.cmpi sge, %add3A_1799, %sub3A_1404 : vector<16xi32>
      %all_reduce_population_count3A_1809 = tpu.all_reduce %ge3A_1808 {dim = 0 : i64, kind = #tpu.reduction_kind<sum>} : vector<16xi1> -> vector<16xi32>
      %add3A_1810 = arith.addi %add3A_1783, %all_reduce_population_count3A_1809 : vector<16xi32>
      %get3A_1811 = arith.constant 16 : index
      %get3A_1812 = tpu.vector_load %arg13[%get3A_1811] {strides = array<i32>} : memref<256xi32, #tpu.memory_space<vmem>>, vector<16xi32>,
      %rev3A_1813 = arith.constant 15 : i32
      %rev3A_1814 = vector.broadcast %rev3A_1813 : i32 to vector<16xi32>
      %rev3A_1815 = tpu.iota {dimensions = array<i32: 0>} : vector<16xi32>
      %rev3A_1816 = arith.subi %rev3A_1814, %rev3A_1815 : vector<16xi32>
      %rev3A_1817 = tpu.dynamic_gather %get3A_1812[%rev3A_1816] in [0] : vector<16xi32>, vector<16xi32> -> vector<16xi32>
      %broadcast_in_dim3A_1818 = arith.constant true
      %broadcast_in_dim3A_1819 = vector.broadcast %broadcast_in_dim3A_1818 : i1 to vector<16xi1>
      %masked_cumsum3A_1820 = tpu.scan <sum>, %rev3A_1817 masked %broadcast_in_dim3A_1819 : vector<16xi32>, vector<16xi1> -> vector<16xi32>
      %rev3A_1821 = arith.constant 15 : i32
      %rev3A_1822 = vector.broadcast %rev3A_1821 : i32 to vector<16xi32>
      %rev3A_1823 = tpu.iota {dimensions = array<i32: 0>} : vector<16xi32>
      %rev3A_1824 = arith.subi %rev3A_1822, %rev3A_1823 : vector<16xi32>
      %rev3A_1825 = tpu.dynamic_gather %masked_cumsum3A_1820[%rev3A_1824] in [0] : vector<16xi32>, vector<16xi32> -> vector<16xi32>
      %add3A_1826 = arith.addi %rev3A_1825, %add3A_1807 : vector<16xi32>
      %swap3A_1827 = arith.constant 16 : index
      %swap3A_1828 = tpu.vector_load %arg12[%swap3A_1827] {strides = array<i32>} : memref<256xi32, #tpu.memory_space<vmem>>, vector<16xi32>,
      tpu.vector_store %arg12[%swap3A_1827], %add3A_1826 {strides = array<i32>} : memref<256xi32, #tpu.memory_space<vmem>>, vector<16xi32>,
      %reduce_sum3A_1829 = arith.constant true
      %reduce_sum3A_1830 = vector.broadcast %reduce_sum3A_1829 : i1 to vector<16xi1>
      %reduce_sum3A_1831 = tpu.scan <sum>, %get3A_1812 masked %reduce_sum3A_1830 : vector<16xi32>, vector<16xi1> -> vector<16xi32>
      %reduce_sum3A_1832 = vector.extract %reduce_sum3A_1831[15] : i32 from vector<16xi32>
      %add3A_1833 = vector.broadcast %reduce_sum3A_1832 : i32 to vector<16xi32>
      %add3A_1834 = arith.addi %add3A_1807, %add3A_1833 : vector<16xi32>
      %ge3A_1835 = arith.cmpi sge, %add3A_1826, %sub3A_1404 : vector<16xi32>
      %all_reduce_population_count3A_1836 = tpu.all_reduce %ge3A_1835 {dim = 0 : i64, kind = #tpu.reduction_kind<sum>} : vector<16xi1> -> vector<16xi32>
      %add3A_1837 = arith.addi %add3A_1810, %all_reduce_population_count3A_1836 : vector<16xi32>
      %get3A_1838 = arith.constant 0 : index
      %get3A_1839 = tpu.vector_load %arg13[%get3A_1838] {strides = array<i32>} : memref<256xi32, #tpu.memory_space<vmem>>, vector<16xi32>,
      %rev3A_1840 = arith.constant 15 : i32
      %rev3A_1841 = vector.broadcast %rev3A_1840 : i32 to vector<16xi32>
      %rev3A_1842 = tpu.iota {dimensions = array<i32: 0>} : vector<16xi32>
      %rev3A_1843 = arith.subi %rev3A_1841, %rev3A_1842 : vector<16xi32>
      %rev3A_1844 = tpu.dynamic_gather %get3A_1839[%rev3A_1843] in [0] : vector<16xi32>, vector<16xi32> -> vector<16xi32>
      %broadcast_in_dim3A_1845 = arith.constant true
      %broadcast_in_dim3A_1846 = vector.broadcast %broadcast_in_dim3A_1845 : i1 to vector<16xi1>
      %masked_cumsum3A_1847 = tpu.scan <sum>, %rev3A_1844 masked %broadcast_in_dim3A_1846 : vector<16xi32>, vector<16xi1> -> vector<16xi32>
      %rev3A_1848 = arith.constant 15 : i32
      %rev3A_1849 = vector.broadcast %rev3A_1848 : i32 to vector<16xi32>
      %rev3A_1850 = tpu.iota {dimensions = array<i32: 0>} : vector<16xi32>
      %rev3A_1851 = arith.subi %rev3A_1849, %rev3A_1850 : vector<16xi32>
      %rev3A_1852 = tpu.dynamic_gather %masked_cumsum3A_1847[%rev3A_1851] in [0] : vector<16xi32>, vector<16xi32> -> vector<16xi32>
      %add3A_1853 = arith.addi %rev3A_1852, %add3A_1834 : vector<16xi32>
      %swap3A_1854 = arith.constant 0 : index
      %swap3A_1855 = tpu.vector_load %arg12[%swap3A_1854] {strides = array<i32>} : memref<256xi32, #tpu.memory_space<vmem>>, vector<16xi32>,
      tpu.vector_store %arg12[%swap3A_1854], %add3A_1853 {strides = array<i32>} : memref<256xi32, #tpu.memory_space<vmem>>, vector<16xi32>,
      %reduce_sum3A_1856 = arith.constant true
      %reduce_sum3A_1857 = vector.broadcast %reduce_sum3A_1856 : i1 to vector<16xi1>
      %reduce_sum3A_1858 = tpu.scan <sum>, %get3A_1839 masked %reduce_sum3A_1857 : vector<16xi32>, vector<16xi1> -> vector<16xi32>
      %reduce_sum3A_1859 = vector.extract %reduce_sum3A_1858[15] : i32 from vector<16xi32>
      %add3A_1860 = vector.broadcast %reduce_sum3A_1859 : i32 to vector<16xi32>
      %add3A_1861 = arith.addi %add3A_1834, %add3A_1860 : vector<16xi32>
      %ge3A_1862 = arith.cmpi sge, %add3A_1853, %sub3A_1404 : vector<16xi32>
      %all_reduce_population_count3A_1863 = tpu.all_reduce %ge3A_1862 {dim = 0 : i64, kind = #tpu.reduction_kind<sum>} : vector<16xi1> -> vector<16xi32>
      %add3A_1864 = arith.addi %add3A_1837, %all_reduce_population_count3A_1863 : vector<16xi32>
      %sub3A_1865 = arith.constant 1 : i32
      %sub3A_1866 = vector.broadcast %sub3A_1865 : i32 to vector<16xi32>
      %sub3A_1867 = arith.subi %add3A_1864, %sub3A_1866 : vector<16xi32>
      %gather3A_1868 = tpu.vector_load_idx %arg12[%sub3A_1867] : memref<256xi32, #tpu.memory_space<vmem>>[vector<16xi32>], vector<16xi32>,
      %gather3A_1869 = tpu.vector_load_idx %arg13[%sub3A_1867] : memref<256xi32, #tpu.memory_space<vmem>>[vector<16xi32>], vector<16xi32>,
      %sub3A_1870 = arith.subi %gather3A_1868, %gather3A_1869 : vector<16xi32>
      %sub3A_1871 = arith.subi %sub3A_1404, %sub3A_1870 : vector<16xi32>
      %shift_left3A_1872 = arith.constant 0 : i32
      %shift_left3A_1873 = vector.broadcast %shift_left3A_1872 : i32 to vector<16xi32>
      %shift_left3A_1874 = arith.shli %sub3A_1867, %shift_left3A_1873 : vector<16xi32>
      %or3A_1875 = arith.ori %or3A_1408, %shift_left3A_1874 : vector<16xi32>
      %scan3A_1876 = arith.constant 0 : i32
      %scan3A_1877 = arith.constant 16 : i32
      %scan3A_1878 = arith.addi %scan3A_1876, %scan3A_1877 : i32
      %scan3A_1879 = arith.constant 1 : i32
      %scan3A_1880:3 = scf.for %scan3A_2025 = %scan3A_1876 to %scan3A_1878 step %scan3A_1879 iter_args(%scan3A_2026 = %broadcast_in_dim3A_5, %scan3A_2027 = %broadcast_in_dim3A_5, %scan3A_2028 = %broadcast_in_dim3A_3) -> (vector<16xf32>, vector<16xf32>, vector<16xi32>)  : i32 {
        %mul3A_2029 = arith.constant 4 : i32
        %mul3A_2030 = arith.muli %scan3A_2025, %mul3A_2029 : i32
        %add3A_2031 = arith.constant 0 : i32
        %add3A_2032 = arith.addi %mul3A_2030, %add3A_2031 : i32
        %mul3A_2033 = arith.constant 16 : i32
        %mul3A_2034 = arith.muli %add3A_2032, %mul3A_2033 : i32
        %get3A_2035 = arith.index_cast %mul3A_2034 : i32 to index
        %get3A_2036 = tpu.vector_load %arg9[%get3A_2035] {strides = array<i32>} : memref<1024xi32, #tpu.memory_space<vmem>>, vector<16xi32>,
        %get3A_2037 = arith.index_cast %mul3A_2034 : i32 to index
        %get3A_2038 = tpu.vector_load %arg7[%get3A_2037] {strides = array<i32>} : memref<1024xf32, #tpu.memory_space<vmem>>, vector<16xf32>,
        %get3A_2039 = arith.index_cast %mul3A_2034 : i32 to index
        %get3A_2040 = tpu.vector_load %arg8[%get3A_2039] {strides = array<i32>} : memref<1024xf32, #tpu.memory_space<vmem>>, vector<16xf32>,
        %gt3A = arith.cmpi sgt, %get3A_2036, %or3A_1875 : vector<16xi32>
        %mul3A_2041 = arith.mulf %get3A_2040, %get3A_2038 : vector<16xf32>
        %jit3A_2042 = arith.constant 0.000000e+00 : f32
        %broadcast_in_dim3A_2043 = vector.broadcast %jit3A_2042 : f32 to vector<16xf32>
        %select_n3A_2044 = arith.select %gt3A, %mul3A_2041, %broadcast_in_dim3A_2043 : vector<16xi1>, vector<16xf32>
        %add3A_2045 = arith.addf %scan3A_2026, %select_n3A_2044 : vector<16xf32>
        %jit3A_2046 = arith.constant 0.000000e+00 : f32
        %broadcast_in_dim3A_2047 = vector.broadcast %jit3A_2046 : f32 to vector<16xf32>
        %select_n3A_2048 = arith.select %gt3A, %get3A_2040, %broadcast_in_dim3A_2047 : vector<16xi1>, vector<16xf32>
        %add3A_2049 = arith.addf %scan3A_2027, %select_n3A_2048 : vector<16xf32>
        %eq3A_2050 = arith.cmpi eq, %get3A_2036, %or3A_1875 : vector<16xi32>
        %jit3A_2051 = arith.constant 1 : i32
        %jit3A_2052 = arith.constant 0 : i32
        %broadcast_in_dim3A_2053 = vector.broadcast %jit3A_2051 : i32 to vector<16xi32>
        %broadcast_in_dim3A_2054 = vector.broadcast %jit3A_2052 : i32 to vector<16xi32>
        %select_n3A_2055 = arith.select %eq3A_2050, %broadcast_in_dim3A_2053, %broadcast_in_dim3A_2054 : vector<16xi1>, vector<16xi32>
        %add3A_2056 = arith.addi %scan3A_2028, %select_n3A_2055 : vector<16xi32>
        %mul3A_2057 = arith.constant 4 : i32
        %mul3A_2058 = arith.muli %scan3A_2025, %mul3A_2057 : i32
        %add3A_2059 = arith.constant 1 : i32
        %add3A_2060 = arith.addi %mul3A_2058, %add3A_2059 : i32
        %mul3A_2061 = arith.constant 16 : i32
        %mul3A_2062 = arith.muli %add3A_2060, %mul3A_2061 : i32
        %get3A_2063 = arith.index_cast %mul3A_2062 : i32 to index
        %get3A_2064 = tpu.vector_load %arg9[%get3A_2063] {strides = array<i32>} : memref<1024xi32, #tpu.memory_space<vmem>>, vector<16xi32>,
        %get3A_2065 = arith.index_cast %mul3A_2062 : i32 to index
        %get3A_2066 = tpu.vector_load %arg7[%get3A_2065] {strides = array<i32>} : memref<1024xf32, #tpu.memory_space<vmem>>, vector<16xf32>,
        %get3A_2067 = arith.index_cast %mul3A_2062 : i32 to index
        %get3A_2068 = tpu.vector_load %arg8[%get3A_2067] {strides = array<i32>} : memref<1024xf32, #tpu.memory_space<vmem>>, vector<16xf32>,
        %gt3A_2069 = arith.cmpi sgt, %get3A_2064, %or3A_1875 : vector<16xi32>
        %mul3A_2070 = arith.mulf %get3A_2068, %get3A_2066 : vector<16xf32>
        %jit3A_2071 = arith.constant 0.000000e+00 : f32
        %broadcast_in_dim3A_2072 = vector.broadcast %jit3A_2071 : f32 to vector<16xf32>
        %select_n3A_2073 = arith.select %gt3A_2069, %mul3A_2070, %broadcast_in_dim3A_2072 : vector<16xi1>, vector<16xf32>
        %add3A_2074 = arith.addf %add3A_2045, %select_n3A_2073 : vector<16xf32>
        %jit3A_2075 = arith.constant 0.000000e+00 : f32
        %broadcast_in_dim3A_2076 = vector.broadcast %jit3A_2075 : f32 to vector<16xf32>
        %select_n3A_2077 = arith.select %gt3A_2069, %get3A_2068, %broadcast_in_dim3A_2076 : vector<16xi1>, vector<16xf32>
        %add3A_2078 = arith.addf %add3A_2049, %select_n3A_2077 : vector<16xf32>
        %eq3A_2079 = arith.cmpi eq, %get3A_2064, %or3A_1875 : vector<16xi32>
        %jit3A_2080 = arith.constant 1 : i32
        %jit3A_2081 = arith.constant 0 : i32
        %broadcast_in_dim3A_2082 = vector.broadcast %jit3A_2080 : i32 to vector<16xi32>
        %broadcast_in_dim3A_2083 = vector.broadcast %jit3A_2081 : i32 to vector<16xi32>
        %select_n3A_2084 = arith.select %eq3A_2079, %broadcast_in_dim3A_2082, %broadcast_in_dim3A_2083 : vector<16xi1>, vector<16xi32>
        %add3A_2085 = arith.addi %add3A_2056, %select_n3A_2084 : vector<16xi32>
        %mul3A_2086 = arith.constant 4 : i32
        %mul3A_2087 = arith.muli %scan3A_2025, %mul3A_2086 : i32
        %add3A_2088 = arith.constant 2 : i32
        %add3A_2089 = arith.addi %mul3A_2087, %add3A_2088 : i32
        %mul3A_2090 = arith.constant 16 : i32
        %mul3A_2091 = arith.muli %add3A_2089, %mul3A_2090 : i32
        %get3A_2092 = arith.index_cast %mul3A_2091 : i32 to index
        %get3A_2093 = tpu.vector_load %arg9[%get3A_2092] {strides = array<i32>} : memref<1024xi32, #tpu.memory_space<vmem>>, vector<16xi32>,
        %get3A_2094 = arith.index_cast %mul3A_2091 : i32 to index
        %get3A_2095 = tpu.vector_load %arg7[%get3A_2094] {strides = array<i32>} : memref<1024xf32, #tpu.memory_space<vmem>>, vector<16xf32>,
        %get3A_2096 = arith.index_cast %mul3A_2091 : i32 to index
        %get3A_2097 = tpu.vector_load %arg8[%get3A_2096] {strides = array<i32>} : memref<1024xf32, #tpu.memory_space<vmem>>, vector<16xf32>,
        %gt3A_2098 = arith.cmpi sgt, %get3A_2093, %or3A_1875 : vector<16xi32>
        %mul3A_2099 = arith.mulf %get3A_2097, %get3A_2095 : vector<16xf32>
        %jit3A_2100 = arith.constant 0.000000e+00 : f32
        %broadcast_in_dim3A_2101 = vector.broadcast %jit3A_2100 : f32 to vector<16xf32>
        %select_n3A_2102 = arith.select %gt3A_2098, %mul3A_2099, %broadcast_in_dim3A_2101 : vector<16xi1>, vector<16xf32>
        %add3A_2103 = arith.addf %add3A_2074, %select_n3A_2102 : vector<16xf32>
        %jit3A_2104 = arith.constant 0.000000e+00 : f32
        %broadcast_in_dim3A_2105 = vector.broadcast %jit3A_2104 : f32 to vector<16xf32>
        %select_n3A_2106 = arith.select %gt3A_2098, %get3A_2097, %broadcast_in_dim3A_2105 : vector<16xi1>, vector<16xf32>
        %add3A_2107 = arith.addf %add3A_2078, %select_n3A_2106 : vector<16xf32>
        %eq3A_2108 = arith.cmpi eq, %get3A_2093, %or3A_1875 : vector<16xi32>
        %jit3A_2109 = arith.constant 1 : i32
        %jit3A_2110 = arith.constant 0 : i32
        %broadcast_in_dim3A_2111 = vector.broadcast %jit3A_2109 : i32 to vector<16xi32>
        %broadcast_in_dim3A_2112 = vector.broadcast %jit3A_2110 : i32 to vector<16xi32>
        %select_n3A_2113 = arith.select %eq3A_2108, %broadcast_in_dim3A_2111, %broadcast_in_dim3A_2112 : vector<16xi1>, vector<16xi32>
        %add3A_2114 = arith.addi %add3A_2085, %select_n3A_2113 : vector<16xi32>
        %mul3A_2115 = arith.constant 4 : i32
        %mul3A_2116 = arith.muli %scan3A_2025, %mul3A_2115 : i32
        %add3A_2117 = arith.constant 3 : i32
        %add3A_2118 = arith.addi %mul3A_2116, %add3A_2117 : i32
        %mul3A_2119 = arith.constant 16 : i32
        %mul3A_2120 = arith.muli %add3A_2118, %mul3A_2119 : i32
        %get3A_2121 = arith.index_cast %mul3A_2120 : i32 to index
        %get3A_2122 = tpu.vector_load %arg9[%get3A_2121] {strides = array<i32>} : memref<1024xi32, #tpu.memory_space<vmem>>, vector<16xi32>,
        %get3A_2123 = arith.index_cast %mul3A_2120 : i32 to index
        %get3A_2124 = tpu.vector_load %arg7[%get3A_2123] {strides = array<i32>} : memref<1024xf32, #tpu.memory_space<vmem>>, vector<16xf32>,
        %get3A_2125 = arith.index_cast %mul3A_2120 : i32 to index
        %get3A_2126 = tpu.vector_load %arg8[%get3A_2125] {strides = array<i32>} : memref<1024xf32, #tpu.memory_space<vmem>>, vector<16xf32>,
        %gt3A_2127 = arith.cmpi sgt, %get3A_2122, %or3A_1875 : vector<16xi32>
        %mul3A_2128 = arith.mulf %get3A_2126, %get3A_2124 : vector<16xf32>
        %jit3A_2129 = arith.constant 0.000000e+00 : f32
        %broadcast_in_dim3A_2130 = vector.broadcast %jit3A_2129 : f32 to vector<16xf32>
        %select_n3A_2131 = arith.select %gt3A_2127, %mul3A_2128, %broadcast_in_dim3A_2130 : vector<16xi1>, vector<16xf32>
        %add3A_2132 = arith.addf %add3A_2103, %select_n3A_2131 : vector<16xf32>
        %jit3A_2133 = arith.constant 0.000000e+00 : f32
        %broadcast_in_dim3A_2134 = vector.broadcast %jit3A_2133 : f32 to vector<16xf32>
        %select_n3A_2135 = arith.select %gt3A_2127, %get3A_2126, %broadcast_in_dim3A_2134 : vector<16xi1>, vector<16xf32>
        %add3A_2136 = arith.addf %add3A_2107, %select_n3A_2135 : vector<16xf32>
        %eq3A_2137 = arith.cmpi eq, %get3A_2122, %or3A_1875 : vector<16xi32>
        %jit3A_2138 = arith.constant 1 : i32
        %jit3A_2139 = arith.constant 0 : i32
        %broadcast_in_dim3A_2140 = vector.broadcast %jit3A_2138 : i32 to vector<16xi32>
        %broadcast_in_dim3A_2141 = vector.broadcast %jit3A_2139 : i32 to vector<16xi32>
        %select_n3A_2142 = arith.select %eq3A_2137, %broadcast_in_dim3A_2140, %broadcast_in_dim3A_2141 : vector<16xi1>, vector<16xi32>
        %add3A_2143 = arith.addi %add3A_2114, %select_n3A_2142 : vector<16xi32>
        scf.yield %add3A_2132, %add3A_2136, %add3A_2143 : vector<16xf32>, vector<16xf32>, vector<16xi32>
      }
      %scan3A_1881 = arith.constant 16 : i32
      %reduce_sum3A_1882 = arith.constant true
      %reduce_sum3A_1883 = vector.broadcast %reduce_sum3A_1882 : i1 to vector<16xi1>
      %reduce_sum3A_1884 = tpu.scan <sum>, %scan3A_1880#2 masked %reduce_sum3A_1883 : vector<16xi32>, vector<16xi1> -> vector<16xi32>
      %reduce_sum3A_1885 = vector.extract %reduce_sum3A_1884[15] : i32 from vector<16xi32>
      %broadcast_in_dim3A_1886 = vector.broadcast %reduce_sum3A_1885 : i32 to vector<16xi32>
      %swap3A_1887 = arith.constant 0 : index
      %swap3A_1888 = tpu.vector_load %arg14[%swap3A_1887] {strides = array<i32>} : memref<16xi32, #tpu.memory_space<vmem>>, vector<16xi32>,
      tpu.vector_store %arg14[%swap3A_1887], %broadcast_in_dim3A_1886 {strides = array<i32>} : memref<16xi32, #tpu.memory_space<vmem>>, vector<16xi32>,
      %mul3A_1889 = arith.constant 16 : i32
      %mul3A_1890 = arith.muli %arg1, %mul3A_1889 : i32
      "tpu.region"() ({
        %run_scoped3A = tpu.sem_alloc : memref<!tpu.dma_semaphore, #tpu.memory_space<semaphore_mem>>
        %dma_start3A = tpu.memref_slice %arg17[%mul3A_1890] : memref<256xi32, #tpu.memory_space<vmem_shared>> -> memref<16xi32, #tpu.memory_space<vmem_shared>>
        %dma_start3A_2025 = tpu.memref_slice %arg17[%mul3A_1890] : memref<256xi32, #tpu.memory_space<vmem_shared>> -> memref<16xi32, #tpu.memory_space<vmem_shared>>
        tpu.enqueue_dma source(%arg14 : memref<16xi32, #tpu.memory_space<vmem>>) target(%dma_start3A_2025 : memref<16xi32, #tpu.memory_space<vmem_shared>>) target_semaphore(%run_scoped3A : memref<!tpu.dma_semaphore, #tpu.memory_space<semaphore_mem>>)
        %dma_wait3A = tpu.memref_slice %arg17[%mul3A_1890] : memref<256xi32, #tpu.memory_space<vmem_shared>> -> memref<16xi32, #tpu.memory_space<vmem_shared>>
        %dma_wait3A_2026 = tpu.memref_slice %arg17[%mul3A_1890] : memref<256xi32, #tpu.memory_space<vmem_shared>> -> memref<16xi32, #tpu.memory_space<vmem_shared>>
        tpu.wait_dma2 semaphore(%run_scoped3A : memref<!tpu.dma_semaphore, #tpu.memory_space<semaphore_mem>>) src(%arg14 : memref<16xi32, #tpu.memory_space<vmem>>) dst(%dma_wait3A_2026 : memref<16xi32, #tpu.memory_space<vmem_shared>>)
        tpu.yield
      }) : () -> ()
      %barrier3A_1891 = arith.constant 0 : index
      tpu.barrier barrier_id(%barrier3A_1891)
      "tpu.region"() ({
        %run_scoped3A = tpu.sem_alloc : memref<!tpu.dma_semaphore, #tpu.memory_space<semaphore_mem>>
        %dma_start3A = arith.constant 0 : i32
        %dma_start3A_2025 = tpu.memref_slice %arg11[%dma_start3A] : memref<4096xi32, #tpu.memory_space<vmem>> -> memref<256xi32, #tpu.memory_space<vmem>>
        %dma_start3A_2026 = arith.constant 0 : i32
        %dma_start3A_2027 = tpu.memref_slice %arg11[%dma_start3A_2026] : memref<4096xi32, #tpu.memory_space<vmem>> -> memref<256xi32, #tpu.memory_space<vmem>>
        tpu.enqueue_dma source(%arg17 : memref<256xi32, #tpu.memory_space<vmem_shared>>) target(%dma_start3A_2027 : memref<256xi32, #tpu.memory_space<vmem>>) target_semaphore(%run_scoped3A : memref<!tpu.dma_semaphore, #tpu.memory_space<semaphore_mem>>)
        %dma_wait3A = arith.constant 0 : i32
        %dma_wait3A_2028 = tpu.memref_slice %arg11[%dma_wait3A] : memref<4096xi32, #tpu.memory_space<vmem>> -> memref<256xi32, #tpu.memory_space<vmem>>
        %dma_wait3A_2029 = arith.constant 0 : i32
        %dma_wait3A_2030 = tpu.memref_slice %arg11[%dma_wait3A_2029] : memref<4096xi32, #tpu.memory_space<vmem>> -> memref<256xi32, #tpu.memory_space<vmem>>
        tpu.wait_dma2 semaphore(%run_scoped3A : memref<!tpu.dma_semaphore, #tpu.memory_space<semaphore_mem>>) src(%arg17 : memref<256xi32, #tpu.memory_space<vmem_shared>>) dst(%dma_wait3A_2030 : memref<256xi32, #tpu.memory_space<vmem>>)
        tpu.yield
      }) : () -> ()
      %get3A_1892 = arith.constant 0 : index
      %get3A_1893 = tpu.vector_load %arg11[%get3A_1892] {strides = array<i32>} : memref<4096xi32, #tpu.memory_space<vmem>>, vector<16xi32>,
      %lt3A = arith.constant 0 : i32
      %lt3A_1894 = arith.cmpi slt, %lt3A, %arg1 : i32
      %select_n3A = arith.select %lt3A_1894, %get3A_1893, %broadcast_in_dim3A_3 : vector<16xi32>
      %add3A_1895 = arith.addi %broadcast_in_dim3A_3, %select_n3A : vector<16xi32>
      %get3A_1896 = arith.constant 16 : index
      %get3A_1897 = tpu.vector_load %arg11[%get3A_1896] {strides = array<i32>} : memref<4096xi32, #tpu.memory_space<vmem>>, vector<16xi32>,
      %lt3A_1898 = arith.constant 1 : i32
      %lt3A_1899 = arith.cmpi slt, %lt3A_1898, %arg1 : i32
      %select_n3A_1900 = arith.select %lt3A_1899, %get3A_1897, %broadcast_in_dim3A_3 : vector<16xi32>
      %add3A_1901 = arith.addi %add3A_1895, %select_n3A_1900 : vector<16xi32>
      %get3A_1902 = arith.constant 32 : index
      %get3A_1903 = tpu.vector_load %arg11[%get3A_1902] {strides = array<i32>} : memref<4096xi32, #tpu.memory_space<vmem>>, vector<16xi32>,
      %lt3A_1904 = arith.constant 2 : i32
      %lt3A_1905 = arith.cmpi slt, %lt3A_1904, %arg1 : i32
      %select_n3A_1906 = arith.select %lt3A_1905, %get3A_1903, %broadcast_in_dim3A_3 : vector<16xi32>
      %add3A_1907 = arith.addi %add3A_1901, %select_n3A_1906 : vector<16xi32>
      %get3A_1908 = arith.constant 48 : index
      %get3A_1909 = tpu.vector_load %arg11[%get3A_1908] {strides = array<i32>} : memref<4096xi32, #tpu.memory_space<vmem>>, vector<16xi32>,
      %lt3A_1910 = arith.constant 3 : i32
      %lt3A_1911 = arith.cmpi slt, %lt3A_1910, %arg1 : i32
      %select_n3A_1912 = arith.select %lt3A_1911, %get3A_1909, %broadcast_in_dim3A_3 : vector<16xi32>
      %add3A_1913 = arith.addi %add3A_1907, %select_n3A_1912 : vector<16xi32>
      %get3A_1914 = arith.constant 64 : index
      %get3A_1915 = tpu.vector_load %arg11[%get3A_1914] {strides = array<i32>} : memref<4096xi32, #tpu.memory_space<vmem>>, vector<16xi32>,
      %lt3A_1916 = arith.constant 4 : i32
      %lt3A_1917 = arith.cmpi slt, %lt3A_1916, %arg1 : i32
      %select_n3A_1918 = arith.select %lt3A_1917, %get3A_1915, %broadcast_in_dim3A_3 : vector<16xi32>
      %add3A_1919 = arith.addi %add3A_1913, %select_n3A_1918 : vector<16xi32>
      %get3A_1920 = arith.constant 80 : index
      %get3A_1921 = tpu.vector_load %arg11[%get3A_1920] {strides = array<i32>} : memref<4096xi32, #tpu.memory_space<vmem>>, vector<16xi32>,
      %lt3A_1922 = arith.constant 5 : i32
      %lt3A_1923 = arith.cmpi slt, %lt3A_1922, %arg1 : i32
      %select_n3A_1924 = arith.select %lt3A_1923, %get3A_1921, %broadcast_in_dim3A_3 : vector<16xi32>
      %add3A_1925 = arith.addi %add3A_1919, %select_n3A_1924 : vector<16xi32>
      %get3A_1926 = arith.constant 96 : index
      %get3A_1927 = tpu.vector_load %arg11[%get3A_1926] {strides = array<i32>} : memref<4096xi32, #tpu.memory_space<vmem>>, vector<16xi32>,
      %lt3A_1928 = arith.constant 6 : i32
      %lt3A_1929 = arith.cmpi slt, %lt3A_1928, %arg1 : i32
      %select_n3A_1930 = arith.select %lt3A_1929, %get3A_1927, %broadcast_in_dim3A_3 : vector<16xi32>
      %add3A_1931 = arith.addi %add3A_1925, %select_n3A_1930 : vector<16xi32>
      %get3A_1932 = arith.constant 112 : index
      %get3A_1933 = tpu.vector_load %arg11[%get3A_1932] {strides = array<i32>} : memref<4096xi32, #tpu.memory_space<vmem>>, vector<16xi32>,
      %lt3A_1934 = arith.constant 7 : i32
      %lt3A_1935 = arith.cmpi slt, %lt3A_1934, %arg1 : i32
      %select_n3A_1936 = arith.select %lt3A_1935, %get3A_1933, %broadcast_in_dim3A_3 : vector<16xi32>
      %add3A_1937 = arith.addi %add3A_1931, %select_n3A_1936 : vector<16xi32>
      %get3A_1938 = arith.constant 128 : index
      %get3A_1939 = tpu.vector_load %arg11[%get3A_1938] {strides = array<i32>} : memref<4096xi32, #tpu.memory_space<vmem>>, vector<16xi32>,
      %lt3A_1940 = arith.constant 8 : i32
      %lt3A_1941 = arith.cmpi slt, %lt3A_1940, %arg1 : i32
      %select_n3A_1942 = arith.select %lt3A_1941, %get3A_1939, %broadcast_in_dim3A_3 : vector<16xi32>
      %add3A_1943 = arith.addi %add3A_1937, %select_n3A_1942 : vector<16xi32>
      %get3A_1944 = arith.constant 144 : index
      %get3A_1945 = tpu.vector_load %arg11[%get3A_1944] {strides = array<i32>} : memref<4096xi32, #tpu.memory_space<vmem>>, vector<16xi32>,
      %lt3A_1946 = arith.constant 9 : i32
      %lt3A_1947 = arith.cmpi slt, %lt3A_1946, %arg1 : i32
      %select_n3A_1948 = arith.select %lt3A_1947, %get3A_1945, %broadcast_in_dim3A_3 : vector<16xi32>
      %add3A_1949 = arith.addi %add3A_1943, %select_n3A_1948 : vector<16xi32>
      %get3A_1950 = arith.constant 160 : index
      %get3A_1951 = tpu.vector_load %arg11[%get3A_1950] {strides = array<i32>} : memref<4096xi32, #tpu.memory_space<vmem>>, vector<16xi32>,
      %lt3A_1952 = arith.constant 10 : i32
      %lt3A_1953 = arith.cmpi slt, %lt3A_1952, %arg1 : i32
      %select_n3A_1954 = arith.select %lt3A_1953, %get3A_1951, %broadcast_in_dim3A_3 : vector<16xi32>
      %add3A_1955 = arith.addi %add3A_1949, %select_n3A_1954 : vector<16xi32>
      %get3A_1956 = arith.constant 176 : index
      %get3A_1957 = tpu.vector_load %arg11[%get3A_1956] {strides = array<i32>} : memref<4096xi32, #tpu.memory_space<vmem>>, vector<16xi32>,
      %lt3A_1958 = arith.constant 11 : i32
      %lt3A_1959 = arith.cmpi slt, %lt3A_1958, %arg1 : i32
      %select_n3A_1960 = arith.select %lt3A_1959, %get3A_1957, %broadcast_in_dim3A_3 : vector<16xi32>
      %add3A_1961 = arith.addi %add3A_1955, %select_n3A_1960 : vector<16xi32>
      %get3A_1962 = arith.constant 192 : index
      %get3A_1963 = tpu.vector_load %arg11[%get3A_1962] {strides = array<i32>} : memref<4096xi32, #tpu.memory_space<vmem>>, vector<16xi32>,
      %lt3A_1964 = arith.constant 12 : i32
      %lt3A_1965 = arith.cmpi slt, %lt3A_1964, %arg1 : i32
      %select_n3A_1966 = arith.select %lt3A_1965, %get3A_1963, %broadcast_in_dim3A_3 : vector<16xi32>
      %add3A_1967 = arith.addi %add3A_1961, %select_n3A_1966 : vector<16xi32>
      %get3A_1968 = arith.constant 208 : index
      %get3A_1969 = tpu.vector_load %arg11[%get3A_1968] {strides = array<i32>} : memref<4096xi32, #tpu.memory_space<vmem>>, vector<16xi32>,
      %lt3A_1970 = arith.constant 13 : i32
      %lt3A_1971 = arith.cmpi slt, %lt3A_1970, %arg1 : i32
      %select_n3A_1972 = arith.select %lt3A_1971, %get3A_1969, %broadcast_in_dim3A_3 : vector<16xi32>
      %add3A_1973 = arith.addi %add3A_1967, %select_n3A_1972 : vector<16xi32>
      %get3A_1974 = arith.constant 224 : index
      %get3A_1975 = tpu.vector_load %arg11[%get3A_1974] {strides = array<i32>} : memref<4096xi32, #tpu.memory_space<vmem>>, vector<16xi32>,
      %lt3A_1976 = arith.constant 14 : i32
      %lt3A_1977 = arith.cmpi slt, %lt3A_1976, %arg1 : i32
      %select_n3A_1978 = arith.select %lt3A_1977, %get3A_1975, %broadcast_in_dim3A_3 : vector<16xi32>
      %add3A_1979 = arith.addi %add3A_1973, %select_n3A_1978 : vector<16xi32>
      %get3A_1980 = arith.constant 240 : index
      %get3A_1981 = tpu.vector_load %arg11[%get3A_1980] {strides = array<i32>} : memref<4096xi32, #tpu.memory_space<vmem>>, vector<16xi32>,
      %lt3A_1982 = arith.constant 15 : i32
      %lt3A_1983 = arith.cmpi slt, %lt3A_1982, %arg1 : i32
      %select_n3A_1984 = arith.select %lt3A_1983, %get3A_1981, %broadcast_in_dim3A_3 : vector<16xi32>
      %add3A_1985 = arith.addi %add3A_1979, %select_n3A_1984 : vector<16xi32>
      %sub3A_1986 = arith.subi %sub3A_1871, %add3A_1985 : vector<16xi32>
      %max3A = arith.constant 0 : i32
      %max3A_1987 = vector.broadcast %max3A : i32 to vector<16xi32>
      %max3A_1988 = arith.maxsi %sub3A_1986, %max3A_1987 : vector<16xi32>
      %broadcast_in_dim3A_1989 = vector.broadcast %reduce_sum3A_1885 : i32 to vector<16xi32>
      %min3A = arith.minsi %max3A_1988, %broadcast_in_dim3A_1989 : vector<16xi32>
      %scan3A_1990 = arith.constant 0 : i32
      %scan3A_1991 = arith.constant 64 : i32
      %scan3A_1992 = arith.addi %scan3A_1990, %scan3A_1991 : i32
      %scan3A_1993 = arith.constant 1 : i32
      %scan3A_1994:3 = scf.for %scan3A_2025 = %scan3A_1990 to %scan3A_1992 step %scan3A_1993 iter_args(%scan3A_2026 = %scan3A_1880#0, %scan3A_2027 = %scan3A_1880#1, %scan3A_2028 = %broadcast_in_dim3A_3) -> (vector<16xf32>, vector<16xf32>, vector<16xi32>)  : i32 {
        %mul3A_2029 = arith.constant 16 : i32
        %mul3A_2030 = arith.muli %scan3A_2025, %mul3A_2029 : i32
        %get3A_2031 = arith.index_cast %mul3A_2030 : i32 to index
        %get3A_2032 = tpu.vector_load %arg9[%get3A_2031] {strides = array<i32>} : memref<1024xi32, #tpu.memory_space<vmem>>, vector<16xi32>,
        %mul3A_2033 = arith.constant 16 : i32
        %mul3A_2034 = arith.muli %scan3A_2025, %mul3A_2033 : i32
        %get3A_2035 = arith.index_cast %mul3A_2034 : i32 to index
        %get3A_2036 = tpu.vector_load %arg7[%get3A_2035] {strides = array<i32>} : memref<1024xf32, #tpu.memory_space<vmem>>, vector<16xf32>,
        %mul3A_2037 = arith.constant 16 : i32
        %mul3A_2038 = arith.muli %scan3A_2025, %mul3A_2037 : i32
        %get3A_2039 = arith.index_cast %mul3A_2038 : i32 to index
        %get3A_2040 = tpu.vector_load %arg8[%get3A_2039] {strides = array<i32>} : memref<1024xf32, #tpu.memory_space<vmem>>, vector<16xf32>,
        %eq3A_2041 = arith.cmpi eq, %get3A_2032, %or3A_1875 : vector<16xi32>
        %jit3A_2042 = arith.constant 1 : i32
        %jit3A_2043 = arith.constant 0 : i32
        %broadcast_in_dim3A_2044 = vector.broadcast %jit3A_2042 : i32 to vector<16xi32>
        %broadcast_in_dim3A_2045 = vector.broadcast %jit3A_2043 : i32 to vector<16xi32>
        %select_n3A_2046 = arith.select %eq3A_2041, %broadcast_in_dim3A_2044, %broadcast_in_dim3A_2045 : vector<16xi1>, vector<16xi32>
        %broadcast_in_dim3A_2047 = arith.constant true
        %broadcast_in_dim3A_2048 = vector.broadcast %broadcast_in_dim3A_2047 : i1 to vector<16xi1>
        %masked_cumsum3A_2049 = tpu.scan <sum>, %select_n3A_2046 masked %broadcast_in_dim3A_2048 : vector<16xi32>, vector<16xi1> -> vector<16xi32>
        %add3A_2050 = arith.addi %scan3A_2028, %masked_cumsum3A_2049 : vector<16xi32>
        %le3A = arith.cmpi sle, %add3A_2050, %min3A : vector<16xi32>
        %and3A = arith.andi %eq3A_2041, %le3A : vector<16xi1>
        %mul3A_2051 = arith.mulf %get3A_2040, %get3A_2036 : vector<16xf32>
        %jit3A_2052 = arith.constant 0.000000e+00 : f32
        %broadcast_in_dim3A_2053 = vector.broadcast %jit3A_2052 : f32 to vector<16xf32>
        %select_n3A_2054 = arith.select %and3A, %mul3A_2051, %broadcast_in_dim3A_2053 : vector<16xi1>, vector<16xf32>
        %add3A_2055 = arith.addf %scan3A_2026, %select_n3A_2054 : vector<16xf32>
        %jit3A_2056 = arith.constant 0.000000e+00 : f32
        %broadcast_in_dim3A_2057 = vector.broadcast %jit3A_2056 : f32 to vector<16xf32>
        %select_n3A_2058 = arith.select %and3A, %get3A_2040, %broadcast_in_dim3A_2057 : vector<16xi1>, vector<16xf32>
        %add3A_2059 = arith.addf %scan3A_2027, %select_n3A_2058 : vector<16xf32>
        %reduce_sum3A_2060 = arith.constant true
        %reduce_sum3A_2061 = vector.broadcast %reduce_sum3A_2060 : i1 to vector<16xi1>
        %reduce_sum3A_2062 = tpu.scan <sum>, %select_n3A_2046 masked %reduce_sum3A_2061 : vector<16xi32>, vector<16xi1> -> vector<16xi32>
        %reduce_sum3A_2063 = vector.extract %reduce_sum3A_2062[15] : i32 from vector<16xi32>
        %add3A_2064 = vector.broadcast %reduce_sum3A_2063 : i32 to vector<16xi32>
        %add3A_2065 = arith.addi %scan3A_2028, %add3A_2064 : vector<16xi32>
        scf.yield %add3A_2055, %add3A_2059, %add3A_2065 : vector<16xf32>, vector<16xf32>, vector<16xi32>
      }
      %scan3A_1995 = arith.constant 64 : i32
      %reduce_sum3A_1996 = arith.constant true
      %reduce_sum3A_1997 = vector.broadcast %reduce_sum3A_1996 : i1 to vector<16xi1>
      %reduce_sum3A_1998 = tpu.scan <sum>, %scan3A_1994#0 masked %reduce_sum3A_1997 : vector<16xf32>, vector<16xi1> -> vector<16xf32>
      %reduce_sum3A_1999 = vector.extract %reduce_sum3A_1998[15] : f32 from vector<16xf32>
      %reduce_sum3A_2000 = arith.constant true
      %reduce_sum3A_2001 = vector.broadcast %reduce_sum3A_2000 : i1 to vector<16xi1>
      %reduce_sum3A_2002 = tpu.scan <sum>, %scan3A_1994#1 masked %reduce_sum3A_2001 : vector<16xf32>, vector<16xi1> -> vector<16xf32>
      %reduce_sum3A_2003 = vector.extract %reduce_sum3A_2002[15] : f32 from vector<16xf32>
      %eq3A_2004 = arith.constant 0 : i32
      %eq3A_2005 = vector.broadcast %eq3A_2004 : i32 to vector<16xi32>
      %eq3A_2006 = arith.cmpi eq, %iota3A, %eq3A_2005 : vector<16xi32>
      %eq3A_2007 = arith.constant 1 : i32
      %eq3A_2008 = vector.broadcast %eq3A_2007 : i32 to vector<16xi32>
      %eq3A_2009 = arith.cmpi eq, %iota3A, %eq3A_2008 : vector<16xi32>
      %jit3A = arith.constant 0.000000e+00 : f32
      %broadcast_in_dim3A_2010 = vector.broadcast %reduce_sum3A_2003 : f32 to vector<16xf32>
      %broadcast_in_dim3A_2011 = vector.broadcast %jit3A : f32 to vector<16xf32>
      %select_n3A_2012 = arith.select %eq3A_2009, %broadcast_in_dim3A_2010, %broadcast_in_dim3A_2011 : vector<16xi1>, vector<16xf32>
      %broadcast_in_dim3A_2013 = vector.broadcast %reduce_sum3A_1999 : f32 to vector<16xf32>
      %select_n3A_2014 = arith.select %eq3A_2006, %broadcast_in_dim3A_2013, %select_n3A_2012 : vector<16xi1>, vector<16xf32>
      %swap3A_2015 = arith.constant 0 : index
      %swap3A_2016 = tpu.vector_load %arg15[%swap3A_2015] {strides = array<i32>} : memref<16xf32, #tpu.memory_space<vmem>>, vector<16xf32>,
      tpu.vector_store %arg15[%swap3A_2015], %select_n3A_2014 {strides = array<i32>} : memref<16xf32, #tpu.memory_space<vmem>>, vector<16xf32>,
      %mul3A_2017 = arith.constant 16 : i32
      %mul3A_2018 = arith.muli %arg1, %mul3A_2017 : i32
      "tpu.region"() ({
        %run_scoped3A = tpu.sem_alloc : memref<!tpu.dma_semaphore, #tpu.memory_space<semaphore_mem>>
        %dma_start3A = tpu.memref_slice %arg18[%mul3A_2018] : memref<256xf32, #tpu.memory_space<vmem_shared>> -> memref<16xf32, #tpu.memory_space<vmem_shared>>
        %dma_start3A_2025 = tpu.memref_slice %arg18[%mul3A_2018] : memref<256xf32, #tpu.memory_space<vmem_shared>> -> memref<16xf32, #tpu.memory_space<vmem_shared>>
        tpu.enqueue_dma source(%arg15 : memref<16xf32, #tpu.memory_space<vmem>>) target(%dma_start3A_2025 : memref<16xf32, #tpu.memory_space<vmem_shared>>) target_semaphore(%run_scoped3A : memref<!tpu.dma_semaphore, #tpu.memory_space<semaphore_mem>>)
        %dma_wait3A = tpu.memref_slice %arg18[%mul3A_2018] : memref<256xf32, #tpu.memory_space<vmem_shared>> -> memref<16xf32, #tpu.memory_space<vmem_shared>>
        %dma_wait3A_2026 = tpu.memref_slice %arg18[%mul3A_2018] : memref<256xf32, #tpu.memory_space<vmem_shared>> -> memref<16xf32, #tpu.memory_space<vmem_shared>>
        tpu.wait_dma2 semaphore(%run_scoped3A : memref<!tpu.dma_semaphore, #tpu.memory_space<semaphore_mem>>) src(%arg15 : memref<16xf32, #tpu.memory_space<vmem>>) dst(%dma_wait3A_2026 : memref<16xf32, #tpu.memory_space<vmem_shared>>)
        tpu.yield
      }) : () -> ()
      %barrier3A_2019 = arith.constant 0 : index
      tpu.barrier barrier_id(%barrier3A_2019)
      %eq3A_2020 = arith.constant 0 : i32
      %eq3A_2021 = arith.cmpi eq, %arg1, %eq3A_2020 : i32
      %convert_element_type3A_2022 = arith.extui %eq3A_2021 : i1 to i32
      %cond3A_2023 = arith.constant 0 : i32
      %cond3A_2024 = arith.cmpi ne, %convert_element_type3A_2022, %cond3A_2023 : i32
      scf.if %cond3A_2024 {
        "tpu.region"() ({
          %run_scoped3A = tpu.sem_alloc : memref<!tpu.dma_semaphore, #tpu.memory_space<semaphore_mem>>
          %dma_start3A = arith.constant 0 : i32
          %dma_start3A_2079 = tpu.memref_slice %arg7[%dma_start3A] : memref<1024xf32, #tpu.memory_space<vmem>> -> memref<256xf32, #tpu.memory_space<vmem>>
          %dma_start3A_2080 = arith.constant 0 : i32
          %dma_start3A_2081 = tpu.memref_slice %arg7[%dma_start3A_2080] : memref<1024xf32, #tpu.memory_space<vmem>> -> memref<256xf32, #tpu.memory_space<vmem>>
          tpu.enqueue_dma source(%arg18 : memref<256xf32, #tpu.memory_space<vmem_shared>>) target(%dma_start3A_2081 : memref<256xf32, #tpu.memory_space<vmem>>) target_semaphore(%run_scoped3A : memref<!tpu.dma_semaphore, #tpu.memory_space<semaphore_mem>>)
          %dma_wait3A = arith.constant 0 : i32
          %dma_wait3A_2082 = tpu.memref_slice %arg7[%dma_wait3A] : memref<1024xf32, #tpu.memory_space<vmem>> -> memref<256xf32, #tpu.memory_space<vmem>>
          %dma_wait3A_2083 = arith.constant 0 : i32
          %dma_wait3A_2084 = tpu.memref_slice %arg7[%dma_wait3A_2083] : memref<1024xf32, #tpu.memory_space<vmem>> -> memref<256xf32, #tpu.memory_space<vmem>>
          tpu.wait_dma2 semaphore(%run_scoped3A : memref<!tpu.dma_semaphore, #tpu.memory_space<semaphore_mem>>) src(%arg18 : memref<256xf32, #tpu.memory_space<vmem_shared>>) dst(%dma_wait3A_2084 : memref<256xf32, #tpu.memory_space<vmem>>)
          tpu.yield
        }) : () -> ()
        %get3A_2025 = arith.constant 0 : index
        %get3A_2026 = tpu.vector_load %arg7[%get3A_2025] {strides = array<i32>} : memref<1024xf32, #tpu.memory_space<vmem>>, vector<16xf32>,
        %add3A_2027 = arith.addf %broadcast_in_dim3A_5, %get3A_2026 : vector<16xf32>
        %get3A_2028 = arith.constant 16 : index
        %get3A_2029 = tpu.vector_load %arg7[%get3A_2028] {strides = array<i32>} : memref<1024xf32, #tpu.memory_space<vmem>>, vector<16xf32>,
        %add3A_2030 = arith.addf %add3A_2027, %get3A_2029 : vector<16xf32>
        %get3A_2031 = arith.constant 32 : index
        %get3A_2032 = tpu.vector_load %arg7[%get3A_2031] {strides = array<i32>} : memref<1024xf32, #tpu.memory_space<vmem>>, vector<16xf32>,
        %add3A_2033 = arith.addf %add3A_2030, %get3A_2032 : vector<16xf32>
        %get3A_2034 = arith.constant 48 : index
        %get3A_2035 = tpu.vector_load %arg7[%get3A_2034] {strides = array<i32>} : memref<1024xf32, #tpu.memory_space<vmem>>, vector<16xf32>,
        %add3A_2036 = arith.addf %add3A_2033, %get3A_2035 : vector<16xf32>
        %get3A_2037 = arith.constant 64 : index
        %get3A_2038 = tpu.vector_load %arg7[%get3A_2037] {strides = array<i32>} : memref<1024xf32, #tpu.memory_space<vmem>>, vector<16xf32>,
        %add3A_2039 = arith.addf %add3A_2036, %get3A_2038 : vector<16xf32>
        %get3A_2040 = arith.constant 80 : index
        %get3A_2041 = tpu.vector_load %arg7[%get3A_2040] {strides = array<i32>} : memref<1024xf32, #tpu.memory_space<vmem>>, vector<16xf32>,
        %add3A_2042 = arith.addf %add3A_2039, %get3A_2041 : vector<16xf32>
        %get3A_2043 = arith.constant 96 : index
        %get3A_2044 = tpu.vector_load %arg7[%get3A_2043] {strides = array<i32>} : memref<1024xf32, #tpu.memory_space<vmem>>, vector<16xf32>,
        %add3A_2045 = arith.addf %add3A_2042, %get3A_2044 : vector<16xf32>
        %get3A_2046 = arith.constant 112 : index
        %get3A_2047 = tpu.vector_load %arg7[%get3A_2046] {strides = array<i32>} : memref<1024xf32, #tpu.memory_space<vmem>>, vector<16xf32>,
        %add3A_2048 = arith.addf %add3A_2045, %get3A_2047 : vector<16xf32>
        %get3A_2049 = arith.constant 128 : index
        %get3A_2050 = tpu.vector_load %arg7[%get3A_2049] {strides = array<i32>} : memref<1024xf32, #tpu.memory_space<vmem>>, vector<16xf32>,
        %add3A_2051 = arith.addf %add3A_2048, %get3A_2050 : vector<16xf32>
        %get3A_2052 = arith.constant 144 : index
        %get3A_2053 = tpu.vector_load %arg7[%get3A_2052] {strides = array<i32>} : memref<1024xf32, #tpu.memory_space<vmem>>, vector<16xf32>,
        %add3A_2054 = arith.addf %add3A_2051, %get3A_2053 : vector<16xf32>
        %get3A_2055 = arith.constant 160 : index
        %get3A_2056 = tpu.vector_load %arg7[%get3A_2055] {strides = array<i32>} : memref<1024xf32, #tpu.memory_space<vmem>>, vector<16xf32>,
        %add3A_2057 = arith.addf %add3A_2054, %get3A_2056 : vector<16xf32>
        %get3A_2058 = arith.constant 176 : index
        %get3A_2059 = tpu.vector_load %arg7[%get3A_2058] {strides = array<i32>} : memref<1024xf32, #tpu.memory_space<vmem>>, vector<16xf32>,
        %add3A_2060 = arith.addf %add3A_2057, %get3A_2059 : vector<16xf32>
        %get3A_2061 = arith.constant 192 : index
        %get3A_2062 = tpu.vector_load %arg7[%get3A_2061] {strides = array<i32>} : memref<1024xf32, #tpu.memory_space<vmem>>, vector<16xf32>,
        %add3A_2063 = arith.addf %add3A_2060, %get3A_2062 : vector<16xf32>
        %get3A_2064 = arith.constant 208 : index
        %get3A_2065 = tpu.vector_load %arg7[%get3A_2064] {strides = array<i32>} : memref<1024xf32, #tpu.memory_space<vmem>>, vector<16xf32>,
        %add3A_2066 = arith.addf %add3A_2063, %get3A_2065 : vector<16xf32>
        %get3A_2067 = arith.constant 224 : index
        %get3A_2068 = tpu.vector_load %arg7[%get3A_2067] {strides = array<i32>} : memref<1024xf32, #tpu.memory_space<vmem>>, vector<16xf32>,
        %add3A_2069 = arith.addf %add3A_2066, %get3A_2068 : vector<16xf32>
        %get3A_2070 = arith.constant 240 : index
        %get3A_2071 = tpu.vector_load %arg7[%get3A_2070] {strides = array<i32>} : memref<1024xf32, #tpu.memory_space<vmem>>, vector<16xf32>,
        %add3A_2072 = arith.addf %add3A_2069, %get3A_2071 : vector<16xf32>
        %swap3A_2073 = arith.constant 0 : index
        %swap3A_2074 = tpu.vector_load %arg8[%swap3A_2073] {strides = array<i32>} : memref<1024xf32, #tpu.memory_space<vmem>>, vector<16xf32>,
        tpu.vector_store %arg8[%swap3A_2073], %add3A_2072 {strides = array<i32>} : memref<1024xf32, #tpu.memory_space<vmem>>, vector<16xf32>,
        %gather3A_2075 = tpu.vector_load_idx %arg8[%broadcast_in_dim3A_3] : memref<1024xf32, #tpu.memory_space<vmem>>[vector<16xi32>], vector<16xf32>,
        %gather3A_2076 = tpu.vector_load_idx %arg8[%broadcast_in_dim3A_7] : memref<1024xf32, #tpu.memory_space<vmem>>[vector<16xi32>], vector<16xf32>,
        %div3A = arith.divf %gather3A_2075, %gather3A_2076 : vector<16xf32>
        %swap3A_2077 = arith.constant 0 : index
        %swap3A_2078 = tpu.vector_load %arg15[%swap3A_2077] {strides = array<i32>} : memref<16xf32, #tpu.memory_space<vmem>>, vector<16xf32>,
        tpu.vector_store %arg15[%swap3A_2077], %div3A {strides = array<i32>} : memref<16xf32, #tpu.memory_space<vmem>>, vector<16xf32>,
        "tpu.region"() ({
          %run_scoped3A = tpu.sem_alloc : memref<!tpu.dma_semaphore, #tpu.memory_space<semaphore_mem>>
          tpu.enqueue_dma source(%arg15 : memref<16xf32, #tpu.memory_space<vmem>>) target(%arg5 : memref<16xf32, #tpu.memory_space<hbm>>) target_semaphore(%run_scoped3A : memref<!tpu.dma_semaphore, #tpu.memory_space<semaphore_mem>>)
          tpu.wait_dma2 semaphore(%run_scoped3A : memref<!tpu.dma_semaphore, #tpu.memory_space<semaphore_mem>>) src(%arg15 : memref<16xf32, #tpu.memory_space<vmem>>) dst(%arg5 : memref<16xf32, #tpu.memory_space<hbm>>)
          tpu.yield
        }) : () -> ()
      } else {
      }
    } else {
    }
    return
  }
}

module attributes {stable_mosaic.version = 14 : i64} {
  func.func @_row_stats_kernel(%arg0: i32, %arg1: memref<1000x1xf32, #tpu.memory_space<vmem>>, %arg2: memref<1000x1024xf32, #tpu.memory_space<vmem>>, %arg3: memref<1000x1024xf32, #tpu.memory_space<vmem>>, %arg4: memref<1024xf32, #tpu.memory_space<vmem>>, %arg5: memref<1024xf32, #tpu.memory_space<vmem>>, %arg6: memref<1024xf32, #tpu.memory_space<vmem>>) attributes {dimension_semantics = [#tpu.dimension_semantics<arbitrary>], iteration_bounds = array<i64: 16>, scalar_prefetch = 0 : i64, scratch_operands = 0 : i64, tpu.core_type = #tpu.core_type<tc>, window_params = [{pipeline_mode = #tpu.pipeline_mode<synchronous>, transform_indices = @transform_0, window_bounds = array<i64: 1000, 1>}, {transform_indices = @transform_1, window_bounds = array<i64: 1000, 1024>}, {transform_indices = @transform_2, window_bounds = array<i64: 1000, 1024>}, {transform_indices = @transform_3, window_bounds = array<i64: 1024>}, {transform_indices = @transform_4, window_bounds = array<i64: 1024>}, {transform_indices = @transform_5, window_bounds = array<i64: 1024>}]} {
    %get3A = arith.constant 0 : index
    %get3A_0 = arith.constant 0 : index
    %get3A_1 = vector.load %arg3[%get3A, %get3A_0] : memref<1000x1024xf32, #tpu.memory_space<vmem>>, vector<1000x1024xf32>
    %get3A_2 = arith.constant 0 : index
    %get3A_3 = arith.constant 0 : index
    %get3A_4 = vector.load %arg2[%get3A_2, %get3A_3] : memref<1000x1024xf32, #tpu.memory_space<vmem>>, vector<1000x1024xf32>
    %reduce_max3A = arith.constant dense<0xFF800000> : vector<1024xf32>
    %reduce_max3A_5 = vector.multi_reduction <maximumf>, %get3A_1, %reduce_max3A [0] : vector<1000x1024xf32> to vector<1024xf32>
    %iota3A = tpu.iota {dimensions = array<i32: 0>} : vector<1000x1024xi32>
    %broadcast_in_dim3A = vector.shape_cast %reduce_max3A_5 : vector<1024xf32> to vector<1x1024xf32>
    %eq3A = vector.broadcast %broadcast_in_dim3A : vector<1x1024xf32> to vector<1000x1024xf32>
    %eq3A_6 = arith.cmpf oeq, %get3A_1, %eq3A : vector<1000x1024xf32>
    %jit3A = arith.constant 1000 : i32
    %broadcast_in_dim3A_7 = vector.broadcast %jit3A : i32 to vector<1000x1024xi32>
    %select_n3A = arith.select %eq3A_6, %iota3A, %broadcast_in_dim3A_7 : vector<1000x1024xi1>, vector<1000x1024xi32>
    %reduce_min3A = arith.constant dense<2147483647> : vector<1024xi32>
    %reduce_min3A_8 = vector.multi_reduction <minsi>, %select_n3A, %reduce_min3A [0] : vector<1000x1024xi32> to vector<1024xi32>
    %broadcast_in_dim3A_9 = vector.shape_cast %reduce_min3A_8 : vector<1024xi32> to vector<1x1024xi32>
    %eq3A_10 = vector.broadcast %broadcast_in_dim3A_9 : vector<1x1024xi32> to vector<1000x1024xi32>
    %eq3A_11 = arith.cmpi eq, %iota3A, %eq3A_10 : vector<1000x1024xi32>
    %jit3A_12 = arith.constant 0.000000e+00 : f32
    %broadcast_in_dim3A_13 = vector.broadcast %jit3A_12 : f32 to vector<1000x1024xf32>
    %select_n3A_14 = arith.select %eq3A_11, %get3A_4, %broadcast_in_dim3A_13 : vector<1000x1024xi1>, vector<1000x1024xf32>
    %reduce_sum3A = arith.constant dense<0.000000e+00> : vector<1024xf32>
    %reduce_sum3A_15 = vector.multi_reduction <add>, %select_n3A_14, %reduce_sum3A [0] : vector<1000x1024xf32> to vector<1024xf32>
    %get3A_16 = arith.constant 0 : index
    %get3A_17 = arith.constant 0 : index
    %get3A_18 = vector.load %arg1[%get3A_16, %get3A_17] : memref<1000x1xf32, #tpu.memory_space<vmem>>, vector<1000x1xf32>
    %jit3A_19 = arith.constant 0.000000e+00 : f32
    %broadcast_in_dim3A_20 = vector.shape_cast %get3A_18 : vector<1000x1xf32> to vector<1000x1xf32>
    %broadcast_in_dim3A_21 = vector.broadcast %broadcast_in_dim3A_20 : vector<1000x1xf32> to vector<1000x1024xf32>
    %broadcast_in_dim3A_22 = vector.broadcast %jit3A_19 : f32 to vector<1000x1024xf32>
    %select_n3A_23 = arith.select %eq3A_11, %broadcast_in_dim3A_21, %broadcast_in_dim3A_22 : vector<1000x1024xi1>, vector<1000x1024xf32>
    %reduce_sum3A_24 = arith.constant dense<0.000000e+00> : vector<1024xf32>
    %reduce_sum3A_25 = vector.multi_reduction <add>, %select_n3A_23, %reduce_sum3A_24 [0] : vector<1000x1024xf32> to vector<1024xf32>
    %mul3A = arith.mulf %get3A_4, %get3A_1 : vector<1000x1024xf32>
    %reduce_sum3A_26 = arith.constant dense<0.000000e+00> : vector<1024xf32>
    %reduce_sum3A_27 = vector.multi_reduction <add>, %mul3A, %reduce_sum3A_26 [0] : vector<1000x1024xf32> to vector<1024xf32>
    %neg3A = arith.constant 0.000000e+00 : f32
    %neg3A_28 = vector.broadcast %neg3A : f32 to vector<1024xf32>
    %neg3A_29 = arith.subf %neg3A_28, %reduce_sum3A_15 : vector<1024xf32>
    %sub3A = arith.constant 1.000000e+00 : f32
    %sub3A_30 = vector.broadcast %sub3A : f32 to vector<1024xf32>
    %sub3A_31 = arith.subf %sub3A_30, %reduce_sum3A_27 : vector<1024xf32>
    %mul3A_32 = arith.constant 5.000000e-01 : f32
    %mul3A_33 = vector.broadcast %mul3A_32 : f32 to vector<1024xf32>
    %mul3A_34 = arith.mulf %mul3A_33, %sub3A_31 : vector<1024xf32>
    %add3A = arith.addf %neg3A_29, %mul3A_34 : vector<1024xf32>
    %swap3A = arith.constant 0 : index
    %swap3A_35 = vector.load %arg4[%swap3A] : memref<1024xf32, #tpu.memory_space<vmem>>, vector<1024xf32>
    tpu.vector_store %arg4[%swap3A], %add3A {strides = array<i32>} : memref<1024xf32, #tpu.memory_space<vmem>>, vector<1024xf32>,
    %log3A = math.log %reduce_sum3A_15 : vector<1024xf32>
    %neg3A_36 = arith.constant 0.000000e+00 : f32
    %neg3A_37 = vector.broadcast %neg3A_36 : f32 to vector<1024xf32>
    %neg3A_38 = arith.subf %neg3A_37, %log3A : vector<1024xf32>
    %swap3A_39 = arith.constant 0 : index
    %swap3A_40 = vector.load %arg5[%swap3A_39] : memref<1024xf32, #tpu.memory_space<vmem>>, vector<1024xf32>
    tpu.vector_store %arg5[%swap3A_39], %neg3A_38 {strides = array<i32>} : memref<1024xf32, #tpu.memory_space<vmem>>, vector<1024xf32>,
    %swap3A_41 = arith.constant 0 : index
    %swap3A_42 = vector.load %arg6[%swap3A_41] : memref<1024xf32, #tpu.memory_space<vmem>>, vector<1024xf32>
    tpu.vector_store %arg6[%swap3A_41], %reduce_sum3A_25 {strides = array<i32>} : memref<1024xf32, #tpu.memory_space<vmem>>, vector<1024xf32>,
    return
  }
  func.func @transform_0(%arg0: i32) -> (i32, i32) {
    %c0_i32 = arith.constant 0 : i32
    %c0_i32_0 = arith.constant 0 : i32
    %c0_i32_1 = arith.constant 0 : i32
    return %c0_i32, %c0_i32_0 : i32, i32
  }
  func.func @transform_1(%arg0: i32) -> (i32, i32) {
    %c0_i32 = arith.constant 0 : i32
    %c0_i32_0 = arith.constant 0 : i32
    return %c0_i32, %arg0 : i32, i32
  }
  func.func @transform_2(%arg0: i32) -> (i32, i32) {
    %c0_i32 = arith.constant 0 : i32
    %c0_i32_0 = arith.constant 0 : i32
    return %c0_i32, %arg0 : i32, i32
  }
  func.func @transform_3(%arg0: i32) -> i32 {
    %c0_i32 = arith.constant 0 : i32
    return %arg0 : i32
  }
  func.func @transform_4(%arg0: i32) -> i32 {
    %c0_i32 = arith.constant 0 : i32
    return %arg0 : i32
  }
  func.func @transform_5(%arg0: i32) -> i32 {
    %c0_i32 = arith.constant 0 : i32
    return %arg0 : i32
  }
}

</mosaic_0001>

<sc_bundles>
// kernel: kernel.4.cloned.1.call-start
scs
__scs_entry_jumppad:
0x0: {  	(pc) =	sbr.rel $0x88, $3  }
0x1: {  	(tag) =	ssettag $0x0;
	lr =	simm.s32 $0x1  }
0x2: {  	[smem:$0x3F9E] =	sst lr;
	_ =	strace $0xD0000000  }
0x3: {  	_ = 	snop  }
0x4: {  	_ = 	snop  }
0x5: {  	_ = 	snop  }
0x6: {  	_ = 	snop  }
0x7: {  	_ = 	snop  }
__scs_overlays_trampoline_lowered:
0x8: {  	[smem:$0x3FAD] =	sst s0  }
0x9: {  	[smem:$0x3FAE] =	sst s1  }
0xa: {  	[smem:$0x3FAF] =	sst s2  }
0xb: {  	[smem:$0x3FB0] =	sst s3  }
0xc: {  	[smem:$0x3FB1] =	sst s4  }
0xd: {  	[smem:$0x3FB2] =	sst s5  }
0xe: {  	[smem:$0x3FB3] =	sst s6  }
0xf: {  	[smem:$0x3FB4] =	sst s7  }
0x10: {  	[smem:$0x3FB5] =	sst s8  }
0x11: {  	[smem:$0x3FB6] =	sst s9;
	s0 =	simm.s32 @!p0 $0x0  }
0x12: {  	s1 =	sld [smem:$0x3F9C];
	s0 =	simm.s32 @p0 $0x1  }
0x13: {  	[smem:$0x3FB7] =	sst s0;
	s0 =	simm.s32 @!p1 $0x0  }
0x14: {  	s2 =	sld [smem:$0x3F9B];
	s0 =	simm.s32 @p1 $0x1  }
0x15: {  	[smem:$0x3FB8] =	sst s0;
	s0 =	simm.s32 @!p2 $0x0  }
0x16: {  	s3 =	sld [smem:$0x3FDB];
	s0 =	simm.s32 @p2 $0x1  }
0x17: {  	s4 =	simm.s32 $0x1BF5;
	[smem:$0x3FBA] =	sst s0  }
0x18: {  	s0 =	sld [smem:$0x3F9D];
	_ =	swait.ge [sflag:s4], $0x0  }
0x19: {  	s7 =	sld [smem:$0x3F9E]  }
0x1a: {  	s8 =	sadd.s32 $0xFFFFE003, lr  }
0x1b: {  	s9 =	sadd.s32 $0xFFFFFEF7, lr;
	s5 =	simm.s32 $0xFFFFFFFF;
	p2 =	slt.u32 s8, $0xFFFFF086  }
0x1c: {  	p1 =	slt.u32 s9, $0xF7A;
	s5 =	simm.s32 @!p2 $0x0  }
0x1d: {  	s5 =	simm.s32 @p1 $0x1;
	p0 =	seq.s32 s7, s2  }
0x1e: {  	s7 =	smul.u32 @!p0 $0xF7A, s2;
	p2 =	seq.s32 @!p0 s5, $0x0  }
0x1f: {  	s9 =	smul.u32 $0xF7A, s1;
	s8 =	simm.s32 @!p0 $0x1BF5;
	p2 =	por !p2, p0  }
0x20: {  	[sflag:s8] =	ssyncset.s32 @!p0 $0xFFFFF086;
	s6 =	sadd.s32 @!p0 s3, s7;
	s7 =	simm.s32 @!p0 $0x108  }
0x21: {  	s3 =	sadd.s32 s3, s9;
	s6 =	sadd.s32 @!p0 $0x88, s6;
	s7 =	simm.s32 @p2 $0x1082  }
0x22: {  	[simem:s7], [sflag:s8] =	dma.local @!p0 [hbm:s6], $0xF7A  }
0x23: {  	s9 =	sor.u32 $0xD0000000, s2;
	s6 =	simm.s32 $0x108;
	_ =	swait.ge @!p0 [sflag:s8], $0x0  }
0x24: {  	s3 =	sadd.s32 $0x88, s3;
	s6 =	simm.s32 @!p1 $0x1082;
	[sflag:s4] =	ssyncset.s32 $0xFFFFF086  }
0x25: {  	[simem:s6], [sflag:s4] =	dma.local [hbm:s3], $0xF7A  }
0x26: {  	[smem:$0x3F9E] =	sst s1;
	(tag) =	ssettag s2;
	_ =	strace s9  }
0x27: {  	s1 =	sld [smem:$0x3FAE]  }
0x28: {  	s2 =	sld [smem:$0x3FAF]  }
0x29: {  	s4 =	sld [smem:$0x3FB1]  }
0x2a: {  	p0 =	seq.s32 s5, $0x0;
	s5 =	sld [smem:$0x3FB2]  }
0x2b: {  	s6 =	sld [smem:$0x3FB3]  }
0x2c: {  	s7 =	sld [smem:$0x3FB4]  }
0x2d: {  	s3 =	simm.s32 $0x108;
	s8 =	sld [smem:$0x3FB5]  }
0x2e: {  	s3 =	simm.s32 @!p0 $0x1082;
	s9 =	sld [smem:$0x3FB6]  }
0x2f: {  	lr =	sadd.s32 s0, s3;
	s0 =	sld [smem:$0x3FAD]  }
0x30: {  	s3 =	sld [smem:$0x3FB0]  }
0x31: {  	[smem:$0x3FB9] =	sst s10  }
0x32: {  	s10 =	sld [smem:$0x3FB7];
	_ =	sdelay $0x3  }
0x33: {  	p0 =	seq.s32 s10, $0x1;
	s10 =	sld [smem:$0x3FB9];
	_ =	sdelay $0x3  }
0x34: {  	[smem:$0x3FB9] =	sst s10  }
0x35: {  	s10 =	sld [smem:$0x3FB8];
	_ =	sdelay $0x3  }
0x36: {  	p1 =	seq.s32 s10, $0x1;
	s10 =	sld [smem:$0x3FB9];
	_ =	sdelay $0x3  }
0x37: {  	[smem:$0x3FB9] =	sst s10  }
0x38: {  	s10 =	sld [smem:$0x3FBA]  }
0x39: {  	_ = 	snop;
	(pc) =	sbr.ind lr, $3  }
0x3a: {  	_ = 	snop  }
0x3b: {  	_ = 	snop  }
0x3c: {  	p2 =	seq.s32 s10, $0x1;
	s10 =	sld [smem:$0x3FB9]  }
0x3d: {  	_ =	shalt  }
0x3e: {  	_ =	shalt  }
0x3f: {  	_ =	shalt  }
0x40: {  	_ =	shalt  }
0x41: {  	_ =	shalt  }
0x42: {  	_ =	shalt  }
0x43: {  	_ =	shalt  }
0x44: {  	_ =	shalt  }
0x45: {  	_ =	shalt  }
0x46: {  	_ =	shalt  }
0x47: {  	_ =	shalt  }
0x48: {  	_ =	shalt  }
0x49: {  	_ =	shalt  }
0x4a: {  	_ =	shalt  }
0x4b: {  	_ =	shalt  }
0x4c: {  	_ =	shalt  }
0x4d: {  	_ =	shalt  }
0x4e: {  	_ =	shalt  }
0x4f: {  	_ =	shalt  }
0x50: {  	_ =	shalt  }
0x51: {  	_ =	shalt  }
0x52: {  	_ =	shalt  }
0x53: {  	_ =	shalt  }
0x54: {  	_ =	shalt  }
0x55: {  	_ =	shalt  }
0x56: {  	_ =	shalt  }
0x57: {  	_ =	shalt  }
0x58: {  	_ =	shalt  }
0x59: {  	_ =	shalt  }
0x5a: {  	_ =	shalt  }
0x5b: {  	_ =	shalt  }
0x5c: {  	_ =	shalt  }
0x5d: {  	_ =	shalt  }
0x5e: {  	_ =	shalt  }
0x5f: {  	_ =	shalt  }
0x60: {  	_ =	shalt  }
0x61: {  	_ =	shalt  }
0x62: {  	_ =	shalt  }
0x63: {  	_ =	shalt  }
0x64: {  	_ =	shalt  }
0x65: {  	_ =	shalt  }
0x66: {  	_ =	shalt  }
0x67: {  	_ =	shalt  }
0x68: {  	_ =	shalt  }
0x69: {  	_ =	shalt  }
0x6a: {  	_ =	shalt  }
0x6b: {  	_ =	shalt  }
0x6c: {  	_ =	shalt  }
0x6d: {  	_ =	shalt  }
0x6e: {  	_ =	shalt  }
0x6f: {  	_ =	shalt  }
0x70: {  	_ =	shalt  }
0x71: {  	_ =	shalt  }
0x72: {  	_ =	shalt  }
0x73: {  	_ =	shalt  }
0x74: {  	_ =	shalt  }
0x75: {  	_ =	shalt  }
0x76: {  	_ =	shalt  }
0x77: {  	_ =	shalt  }
0x78: {  	_ =	shalt  }
0x79: {  	_ =	shalt  }
0x7a: {  	_ =	shalt  }
0x7b: {  	_ =	shalt  }
0x7c: {  	_ =	shalt  }
0x7d: {  	_ =	shalt  }
0x7e: {  	_ =	shalt  }
0x7f: {  	_ =	shalt  }
0x80: {  	_ =	shalt  }
0x81: {  	_ =	shalt  }
0x82: {  	_ =	shalt  }
0x83: {  	_ =	shalt  }
0x84: {  	_ =	shalt  }
0x85: {  	_ =	shalt  }
0x86: {  	_ =	shalt  }
0x87: {  	_ =	shalt  }
.Lfunc_end0:
.L_simem_size_0:
called_computation_lowered:
.L_overlay_start_0:
0x88: {  	s2 =	sld [smem:$0x3FD9]  }
0x89: {  	s3 =	sld [smem:$0x3FFE];
	_ =	sdelay $0x1  }
0x8a: {  	s1 =	srdreg.scid  }
0x8b: {  	s0 =	sand.u32 $0x1, s1  }
0x8c: {  	s17 =	sshll.u32 s0, $0xA;
	s2 =	sadd.s32 s3, s2  }
0x8d: {  	s2 =	sadd.s32 s2, s17  }
0x8e: {  	[smem:$0x3FC5] =	sst s2  }
0x8f: {  	_ = 	snop  }
0x90: {  	s2 =	sld [smem:$0x3FD0];
	(tm) =	ssettm $0x1  }
0x91: {  	s18 =	sld [smem:$0x3FFB];
	_ =	sdelay $0x3  }
0x92: {  	_ =	strace s18  }
0x93: {  	s3 =	sld [smem:$0x3FFC];
	_ =	sdelay $0x3  }
0x94: {  	_ =	strace s3  }
0x95: {  	s3 =	sld [smem:$0x3FFD];
	_ =	sdelay $0x3  }
0x96: {  	_ =	strace s3  }
0x97: {  	_ =	strace $0x8FFFFFFF  }
0x98: {  	s19 =	sld [smem:$0x3FDB];
	_ =	sdelay $0x1  }
0x99: {  	s4 =	simm.s32 $_scs_section_size  }
0x9a: {  	s5 =	simm.s32 $_size__tile_overlayer_lowered;
	s6 =	simm.s32 $_tile_overlayer_lowered  }
0x9b: {  	s22 =	simm.s32 $0x1BFF;
	s21 =	sshll.u32 s6, $0x1;
	s3 =	sadd.s32 s4, s19  }
0x9c: {  	s7 =	simm.s32 $0x0;
	s20 =	sshll.u32 s5, $0x1;
	s5 =	sadd.s32 s21, s3  }
0x9d: {  	[timem:s7], [sflag:s22] =	dma.local [hbm:s5], s20  }
0x9e: {  	_ =	swait.ge [sflag:s22], s20  }
0x9f: {  	s4 =	ssub.s32 $0x0, s20;
	[sflag:s22] =	ssyncset.done $0x0  }
0xa0: {  	[sflag:s22] =	ssyncadd.s32 s4;
	_ =	sdelay $0x1  }
0xa1: {  	s23 =	simm.s32 $0x1B8B  }
0xa2: {  	_ =	swait.ge [sflag:s23], $0x1  }
0xa3: {  	[sflag:s23] =	ssyncset.done $0x0  }
0xa4: {  	s25 =	simm.s32 $0x1B8E;
	s24 =	sld [smem:$0x3FFE];
	[sflag:s23] =	ssyncadd.s32 $0xFFFFFFFF  }
0xa5: {  	s26 =	simm.s32 $execute0_lowered;
	[smem:$0x3FD2] =	sst s25  }
0xa6: {  	s5 =	sshll.u32 s26, $0x1;
	_ =	strace $0x80000046;
	[dreg:$0x1] =	wrdreg $0xFFFFFFFF  }
0xa7: {  	s28 =	simm.s32 $_size_execute0_lowered;
	s3 =	sadd.s32 s3, s5;
	[dreg:$0x0] =	wrdreg $0x0  }
0xa8: {  	s5 =	sshll.u32 s28, $0x1;
	[dreg:$0x2] =	wrdreg s3  }
0xa9: {  	[dreg:$0x3] =	wrdreg s5  }
0xaa: {  	[dreg:$0x4] =	wrdreg $0xC0  }
0xab: {  	_ =	task [dreg:s7], $0x5FFFF  }
0xac: {  	[dreg:$0x1] =	wrdreg $0xFFFFFFFF  }
0xad: {  	[dreg:$0x0] =	wrdreg $0x60  }
0xae: {  	[dreg:$0x2] =	wrdreg s24  }
0xaf: {  	[dreg:$0x3] =	wrdreg s2  }
0xb0: {  	[dreg:$0x4] =	wrdreg $0x24000  }
0xb1: {  	[dreg:$0x5] =	wrdreg $0x26000  }
0xb2: {  	[dreg:$0x6] =	wrdreg $0x26100  }
0xb3: {  	[dreg:$0x7] =	wrdreg $0x9  }
0xb4: {  	_ =	task.clear_ibuf [dreg:s7], $0x8FFFF;
	_ =	strace $0x90000046  }
0xb5: {  	s29 =	simm.s32 $0x9;
	_ =	strace $0x80000048  }
0xb6: {  	_ =	swait.ge [sflag:s29], $0x1  }
0xb7: {  	[sflag:s29] =	ssyncadd.s32 $0xFFFFFFFF  }
0xb8: {  	_ =	strace $0x90000048  }
0xb9: {  	_ =	sfence  }
0xba: {  	s30 =	sld [smem:$0x0];
	_ =	sdelay $0x2  }
0xbb: {  	s31 =	sshll.u32 s1, $0xD;
	s1 =	sshrl.u32 s1, $0x2  }
0xbc: {  	s3 =	sand.u32 $0x4000, s31;
	s1 =	sadd.s32 s1, s30  }
0xbd: {  	s0 =	sor.u32 s3, s0;
	s1 =	sshll.u32 s1, $0x11  }
0xbe: {  	s0 =	sor.u32 s1, s0  }
0xbf: {  	s0 =	sadd.s32 $0x8F2B, s0  }
0xc0: {  	[sflag:s0] =	ssyncadd.remote.s32 $0x1  }
0xc1: {  	_ =	sfence.sel $0xFFFF  }
0xc2: {  	[dreg:$0x0] =	wrdreg $0xFFFFFFFF;
	(pc) =	sbr.abs _section_cstart, $3  }
0xc3: {  	[dreg:$0x1] =	wrdreg $0xFFFFFFFF  }
0xc4: {  	_ =	task.clear_ibuf [dreg:s7], $0x2FFFF;
	_ =	strace $0x9FFFFFFF  }
0xc5: {  	(tm) =	ssettm $0x7FFFFFFF  }
tec
execute0_lowered:
.L_overlay_start_1:
0x0: {  	(tag) =	ssettag $0x1  }
0x1: {  	s2 =	srdreg.scid  }
0x2: {  	s4 =	rddreg [dreg:$0x0];
	s2 =	sand.u32 $0x1, s2  }
0x3: {  	s1 =	rddreg [dreg:$0x1];
	p0 =	seq.s32 s2, $0x1  }
.Ltmp0:
0x4: {  	s9 =	rddreg [dreg:$0x2];
	(pc) =	sbr.rel @p0 .LBB2_24-.Ltmp0, $4  }
0x5: {  	s5 =	rddreg [dreg:$0x3]  }
0x6: {  	s3 =	rddreg [dreg:$0x4];
	s6 =	simm.s32 $0x0  }
0x7: {  	[smem:$0x7FF] =	sst s6  }
0x8: {  	s0 =	rddreg [dreg:$0x5];
	_ =	strace $0x80000047;
	s2 =	stileid.u32  }
0x9: {  	s7 =	sadd.s32 $0xC00, s4;
	s8 =	sshll.u32 s2, $0x7  }
0xa: {  	s26 =	simm.s32 $0x1;
	s7 =	sadd.s32 s7, s8  }
0xb: {  	[tilespmem:s6], [sflag:$0x1] =	stream.linear.gather [hbm4b:s7+s6], $0x400, $0x38;
	[tilespmem:$0x2620] =	vst v63  }
0xc: {  	_ =	swait.ge [sflag:s26], $0x400  }
0xd: {  	s10 =	sadd.s32 $0x1400, s4;
	[sflag:s26] =	ssyncset.done $0x0  }
0xe: {  	s11 =	simm.s32 $0x400;
	s10 =	sadd.s32 s10, s8;
	[sflag:s26] =	ssyncadd.s32 $0xFFFFFC00  }
0xf: {  	[tilespmem:s11], [sflag:$0x1] =	stream.linear.gather [hbm4b:s10+s6], $0x400, $0x38;
	[tilespmem:$0x2620] =	vst v63  }
0x10: {  	_ =	swait.ge [sflag:s26], $0x400  }
0x11: {  	s28 =	sadd.s32 $0x1C00, s4;
	[sflag:s26] =	ssyncset.done $0x0  }
0x12: {  	s29 =	simm.s32 $0x800;
	s4 =	sadd.s32 s28, s8;
	[sflag:s26] =	ssyncadd.s32 $0xFFFFFC00  }
0x13: {  	[tilespmem:s29], [sflag:$0x1] =	stream.linear.gather [hbm4b:s4+s6], $0x400, $0x38;
	[tilespmem:$0x2620] =	vst v63  }
0x14: {  	_ =	swait.ge [sflag:s26], $0x400  }
0x15: {  	[sflag:s26] =	ssyncset.done $0x0  }
0x16: {  	s11 =	simm.s32 $0x0;
	[sflag:s26] =	ssyncadd.s32 $0xFFFFFC00  }
0x17: {  	v0 =	vld [tilespmem:s11+$0x30]  }
0x18: {  	v3 =	vld [tilespmem:s11+$0x0]  }
0x19: {  	s30 =	sshll.u32 s2, $0x8;
	s31 =	sshll.u32 s2, $0x4;
	v1 =	vld [tilespmem:s11+$0x10]  }
0x1a: {  	s12 =	simm.s32 $0x100;
	s7 =	sadd.s32 $0x1000, s9;
	s10 =	sadd.s32 s30, s9;
	v2 =	vld [tilespmem:s11+$0x20]  }
0x1b: {  	s8 =	sadd.s32 $0x1000, s10;
	s6 =	sadd.s32 s31, s5;
	s4 =	sadd.s32 s31, s3  }
.LBB2_2:
0x1c: {  	s13 =	sshra.s32 s12, $0x2;
	p0 =	sne.s32 s12, $0xF00;
	s12 =	sadd.s32 $0x100, s12;
	vm0 =	vlt.s32 v0, $0x0;
	v4 =	vxor.u32 $0x7FFFFFFF, v0  }
.Ltmp1:
0x1d: {  	vm1 =	vlt.s32 v3, $0x0;
	v5 =	vxor.u32 $0x7FFFFFFF, v3;
	v4 =	vsel vm0, v4, v0;
	v0 =	vld [tilespmem:s13+$0x30];
	(pc) =	sbr.rel @p0 .LBB2_2-.Ltmp1, $4  }
0x1e: {  	v5 =	vsel vm1, v5, v3;
	v3 =	vld [tilespmem:s13+$0x0];
	vm0 =	vlt.s32 v1, $0x0;
	v6 =	vxor.u32 $0x7FFFFFFF, v1;
	[tilespmem:s11+$0xC30] =	vst v4  }
0x1f: {  	[tilespmem:s11+$0xC00] =	vst v5;
	v4 =	vsel vm0, v6, v1;
	v1 =	vld [tilespmem:s13+$0x10];
	vm0 =	vlt.s32 v2, $0x0;
	v5 =	vxor.u32 $0x7FFFFFFF, v2  }
0x20: {  	[tilespmem:s11+$0xC10] =	vst v4;
	v4 =	vsel vm0, v5, v2;
	v2 =	vld [tilespmem:s13+$0x20]  }
0x21: {  	[tilespmem:s11+$0xC20] =	vst v4;
	s11 =	smov.u32 s13  }
0x22: {  	vm0 =	vlt.s32 v0, $0x0;
	v4 =	vxor.u32 $0x7FFFFFFF, v0  }
0x23: {  	vm1 =	vlt.s32 v3, $0x0;
	v5 =	vxor.u32 $0x7FFFFFFF, v3;
	v0 =	vsel vm0, v4, v0  }
0x24: {  	v3 =	vsel vm1, v5, v3;
	vm14 =	vlt.s32 v1, $0x0;
	v63 =	vxor.u32 $0x7FFFFFFF, v1;
	[tilespmem:s11+$0xC30] =	vst v0  }
0x25: {  	[tilespmem:s11+$0xC00] =	vst v3;
	v0 =	vsel vm14, v63, v1;
	vm15 =	vlt.s32 v2, $0x0;
	v1 =	vxor.u32 $0x7FFFFFFF, v2  }
0x26: {  	[tilespmem:s11+$0xC10] =	vst v0;
	v0 =	vsel vm15, v1, v2  }
0x27: {  	[tilespmem:s11+$0xC20] =	vst v0;
	v0 =	vimm.s32 $0x0  }
0x28: {  	[tilespmem:$0x1000] =	vst v0  }
0x29: {  	[tilespmem:$0x1010] =	vst v0  }
0x2a: {  	[tilespmem:$0x1020] =	vst v0  }
0x2b: {  	[tilespmem:$0x1030] =	vst v0  }
0x2c: {  	[tilespmem:$0x1040] =	vst v0  }
0x2d: {  	[tilespmem:$0x1050] =	vst v0  }
0x2e: {  	[tilespmem:$0x1060] =	vst v0  }
0x2f: {  	[tilespmem:$0x1070] =	vst v0  }
0x30: {  	[tilespmem:$0x1080] =	vst v0  }
0x31: {  	[tilespmem:$0x1090] =	vst v0  }
0x32: {  	[tilespmem:$0x10A0] =	vst v0  }
0x33: {  	[tilespmem:$0x10B0] =	vst v0  }
0x34: {  	[tilespmem:$0x10C0] =	vst v0  }
0x35: {  	[tilespmem:$0x10D0] =	vst v0  }
0x36: {  	[tilespmem:$0x10E0] =	vst v0  }
0x37: {  	s12 =	simm.s32 $0x1000;
	s11 =	simm.s32 $0x0;
	[tilespmem:$0x10F0] =	vst v0;
	v0 =	vimm.s32 $0x1  }
.LBB2_4:
0x38: {  	s13 =	sshra.s32 s11, $0x2  }
0x39: {  	v1 =	vld [tilespmem:s13+$0xC00];
	_ =	sdelay $0x4  }
0x3a: {  	v1 =	vshrl.u32 v1, $0x18;
	_ =	sdelay $0x4  }
0x3b: {  	[tilespmem:v1+s12+$0x0] =	vst.idx.add.s32.msk $0xffff, v0  }
0x3c: {  	v1 =	vld [tilespmem:s13+$0xC10];
	_ =	sdelay $0x4  }
0x3d: {  	v1 =	vshrl.u32 v1, $0x18;
	_ =	sdelay $0x4  }
0x3e: {  	[tilespmem:v1+s12+$0x0] =	vst.idx.add.s32.msk $0xffff, v0  }
0x3f: {  	v1 =	vld [tilespmem:s13+$0xC20];
	_ =	sdelay $0x4  }
0x40: {  	v1 =	vshrl.u32 v1, $0x18;
	_ =	sdelay $0x4  }
0x41: {  	[tilespmem:v1+s12+$0x0] =	vst.idx.add.s32.msk $0xffff, v0  }
0x42: {  	v1 =	vld [tilespmem:s13+$0xC30];
	_ =	sdelay $0x4  }
0x43: {  	p0 =	sne.s32 s11, $0xF00;
	v1 =	vshrl.u32 v1, $0x18  }
.Ltmp2:
0x44: {  	_ = 	snop;
	(pc) =	sbr.rel @p0 .LBB2_4-.Ltmp2, $2  }
0x45: {  	_ =	sdelay $0x2  }
0x46: {  	s11 =	sadd.s32 $0x100, s11;
	[tilespmem:v1+s12+$0x0] =	vst.idx.add.s32.msk $0xffff, v0  }
0x47: {  	s11 =	simm.s32 $0x1000;
	s29 =	simm.s32 $0x1  }
0x48: {  	[spmem:s10] =	stream.linear.scatter [tilespmem:s11], [sflag:$0x1], $0x100, $0x38;
	[tilespmem:$0x2620] =	vst v63  }
0x49: {  	_ =	swait.ge [sflag:s29], $0x100  }
0x4a: {  	[sflag:s29] =	ssyncset.done $0x0  }
0x4b: {  	v0 =	vimm.s32 $0x0;
	[sflag:s29] =	ssyncadd.s32 $0xFFFFFF00  }
0x4c: {  	[tilespmem:$0x1000] =	vst v0  }
0x4d: {  	[tilespmem:$0x1010] =	vst v0  }
0x4e: {  	[tilespmem:$0x1020] =	vst v0  }
0x4f: {  	[tilespmem:$0x1030] =	vst v0  }
0x50: {  	[tilespmem:$0x1040] =	vst v0  }
0x51: {  	[tilespmem:$0x1050] =	vst v0  }
0x52: {  	[tilespmem:$0x1060] =	vst v0  }
0x53: {  	[tilespmem:$0x1070] =	vst v0  }
0x54: {  	[tilespmem:$0x1080] =	vst v0  }
0x55: {  	[tilespmem:$0x1090] =	vst v0  }
0x56: {  	[tilespmem:$0x10A0] =	vst v0  }
0x57: {  	[tilespmem:$0x10B0] =	vst v0  }
0x58: {  	[tilespmem:$0x10C0] =	vst v0  }
0x59: {  	[tilespmem:$0x10D0] =	vst v0  }
0x5a: {  	[tilespmem:$0x10E0] =	vst v0  }
0x5b: {  	[tilespmem:$0x10F0] =	vst v0  }
0x5c: {  	s12 =	simm.s32 $0x1100;
	[bflag:$0x0] =	sbarrier.arrive $0xFFFF  }
0x5d: {  	[tilespmem:s12], [sflag:$0x1] =	stream.linear.gather [spmem:s9], $0x1000, $0x38;
	[tilespmem:$0x2620] =	vst v63  }
0x5e: {  	_ =	swait.ge [sflag:s29], $0x1000  }
0x5f: {  	s13 =	simm.s32 $0x0;
	[sflag:s29] =	ssyncset.done $0x0  }
0x60: {  	s30 =	sand.u32 $0xF0, s13;
	[sflag:s29] =	ssyncadd.s32 $0xFFFFF000  }
0x61: {  	v0 =	vld [tilespmem:s30+$0x1200]  }
0x62: {  	v1 =	vld [tilespmem:s12+$0x0]  }
0x63: {  	v2 =	vld [tilespmem:s30+$0x1300]  }
0x64: {  	v3 =	vld [tilespmem:s30+$0x1400]  }
0x65: {  	v4 =	vld [tilespmem:s30+$0x1500]  }
0x66: {  	v5 =	vld [tilespmem:s30+$0x1600]  }
0x67: {  	v0 =	vadd.s32 v1, v0;
	v1 =	vld [tilespmem:s30+$0x1700]  }
0x68: {  	v0 =	vadd.s32 v2, v0;
	v2 =	vld [tilespmem:s30+$0x1800]  }
0x69: {  	v0 =	vadd.s32 v3, v0;
	v3 =	vld [tilespmem:s30+$0x1900]  }
0x6a: {  	v60 =	vld [tilespmem:s30+$0x1A00];
	v0 =	vadd.s32 v4, v0  }
0x6b: {  	v61 =	vld [tilespmem:s30+$0x1B00];
	v0 =	vadd.s32 v5, v0  }
0x6c: {  	v0 =	vadd.s32 v1, v0;
	v1 =	vld [tilespmem:s30+$0x1C00]  }
0x6d: {  	v0 =	vadd.s32 v2, v0;
	v2 =	vld [tilespmem:s30+$0x1D00]  }
0x6e: {  	v0 =	vadd.s32 v3, v0;
	v3 =	vld [tilespmem:s30+$0x1E00]  }
0x6f: {  	v62 =	vld [tilespmem:s30+$0x1F00];
	v0 =	vadd.s32 v60, v0  }
0x70: {  	v63 =	vld [tilespmem:s30+$0x2000];
	v0 =	vadd.s32 v61, v0  }
0x71: {  	v0 =	vadd.s32 v1, v0  }
0x72: {  	v0 =	vadd.s32 v2, v0  }
0x73: {  	v0 =	vadd.s32 v3, v0  }
0x74: {  	v0 =	vadd.s32 v62, v0  }
0x75: {  	s31 =	simm.s32 $0x10;
	s11 =	simm.s32 $0x2200;
	v0 =	vadd.s32 v63, v0  }
0x76: {  	s12 =	sand.u32 $0xF0, s31;
	[tilespmem:s11+$0x0] =	vst v0  }
0x77: {  	s14 =	simm.s32 $0x20;
	s13 =	simm.s32 $0x1110;
	v0 =	vld [tilespmem:s12+$0x1200]  }
.LBB2_6:
0x78: {  	p0 =	sne.s32 s14, $0xF0;
	v1 =	vld [tilespmem:s13+$0x0]  }
0x79: {  	v2 =	vld [tilespmem:s12+$0x1300]  }
0x7a: {  	v3 =	vld [tilespmem:s12+$0x1400]  }
0x7b: {  	v4 =	vld [tilespmem:s12+$0x1500]  }
0x7c: {  	v5 =	vld [tilespmem:s12+$0x1600]  }
0x7d: {  	v0 =	vadd.s32 v1, v0;
	v1 =	vld [tilespmem:s12+$0x1700]  }
0x7e: {  	v0 =	vadd.s32 v2, v0;
	v2 =	vld [tilespmem:s12+$0x1800]  }
0x7f: {  	v0 =	vadd.s32 v3, v0;
	v3 =	vld [tilespmem:s12+$0x1900]  }
0x80: {  	v0 =	vadd.s32 v4, v0;
	v4 =	vld [tilespmem:s12+$0x1A00]  }
0x81: {  	v0 =	vadd.s32 v5, v0;
	v5 =	vld [tilespmem:s12+$0x1B00]  }
0x82: {  	v0 =	vadd.s32 v1, v0;
	v1 =	vld [tilespmem:s12+$0x1C00]  }
0x83: {  	v0 =	vadd.s32 v2, v0;
	v2 =	vld [tilespmem:s12+$0x1D00]  }
0x84: {  	v0 =	vadd.s32 v3, v0;
	v3 =	vld [tilespmem:s12+$0x1E00]  }
0x85: {  	v0 =	vadd.s32 v4, v0;
	v4 =	vld [tilespmem:s12+$0x1F00]  }
0x86: {  	v0 =	vadd.s32 v5, v0;
	v5 =	vld [tilespmem:s12+$0x2000]  }
0x87: {  	v0 =	vadd.s32 v1, v0  }
0x88: {  	v0 =	vadd.s32 v2, v0  }
.Ltmp3:
0x89: {  	v0 =	vadd.s32 v3, v0;
	(pc) =	sbr.rel @p0 .LBB2_6-.Ltmp3, $4  }
0x8a: {  	v0 =	vadd.s32 v4, v0  }
0x8b: {  	s11 =	sadd.s32 $0x10, s11;
	v0 =	vadd.s32 v5, v0  }
0x8c: {  	s12 =	sand.u32 $0xF0, s14;
	[tilespmem:s11+$0x0] =	vst v0  }
0x8d: {  	s13 =	sadd.s32 $0x10, s13;
	s14 =	sadd.s32 $0x10, s14;
	v0 =	vld [tilespmem:s12+$0x1200]  }
0x8e: {  	v1 =	vld [tilespmem:s13+$0x0]  }
0x8f: {  	v2 =	vld [tilespmem:s12+$0x1300]  }
0x90: {  	v3 =	vld [tilespmem:s12+$0x1400]  }
0x91: {  	v4 =	vld [tilespmem:s12+$0x1500]  }
0x92: {  	v5 =	vld [tilespmem:s12+$0x1600]  }
0x93: {  	v0 =	vadd.s32 v1, v0;
	v1 =	vld [tilespmem:s12+$0x1700]  }
0x94: {  	v0 =	vadd.s32 v2, v0;
	v2 =	vld [tilespmem:s12+$0x1800]  }
0x95: {  	v0 =	vadd.s32 v3, v0;
	v3 =	vld [tilespmem:s12+$0x1900]  }
0x96: {  	v0 =	vadd.s32 v4, v0;
	v4 =	vld [tilespmem:s12+$0x1A00]  }
0x97: {  	v0 =	vadd.s32 v5, v0;
	v5 =	vld [tilespmem:s12+$0x1B00]  }
0x98: {  	v0 =	vadd.s32 v1, v0;
	v1 =	vld [tilespmem:s12+$0x1C00]  }
0x99: {  	v0 =	vadd.s32 v2, v0;
	v2 =	vld [tilespmem:s12+$0x1D00]  }
0x9a: {  	v0 =	vadd.s32 v3, v0;
	v3 =	vld [tilespmem:s12+$0x1E00]  }
0x9b: {  	v0 =	vadd.s32 v4, v0;
	v4 =	vld [tilespmem:s12+$0x1F00]  }
0x9c: {  	v0 =	vadd.s32 v5, v0;
	v5 =	vld [tilespmem:s12+$0x2000]  }
0x9d: {  	v0 =	vadd.s32 v1, v0  }
0x9e: {  	v0 =	vadd.s32 v2, v0  }
0x9f: {  	v0 =	vadd.s32 v3, v0  }
0xa0: {  	v0 =	vadd.s32 v4, v0  }
0xa1: {  	s11 =	sadd.s32 $0x10, s11;
	v0 =	vadd.s32 v5, v0  }
0xa2: {  	[tilespmem:s11+$0x0] =	vst v0  }
0xa3: {  	v1 =	vld [tilespmem:$0x22F0]  }
0xa4: {  	v0 =	vlaneseq.u32  }
0xa5: {  	v0 =	vmul.u32 $0xFFFFFFFF, v0;
	v2 =	vld [tilespmem:$0x22E0];
	_ =	sdelay $0x1  }
0xa6: {  	v3 =	vld [tilespmem:$0x22D0];
	v0 =	vadd.s32 $0xF, v0  }
0xa7: {  	v4 =	vperm.xlane v1, v0  }
0xa8: {  	v5 =	vld [tilespmem:$0x22C0]  }
0xa9: {  	(xrf0) =	vadd.scan.msk.s32 $0xffff, v4;
	v4 =	vperm.xlane v2, v0  }
0xaa: {  	(xrf0) =	vadd.scan.msk.s32 $0xffff, v1;
	v1 =	vld [tilespmem:$0x22B0]  }
0xab: {  	v10 =	vld [tilespmem:$0x2270];
	(xrf0) =	vadd.scan.msk.s32 $0xffff, v4;
	v4 =	vperm.xlane v3, v0  }
0xac: {  	(xrf0) =	vadd.scan.msk.s32 $0xffff, v2;
	v2 =	vld [tilespmem:$0x22A0]  }
0xad: {  	v59 =	vld [tilespmem:$0x2230];
	(xrf0) =	vadd.scan.msk.s32 $0xffff, v4;
	v4 =	vperm.xlane v5, v0  }
0xae: {  	(xrf0) =	vadd.scan.msk.s32 $0xffff, v3  }
0xaf: {  	v3 =	vld [tilespmem:$0x2290];
	v6, _, _ =	vpop (xrf0);
	(xrf0) =	vadd.scan.msk.s32 $0xffff, v4;
	v4 =	vperm.xlane v1, v0  }
0xb0: {  	v7, _, _ =	vpop (xrf0);
	(xrf0) =	vadd.scan.msk.s32 $0xffff, v5;
	v5 =	vld [tilespmem:$0x2280]  }
0xb1: {  	v8, _, _ =	vpop (xrf0);
	(xrf0) =	vadd.scan.msk.s32 $0xffff, v4;
	v4 =	vperm.xlane v2, v0  }
0xb2: {  	v55 =	vperm.xlane v10, v0;
	v28 =	vperm.xlane v59, v0;
	v9, _, _ =	vpop (xrf0)  }
0xb3: {  	v53 =	vbroadcast v7, $0xF;
	(xrf0) =	vadd.scan.msk.s32 $0xffff, v1;
	v8 =	vperm.xlane v8, v0;
	v7 =	vadd.s32 v7, v9  }
0xb4: {  	v11, _, _ =	vpop (xrf0);
	(xrf0) =	vadd.scan.msk.s32 $0xffff, v4;
	v1 =	vperm.xlane v3, v0;
	v15 =	vbroadcast v7, $0xF  }
0xb5: {  	v56 =	vperm.xlane v11, v0;
	v4, _, _ =	vpop (xrf0);
	(xrf0) =	vadd.scan.msk.s32 $0xffff, v2;
	v13 =	vperm.xlane v5, v0  }
0xb6: {  	v12, _, _ =	vpop (xrf0);
	(xrf0) =	vadd.scan.msk.s32 $0xffff, v1;
	v1 =	vperm.xlane v6, v0;
	v6 =	vadd.s32 v53, v8;
	v4 =	vadd.s32 v7, v4  }
0xb7: {  	v2 =	vld [tilespmem:$0x2260];
	v8 =	vadd.s32 v15, v56;
	vm13 =	vgt.s32 v6, $0x2CCB;
	v62 =	vbroadcast v4, $0xF  }
0xb8: {  	v14, _, _ =	vpop (xrf0);
	v12 =	vperm.xlane v12, v0;
	vm14 =	vgt.s32 v8, $0x2CCB;
	vm0 =	vgt.s32 v1, $0x2CCB  }
0xb9: {  	(xrf0) =	vadd.scan.msk.s32 $0xffff, v3;
	v3 =	vld [tilespmem:$0x2250];
	v54, _, _ =	vpop (xrf0);
	v4 =	vadd.s32 v4, v14;
	v46 =	vmpcnt.ones.xlane vm13;
	v48 =	vmpcnt.ones.xlane vm14  }
0xba: {  	(xrf0) =	vadd.scan.msk.s32 $0xffff, v13;
	v16, _, _ =	vpop (xrf0);
	v17 =	vmpcnt.ones.xlane vm0;
	v19 =	vbroadcast v4, $0xF  }
0xbb: {  	(xrf0) =	vadd.scan.msk.s32 $0xffff, v5;
	v5 =	vld [tilespmem:$0x2240];
	v12 =	vadd.s32 v62, v12;
	v9 =	vperm.xlane v54, v0;
	v4 =	vadd.s32 v4, v16  }
0xbc: {  	v57, _, _ =	vpop (xrf0);
	(xrf0) =	vadd.scan.msk.s32 $0xffff, v55;
	v58 =	vperm.xlane v2, v0;
	vm15 =	vgt.s32 v12, $0x2CCB;
	v26 =	vbroadcast v4, $0xF  }
0xbd: {  	v18, _, _ =	vpop (xrf0);
	(xrf0) =	vadd.scan.msk.s32 $0xffff, v10;
	v11 =	vperm.xlane v57, v0;
	v9 =	vadd.s32 v19, v9;
	v50 =	vmpcnt.ones.xlane vm15  }
0xbe: {  	v17 =	vadd.s32 v46, v17;
	v60, _, _ =	vpop (xrf0);
	(xrf0) =	vadd.scan.msk.s32 $0xffff, v58;
	v61 =	vperm.xlane v3, v0;
	v4 =	vadd.s32 v4, v18  }
0xbf: {  	vm4 =	vgt.s32 v9, $0x2CCB;
	v63, _, _ =	vpop (xrf0);
	(xrf0) =	vadd.scan.msk.s32 $0xffff, v2;
	v2 =	vld [tilespmem:$0x2220];
	v21 =	vbroadcast v4, $0xF;
	v7 =	vperm.xlane v60, v0  }
0xc0: {  	v11 =	vadd.s32 v26, v11;
	v24, _, _ =	vpop (xrf0);
	(xrf0) =	vadd.scan.msk.s32 $0xffff, v61;
	v25 =	vperm.xlane v5, v0;
	v4 =	vadd.s32 v4, v63  }
0xc1: {  	v51 =	vmpcnt.ones.xlane vm4;
	vm5 =	vgt.s32 v11, $0x2CCB;
	v20, _, _ =	vpop (xrf0);
	(xrf0) =	vadd.scan.msk.s32 $0xffff, v3;
	v3 =	vld [tilespmem:$0x2210];
	v22 =	vbroadcast v4, $0xF  }
0xc2: {  	v16 =	vperm.xlane v24, v0;
	v7 =	vadd.s32 v21, v7;
	v27, _, _ =	vpop (xrf0);
	(xrf0) =	vadd.scan.msk.s32 $0xffff, v25;
	v4 =	vadd.s32 v4, v20  }
0xc3: {  	v52 =	vmpcnt.ones.xlane vm5;
	vm6 =	vgt.s32 v7, $0x2CCB;
	v29, _, _ =	vpop (xrf0);
	(xrf0) =	vadd.scan.msk.s32 $0xffff, v5;
	v33 =	vbroadcast v4, $0xF  }
0xc4: {  	v5 =	vld [tilespmem:$0x2200];
	v18 =	vperm.xlane v27, v0;
	v16 =	vadd.s32 v22, v16;
	v30, _, _ =	vpop (xrf0);
	(xrf0) =	vadd.scan.msk.s32 $0xffff, v28;
	v31 =	vperm.xlane v2, v0  }
0xc5: {  	v53 =	vmpcnt.ones.xlane vm6;
	v4 =	vadd.s32 v4, v29;
	vm7 =	vgt.s32 v16, $0x2CCB;
	v32, _, _ =	vpop (xrf0);
	(xrf0) =	vadd.scan.msk.s32 $0xffff, v59  }
0xc6: {  	v20 =	vperm.xlane v30, v0;
	v10 =	vadd.s32 v33, v18;
	v34, _, _ =	vpop (xrf0);
	(xrf0) =	vadd.scan.msk.s32 $0xffff, v31;
	v35 =	vperm.xlane v3, v0  }
0xc7: {  	v54 =	vmpcnt.ones.xlane vm7;
	vm8 =	vgt.s32 v10, $0x2CCB;
	v36, _, _ =	vpop (xrf0);
	(xrf0) =	vadd.scan.msk.s32 $0xffff, v2;
	v2 =	vbroadcast v4, $0xF  }
0xc8: {  	v4 =	vadd.s32 v4, v32;
	v14 =	vperm.xlane v34, v0;
	v55 =	vmpcnt.ones.xlane vm8;
	v37, _, _ =	vpop (xrf0);
	(xrf0) =	vadd.scan.msk.s32 $0xffff, v35  }
0xc9: {  	v5 =	vperm.xlane v5, v0;
	v38, _, _ =	vpop (xrf0);
	(xrf0) =	vadd.scan.msk.s32 $0xffff, v3;
	v3 =	vbroadcast v4, $0xF;
	v4 =	vadd.s32 v4, v36  }
0xca: {  	v2 =	vadd.s32 v2, v20;
	v40 =	vbroadcast v4, $0xF;
	v4 =	vadd.s32 v4, v38  }
0xcb: {  	v41 =	vperm.xlane v37, v0;
	v39, _, _ =	vpop (xrf0);
	vm9 =	vgt.s32 v2, $0x2CCB;
	v43 =	vbroadcast v4, $0xF  }
0xcc: {  	v15 =	vperm.xlane v39, v0;
	v3 =	vadd.s32 v3, v14;
	v14 =	vadd.s32 v48, v17  }
0xcd: {  	(xrf0) =	vadd.scan.msk.s32 $0xffff, v5;
	v56 =	vmpcnt.ones.xlane vm9;
	v5, _, _ =	vpop (xrf0);
	v18 =	vadd.s32 v40, v41;
	v14 =	vadd.s32 v50, v14  }
0xce: {  	vm10 =	vgt.s32 v3, $0x2CCB;
	v4 =	vadd.s32 v4, v5;
	v15 =	vadd.s32 v43, v15  }
0xcf: {  	v42, _, _ =	vpop (xrf0);
	v14 =	vadd.s32 v51, v14;
	v57 =	vmpcnt.ones.xlane vm10;
	vm11 =	vgt.s32 v18, $0x2CCB  }
0xd0: {  	v44 =	vbroadcast v4, $0xF;
	v13 =	vperm.xlane v42, v0;
	v14 =	vadd.s32 v52, v14  }
0xd1: {  	[tilespmem:$0x21F0] =	vst v1;
	v5, _, _ =	vpop (xrf0);
	v58 =	vmpcnt.ones.xlane vm11;
	vm12 =	vgt.s32 v15, $0x2CCB;
	v1 =	vadd.s32 v53, v14  }
0xd2: {  	[tilespmem:$0x21E0] =	vst v6;
	v45, _, _ =	vpop (xrf0);
	v4 =	vadd.s32 v4, v5;
	v59 =	vmpcnt.ones.xlane vm12;
	v1 =	vadd.s32 v54, v1  }
0xd3: {  	[tilespmem:$0x21D0] =	vst v8;
	v47, _, _ =	vpop (xrf0);
	v13 =	vadd.s32 v44, v13;
	v5 =	vperm.xlane v45, v0;
	v1 =	vadd.s32 v55, v1  }
0xd4: {  	[tilespmem:$0x21C0] =	vst v12;
	v49, _, _ =	vpop (xrf0);
	v60 =	vadd.s32 v4, v47;
	v4 =	vbroadcast v4, $0xF;
	vm13 =	vgt.s32 v13, $0x2CCB  }
0xd5: {  	[tilespmem:$0x21B0] =	vst v9;
	v0 =	vperm.xlane v49, v0;
	v61 =	vbroadcast v60, $0xF;
	v1 =	vadd.s32 v56, v1  }
0xd6: {  	[tilespmem:$0x21A0] =	vst v11;
	v62 =	vmpcnt.ones.xlane vm13;
	v4 =	vadd.s32 v4, v5;
	v1 =	vadd.s32 v57, v1  }
0xd7: {  	[tilespmem:$0x2190] =	vst v7;
	vm14 =	vgt.s32 v4, $0x2CCB;
	v0 =	vadd.s32 v61, v0;
	v1 =	vadd.s32 v58, v1  }
0xd8: {  	[tilespmem:$0x2180] =	vst v16;
	v5 =	vmpcnt.ones.xlane vm14;
	vm15 =	vgt.s32 v0, $0x2CCB;
	v1 =	vadd.s32 v59, v1  }
0xd9: {  	[tilespmem:$0x2170] =	vst v10;
	v63 =	vmpcnt.ones.xlane vm15;
	v1 =	vadd.s32 v62, v1  }
0xda: {  	[tilespmem:$0x2160] =	vst v2;
	v1 =	vadd.s32 v5, v1  }
0xdb: {  	[tilespmem:$0x2150] =	vst v3;
	v1 =	vadd.s32 v63, v1  }
0xdc: {  	[tilespmem:$0x2140] =	vst v18;
	v3 =	vadd.s32 $0xFFFFFFFF, v1  }
0xdd: {  	[tilespmem:$0x2130] =	vst v15  }
0xde: {  	[tilespmem:$0x2120] =	vst v13  }
0xdf: {  	[tilespmem:$0x2110] =	vst v4  }
0xe0: {  	s30 =	simm.s32 $0x2100;
	[tilespmem:$0x2100] =	vst v0  }
0xe1: {  	s31 =	simm.s32 $0x2200;
	v1 =	vld.idx.msk [tilespmem:v3+s30+$0x0], $0xffff  }
0xe2: {  	s12 =	simm.s32 $0x1000;
	s11 =	simm.s32 $0x0;
	v0 =	vshll.u32 v3, $0x18;
	v2 =	vld.idx.msk [tilespmem:v3+s31+$0x0], $0xffff;
	v3 =	vimm.s32 $0x1  }
.LBB2_8:
0xe3: {  	s13 =	sshra.s32 s11, $0x2  }
0xe4: {  	v4 =	vld [tilespmem:s13+$0xC00];
	_ =	sdelay $0x4  }
0xe5: {  	v5 =	vand.u32 $0xFF000000, v4  }
0xe6: {  	v4 =	vshrl.u32 v4, $0x10;
	vm0 =	veq.s32 v5, v0  }
0xe7: {  	v4 =	vand.u32 $0xFF, v4;
	_ =	sdelay $0x4  }
0xe8: {  	[tilespmem:v4+s12+$0x0] =	vst.idx.add.s32.msk vm0, v3  }
0xe9: {  	v4 =	vld [tilespmem:s13+$0xC10];
	_ =	sdelay $0x4  }
0xea: {  	v5 =	vand.u32 $0xFF000000, v4  }
0xeb: {  	v4 =	vshrl.u32 v4, $0x10;
	vm13 =	veq.s32 v5, v0  }
0xec: {  	v4 =	vand.u32 $0xFF, v4;
	_ =	sdelay $0x4  }
0xed: {  	[tilespmem:v4+s12+$0x0] =	vst.idx.add.s32.msk vm13, v3  }
0xee: {  	v4 =	vld [tilespmem:s13+$0xC20];
	_ =	sdelay $0x4  }
0xef: {  	v5 =	vand.u32 $0xFF000000, v4  }
0xf0: {  	v4 =	vshrl.u32 v4, $0x10;
	vm14 =	veq.s32 v5, v0  }
0xf1: {  	v4 =	vand.u32 $0xFF, v4;
	_ =	sdelay $0x4  }
0xf2: {  	[tilespmem:v4+s12+$0x0] =	vst.idx.add.s32.msk vm14, v3  }
0xf3: {  	v4 =	vld [tilespmem:s13+$0xC30];
	_ =	sdelay $0x4  }
0xf4: {  	v5 =	vand.u32 $0xFF000000, v4  }
0xf5: {  	v4 =	vshrl.u32 v4, $0x10;
	vm15 =	veq.s32 v5, v0  }
0xf6: {  	p0 =	sne.s32 s11, $0xF00;
	v4 =	vand.u32 $0xFF, v4  }
.Ltmp4:
0xf7: {  	_ = 	snop;
	(pc) =	sbr.rel @p0 .LBB2_8-.Ltmp4, $2  }
0xf8: {  	_ =	sdelay $0x2  }
0xf9: {  	s11 =	sadd.s32 $0x100, s11;
	[tilespmem:v4+s12+$0x0] =	vst.idx.add.s32.msk vm15, v3  }
0xfa: {  	s11 =	simm.s32 $0x1000;
	s29 =	simm.s32 $0x1  }
0xfb: {  	[spmem:s8] =	stream.linear.scatter [tilespmem:s11], [sflag:$0x1], $0x100, $0x38;
	[tilespmem:$0x2620] =	vst v63  }
0xfc: {  	_ =	swait.ge [sflag:s29], $0x100  }
0xfd: {  	[sflag:s29] =	ssyncset.done $0x0  }
0xfe: {  	v3 =	vimm.s32 $0x0;
	[sflag:s29] =	ssyncadd.s32 $0xFFFFFF00  }
0xff: {  	[tilespmem:$0x1000] =	vst v3  }
0x100: {  	[tilespmem:$0x1010] =	vst v3  }
0x101: {  	[tilespmem:$0x1020] =	vst v3  }
0x102: {  	[tilespmem:$0x1030] =	vst v3  }
0x103: {  	[tilespmem:$0x1040] =	vst v3  }
0x104: {  	[tilespmem:$0x1050] =	vst v3  }
0x105: {  	[tilespmem:$0x1060] =	vst v3  }
0x106: {  	[tilespmem:$0x1070] =	vst v3  }
0x107: {  	[tilespmem:$0x1080] =	vst v3  }
0x108: {  	[tilespmem:$0x1090] =	vst v3  }
0x109: {  	[tilespmem:$0x10A0] =	vst v3  }
0x10a: {  	[tilespmem:$0x10B0] =	vst v3  }
0x10b: {  	[tilespmem:$0x10C0] =	vst v3  }
0x10c: {  	[tilespmem:$0x10D0] =	vst v3  }
0x10d: {  	[tilespmem:$0x10E0] =	vst v3  }
0x10e: {  	[tilespmem:$0x10F0] =	vst v3  }
0x10f: {  	s12 =	simm.s32 $0x1100;
	[bflag:$0x0] =	sbarrier.arrive $0xFFFF  }
0x110: {  	[tilespmem:s12], [sflag:$0x1] =	stream.linear.gather [spmem:s7], $0x1000, $0x38;
	[tilespmem:$0x2620] =	vst v63  }
0x111: {  	_ =	swait.ge [sflag:s29], $0x1000  }
0x112: {  	s13 =	simm.s32 $0x0;
	[sflag:s29] =	ssyncset.done $0x0  }
0x113: {  	s30 =	sand.u32 $0xF0, s13;
	[sflag:s29] =	ssyncadd.s32 $0xFFFFF000  }
0x114: {  	v3 =	vld [tilespmem:s30+$0x1200]  }
0x115: {  	v4 =	vld [tilespmem:s12+$0x0]  }
0x116: {  	v5 =	vld [tilespmem:s30+$0x1300]  }
0x117: {  	v6 =	vld [tilespmem:s30+$0x1400]  }
0x118: {  	v7 =	vld [tilespmem:s30+$0x1500]  }
0x119: {  	v8 =	vld [tilespmem:s30+$0x1600]  }
0x11a: {  	v3 =	vadd.s32 v4, v3;
	v4 =	vld [tilespmem:s30+$0x1700]  }
0x11b: {  	v3 =	vadd.s32 v5, v3;
	v5 =	vld [tilespmem:s30+$0x1800]  }
0x11c: {  	v58 =	vld [tilespmem:s30+$0x1900];
	v3 =	vadd.s32 v6, v3  }
0x11d: {  	v59 =	vld [tilespmem:s30+$0x1A00];
	v3 =	vadd.s32 v7, v3  }
0x11e: {  	v60 =	vld [tilespmem:s30+$0x1B00];
	v3 =	vadd.s32 v8, v3  }
0x11f: {  	v3 =	vadd.s32 v4, v3;
	v4 =	vld [tilespmem:s30+$0x1C00]  }
0x120: {  	v3 =	vadd.s32 v5, v3;
	v5 =	vld [tilespmem:s30+$0x1D00]  }
0x121: {  	v61 =	vld [tilespmem:s30+$0x1E00];
	v3 =	vadd.s32 v58, v3  }
0x122: {  	v62 =	vld [tilespmem:s30+$0x1F00];
	v3 =	vadd.s32 v59, v3  }
0x123: {  	v63 =	vld [tilespmem:s30+$0x2000];
	v3 =	vadd.s32 v60, v3  }
0x124: {  	v3 =	vadd.s32 v4, v3  }
0x125: {  	v3 =	vadd.s32 v5, v3  }
0x126: {  	v3 =	vadd.s32 v61, v3  }
0x127: {  	v3 =	vadd.s32 v62, v3  }
0x128: {  	s31 =	simm.s32 $0x10;
	s11 =	simm.s32 $0x2200;
	v3 =	vadd.s32 v63, v3  }
0x129: {  	s12 =	sand.u32 $0xF0, s31;
	[tilespmem:s11+$0x0] =	vst v3  }
0x12a: {  	s14 =	simm.s32 $0x20;
	s13 =	simm.s32 $0x1110;
	v3 =	vld [tilespmem:s12+$0x1200]  }
.LBB2_10:
0x12b: {  	p0 =	sne.s32 s14, $0xF0;
	v4 =	vld [tilespmem:s13+$0x0]  }
0x12c: {  	v5 =	vld [tilespmem:s12+$0x1300]  }
0x12d: {  	v6 =	vld [tilespmem:s12+$0x1400]  }
0x12e: {  	v7 =	vld [tilespmem:s12+$0x1500]  }
0x12f: {  	v8 =	vld [tilespmem:s12+$0x1600]  }
0x130: {  	v3 =	vadd.s32 v4, v3;
	v4 =	vld [tilespmem:s12+$0x1700]  }
0x131: {  	v3 =	vadd.s32 v5, v3;
	v5 =	vld [tilespmem:s12+$0x1800]  }
0x132: {  	v3 =	vadd.s32 v6, v3;
	v6 =	vld [tilespmem:s12+$0x1900]  }
0x133: {  	v3 =	vadd.s32 v7, v3;
	v7 =	vld [tilespmem:s12+$0x1A00]  }
0x134: {  	v3 =	vadd.s32 v8, v3;
	v8 =	vld [tilespmem:s12+$0x1B00]  }
0x135: {  	v3 =	vadd.s32 v4, v3;
	v4 =	vld [tilespmem:s12+$0x1C00]  }
0x136: {  	v3 =	vadd.s32 v5, v3;
	v5 =	vld [tilespmem:s12+$0x1D00]  }
0x137: {  	v3 =	vadd.s32 v6, v3;
	v6 =	vld [tilespmem:s12+$0x1E00]  }
0x138: {  	v3 =	vadd.s32 v7, v3;
	v7 =	vld [tilespmem:s12+$0x1F00]  }
0x139: {  	v3 =	vadd.s32 v8, v3;
	v8 =	vld [tilespmem:s12+$0x2000]  }
0x13a: {  	v3 =	vadd.s32 v4, v3  }
0x13b: {  	v3 =	vadd.s32 v5, v3  }
.Ltmp5:
0x13c: {  	v3 =	vadd.s32 v6, v3;
	(pc) =	sbr.rel @p0 .LBB2_10-.Ltmp5, $4  }
0x13d: {  	v3 =	vadd.s32 v7, v3  }
0x13e: {  	s11 =	sadd.s32 $0x10, s11;
	v3 =	vadd.s32 v8, v3  }
0x13f: {  	s12 =	sand.u32 $0xF0, s14;
	[tilespmem:s11+$0x0] =	vst v3  }
0x140: {  	s13 =	sadd.s32 $0x10, s13;
	s14 =	sadd.s32 $0x10, s14;
	v3 =	vld [tilespmem:s12+$0x1200]  }
0x141: {  	v4 =	vld [tilespmem:s13+$0x0]  }
0x142: {  	v5 =	vld [tilespmem:s12+$0x1300]  }
0x143: {  	v6 =	vld [tilespmem:s12+$0x1400]  }
0x144: {  	v7 =	vld [tilespmem:s12+$0x1500]  }
0x145: {  	v8 =	vld [tilespmem:s12+$0x1600]  }
0x146: {  	v3 =	vadd.s32 v4, v3;
	v4 =	vld [tilespmem:s12+$0x1700]  }
0x147: {  	v3 =	vadd.s32 v5, v3;
	v5 =	vld [tilespmem:s12+$0x1800]  }
0x148: {  	v3 =	vadd.s32 v6, v3;
	v6 =	vld [tilespmem:s12+$0x1900]  }
0x149: {  	v3 =	vadd.s32 v7, v3;
	v7 =	vld [tilespmem:s12+$0x1A00]  }
0x14a: {  	v49 =	vld [tilespmem:s12+$0x1B00];
	v3 =	vadd.s32 v8, v3  }
0x14b: {  	v3 =	vadd.s32 v4, v3;
	v4 =	vld [tilespmem:s12+$0x1C00]  }
0x14c: {  	v3 =	vadd.s32 v5, v3;
	v5 =	vld [tilespmem:s12+$0x1D00]  }
0x14d: {  	v3 =	vadd.s32 v6, v3;
	v6 =	vld [tilespmem:s12+$0x1E00]  }
0x14e: {  	v3 =	vadd.s32 v7, v3;
	v7 =	vld [tilespmem:s12+$0x1F00]  }
0x14f: {  	v50 =	vld [tilespmem:s12+$0x2000];
	v3 =	vadd.s32 v49, v3  }
0x150: {  	v3 =	vadd.s32 v4, v3  }
0x151: {  	v3 =	vadd.s32 v5, v3  }
0x152: {  	v3 =	vadd.s32 v6, v3  }
0x153: {  	v3 =	vadd.s32 v7, v3  }
0x154: {  	s11 =	sadd.s32 $0x10, s11;
	v3 =	vadd.s32 v50, v3  }
0x155: {  	[tilespmem:s11+$0x0] =	vst v3  }
0x156: {  	v4 =	vld [tilespmem:$0x22F0]  }
0x157: {  	v3 =	vlaneseq.u32  }
0x158: {  	v3 =	vmul.u32 $0xFFFFFFFF, v3;
	v5 =	vld [tilespmem:$0x22E0];
	_ =	sdelay $0x1  }
0x159: {  	v6 =	vld [tilespmem:$0x22D0];
	v3 =	vadd.s32 $0xF, v3  }
0x15a: {  	v7 =	vperm.xlane v4, v3  }
0x15b: {  	v51 =	vld [tilespmem:$0x22C0]  }
0x15c: {  	(xrf0) =	vadd.scan.msk.s32 $0xffff, v7;
	v7 =	vperm.xlane v5, v3  }
0x15d: {  	(xrf0) =	vadd.scan.msk.s32 $0xffff, v4;
	v4 =	vld [tilespmem:$0x22B0]  }
0x15e: {  	(xrf0) =	vadd.scan.msk.s32 $0xffff, v7;
	v7 =	vperm.xlane v6, v3  }
0x15f: {  	(xrf0) =	vadd.scan.msk.s32 $0xffff, v5;
	v5 =	vld [tilespmem:$0x22A0]  }
0x160: {  	(xrf0) =	vadd.scan.msk.s32 $0xffff, v7;
	v7 =	vperm.xlane v51, v3  }
0x161: {  	(xrf0) =	vadd.scan.msk.s32 $0xffff, v6;
	v6 =	vld [tilespmem:$0x2290]  }
0x162: {  	v9, _, _ =	vpop (xrf0);
	(xrf0) =	vadd.scan.msk.s32 $0xffff, v7;
	v7 =	vperm.xlane v4, v3  }
0x163: {  	v10, _, _ =	vpop (xrf0);
	(xrf0) =	vadd.scan.msk.s32 $0xffff, v51  }
0x164: {  	v1 =	vsub.s32 v2, v1;
	v52 =	vld [tilespmem:$0x2280];
	v2 =	vperm.xlane v9, v3;
	v11, _, _ =	vpop (xrf0);
	(xrf0) =	vadd.scan.msk.s32 $0xffff, v7;
	v7 =	vperm.xlane v5, v3  }
0x165: {  	v1 =	vadd.s32 $0x2CCC, v1;
	v53 =	vbroadcast v10, $0xF;
	v12, _, _ =	vpop (xrf0);
	(xrf0) =	vadd.scan.msk.s32 $0xffff, v4;
	v11 =	vperm.xlane v11, v3  }
0x166: {  	v4 =	vld [tilespmem:$0x2270];
	vm0 =	vge.s32 v2, v1;
	v13, _, _ =	vpop (xrf0);
	(xrf0) =	vadd.scan.msk.s32 $0xffff, v7;
	v7 =	vperm.xlane v6, v3;
	v10 =	vadd.s32 v10, v12  }
0x167: {  	v19 =	vmpcnt.ones.xlane vm0;
	v14, _, _ =	vpop (xrf0);
	v17 =	vbroadcast v10, $0xF  }
0x168: {  	(xrf0) =	vadd.scan.msk.s32 $0xffff, v5;
	v9 =	vadd.s32 v53, v11;
	v56 =	vperm.xlane v13, v3;
	v10 =	vadd.s32 v10, v14  }
0x169: {  	v5 =	vld [tilespmem:$0x2260];
	v15, _, _ =	vpop (xrf0);
	(xrf0) =	vadd.scan.msk.s32 $0xffff, v7;
	v7 =	vperm.xlane v52, v3;
	vm13 =	vge.s32 v9, v1;
	v59 =	vbroadcast v10, $0xF  }
0x16a: {  	v16, _, _ =	vpop (xrf0);
	(xrf0) =	vadd.scan.msk.s32 $0xffff, v6;
	v11 =	vadd.s32 v17, v56;
	v15 =	vperm.xlane v15, v3;
	v45 =	vmpcnt.ones.xlane vm13  }
0x16b: {  	v6 =	vld [tilespmem:$0x2250];
	v54, _, _ =	vpop (xrf0);
	(xrf0) =	vadd.scan.msk.s32 $0xffff, v7;
	v7 =	vperm.xlane v4, v3;
	v10 =	vadd.s32 v10, v16;
	vm14 =	vge.s32 v11, v1  }
0x16c: {  	v18, _, _ =	vpop (xrf0);
	v21 =	vbroadcast v10, $0xF;
	v15 =	vadd.s32 v59, v15;
	v12 =	vperm.xlane v54, v3  }
0x16d: {  	v55 =	vld [tilespmem:$0x2240];
	(xrf0) =	vadd.scan.msk.s32 $0xffff, v52;
	v47 =	vmpcnt.ones.xlane vm14;
	v19 =	vadd.s32 v45, v19;
	v10 =	vadd.s32 v10, v18  }
0x16e: {  	v57, _, _ =	vpop (xrf0);
	(xrf0) =	vadd.scan.msk.s32 $0xffff, v7;
	v7 =	vperm.xlane v5, v3;
	vm15 =	vge.s32 v15, v1;
	v62 =	vbroadcast v10, $0xF  }
0x16f: {  	v20, _, _ =	vpop (xrf0);
	(xrf0) =	vadd.scan.msk.s32 $0xffff, v4;
	v4 =	vld [tilespmem:$0x2230];
	v13 =	vperm.xlane v57, v3;
	v12 =	vadd.s32 v21, v12;
	v50 =	vmpcnt.ones.xlane vm15  }
0x170: {  	v58, _, _ =	vpop (xrf0);
	(xrf0) =	vadd.scan.msk.s32 $0xffff, v7;
	v7 =	vperm.xlane v6, v3;
	v10 =	vadd.s32 v10, v20;
	vm4 =	vge.s32 v12, v1  }
0x171: {  	v60, _, _ =	vpop (xrf0);
	(xrf0) =	vadd.scan.msk.s32 $0xffff, v5;
	v5 =	vld [tilespmem:$0x2220];
	v23 =	vbroadcast v10, $0xF;
	v14 =	vperm.xlane v58, v3;
	v13 =	vadd.s32 v62, v13  }
0x172: {  	v51 =	vmpcnt.ones.xlane vm4;
	v61, _, _ =	vpop (xrf0);
	(xrf0) =	vadd.scan.msk.s32 $0xffff, v7;
	v7 =	vperm.xlane v55, v3;
	v10 =	vadd.s32 v10, v60  }
0x173: {  	vm5 =	vge.s32 v13, v1;
	v22, _, _ =	vpop (xrf0);
	(xrf0) =	vadd.scan.msk.s32 $0xffff, v6;
	v6 =	vld [tilespmem:$0x2210];
	v24 =	vbroadcast v10, $0xF;
	v18 =	vperm.xlane v61, v3  }
0x174: {  	v14 =	vadd.s32 v23, v14;
	v52 =	vmpcnt.ones.xlane vm5;
	v63, _, _ =	vpop (xrf0);
	(xrf0) =	vadd.scan.msk.s32 $0xffff, v7;
	v7 =	vperm.xlane v4, v3  }
0x175: {  	v29 =	vld [tilespmem:$0x2200];
	v10 =	vadd.s32 v10, v22;
	vm6 =	vge.s32 v14, v1;
	v28, _, _ =	vpop (xrf0);
	(xrf0) =	vadd.scan.msk.s32 $0xffff, v55;
	v20 =	vperm.xlane v63, v3  }
0x176: {  	v18 =	vadd.s32 v24, v18;
	v53 =	vmpcnt.ones.xlane vm6;
	v30, _, _ =	vpop (xrf0);
	(xrf0) =	vadd.scan.msk.s32 $0xffff, v7;
	v7 =	vperm.xlane v5, v3  }
0x177: {  	vm7 =	vge.s32 v18, v1;
	v31, _, _ =	vpop (xrf0);
	(xrf0) =	vadd.scan.msk.s32 $0xffff, v4;
	v4 =	vbroadcast v10, $0xF;
	v22 =	vperm.xlane v30, v3  }
0x178: {  	v10 =	vadd.s32 v10, v28;
	v54 =	vmpcnt.ones.xlane vm7;
	v32, _, _ =	vpop (xrf0);
	(xrf0) =	vadd.scan.msk.s32 $0xffff, v7;
	v7 =	vperm.xlane v6, v3  }
0x179: {  	v35 =	vadd.s32 v10, v31;
	v33, _, _ =	vpop (xrf0);
	(xrf0) =	vadd.scan.msk.s32 $0xffff, v5;
	v5 =	vbroadcast v10, $0xF;
	v4 =	vadd.s32 v4, v20  }
0x17a: {  	v16 =	vperm.xlane v32, v3;
	v34, _, _ =	vpop (xrf0);
	(xrf0) =	vadd.scan.msk.s32 $0xffff, v7;
	v7 =	vperm.xlane v29, v3;
	v8 =	vadd.s32 v35, v33  }
0x17b: {  	vm8 =	vge.s32 v4, v1;
	v5 =	vadd.s32 v5, v22;
	v36, _, _ =	vpop (xrf0);
	(xrf0) =	vadd.scan.msk.s32 $0xffff, v6;
	v6 =	vbroadcast v35, $0xF  }
0x17c: {  	v38 =	vbroadcast v8, $0xF;
	v39 =	vperm.xlane v34, v3;
	v8 =	vadd.s32 v8, v36  }
0x17d: {  	v55 =	vmpcnt.ones.xlane vm8;
	v37, _, _ =	vpop (xrf0);
	vm9 =	vge.s32 v5, v1;
	v41 =	vbroadcast v8, $0xF  }
0x17e: {  	v17 =	vperm.xlane v37, v3;
	v6 =	vadd.s32 v6, v16;
	v16 =	vadd.s32 v47, v19  }
0x17f: {  	(xrf0) =	vadd.scan.msk.s32 $0xffff, v7;
	v20 =	vadd.s32 v38, v39;
	v56 =	vmpcnt.ones.xlane vm9;
	v7, _, _ =	vpop (xrf0);
	v16 =	vadd.s32 v50, v16  }
0x180: {  	vm10 =	vge.s32 v6, v1;
	vm11 =	vge.s32 v20, v1;
	v7 =	vadd.s32 v8, v7  }
0x181: {  	v17 =	vadd.s32 v41, v17;
	v16 =	vadd.s32 v51, v16;
	v57 =	vmpcnt.ones.xlane vm10  }
0x182: {  	v40, _, _ =	vpop (xrf0);
	v58 =	vmpcnt.ones.xlane vm11;
	v43 =	vbroadcast v7, $0xF;
	v16 =	vadd.s32 v52, v16  }
0x183: {  	[tilespmem:$0x21F0] =	vst v2;
	v42, _, _ =	vpop (xrf0);
	v10 =	vperm.xlane v40, v3;
	vm12 =	vge.s32 v17, v1;
	v2 =	vadd.s32 v53, v16  }
0x184: {  	[tilespmem:$0x21E0] =	vst v9;
	v44, _, _ =	vpop (xrf0);
	v7 =	vadd.s32 v7, v42;
	v59 =	vmpcnt.ones.xlane vm12;
	v2 =	vadd.s32 v54, v2  }
0x185: {  	[tilespmem:$0x21D0] =	vst v11;
	v46, _, _ =	vpop (xrf0);
	v10 =	vadd.s32 v43, v10;
	v48 =	vperm.xlane v44, v3;
	v2 =	vadd.s32 v55, v2  }
0x186: {  	[tilespmem:$0x21C0] =	vst v15;
	v49, _, _ =	vpop (xrf0);
	v60 =	vadd.s32 v7, v46;
	v7 =	vbroadcast v7, $0xF;
	vm13 =	vge.s32 v10, v1  }
0x187: {  	[tilespmem:$0x21B0] =	vst v12;
	v3 =	vperm.xlane v49, v3;
	v61 =	vbroadcast v60, $0xF;
	v2 =	vadd.s32 v56, v2  }
0x188: {  	[tilespmem:$0x21A0] =	vst v13;
	v62 =	vmpcnt.ones.xlane vm13;
	v7 =	vadd.s32 v7, v48;
	v2 =	vadd.s32 v57, v2  }
0x189: {  	[tilespmem:$0x2190] =	vst v14;
	vm14 =	vge.s32 v7, v1;
	v3 =	vadd.s32 v61, v3;
	v2 =	vadd.s32 v58, v2  }
0x18a: {  	[tilespmem:$0x2180] =	vst v18;
	v63 =	vmpcnt.ones.xlane vm14;
	vm15 =	vge.s32 v3, v1;
	v2 =	vadd.s32 v59, v2  }
0x18b: {  	[tilespmem:$0x2170] =	vst v4;
	v4 =	vmpcnt.ones.xlane vm15;
	v2 =	vadd.s32 v62, v2  }
0x18c: {  	[tilespmem:$0x2160] =	vst v5;
	v2 =	vadd.s32 v63, v2  }
0x18d: {  	[tilespmem:$0x2150] =	vst v6;
	v2 =	vadd.s32 v4, v2  }
0x18e: {  	[tilespmem:$0x2140] =	vst v20;
	v4 =	vadd.s32 $0xFFFFFFFF, v2  }
0x18f: {  	[tilespmem:$0x2130] =	vst v17  }
0x190: {  	[tilespmem:$0x2120] =	vst v10  }
0x191: {  	[tilespmem:$0x2110] =	vst v7  }
0x192: {  	s30 =	simm.s32 $0x2100;
	[tilespmem:$0x2100] =	vst v3  }
0x193: {  	s31 =	simm.s32 $0x2200;
	v5 =	vshll.u32 v4, $0x10;
	v2 =	vld.idx.msk [tilespmem:v4+s30+$0x0], $0xffff  }
0x194: {  	s12 =	simm.s32 $0x1000;
	s11 =	simm.s32 $0x0;
	v0 =	vor.u32 v0, v5;
	v3 =	vld.idx.msk [tilespmem:v4+s31+$0x0], $0xffff;
	v4 =	vimm.s32 $0x1  }
.LBB2_12:
0x195: {  	s13 =	sshra.s32 s11, $0x2  }
0x196: {  	v5 =	vld [tilespmem:s13+$0xC00];
	_ =	sdelay $0x4  }
0x197: {  	v6 =	vand.u32 $0xFFFF0000, v5  }
0x198: {  	v5 =	vshrl.u32 v5, $0x8;
	vm0 =	veq.s32 v6, v0  }
0x199: {  	v5 =	vand.u32 $0xFF, v5;
	_ =	sdelay $0x4  }
0x19a: {  	[tilespmem:v5+s12+$0x0] =	vst.idx.add.s32.msk vm0, v4  }
0x19b: {  	v5 =	vld [tilespmem:s13+$0xC10];
	_ =	sdelay $0x4  }
0x19c: {  	v6 =	vand.u32 $0xFFFF0000, v5  }
0x19d: {  	v5 =	vshrl.u32 v5, $0x8;
	vm13 =	veq.s32 v6, v0  }
0x19e: {  	v5 =	vand.u32 $0xFF, v5;
	_ =	sdelay $0x4  }
0x19f: {  	[tilespmem:v5+s12+$0x0] =	vst.idx.add.s32.msk vm13, v4  }
0x1a0: {  	v5 =	vld [tilespmem:s13+$0xC20];
	_ =	sdelay $0x4  }
0x1a1: {  	v6 =	vand.u32 $0xFFFF0000, v5  }
0x1a2: {  	v5 =	vshrl.u32 v5, $0x8;
	vm14 =	veq.s32 v6, v0  }
0x1a3: {  	v5 =	vand.u32 $0xFF, v5;
	_ =	sdelay $0x4  }
0x1a4: {  	[tilespmem:v5+s12+$0x0] =	vst.idx.add.s32.msk vm14, v4  }
0x1a5: {  	v5 =	vld [tilespmem:s13+$0xC30];
	_ =	sdelay $0x4  }
0x1a6: {  	v6 =	vand.u32 $0xFFFF0000, v5  }
0x1a7: {  	v5 =	vshrl.u32 v5, $0x8;
	vm15 =	veq.s32 v6, v0  }
0x1a8: {  	p0 =	sne.s32 s11, $0xF00;
	v5 =	vand.u32 $0xFF, v5  }
.Ltmp6:
0x1a9: {  	_ = 	snop;
	(pc) =	sbr.rel @p0 .LBB2_12-.Ltmp6, $2  }
0x1aa: {  	_ =	sdelay $0x2  }
0x1ab: {  	s11 =	sadd.s32 $0x100, s11;
	[tilespmem:v5+s12+$0x0] =	vst.idx.add.s32.msk vm15, v4  }
0x1ac: {  	s11 =	simm.s32 $0x1000;
	s28 =	simm.s32 $0x1  }
0x1ad: {  	[spmem:s10] =	stream.linear.scatter [tilespmem:s11], [sflag:$0x1], $0x100, $0x38;
	[tilespmem:$0x2620] =	vst v63  }
0x1ae: {  	_ =	swait.ge [sflag:s28], $0x100  }
0x1af: {  	[sflag:s28] =	ssyncset.done $0x0  }
0x1b0: {  	v4 =	vimm.s32 $0x0;
	[sflag:s28] =	ssyncadd.s32 $0xFFFFFF00  }
0x1b1: {  	[tilespmem:$0x1000] =	vst v4  }
0x1b2: {  	[tilespmem:$0x1010] =	vst v4  }
0x1b3: {  	[tilespmem:$0x1020] =	vst v4  }
0x1b4: {  	[tilespmem:$0x1030] =	vst v4  }
0x1b5: {  	[tilespmem:$0x1040] =	vst v4  }
0x1b6: {  	[tilespmem:$0x1050] =	vst v4  }
0x1b7: {  	[tilespmem:$0x1060] =	vst v4  }
0x1b8: {  	[tilespmem:$0x1070] =	vst v4  }
0x1b9: {  	[tilespmem:$0x1080] =	vst v4  }
0x1ba: {  	[tilespmem:$0x1090] =	vst v4  }
0x1bb: {  	[tilespmem:$0x10A0] =	vst v4  }
0x1bc: {  	[tilespmem:$0x10B0] =	vst v4  }
0x1bd: {  	[tilespmem:$0x10C0] =	vst v4  }
0x1be: {  	[tilespmem:$0x10D0] =	vst v4  }
0x1bf: {  	[tilespmem:$0x10E0] =	vst v4  }
0x1c0: {  	[tilespmem:$0x10F0] =	vst v4  }
0x1c1: {  	s29 =	simm.s32 $0x1100;
	[bflag:$0x0] =	sbarrier.arrive $0xFFFF  }
0x1c2: {  	[tilespmem:s29], [sflag:$0x1] =	stream.linear.gather [spmem:s9], $0x1000, $0x38;
	[tilespmem:$0x2620] =	vst v63  }
0x1c3: {  	_ =	swait.ge [sflag:s28], $0x1000  }
0x1c4: {  	s30 =	simm.s32 $0x0;
	[sflag:s28] =	ssyncset.done $0x0  }
0x1c5: {  	s9 =	sand.u32 $0xF0, s30;
	[sflag:s28] =	ssyncadd.s32 $0xFFFFF000  }
0x1c6: {  	v4 =	vld [tilespmem:s9+$0x1200]  }
0x1c7: {  	v5 =	vld [tilespmem:s29+$0x0]  }
0x1c8: {  	v6 =	vld [tilespmem:s9+$0x1300]  }
0x1c9: {  	v7 =	vld [tilespmem:s9+$0x1400]  }
0x1ca: {  	v8 =	vld [tilespmem:s9+$0x1500]  }
0x1cb: {  	v9 =	vld [tilespmem:s9+$0x1600]  }
0x1cc: {  	v4 =	vadd.s32 v5, v4;
	v5 =	vld [tilespmem:s9+$0x1700]  }
0x1cd: {  	v4 =	vadd.s32 v6, v4;
	v6 =	vld [tilespmem:s9+$0x1800]  }
0x1ce: {  	v4 =	vadd.s32 v7, v4;
	v7 =	vld [tilespmem:s9+$0x1900]  }
0x1cf: {  	v60 =	vld [tilespmem:s9+$0x1A00];
	v4 =	vadd.s32 v8, v4  }
0x1d0: {  	v61 =	vld [tilespmem:s9+$0x1B00];
	v4 =	vadd.s32 v9, v4  }
0x1d1: {  	v4 =	vadd.s32 v5, v4;
	v5 =	vld [tilespmem:s9+$0x1C00]  }
0x1d2: {  	v4 =	vadd.s32 v6, v4;
	v6 =	vld [tilespmem:s9+$0x1D00]  }
0x1d3: {  	v4 =	vadd.s32 v7, v4;
	v7 =	vld [tilespmem:s9+$0x1E00]  }
0x1d4: {  	v62 =	vld [tilespmem:s9+$0x1F00];
	v4 =	vadd.s32 v60, v4  }
0x1d5: {  	v63 =	vld [tilespmem:s9+$0x2000];
	v4 =	vadd.s32 v61, v4  }
0x1d6: {  	v4 =	vadd.s32 v5, v4  }
0x1d7: {  	v4 =	vadd.s32 v6, v4  }
0x1d8: {  	v4 =	vadd.s32 v7, v4  }
0x1d9: {  	v4 =	vadd.s32 v62, v4  }
0x1da: {  	s31 =	simm.s32 $0x10;
	s9 =	simm.s32 $0x2200;
	v4 =	vadd.s32 v63, v4  }
0x1db: {  	s10 =	sand.u32 $0xF0, s31;
	[tilespmem:s9+$0x0] =	vst v4  }
0x1dc: {  	s12 =	simm.s32 $0x20;
	s11 =	simm.s32 $0x1110;
	v4 =	vld [tilespmem:s10+$0x1200]  }
.LBB2_14:
0x1dd: {  	p0 =	sne.s32 s12, $0xF0;
	v5 =	vld [tilespmem:s11+$0x0]  }
0x1de: {  	v6 =	vld [tilespmem:s10+$0x1300]  }
0x1df: {  	v7 =	vld [tilespmem:s10+$0x1400]  }
0x1e0: {  	v8 =	vld [tilespmem:s10+$0x1500]  }
0x1e1: {  	v9 =	vld [tilespmem:s10+$0x1600]  }
0x1e2: {  	v4 =	vadd.s32 v5, v4;
	v5 =	vld [tilespmem:s10+$0x1700]  }
0x1e3: {  	v4 =	vadd.s32 v6, v4;
	v6 =	vld [tilespmem:s10+$0x1800]  }
0x1e4: {  	v4 =	vadd.s32 v7, v4;
	v7 =	vld [tilespmem:s10+$0x1900]  }
0x1e5: {  	v4 =	vadd.s32 v8, v4;
	v8 =	vld [tilespmem:s10+$0x1A00]  }
0x1e6: {  	v4 =	vadd.s32 v9, v4;
	v9 =	vld [tilespmem:s10+$0x1B00]  }
0x1e7: {  	v4 =	vadd.s32 v5, v4;
	v5 =	vld [tilespmem:s10+$0x1C00]  }
0x1e8: {  	v4 =	vadd.s32 v6, v4;
	v6 =	vld [tilespmem:s10+$0x1D00]  }
0x1e9: {  	v4 =	vadd.s32 v7, v4;
	v7 =	vld [tilespmem:s10+$0x1E00]  }
0x1ea: {  	v4 =	vadd.s32 v8, v4;
	v8 =	vld [tilespmem:s10+$0x1F00]  }
0x1eb: {  	v4 =	vadd.s32 v9, v4;
	v9 =	vld [tilespmem:s10+$0x2000]  }
0x1ec: {  	v4 =	vadd.s32 v5, v4  }
0x1ed: {  	v4 =	vadd.s32 v6, v4  }
.Ltmp7:
0x1ee: {  	v4 =	vadd.s32 v7, v4;
	(pc) =	sbr.rel @p0 .LBB2_14-.Ltmp7, $4  }
0x1ef: {  	v4 =	vadd.s32 v8, v4  }
0x1f0: {  	s9 =	sadd.s32 $0x10, s9;
	v4 =	vadd.s32 v9, v4  }
0x1f1: {  	s10 =	sand.u32 $0xF0, s12;
	[tilespmem:s9+$0x0] =	vst v4  }
0x1f2: {  	s11 =	sadd.s32 $0x10, s11;
	s12 =	sadd.s32 $0x10, s12;
	v4 =	vld [tilespmem:s10+$0x1200]  }
0x1f3: {  	v5 =	vld [tilespmem:s11+$0x0]  }
0x1f4: {  	v6 =	vld [tilespmem:s10+$0x1300]  }
0x1f5: {  	v7 =	vld [tilespmem:s10+$0x1400]  }
0x1f6: {  	v8 =	vld [tilespmem:s10+$0x1500]  }
0x1f7: {  	v9 =	vld [tilespmem:s10+$0x1600]  }
0x1f8: {  	v4 =	vadd.s32 v5, v4;
	v5 =	vld [tilespmem:s10+$0x1700]  }
0x1f9: {  	v4 =	vadd.s32 v6, v4;
	v6 =	vld [tilespmem:s10+$0x1800]  }
0x1fa: {  	v4 =	vadd.s32 v7, v4;
	v7 =	vld [tilespmem:s10+$0x1900]  }
0x1fb: {  	v32 =	vld [tilespmem:s10+$0x1A00];
	v4 =	vadd.s32 v8, v4  }
0x1fc: {  	v33 =	vld [tilespmem:s10+$0x1B00];
	v4 =	vadd.s32 v9, v4  }
0x1fd: {  	v4 =	vadd.s32 v5, v4;
	v5 =	vld [tilespmem:s10+$0x1C00]  }
0x1fe: {  	v4 =	vadd.s32 v6, v4;
	v6 =	vld [tilespmem:s10+$0x1D00]  }
0x1ff: {  	v4 =	vadd.s32 v7, v4;
	v7 =	vld [tilespmem:s10+$0x1E00]  }
0x200: {  	v34 =	vld [tilespmem:s10+$0x1F00];
	v4 =	vadd.s32 v32, v4  }
0x201: {  	v35 =	vld [tilespmem:s10+$0x2000];
	v4 =	vadd.s32 v33, v4  }
0x202: {  	v4 =	vadd.s32 v5, v4  }
0x203: {  	v4 =	vadd.s32 v6, v4  }
0x204: {  	v4 =	vadd.s32 v7, v4  }
0x205: {  	v4 =	vadd.s32 v34, v4  }
0x206: {  	s9 =	sadd.s32 $0x10, s9;
	v4 =	vadd.s32 v35, v4  }
0x207: {  	[tilespmem:s9+$0x0] =	vst v4  }
0x208: {  	v5 =	vld [tilespmem:$0x22F0]  }
0x209: {  	v4 =	vlaneseq.u32  }
0x20a: {  	v4 =	vmul.u32 $0xFFFFFFFF, v4;
	v6 =	vld [tilespmem:$0x22E0];
	_ =	sdelay $0x1  }
0x20b: {  	v7 =	vld [tilespmem:$0x22D0];
	v4 =	vadd.s32 $0xF, v4  }
0x20c: {  	v36 =	vperm.xlane v5, v4  }
0x20d: {  	v37 =	vld [tilespmem:$0x22C0]  }
0x20e: {  	v42 =	vld [tilespmem:$0x2280];
	v38 =	vperm.xlane v6, v4;
	(xrf0) =	vadd.scan.msk.s32 $0xffff, v36  }
0x20f: {  	v49 =	vld [tilespmem:$0x2240];
	(xrf0) =	vadd.scan.msk.s32 $0xffff, v5  }
0x210: {  	v39 =	vperm.xlane v7, v4;
	v5 =	vld [tilespmem:$0x22B0];
	(xrf0) =	vadd.scan.msk.s32 $0xffff, v38  }
0x211: {  	v63 =	vld [tilespmem:$0x2200];
	(xrf0) =	vadd.scan.msk.s32 $0xffff, v6  }
0x212: {  	v40 =	vperm.xlane v37, v4;
	v6 =	vld [tilespmem:$0x22A0];
	(xrf0) =	vadd.scan.msk.s32 $0xffff, v39  }
0x213: {  	(xrf0) =	vadd.scan.msk.s32 $0xffff, v7;
	v7 =	vld [tilespmem:$0x2290]  }
0x214: {  	v45 =	vperm.xlane v42, v4;
	v10, _, _ =	vpop (xrf0);
	(xrf0) =	vadd.scan.msk.s32 $0xffff, v40  }
0x215: {  	v2 =	vsub.s32 v3, v2;
	v58 =	vperm.xlane v49, v4;
	v41 =	vperm.xlane v5, v4;
	v11, _, _ =	vpop (xrf0);
	(xrf0) =	vadd.scan.msk.s32 $0xffff, v37  }
0x216: {  	v1 =	vadd.s32 v1, v2;
	v34 =	vperm.xlane v63, v4;
	v2 =	vperm.xlane v10, v4;
	v12, _, _ =	vpop (xrf0)  }
0x217: {  	(xrf0) =	vadd.scan.msk.s32 $0xffff, v41;
	v43 =	vperm.xlane v6, v4;
	v46 =	vbroadcast v11, $0xF;
	v13, _, _ =	vpop (xrf0)  }
0x218: {  	(xrf0) =	vadd.scan.msk.s32 $0xffff, v5;
	v5 =	vld [tilespmem:$0x2270];
	v12 =	vperm.xlane v12, v4;
	v14, _, _ =	vpop (xrf0);
	v44 =	vperm.xlane v7, v4;
	v11 =	vadd.s32 v11, v13  }
0x219: {  	vm0 =	vge.s32 v2, v1;
	(xrf0) =	vadd.scan.msk.s32 $0xffff, v43;
	v15, _, _ =	vpop (xrf0);
	v17 =	vbroadcast v11, $0xF;
	v50 =	vperm.xlane v14, v4  }
0x21a: {  	v19 =	vmpcnt.ones.xlane vm0;
	(xrf0) =	vadd.scan.msk.s32 $0xffff, v6;
	v6 =	vld [tilespmem:$0x2260];
	v10 =	vadd.s32 v46, v12;
	v3, _, _ =	vpop (xrf0);
	v11 =	vadd.s32 v11, v15  }
0x21b: {  	(xrf0) =	vadd.scan.msk.s32 $0xffff, v44;
	vm13 =	vge.s32 v10, v1;
	v16, _, _ =	vpop (xrf0);
	v12 =	vadd.s32 v17, v50;
	v55 =	vbroadcast v11, $0xF  }
0x21c: {  	(xrf0) =	vadd.scan.msk.s32 $0xffff, v7;
	v7 =	vld [tilespmem:$0x2250];
	v3 =	vperm.xlane v3, v4;
	v46 =	vmpcnt.ones.xlane vm13;
	v11 =	vadd.s32 v11, v16  }
0x21d: {  	v47, _, _ =	vpop (xrf0);
	(xrf0) =	vadd.scan.msk.s32 $0xffff, v45;
	v48 =	vperm.xlane v5, v4;
	vm14 =	vge.s32 v12, v1;
	v21 =	vbroadcast v11, $0xF  }
0x21e: {  	v18, _, _ =	vpop (xrf0);
	(xrf0) =	vadd.scan.msk.s32 $0xffff, v42;
	v3 =	vadd.s32 v55, v3;
	v13 =	vperm.xlane v47, v4;
	v19 =	vadd.s32 v46, v19  }
0x21f: {  	v51, _, _ =	vpop (xrf0);
	(xrf0) =	vadd.scan.msk.s32 $0xffff, v48;
	v52 =	vperm.xlane v6, v4;
	v11 =	vadd.s32 v11, v18;
	v48 =	vmpcnt.ones.xlane vm14  }
0x220: {  	vm15 =	vge.s32 v3, v1;
	v20, _, _ =	vpop (xrf0);
	(xrf0) =	vadd.scan.msk.s32 $0xffff, v5;
	v5 =	vld [tilespmem:$0x2230];
	v59 =	vbroadcast v11, $0xF;
	v14 =	vperm.xlane v51, v4  }
0x221: {  	v13 =	vadd.s32 v21, v13;
	v53, _, _ =	vpop (xrf0);
	(xrf0) =	vadd.scan.msk.s32 $0xffff, v52;
	v54 =	vperm.xlane v7, v4;
	v11 =	vadd.s32 v11, v20  }
0x222: {  	v51 =	vmpcnt.ones.xlane vm15;
	vm4 =	vge.s32 v13, v1;
	v56, _, _ =	vpop (xrf0);
	(xrf0) =	vadd.scan.msk.s32 $0xffff, v6;
	v6 =	vld [tilespmem:$0x2220];
	v23 =	vbroadcast v11, $0xF  }
0x223: {  	v15 =	vperm.xlane v53, v4;
	v14 =	vadd.s32 v59, v14;
	v57, _, _ =	vpop (xrf0);
	(xrf0) =	vadd.scan.msk.s32 $0xffff, v54;
	v11 =	vadd.s32 v11, v56  }
0x224: {  	v52 =	vmpcnt.ones.xlane vm4;
	vm5 =	vge.s32 v14, v1;
	v22, _, _ =	vpop (xrf0);
	(xrf0) =	vadd.scan.msk.s32 $0xffff, v7;
	v7 =	vld [tilespmem:$0x2210];
	v24 =	vbroadcast v11, $0xF  }
0x225: {  	v18 =	vperm.xlane v57, v4;
	v15 =	vadd.s32 v23, v15;
	v60, _, _ =	vpop (xrf0);
	(xrf0) =	vadd.scan.msk.s32 $0xffff, v58;
	v61 =	vperm.xlane v5, v4  }
0x226: {  	v53 =	vmpcnt.ones.xlane vm5;
	v11 =	vadd.s32 v11, v22;
	vm6 =	vge.s32 v15, v1;
	v62, _, _ =	vpop (xrf0);
	(xrf0) =	vadd.scan.msk.s32 $0xffff, v49  }
0x227: {  	v20 =	vperm.xlane v60, v4;
	v18 =	vadd.s32 v24, v18;
	v27, _, _ =	vpop (xrf0);
	(xrf0) =	vadd.scan.msk.s32 $0xffff, v61;
	v28 =	vperm.xlane v6, v4  }
0x228: {  	v54 =	vmpcnt.ones.xlane vm6;
	vm7 =	vge.s32 v18, v1;
	v29, _, _ =	vpop (xrf0);
	(xrf0) =	vadd.scan.msk.s32 $0xffff, v5;
	v5 =	vbroadcast v11, $0xF  }
0x229: {  	v11 =	vadd.s32 v11, v62;
	v22 =	vperm.xlane v27, v4;
	v30, _, _ =	vpop (xrf0);
	(xrf0) =	vadd.scan.msk.s32 $0xffff, v28;
	v31 =	vperm.xlane v7, v4  }
0x22a: {  	v55 =	vmpcnt.ones.xlane vm7;
	v35 =	vadd.s32 v11, v29;
	v32, _, _ =	vpop (xrf0);
	(xrf0) =	vadd.scan.msk.s32 $0xffff, v6;
	v6 =	vbroadcast v11, $0xF  }
0x22b: {  	v5 =	vadd.s32 v5, v20;
	v16 =	vperm.xlane v30, v4;
	v33, _, _ =	vpop (xrf0);
	(xrf0) =	vadd.scan.msk.s32 $0xffff, v31;
	v9 =	vadd.s32 v35, v32  }
0x22c: {  	vm8 =	vge.s32 v5, v1;
	v6 =	vadd.s32 v6, v22;
	v36, _, _ =	vpop (xrf0);
	(xrf0) =	vadd.scan.msk.s32 $0xffff, v7;
	v7 =	vbroadcast v35, $0xF  }
0x22d: {  	v39 =	vbroadcast v9, $0xF;
	v40 =	vperm.xlane v33, v4;
	v9 =	vadd.s32 v9, v36  }
0x22e: {  	v56 =	vmpcnt.ones.xlane vm8;
	v37, _, _ =	vpop (xrf0);
	vm9 =	vge.s32 v6, v1;
	v42 =	vbroadcast v9, $0xF  }
0x22f: {  	v38, _, _ =	vpop (xrf0);
	v17 =	vperm.xlane v37, v4;
	v7 =	vadd.s32 v7, v16;
	v20 =	vadd.s32 v39, v40  }
0x230: {  	v16 =	vadd.s32 v48, v19;
	v57 =	vmpcnt.ones.xlane vm9;
	v8 =	vadd.s32 v9, v38  }
0x231: {  	(xrf0) =	vadd.scan.msk.s32 $0xffff, v34;
	v41, _, _ =	vpop (xrf0);
	v16 =	vadd.s32 v51, v16;
	vm10 =	vge.s32 v7, v1;
	vm11 =	vge.s32 v20, v1  }
0x232: {  	v44 =	vbroadcast v8, $0xF;
	v11 =	vperm.xlane v41, v4;
	v17 =	vadd.s32 v42, v17  }
0x233: {  	v43, _, _ =	vpop (xrf0);
	v16 =	vadd.s32 v52, v16;
	v58 =	vmpcnt.ones.xlane vm10;
	v59 =	vmpcnt.ones.xlane vm11  }
0x234: {  	[tilespmem:$0x21F0] =	vst v2;
	v45, _, _ =	vpop (xrf0);
	v8 =	vadd.s32 v8, v43;
	v16 =	vadd.s32 v53, v16;
	vm12 =	vge.s32 v17, v1  }
0x235: {  	[tilespmem:$0x21E0] =	vst v10;
	v47, _, _ =	vpop (xrf0);
	v11 =	vadd.s32 v44, v11;
	v49 =	vperm.xlane v45, v4;
	v2 =	vadd.s32 v54, v16  }
0x236: {  	[tilespmem:$0x21C0] =	vst v3;
	v3 =	vmpcnt.ones.xlane vm12;
	v2 =	vadd.s32 v55, v2;
	v60 =	vadd.s32 v8, v47  }
0x237: {  	[tilespmem:$0x21D0] =	vst v12;
	v50, _, _ =	vpop (xrf0);
	v8 =	vbroadcast v8, $0xF;
	vm13 =	vge.s32 v11, v1;
	v2 =	vadd.s32 v56, v2  }
0x238: {  	[tilespmem:$0x21B0] =	vst v13;
	v4 =	vperm.xlane v50, v4;
	v61 =	vbroadcast v60, $0xF;
	v2 =	vadd.s32 v57, v2  }
0x239: {  	[tilespmem:$0x21A0] =	vst v14;
	v62 =	vmpcnt.ones.xlane vm13;
	v8 =	vadd.s32 v8, v49;
	v2 =	vadd.s32 v58, v2  }
0x23a: {  	[tilespmem:$0x2190] =	vst v15;
	vm14 =	vge.s32 v8, v1;
	v4 =	vadd.s32 v61, v4;
	v2 =	vadd.s32 v59, v2  }
0x23b: {  	[tilespmem:$0x2180] =	vst v18;
	v63 =	vmpcnt.ones.xlane vm14;
	vm15 =	vge.s32 v4, v1;
	v2 =	vadd.s32 v3, v2  }
0x23c: {  	[tilespmem:$0x2170] =	vst v5;
	v3 =	vmpcnt.ones.xlane vm15;
	v2 =	vadd.s32 v62, v2  }
0x23d: {  	[tilespmem:$0x2160] =	vst v6;
	v2 =	vadd.s32 v63, v2  }
0x23e: {  	[tilespmem:$0x2150] =	vst v7;
	v2 =	vadd.s32 v3, v2  }
0x23f: {  	[tilespmem:$0x2140] =	vst v20;
	v3 =	vadd.s32 $0xFFFFFFFF, v2  }
0x240: {  	[tilespmem:$0x2130] =	vst v17  }
0x241: {  	[tilespmem:$0x2120] =	vst v11  }
0x242: {  	[tilespmem:$0x2110] =	vst v8  }
0x243: {  	s30 =	simm.s32 $0x2100;
	[tilespmem:$0x2100] =	vst v4  }
0x244: {  	s31 =	simm.s32 $0x2200;
	v4 =	vshll.u32 v3, $0x8;
	v2 =	vld.idx.msk [tilespmem:v3+s30+$0x0], $0xffff  }
0x245: {  	s10 =	simm.s32 $0x1000;
	s9 =	simm.s32 $0x0;
	v0 =	vor.u32 v0, v4;
	v4 =	vimm.s32 $0x1;
	v3 =	vld.idx.msk [tilespmem:v3+s31+$0x0], $0xffff  }
.LBB2_16:
0x246: {  	s11 =	sshra.s32 s9, $0x2  }
0x247: {  	v5 =	vld [tilespmem:s11+$0xC00];
	_ =	sdelay $0x4  }
0x248: {  	v6 =	vand.u32 $0xFFFFFF00, v5  }
0x249: {  	vm0 =	veq.s32 v6, v0  }
0x24a: {  	v5 =	vand.u32 $0xFF, v5;
	_ =	sdelay $0x4  }
0x24b: {  	[tilespmem:v5+s10+$0x0] =	vst.idx.add.s32.msk vm0, v4  }
0x24c: {  	v5 =	vld [tilespmem:s11+$0xC10];
	_ =	sdelay $0x4  }
0x24d: {  	v6 =	vand.u32 $0xFFFFFF00, v5  }
0x24e: {  	vm13 =	veq.s32 v6, v0  }
0x24f: {  	v5 =	vand.u32 $0xFF, v5;
	_ =	sdelay $0x4  }
0x250: {  	[tilespmem:v5+s10+$0x0] =	vst.idx.add.s32.msk vm13, v4  }
0x251: {  	v5 =	vld [tilespmem:s11+$0xC20];
	_ =	sdelay $0x4  }
0x252: {  	v6 =	vand.u32 $0xFFFFFF00, v5  }
0x253: {  	vm14 =	veq.s32 v6, v0  }
0x254: {  	v5 =	vand.u32 $0xFF, v5;
	_ =	sdelay $0x4  }
0x255: {  	[tilespmem:v5+s10+$0x0] =	vst.idx.add.s32.msk vm14, v4  }
0x256: {  	v5 =	vld [tilespmem:s11+$0xC30];
	_ =	sdelay $0x4  }
0x257: {  	v6 =	vand.u32 $0xFFFFFF00, v5  }
0x258: {  	vm15 =	veq.s32 v6, v0  }
0x259: {  	p0 =	sne.s32 s9, $0xF00;
	v5 =	vand.u32 $0xFF, v5  }
.Ltmp8:
0x25a: {  	_ = 	snop;
	(pc) =	sbr.rel @p0 .LBB2_16-.Ltmp8, $2  }
0x25b: {  	_ =	sdelay $0x2  }
0x25c: {  	s9 =	sadd.s32 $0x100, s9;
	[tilespmem:v5+s10+$0x0] =	vst.idx.add.s32.msk vm15, v4  }
0x25d: {  	s9 =	simm.s32 $0x1000;
	s28 =	simm.s32 $0x1  }
0x25e: {  	[spmem:s8] =	stream.linear.scatter [tilespmem:s9], [sflag:$0x1], $0x100, $0x38;
	[tilespmem:$0x2620] =	vst v63  }
0x25f: {  	_ =	swait.ge [sflag:s28], $0x100  }
0x260: {  	[sflag:s28] =	ssyncset.done $0x0  }
0x261: {  	v4 =	vimm.s32 $0x0;
	[sflag:s28] =	ssyncadd.s32 $0xFFFFFF00  }
0x262: {  	[tilespmem:$0x1000] =	vst v4  }
0x263: {  	[tilespmem:$0x1010] =	vst v4  }
0x264: {  	[tilespmem:$0x1020] =	vst v4  }
0x265: {  	[tilespmem:$0x1030] =	vst v4  }
0x266: {  	[tilespmem:$0x1040] =	vst v4  }
0x267: {  	[tilespmem:$0x1050] =	vst v4  }
0x268: {  	[tilespmem:$0x1060] =	vst v4  }
0x269: {  	[tilespmem:$0x1070] =	vst v4  }
0x26a: {  	[tilespmem:$0x1080] =	vst v4  }
0x26b: {  	[tilespmem:$0x1090] =	vst v4  }
0x26c: {  	[tilespmem:$0x10A0] =	vst v4  }
0x26d: {  	[tilespmem:$0x10B0] =	vst v4  }
0x26e: {  	[tilespmem:$0x10C0] =	vst v4  }
0x26f: {  	[tilespmem:$0x10D0] =	vst v4  }
0x270: {  	[tilespmem:$0x10E0] =	vst v4  }
0x271: {  	[tilespmem:$0x10F0] =	vst v4  }
0x272: {  	s29 =	simm.s32 $0x1100;
	[bflag:$0x0] =	sbarrier.arrive $0xFFFF  }
0x273: {  	[tilespmem:s29], [sflag:$0x1] =	stream.linear.gather [spmem:s7], $0x1000, $0x38;
	[tilespmem:$0x2620] =	vst v63  }
0x274: {  	_ =	swait.ge [sflag:s28], $0x1000  }
0x275: {  	s30 =	simm.s32 $0x0;
	[sflag:s28] =	ssyncset.done $0x0  }
0x276: {  	s7 =	sand.u32 $0xF0, s30;
	[sflag:s28] =	ssyncadd.s32 $0xFFFFF000  }
0x277: {  	v4 =	vld [tilespmem:s7+$0x1200]  }
0x278: {  	v5 =	vld [tilespmem:s29+$0x0]  }
0x279: {  	v6 =	vld [tilespmem:s7+$0x1300]  }
0x27a: {  	v7 =	vld [tilespmem:s7+$0x1400]  }
0x27b: {  	v8 =	vld [tilespmem:s7+$0x1500]  }
0x27c: {  	v9 =	vld [tilespmem:s7+$0x1600]  }
0x27d: {  	v4 =	vadd.s32 v5, v4;
	v5 =	vld [tilespmem:s7+$0x1700]  }
0x27e: {  	v4 =	vadd.s32 v6, v4;
	v6 =	vld [tilespmem:s7+$0x1800]  }
0x27f: {  	v4 =	vadd.s32 v7, v4;
	v7 =	vld [tilespmem:s7+$0x1900]  }
0x280: {  	v60 =	vld [tilespmem:s7+$0x1A00];
	v4 =	vadd.s32 v8, v4  }
0x281: {  	v61 =	vld [tilespmem:s7+$0x1B00];
	v4 =	vadd.s32 v9, v4  }
0x282: {  	v4 =	vadd.s32 v5, v4;
	v5 =	vld [tilespmem:s7+$0x1C00]  }
0x283: {  	v4 =	vadd.s32 v6, v4;
	v6 =	vld [tilespmem:s7+$0x1D00]  }
0x284: {  	v4 =	vadd.s32 v7, v4;
	v7 =	vld [tilespmem:s7+$0x1E00]  }
0x285: {  	v62 =	vld [tilespmem:s7+$0x1F00];
	v4 =	vadd.s32 v60, v4  }
0x286: {  	v63 =	vld [tilespmem:s7+$0x2000];
	v4 =	vadd.s32 v61, v4  }
0x287: {  	v4 =	vadd.s32 v5, v4  }
0x288: {  	v4 =	vadd.s32 v6, v4  }
0x289: {  	v4 =	vadd.s32 v7, v4  }
0x28a: {  	v4 =	vadd.s32 v62, v4  }
0x28b: {  	s31 =	simm.s32 $0x10;
	s7 =	simm.s32 $0x2200;
	v4 =	vadd.s32 v63, v4  }
0x28c: {  	s8 =	sand.u32 $0xF0, s31;
	[tilespmem:s7+$0x0] =	vst v4  }
0x28d: {  	s10 =	simm.s32 $0x20;
	s9 =	simm.s32 $0x1110;
	v4 =	vld [tilespmem:s8+$0x1200]  }
.LBB2_18:
0x28e: {  	p0 =	sne.s32 s10, $0xF0;
	v5 =	vld [tilespmem:s9+$0x0]  }
0x28f: {  	v6 =	vld [tilespmem:s8+$0x1300]  }
0x290: {  	v7 =	vld [tilespmem:s8+$0x1400]  }
0x291: {  	v8 =	vld [tilespmem:s8+$0x1500]  }
0x292: {  	v9 =	vld [tilespmem:s8+$0x1600]  }
0x293: {  	v4 =	vadd.s32 v5, v4;
	v5 =	vld [tilespmem:s8+$0x1700]  }
0x294: {  	v4 =	vadd.s32 v6, v4;
	v6 =	vld [tilespmem:s8+$0x1800]  }
0x295: {  	v4 =	vadd.s32 v7, v4;
	v7 =	vld [tilespmem:s8+$0x1900]  }
0x296: {  	v4 =	vadd.s32 v8, v4;
	v8 =	vld [tilespmem:s8+$0x1A00]  }
0x297: {  	v4 =	vadd.s32 v9, v4;
	v9 =	vld [tilespmem:s8+$0x1B00]  }
0x298: {  	v4 =	vadd.s32 v5, v4;
	v5 =	vld [tilespmem:s8+$0x1C00]  }
0x299: {  	v4 =	vadd.s32 v6, v4;
	v6 =	vld [tilespmem:s8+$0x1D00]  }
0x29a: {  	v4 =	vadd.s32 v7, v4;
	v7 =	vld [tilespmem:s8+$0x1E00]  }
0x29b: {  	v4 =	vadd.s32 v8, v4;
	v8 =	vld [tilespmem:s8+$0x1F00]  }
0x29c: {  	v4 =	vadd.s32 v9, v4;
	v9 =	vld [tilespmem:s8+$0x2000]  }
0x29d: {  	v4 =	vadd.s32 v5, v4  }
0x29e: {  	v4 =	vadd.s32 v6, v4  }
.Ltmp9:
0x29f: {  	v4 =	vadd.s32 v7, v4;
	(pc) =	sbr.rel @p0 .LBB2_18-.Ltmp9, $4  }
0x2a0: {  	v4 =	vadd.s32 v8, v4  }
0x2a1: {  	s7 =	sadd.s32 $0x10, s7;
	v4 =	vadd.s32 v9, v4  }
0x2a2: {  	s8 =	sand.u32 $0xF0, s10;
	[tilespmem:s7+$0x0] =	vst v4  }
0x2a3: {  	s9 =	sadd.s32 $0x10, s9;
	s10 =	sadd.s32 $0x10, s10;
	v4 =	vld [tilespmem:s8+$0x1200]  }
0x2a4: {  	v5 =	vld [tilespmem:s9+$0x0]  }
0x2a5: {  	v6 =	vld [tilespmem:s8+$0x1300]  }
0x2a6: {  	v7 =	vld [tilespmem:s8+$0x1400]  }
0x2a7: {  	v8 =	vld [tilespmem:s8+$0x1500]  }
0x2a8: {  	v9 =	vld [tilespmem:s8+$0x1600]  }
0x2a9: {  	v4 =	vadd.s32 v5, v4;
	v5 =	vld [tilespmem:s8+$0x1700]  }
0x2aa: {  	v4 =	vadd.s32 v6, v4;
	v6 =	vld [tilespmem:s8+$0x1800]  }
0x2ab: {  	v4 =	vadd.s32 v7, v4;
	v7 =	vld [tilespmem:s8+$0x1900]  }
0x2ac: {  	v4 =	vadd.s32 v8, v4;
	v8 =	vld [tilespmem:s8+$0x1A00]  }
0x2ad: {  	v4 =	vadd.s32 v9, v4;
	v9 =	vld [tilespmem:s8+$0x1B00]  }
0x2ae: {  	v4 =	vadd.s32 v5, v4;
	v5 =	vld [tilespmem:s8+$0x1C00]  }
0x2af: {  	v4 =	vadd.s32 v6, v4;
	v6 =	vld [tilespmem:s8+$0x1D00]  }
0x2b0: {  	v4 =	vadd.s32 v7, v4;
	v7 =	vld [tilespmem:s8+$0x1E00]  }
0x2b1: {  	v4 =	vadd.s32 v8, v4;
	v8 =	vld [tilespmem:s8+$0x1F00]  }
0x2b2: {  	v4 =	vadd.s32 v9, v4;
	v9 =	vld [tilespmem:s8+$0x2000]  }
0x2b3: {  	v4 =	vadd.s32 v5, v4  }
0x2b4: {  	v4 =	vadd.s32 v6, v4  }
0x2b5: {  	v4 =	vadd.s32 v7, v4  }
0x2b6: {  	v4 =	vadd.s32 v8, v4  }
0x2b7: {  	s7 =	sadd.s32 $0x10, s7;
	v4 =	vadd.s32 v9, v4  }
0x2b8: {  	[tilespmem:s7+$0x0] =	vst v4  }
0x2b9: {  	v5 =	vld [tilespmem:$0x22F0]  }
0x2ba: {  	v4 =	vlaneseq.u32  }
0x2bb: {  	v4 =	vmul.u32 $0xFFFFFFFF, v4;
	v6 =	vld [tilespmem:$0x22E0];
	_ =	sdelay $0x1  }
0x2bc: {  	v7 =	vld [tilespmem:$0x22D0];
	v4 =	vadd.s32 $0xF, v4  }
0x2bd: {  	v8 =	vperm.xlane v5, v4  }
0x2be: {  	v9 =	vld [tilespmem:$0x22C0]  }
0x2bf: {  	(xrf0) =	vadd.scan.msk.s32 $0xffff, v8;
	v8 =	vperm.xlane v6, v4  }
0x2c0: {  	(xrf0) =	vadd.scan.msk.s32 $0xffff, v5;
	v5 =	vld [tilespmem:$0x22B0]  }
0x2c1: {  	(xrf0) =	vadd.scan.msk.s32 $0xffff, v8;
	v8 =	vperm.xlane v7, v4  }
0x2c2: {  	(xrf0) =	vadd.scan.msk.s32 $0xffff, v6;
	v6 =	vld [tilespmem:$0x22A0]  }
0x2c3: {  	(xrf0) =	vadd.scan.msk.s32 $0xffff, v8;
	v8 =	vperm.xlane v9, v4  }
0x2c4: {  	(xrf0) =	vadd.scan.msk.s32 $0xffff, v7;
	v7 =	vld [tilespmem:$0x2290]  }
0x2c5: {  	v10, _, _ =	vpop (xrf0);
	(xrf0) =	vadd.scan.msk.s32 $0xffff, v8;
	v8 =	vperm.xlane v5, v4  }
0x2c6: {  	v11, _, _ =	vpop (xrf0);
	(xrf0) =	vadd.scan.msk.s32 $0xffff, v9;
	v9 =	vld [tilespmem:$0x2280]  }
0x2c7: {  	v3 =	vsub.s32 v3, v2;
	v12, _, _ =	vpop (xrf0);
	(xrf0) =	vadd.scan.msk.s32 $0xffff, v8;
	v8 =	vperm.xlane v6, v4  }
0x2c8: {  	v13, _, _ =	vpop (xrf0);
	(xrf0) =	vadd.scan.msk.s32 $0xffff, v5;
	v5 =	vld [tilespmem:$0x2270]  }
0x2c9: {  	v2 =	vperm.xlane v10, v4;
	v10, _, _ =	vpop (xrf0);
	(xrf0) =	vadd.scan.msk.s32 $0xffff, v8;
	v8 =	vperm.xlane v7, v4  }
0x2ca: {  	v1 =	vadd.s32 v1, v3;
	v3, _, _ =	vpop (xrf0);
	(xrf0) =	vadd.scan.msk.s32 $0xffff, v6;
	v6 =	vld [tilespmem:$0x2260]  }
0x2cb: {  	v15 =	vbroadcast v11, $0xF;
	v11 =	vadd.s32 v11, v13;
	v14, _, _ =	vpop (xrf0);
	(xrf0) =	vadd.scan.msk.s32 $0xffff, v8;
	v8 =	vperm.xlane v9, v4  }
0x2cc: {  	v18 =	vbroadcast v11, $0xF;
	v17, _, _ =	vpop (xrf0);
	(xrf0) =	vadd.scan.msk.s32 $0xffff, v7;
	v7 =	vld [tilespmem:$0x2250]  }
0x2cd: {  	v13, _, _ =	vpop (xrf0);
	(xrf0) =	vadd.scan.msk.s32 $0xffff, v8;
	v8 =	vperm.xlane v5, v4  }
0x2ce: {  	v12 =	vperm.xlane v12, v4;
	v10 =	vperm.xlane v10, v4;
	v19, _, _ =	vpop (xrf0);
	(xrf0) =	vadd.scan.msk.s32 $0xffff, v9;
	v9 =	vld [tilespmem:$0x2240]  }
0x2cf: {  	v3 =	vadd.s32 v11, v3;
	v11, _, _ =	vpop (xrf0);
	(xrf0) =	vadd.scan.msk.s32 $0xffff, v8;
	v8 =	vperm.xlane v6, v4  }
0x2d0: {  	v12 =	vadd.s32 v15, v12;
	v10 =	vadd.s32 v18, v10;
	v15 =	vbroadcast v3, $0xF;
	v18, _, _ =	vpop (xrf0);
	(xrf0) =	vadd.scan.msk.s32 $0xffff, v5;
	v5 =	vld [tilespmem:$0x2230]  }
0x2d1: {  	v14 =	vperm.xlane v14, v4;
	v20, _, _ =	vpop (xrf0);
	(xrf0) =	vadd.scan.msk.s32 $0xffff, v8;
	v8 =	vperm.xlane v7, v4  }
0x2d2: {  	v3 =	vadd.s32 v3, v17;
	v17, _, _ =	vpop (xrf0);
	(xrf0) =	vadd.scan.msk.s32 $0xffff, v6;
	v6 =	vld [tilespmem:$0x2220]  }
0x2d3: {  	vm0 =	vge.s32 v2, v1;
	v14 =	vadd.s32 v15, v14;
	v23, _, _ =	vpop (xrf0);
	(xrf0) =	vadd.scan.msk.s32 $0xffff, v8;
	v8 =	vperm.xlane v9, v4  }
0x2d4: {  	v15 =	vbroadcast v3, $0xF;
	v13 =	vperm.xlane v13, v4;
	v3 =	vadd.s32 v3, v19;
	v19, _, _ =	vpop (xrf0);
	(xrf0) =	vadd.scan.msk.s32 $0xffff, v7  }
0x2d5: {  	v7 =	vbroadcast v3, $0xF;
	v3 =	vadd.s32 v3, v18;
	v18, _, _ =	vpop (xrf0);
	(xrf0) =	vadd.scan.msk.s32 $0xffff, v8;
	v8 =	vperm.xlane v5, v4  }
0x2d6: {  	v16 =	vmpcnt.ones.xlane vm0;
	vm0 =	vge.s32 v12, v1;
	v13 =	vadd.s32 v15, v13;
	v24, _, _ =	vpop (xrf0);
	(xrf0) =	vadd.scan.msk.s32 $0xffff, v9  }
0x2d7: {  	v15 =	vbroadcast v3, $0xF;
	v3 =	vadd.s32 v3, v17;
	v17, _, _ =	vpop (xrf0);
	(xrf0) =	vadd.scan.msk.s32 $0xffff, v8;
	v8 =	vperm.xlane v6, v4  }
0x2d8: {  	v21 =	vmpcnt.ones.xlane vm0;
	vm1 =	vge.s32 v10, v1;
	v9 =	vperm.xlane v20, v4  }
0x2d9: {  	v20 =	vbroadcast v3, $0xF;
	v3 =	vadd.s32 v3, v19;
	v18 =	vperm.xlane v18, v4;
	v19, _, _ =	vpop (xrf0);
	(xrf0) =	vadd.scan.msk.s32 $0xffff, v5  }
0x2da: {  	v22 =	vmpcnt.ones.xlane vm1;
	v16 =	vadd.s32 v21, v16;
	v57, _, _ =	vpop (xrf0);
	(xrf0) =	vadd.scan.msk.s32 $0xffff, v8  }
0x2db: {  	v11 =	vperm.xlane v11, v4;
	v5 =	vbroadcast v3, $0xF;
	v3 =	vadd.s32 v3, v24;
	v8, _, _ =	vpop (xrf0)  }
0x2dc: {  	v23 =	vperm.xlane v23, v4;
	v25 =	vbroadcast v3, $0xF;
	v3 =	vadd.s32 v3, v19;
	v19, _, _ =	vpop (xrf0)  }
0x2dd: {  	v7 =	vadd.s32 v7, v11;
	v9 =	vadd.s32 v15, v9;
	v5 =	vadd.s32 v5, v18;
	v18, _, _ =	vpop (xrf0)  }
0x2de: {  	v15 =	vadd.s32 v20, v23;
	v20 =	vld [tilespmem:$0x2210];
	v11 =	vbroadcast v3, $0xF;
	v3 =	vadd.s32 v3, v8;
	v8, _, _ =	vpop (xrf0)  }
0x2df: {  	[tilespmem:$0x21F0] =	vst v2;
	v23 =	vbroadcast v3, $0xF;
	v19 =	vperm.xlane v19, v4;
	v3 =	vadd.s32 v3, v18;
	v18, _, _ =	vpop (xrf0)  }
0x2e0: {  	v59 =	vld [tilespmem:$0x2200];
	[tilespmem:$0x21E0] =	vst v12;
	vm0 =	vge.s32 v14, v1;
	v58 =	vbroadcast v3, $0xF;
	v3 =	vadd.s32 v3, v18;
	v18, _, _ =	vpop (xrf0)  }
0x2e1: {  	[tilespmem:$0x21D0] =	vst v10;
	v19 =	vadd.s32 v23, v19;
	v23 =	vbroadcast v3, $0xF;
	v18 =	vperm.xlane v18, v4  }
0x2e2: {  	[tilespmem:$0x21C0] =	vst v14;
	v26 =	vmpcnt.ones.xlane vm0;
	v16 =	vadd.s32 v22, v16;
	vm0 =	vge.s32 v13, v1  }
0x2e3: {  	v17 =	vperm.xlane v17, v4;
	(xrf0) =	vadd.scan.msk.s32 $0xffff, v6;
	v18 =	vadd.s32 v23, v18;
	v23 =	vperm.xlane v20, v4  }
0x2e4: {  	[tilespmem:$0x21B0] =	vst v13;
	v60 =	vmpcnt.ones.xlane vm0;
	v16 =	vadd.s32 v26, v16;
	vm1 =	vge.s32 v7, v1  }
0x2e5: {  	v24 =	vperm.xlane v57, v4;
	v17 =	vadd.s32 v25, v17;
	v25 =	vperm.xlane v59, v4;
	(xrf0) =	vadd.scan.msk.s32 $0xffff, v23  }
0x2e6: {  	v16 =	vadd.s32 v60, v16;
	[tilespmem:$0x21A0] =	vst v7;
	v6 =	vmpcnt.ones.xlane vm1;
	(xrf0) =	vadd.scan.msk.s32 $0xffff, v20  }
0x2e7: {  	vm0 =	vge.s32 v9, v1;
	v11 =	vadd.s32 v11, v24;
	v8 =	vperm.xlane v8, v4;
	(xrf0) =	vadd.scan.msk.s32 $0xffff, v25  }
0x2e8: {  	[tilespmem:$0x2190] =	vst v9;
	v6 =	vadd.s32 v6, v16;
	v23 =	vmpcnt.ones.xlane vm0;
	vm0 =	vge.s32 v15, v1  }
0x2e9: {  	[tilespmem:$0x2180] =	vst v15;
	v8 =	vadd.s32 v58, v8;
	v62, _, _ =	vpop (xrf0);
	v20 =	vmpcnt.ones.xlane vm0;
	vm0 =	vge.s32 v5, v1  }
0x2ea: {  	[tilespmem:$0x2170] =	vst v5;
	v3 =	vadd.s32 v3, v62;
	v21 =	vmpcnt.ones.xlane vm0;
	vm0 =	vge.s32 v17, v1  }
0x2eb: {  	[tilespmem:$0x2160] =	vst v17;
	v6 =	vadd.s32 v23, v6;
	v22 =	vmpcnt.ones.xlane vm0;
	vm0 =	vge.s32 v11, v1;
	v16, _, _ =	vpop (xrf0)  }
0x2ec: {  	[tilespmem:$0x2150] =	vst v11;
	v10 =	vbroadcast v3, $0xF;
	v6 =	vadd.s32 v20, v6;
	v61 =	vmpcnt.ones.xlane vm0;
	v23, _, _ =	vpop (xrf0)  }
0x2ed: {  	[tilespmem:$0x2140] =	vst v19;
	vm0 =	vge.s32 v19, v1;
	v14 =	vperm.xlane v16, v4;
	v3 =	vadd.s32 v3, v23;
	v16, _, _ =	vpop (xrf0)  }
0x2ee: {  	[tilespmem:$0x2130] =	vst v8;
	v6 =	vadd.s32 v21, v6;
	v3 =	vbroadcast v3, $0xF;
	v4 =	vperm.xlane v16, v4  }
0x2ef: {  	[tilespmem:$0x2120] =	vst v18;
	v2 =	vmpcnt.ones.xlane vm0;
	vm0 =	vge.s32 v8, v1;
	v10 =	vadd.s32 v10, v14  }
0x2f0: {  	v12 =	vmpcnt.ones.xlane vm0;
	vm0 =	vge.s32 v18, v1;
	[tilespmem:$0x2110] =	vst v10;
	v3 =	vadd.s32 v3, v4  }
0x2f1: {  	s31 =	simm.s32 $0x0;
	v6 =	vadd.s32 v22, v6;
	v7 =	vmpcnt.ones.xlane vm0;
	vm0 =	vge.s32 v10, v1;
	[tilespmem:$0x2100] =	vst v3  }
0x2f2: {  	v6 =	vadd.s32 v61, v6;
	v4 =	vmpcnt.ones.xlane vm0;
	vm0 =	vge.s32 v3, v1;
	v3 =	vld [tilespmem:s31+$0xC30]  }
0x2f3: {  	v2 =	vadd.s32 v2, v6;
	v6 =	vld [tilespmem:s31+$0x430]  }
0x2f4: {  	v2 =	vadd.s32 v12, v2;
	v10 =	vld [tilespmem:s31+$0x830]  }
0x2f5: {  	v2 =	vadd.s32 v7, v2;
	v7 =	vld [tilespmem:s31+$0xC20]  }
0x2f6: {  	v11 =	vld [tilespmem:s31+$0x420]  }
0x2f7: {  	v19 =	vld [tilespmem:s31+$0x820]  }
0x2f8: {  	v13 =	vld [tilespmem:s31+$0xC10]  }
0x2f9: {  	v14 =	vld [tilespmem:s31+$0x410]  }
0x2fa: {  	v15 =	vld [tilespmem:s31+$0xC00]  }
0x2fb: {  	v5 =	vmpcnt.ones.xlane vm0;
	v17 =	vld [tilespmem:s31+$0x400]  }
0x2fc: {  	v2 =	vadd.s32 v4, v2;
	v18 =	vld [tilespmem:s31+$0x800]  }
0x2fd: {  	s7 =	simm.s32 $0x40;
	v20 =	vld [tilespmem:s31+$0x810];
	v2 =	vadd.s32 v5, v2  }
0x2fe: {  	v9 =	vld [tilespmem:s7+$0xC30];
	v5 =	vadd.s32 $0xFFFFFFFF, v2  }
0x2ff: {  	v8 =	vld [tilespmem:s7+$0x430];
	v0 =	vor.u32 v0, v5  }
0x300: {  	vm0 =	vgt.s32 v3, v0;
	vm1 =	veq.s32 v3, v0;
	v3 =	vld [tilespmem:s7+$0x830]  }
0x301: {  	vm2 =	veq.s32 v7, v0;
	vm3 =	veq.s32 v13, v0;
	v12 =	vmul.f32 v10, v6;
	v6 =	vld [tilespmem:s7+$0xC20]  }
0x302: {  	vm4 =	vgt.s32 v7, v0;
	vm7 =	vgt.s32 v13, v0;
	v13 =	vmul.f32 v20, v14;
	v7 =	vld [tilespmem:s7+$0x820]  }
0x303: {  	v17 =	vmul.f32 v18, v17;
	vm6 =	vgt.s32 v15, v0;
	v14 =	vnsel vm0, $0x0, v10;
	v10 =	vld [tilespmem:s7+$0xC10]  }
0x304: {  	s29 =	simm.s32 $0x2100;
	vm5 =	veq.s32 v15, v0;
	v15 =	vnsel vm6, $0x0, v18;
	v18 =	vnsel vm7, $0x0, v13;
	v13 =	vld [tilespmem:s7+$0xC00]  }
0x305: {  	s30 =	simm.s32 $0x2200;
	v21 =	vimm.f32 $0.0e+00;
	v63 =	vmul.f32 v19, v11;
	v11 =	vnsel vm6, $0x0, v17;
	v4 =	vld.idx.msk [tilespmem:v5+s29+$0x0], $0xffff  }
0x306: {  	v16 =	vimm.s32 $0x0;
	v15 =	vadd.f32 v15, v21;
	v2 =	vld.idx.msk [tilespmem:v5+s30+$0x0], $0xffff;
	v17 =	vadd.f32 v11, v21  }
0x307: {  	v20 =	vnsel vm7, $0x0, v20;
	v22 =	vsel vm3, $0x1, v16;
	v23 =	vsel vm5, $0x1, v16;
	v5 =	vld [tilespmem:s7+$0x420]  }
0x308: {  	v19 =	vnsel vm4, $0x0, v19;
	v11 =	vld [tilespmem:s7+$0x410];
	v18 =	vadd.f32 v18, v17;
	v17 =	vadd.f32 v20, v15  }
0x309: {  	s8 =	simm.s32 $0x200;
	v23 =	vadd.s32 v23, v16;
	v21 =	vsel vm2, $0x1, v16;
	v15 =	vld [tilespmem:s7+$0x400];
	v20 =	vnsel vm4, $0x0, v63  }
.LBB2_20:
0x30a: {  	p0 =	sne.s32 s8, $0xF00;
	v24 =	vld [tilespmem:s7+$0x800];
	v22 =	vadd.s32 v22, v23;
	v18 =	vadd.f32 v20, v18;
	v17 =	vadd.f32 v19, v17;
	v19 =	vmovc v7  }
0x30b: {  	v12 =	vnsel vm0, $0x0, v12;
	v20 =	vld [tilespmem:s7+$0x810];
	s7 =	sshra.s32 s8, $0x2;
	v7 =	vadd.s32 v21, v22;
	v21 =	vsel vm1, $0x1, v16  }
0x30c: {  	v22 =	vld [tilespmem:s7+$0xC30];
	v18 =	vadd.f32 v12, v18;
	v17 =	vadd.f32 v14, v17;
	v23 =	vadd.s32 v21, v7  }
0x30d: {  	vm3 =	veq.s32 v6, v0;
	vm0 =	vgt.s32 v9, v0;
	vm1 =	veq.s32 v9, v0;
	v25 =	vld [tilespmem:s7+$0x430]  }
0x30e: {  	vm2 =	vgt.s32 v6, v0;
	vm4 =	veq.s32 v10, v0;
	v12 =	vmul.f32 v3, v8;
	v26 =	vld [tilespmem:s7+$0x830]  }
0x30f: {  	v27 =	vmul.f32 v19, v5;
	vm5 =	veq.s32 v13, v0;
	v6 =	vld [tilespmem:s7+$0xC20];
	v29 =	vmul.f32 v24, v15  }
0x310: {  	vm7 =	vgt.s32 v10, v0;
	vm6 =	vgt.s32 v13, v0;
	v5 =	vld [tilespmem:s7+$0x420];
	v13 =	vmul.f32 v20, v11  }
.Ltmp10:
0x311: {  	v14 =	vnsel vm0, $0x0, v3;
	v11 =	vnsel vm6, $0x0, v24;
	v7 =	vld [tilespmem:s7+$0x820];
	v28 =	vnsel vm6, $0x0, v29;
	v9 =	vmovc v22;
	(pc) =	sbr.rel @p0 .LBB2_20-.Ltmp10, $4  }
0x312: {  	v21 =	vsel vm3, $0x1, v16;
	v17 =	vadd.f32 v11, v17;
	v10 =	vld [tilespmem:s7+$0xC10];
	v15 =	vadd.f32 v28, v18;
	v8 =	vmovc v25  }
0x313: {  	v20 =	vnsel vm7, $0x0, v20;
	v22 =	vsel vm4, $0x1, v16;
	v18 =	vnsel vm7, $0x0, v13;
	v11 =	vld [tilespmem:s7+$0x410];
	v3 =	vmovc v26  }
0x314: {  	v24 =	vsel vm5, $0x1, v16;
	v17 =	vadd.f32 v20, v17;
	v13 =	vld [tilespmem:s7+$0xC00];
	v18 =	vadd.f32 v18, v15  }
0x315: {  	s8 =	sadd.s32 $0x100, s8;
	v19 =	vnsel vm2, $0x0, v19;
	v23 =	vadd.s32 v24, v23;
	v20 =	vnsel vm2, $0x0, v27;
	v15 =	vld [tilespmem:s7+$0x400]  }
0x316: {  	_ =	sdelay $0x1  }
0x317: {  	v22 =	vadd.s32 v22, v23  }
0x318: {  	v47 =	vsel vm1, $0x1, v16;
	v21 =	vadd.s32 v21, v22;
	vm1 =	veq.s32 v13, v0  }
0x319: {  	vm2 =	veq.s32 v10, v0;
	v21 =	vadd.s32 v47, v21;
	v48 =	vsel vm1, $0x1, v16  }
0x31a: {  	v49 =	vsel vm2, $0x1, v16;
	vm1 =	veq.s32 v6, v0;
	v21 =	vadd.s32 v48, v21  }
0x31b: {  	vm2 =	veq.s32 v9, v0;
	v50 =	vsel vm1, $0x1, v16;
	v21 =	vadd.s32 v49, v21  }
0x31c: {  	v51 =	vsel vm2, $0x1, v16;
	v21 =	vadd.s32 v50, v21  }
0x31d: {  	v16 =	vadd.s32 v51, v21  }
0x31e: {  	(xrf0) =	vadd.scan.msk.s32 $0xffff, v16;
	_ =	sdelay $0x5  }
0x31f: {  	v16, _, _ =	vpop (xrf0)  }
0x320: {  	v16 =	vbroadcast v16, $0xF  }
0x321: {  	v52 =	vld [tilespmem:s7+$0x800]  }
0x322: {  	v53 =	vld [tilespmem:s7+$0x810];
	s28 =	simm.s32 $0x2300;
	s29 =	simm.s32 $0x1;
	[tilespmem:$0x2300] =	vst v16  }
0x323: {  	[spmem:s6] =	stream.linear.scatter [tilespmem:s28], [sflag:$0x1], $0x10, $0x38;
	[tilespmem:$0x2620] =	vst v63  }
0x324: {  	_ =	swait.ge [sflag:s29], $0x10  }
0x325: {  	[sflag:s29] =	ssyncset.done $0x0  }
0x326: {  	[sflag:s29] =	ssyncadd.s32 $0xFFFFFFF0  }
0x327: {  	s30 =	simm.s32 $0x1100;
	[bflag:$0x0] =	sbarrier.arrive $0xFFFF  }
0x328: {  	[tilespmem:s30], [sflag:$0x1] =	stream.linear.gather [spmem:s5], $0x100, $0x38;
	[tilespmem:$0x2620] =	vst v63  }
0x329: {  	_ =	swait.ge [sflag:s29], $0x100  }
0x32a: {  	[sflag:s29] =	ssyncset.done $0x0  }
0x32b: {  	[sflag:s29] =	ssyncadd.s32 $0xFFFFFF00  }
0x32c: {  	v54 =	vld [tilespmem:$0x1100]  }
0x32d: {  	v24 =	vld [tilespmem:$0x1110]  }
0x32e: {  	v25 =	vld [tilespmem:$0x1120]  }
0x32f: {  	v26 =	vld [tilespmem:$0x1130]  }
0x330: {  	v18 =	vadd.f32 v20, v18;
	v17 =	vadd.f32 v19, v17;
	v12 =	vnsel vm0, $0x0, v12;
	v27 =	vld [tilespmem:$0x1140]  }
0x331: {  	p1 =	seq.s32 s2, $0x0;
	vm0 =	vgt.s32 v9, v0;
	v5 =	vmul.f32 v7, v5;
	v1 =	vadd.s32 v2, v1;
	v28 =	vld [tilespmem:$0x1150]  }
0x332: {  	p0 =	sgt.u32 s2, $0x1;
	vm4 =	vgt.s32 v10, v0;
	v63 =	vnsel vm0, $0x0, v3;
	v29 =	vld [tilespmem:$0x1160];
	v23 =	vpsel p1, $0x0, v54  }
0x333: {  	p5 =	sgt.u32 s2, $0x2;
	v12 =	vadd.f32 v12, v18;
	v30 =	vld [tilespmem:$0x1170];
	v24 =	vpsel !p0, $0x0, v24;
	v4 =	vadd.s32 v23, v4  }
0x334: {  	p4 =	sgt.u32 s2, $0x3;
	v14 =	vadd.f32 v14, v17;
	v31 =	vld [tilespmem:$0x1180];
	v25 =	vpsel !p5, $0x0, v25;
	v4 =	vadd.s32 v24, v4  }
0x335: {  	p2 =	sgt.u32 s2, $0x4;
	vm3 =	vgt.s32 v13, v0;
	v32 =	vld [tilespmem:$0x1190];
	v26 =	vpsel !p4, $0x0, v26;
	v4 =	vadd.s32 v25, v4  }
0x336: {  	vm1 =	vgt.s32 v6, v0;
	v33 =	vld [tilespmem:$0x11A0];
	v27 =	vpsel !p2, $0x0, v27;
	p4 =	sgt.u32 s2, $0x5;
	v4 =	vadd.s32 v26, v4  }
0x337: {  	p3 =	sgt.u32 s2, $0x6;
	s31 =	simm.s32 $0x0;
	v6 =	vmul.f32 v3, v8;
	v34 =	vld [tilespmem:$0x11B0];
	v28 =	vpsel !p4, $0x0, v28;
	v4 =	vadd.s32 v27, v4  }
0x338: {  	p6 =	sgt.u32 s2, $0x7;
	v8 =	vmul.f32 v52, v15;
	v62 =	vld [tilespmem:s31+$0xC00];
	v29 =	vpsel !p3, $0x0, v29;
	v4 =	vadd.s32 v28, v4  }
0x339: {  	v9 =	vmul.f32 v53, v11;
	v35 =	vld [tilespmem:$0x11C0];
	v30 =	vpsel !p6, $0x0, v30;
	p6 =	sgt.u32 s2, $0x8;
	v4 =	vadd.s32 v29, v4  }
0x33a: {  	v13 =	vnsel vm3, $0x0, v52;
	v36 =	vld [tilespmem:$0x11D0];
	p5 =	sgt.u32 s2, $0x9;
	v55 =	vpsel !p6, $0x0, v31;
	v4 =	vadd.s32 v30, v4  }
0x33b: {  	v8 =	vnsel vm3, $0x0, v8;
	v37 =	vld [tilespmem:$0x11E0];
	p3 =	sgt.u32 s2, $0xA;
	v56 =	vpsel !p5, $0x0, v32;
	v4 =	vadd.s32 v55, v4  }
0x33c: {  	v8 =	vadd.f32 v8, v12;
	p2 =	sgt.u32 s2, $0xB;
	v57 =	vpsel !p3, $0x0, v33;
	v10 =	vadd.s32 v56, v4  }
0x33d: {  	vm2 =	veq.s32 v62, v0;
	v58 =	vpsel !p2, $0x0, v34;
	p4 =	sgt.u32 s2, $0xC;
	v10 =	vadd.s32 v57, v10  }
0x33e: {  	p5 =	sgt.u32 s2, $0xD;
	v59 =	vpsel !p4, $0x0, v35;
	v4 =	vimm.s32 $0x0;
	v10 =	vadd.s32 v58, v10  }
0x33f: {  	p6 =	seq.s32 s2, $0xF;
	v60 =	vpsel !p5, $0x0, v36;
	v11 =	vsel vm2, $0x1, v4;
	v3 =	vadd.s32 v59, v10  }
0x340: {  	v9 =	vnsel vm4, $0x0, v9;
	s5 =	simm.s32 $0x10;
	v61 =	vpsel !p6, $0x0, v37;
	(xrf0) =	vadd.scan.msk.s32 $0xffff, v11;
	v3 =	vadd.s32 v60, v3  }
0x341: {  	v8 =	vadd.f32 v9, v8;
	v9 =	vld [tilespmem:s5+$0xC00];
	v10 =	vadd.f32 v13, v14;
	v2 =	vadd.s32 v61, v3  }
0x342: {  	v3 =	vnsel vm4, $0x0, v53;
	v1 =	vsub.s32 v1, v2  }
0x343: {  	v2 =	vadd.f32 v3, v10;
	v3 =	vnsel vm1, $0x0, v5;
	vm3 =	vgt.s32 v1, $0x0  }
0x344: {  	v7 =	vnsel vm1, $0x0, v7;
	v11 =	vld [tilespmem:s31+$0x400];
	v3 =	vadd.f32 v3, v8;
	v1 =	vnsel vm3, $0x0, v1  }
0x345: {  	v5 =	vld [tilespmem:s31+$0x800];
	v7 =	vadd.f32 v7, v2;
	v2 =	vnsel vm0, $0x0, v6;
	vm0 =	vlt.s32 v1, v16  }
0x346: {  	s6 =	simm.s32 $0x20;
	v8, _, _ =	vpop (xrf0);
	v1 =	vsel vm0, v1, v16;
	vm0 =	vmmov vm2;
	vm2 =	veq.s32 v9, v0  }
0x347: {  	v10 =	vld [tilespmem:s6+$0xC00];
	v6 =	vadd.s32 v4, v8;
	v9 =	vsel vm2, $0x1, v4  }
0x348: {  	vm1 =	vle.s32 v6, v1;
	v6 =	vld [tilespmem:s6+$0x400];
	(xrf0) =	vadd.scan.msk.s32 $0xffff, v9;
	_ =	sdelay $0x1  }
0x349: {  	v2 =	vadd.f32 v2, v3;
	v7 =	vadd.f32 v63, v7;
	v11 =	vmul.f32 v5, v11  }
0x34a: {  	s7 =	simm.s32 $0xC0;
	v3 =	vld [tilespmem:s5+$0x400];
	vm1 =	vmand vm0, vm1;
	vm0 =	vmmov vm2;
	v9 =	vimm.s32 $0x0  }
.LBB2_22:
0x34b: {  	s8 =	sshra.s32 s7, $0x2;
	p0 =	sne.s32 s7, $0xFC0;
	s7 =	sadd.s32 $0x40, s7;
	vm2 =	veq.s32 v10, v0;
	v14 =	vnsel vm1, $0x0, v5;
	v5 =	vld [tilespmem:s5+$0x800];
	v13 =	vbroadcast v8, $0xF  }
.Ltmp11:
0x34c: {  	s5 =	smov.u32 s6;
	v10 =	vld [tilespmem:s8+$0xC00];
	v15 =	vsel vm2, $0x1, v4;
	v11 =	vnsel vm1, $0x0, v11;
	v7 =	vadd.f32 v14, v7;
	v12 =	vmovc v6;
	s6 =	smov.u32 s8;
	(pc) =	sbr.rel @p0 .LBB2_22-.Ltmp11, $4  }
0x34d: {  	v6 =	vld [tilespmem:s6+$0x400];
	(xrf0) =	vadd.scan.msk.s32 $0xffff, v15;
	v8, _, _ =	vpop (xrf0);
	v2 =	vadd.f32 v11, v2;
	v9 =	vadd.s32 v9, v13  }
0x34e: {  	v11 =	vadd.s32 v9, v8  }
0x34f: {  	vm1 =	vle.s32 v11, v1  }
0x350: {  	vm1 =	vmand vm0, vm1;
	v11 =	vmul.f32 v5, v3;
	v3 =	vmovc v12;
	vm0 =	vmmov vm2  }
0x351: {  	vm2 =	veq.s32 v10, v0  }
0x352: {  	v0 =	vsel vm2, $0x1, v4  }
0x353: {  	(xrf0) =	vadd.scan.msk.s32 $0xffff, v0  }
0x354: {  	v53 =	vld [tilespmem:s5+$0x800]  }
0x355: {  	v54 =	vbroadcast v8, $0xF  }
0x356: {  	v5 =	vnsel vm1, $0x0, v5;
	v56 =	vld [tilespmem:s6+$0x800];
	v55, _, _ =	vpop (xrf0)  }
0x357: {  	v11 =	vnsel vm1, $0x0, v11;
	v4 =	vadd.s32 v9, v54;
	v57 =	vbroadcast v55, $0xF  }
0x358: {  	v5 =	vadd.f32 v5, v7;
	vm11 =	vmmov vm2;
	v58 =	vadd.s32 v4, v55  }
0x359: {  	vm10 =	vle.s32 v58, v1;
	v3 =	vmul.f32 v53, v3;
	v4 =	vadd.s32 v4, v57;
	v59, _, _ =	vpop (xrf0)  }
0x35a: {  	v2 =	vadd.f32 v11, v2;
	vm0 =	vmand vm0, vm10;
	v4 =	vadd.s32 v4, v59  }
0x35b: {  	v60 =	vmul.f32 v56, v6;
	v3 =	vnsel vm0, $0x0, v3;
	vm12 =	vle.s32 v4, v1  }
0x35c: {  	v0 =	vnsel vm0, $0x0, v53;
	v2 =	vadd.f32 v3, v2;
	vm13 =	vmand vm11, vm12  }
0x35d: {  	v0 =	vadd.f32 v0, v5;
	v1 =	vnsel vm13, $0x0, v60  }
0x35e: {  	v61 =	vnsel vm13, $0x0, v56;
	v1 =	vadd.f32 v1, v2  }
0x35f: {  	v0 =	vadd.f32 v61, v0  }
0x360: {  	(xrf2) =	vadd.scan.msk.f32 $0xffff, v1  }
0x361: {  	(xrf2) =	vadd.scan.msk.f32 $0xffff, v0;
	_ =	sdelay $0x8  }
0x362: {  	v62, _, _ =	vpop (xrf2)  }
0x363: {  	v63, _, _ =	vpop (xrf2)  }
0x364: {  	v1 =	vbroadcast v63, $0xF  }
0x365: {  	vm14 =	vcmask $0x704;
	v0 =	vbroadcast v62, $0xF  }
0x366: {  	vm15 =	vcmask $0x3F04;
	v1 =	vnsel vm14, $0x0, v1  }
0x367: {  	v0 =	vsel vm15, v1, v0  }
0x368: {  	s30 =	simm.s32 $0x2380;
	s31 =	simm.s32 $0x1;
	[tilespmem:$0x2380] =	vst v0  }
0x369: {  	[spmem:s4] =	stream.linear.scatter [tilespmem:s30], [sflag:$0x1], $0x10, $0x38;
	[tilespmem:$0x2620] =	vst v63  }
0x36a: {  	_ =	swait.ge [sflag:s31], $0x10  }
0x36b: {  	[sflag:s31] =	ssyncset.done $0x0  }
0x36c: {  	p0 =	sne.s32 s2, $0x0;
	[sflag:s31] =	ssyncadd.s32 $0xFFFFFFF0  }
0x36d: {  	s4 =	simm.s32 @!p0 $0x400;
	[bflag:$0x0] =	sbarrier.arrive $0xFFFF  }
0x36e: {  	[tilespmem:s4], [sflag:$0x1] =	stream.linear.gather @!p0 [spmem:s3], $0x100, $0x38;
	[tilespmem:$0x2620] =	vst v63  }
0x36f: {  	s3 =	simm.s32 @!p0 $0x1  }
0x370: {  	_ =	swait.ge @!p0 [sflag:s3], $0x100  }
0x371: {  	[sflag:s3] =	ssyncset.done @!p0 $0x0  }
0x372: {  	[sflag:s3] =	ssyncadd.s32 @!p0 $0xFFFFFF00  }
0x373: {  	v0 =	vld @!p0 [tilespmem:$0x400];
	_ =	sdelay $0x1  }
0x374: {  	v1 =	vld @!p0 [tilespmem:$0x410];
	_ =	sdelay $0x1  }
0x375: {  	v2 =	vld @!p0 [tilespmem:$0x420]  }
0x376: {  	v0 =	vadd.f32 @!p0 $0.0e+00, v0  }
0x377: {  	v3 =	vld @!p0 [tilespmem:$0x430]  }
0x378: {  	v0 =	vadd.f32 @!p0 v1, v0  }
0x379: {  	v1 =	vld @!p0 [tilespmem:$0x440]  }
0x37a: {  	v0 =	vadd.f32 @!p0 v2, v0  }
0x37b: {  	v2 =	vld @!p0 [tilespmem:$0x450]  }
0x37c: {  	v0 =	vadd.f32 @!p0 v3, v0  }
0x37d: {  	v3 =	vld @!p0 [tilespmem:$0x460]  }
0x37e: {  	v0 =	vadd.f32 @!p0 v1, v0  }
0x37f: {  	v1 =	vld @!p0 [tilespmem:$0x470]  }
0x380: {  	v0 =	vadd.f32 @!p0 v2, v0  }
0x381: {  	v2 =	vld @!p0 [tilespmem:$0x480]  }
0x382: {  	v0 =	vadd.f32 @!p0 v3, v0  }
0x383: {  	v3 =	vld @!p0 [tilespmem:$0x490]  }
0x384: {  	v0 =	vadd.f32 @!p0 v1, v0  }
0x385: {  	v1 =	vld @!p0 [tilespmem:$0x4A0]  }
0x386: {  	v0 =	vadd.f32 @!p0 v2, v0  }
0x387: {  	v2 =	vld @!p0 [tilespmem:$0x4B0]  }
0x388: {  	v0 =	vadd.f32 @!p0 v3, v0  }
0x389: {  	v3 =	vld @!p0 [tilespmem:$0x4C0]  }
0x38a: {  	v0 =	vadd.f32 @!p0 v1, v0  }
0x38b: {  	v1 =	vld @!p0 [tilespmem:$0x4D0]  }
0x38c: {  	v0 =	vadd.f32 @!p0 v2, v0  }
0x38d: {  	v2 =	vld @!p0 [tilespmem:$0x4E0]  }
0x38e: {  	v0 =	vadd.f32 @!p0 v3, v0  }
0x38f: {  	v3 =	vld @!p0 [tilespmem:$0x4F0]  }
0x390: {  	v0 =	vadd.f32 @!p0 v1, v0;
	_ =	sdelay $0x1  }
0x391: {  	v1 =	vimm.s32 @!p0 $0x1;
	v0 =	vadd.f32 @!p0 v2, v0;
	_ =	sdelay $0x1  }
0x392: {  	v0 =	vadd.f32 @!p0 v3, v0;
	_ =	sdelay $0x1  }
0x393: {  	s4 =	simm.s32 @!p0 $0x800;
	[tilespmem:$0x800] =	vst @!p0 v0  }
0x394: {  	v0 =	vld.idx.msk @!p0 [tilespmem:v1+s4+$0x0], $0xffff;
	_ =	sdelay $0x4  }
0x395: {  	(erf) = vrcp.f32 @!p0 v0;
	_ =	sdelay $0x4  }
0x396: {  	v0 =	vld.msk @!p0 [tilespmem:s4+$0x0], $0xffff;
	_ =	sdelay $0x3  }
0x397: {  	v1 =	vpop @!p0 (erf)  }
0x398: {  	v0 =	vmul.f32 @!p0 v1, v0;
	_ =	sdelay $0x1  }
0x399: {  	s5 =	simm.s32 @!p0 $0x2380;
	s4 =	simm.s32 @!p0 $0x0;
	[tilespmem:$0x2380] =	vst @!p0 v0  }
0x39a: {  	[hbm4b:s1+s4] =	stream.linear.scatter @!p0 [tilespmem:s5], [sflag:$0x1], $0x80, $0x38;
	[tilespmem:$0x2620] =	vst v63  }
0x39b: {  	_ =	swait.ge @!p0 [sflag:s3], $0x80  }
0x39c: {  	[sflag:s3] =	ssyncset.done @!p0 $0x0  }
0x39d: {  	[sflag:s3] =	ssyncadd.s32 @!p0 $0xFFFFFF80  }
.LBB2_24:
0x39e: {  	_ =	sfence.sel $0x180000  }
0x39f: {  	[bflag:$0x0] =	sbarrier.arrive $0xFFFF  }
0x3a0: {  	p0 =	sne.s32 s2, $0x0;
	_ =	strace $0x90000047  }
0x3a1: {  	s0 =	sadd.s32 @!p0 $0x100000, s0;
	[bflag:$0x2] =	sbarrier.arrive $0xFFFF  }
0x3a2: {  	[sflag:s0] =	ssyncadd.tile.s32 @!p0 $0x1;
	_ =	shalt  }
.Lfunc_end2:
_tile_overlayer_lowered:
.L_overlay_start_2:
0x3a3: {  	(tag) =	ssettag $0x2  }
0x3a4: {  	s0 =	rddreg [dreg:$0x0];
	s2 =	stileid.u32  }
0x3a5: {  	s1 =	rddreg [dreg:$0x1];
	p0 =	sne.s32 s2, $0x0  }
0x3a6: {  	s3 =	rddreg [dreg:$0x2];
	[bflag:$0x3] =	sbarrier.arrive $0xFFFF;
	s2 =	simm.s32 @!p0 $0x1C01  }
0x3a7: {  	[timem:s3], [sflag:s2] =	dma.local @!p0 [hbm:s0], s1  }
0x3a8: {  	s0 =	simm.s32 @!p0 $0x1  }
0x3a9: {  	_ =	swait.ge @!p0 [sflag:s0], s1  }
0x3aa: {  	s1 =	ssub.s32 @!p0 $0x0, s1;
	[sflag:s0] =	ssyncset.done @!p0 $0x0  }
0x3ab: {  	[sflag:s0] =	ssyncadd.s32 @!p0 s1  }
0x3ac: {  	[bflag:$0x3] =	sbarrier.arrive $0xFFFF  }
0x3ad: {  	_ =	shalt  }

</sc_bundles>
